<compile_context>
chip_gen: v7x
topology: tpu7x:2x2x1
jax: 0.10.2.dev20260603
libtpu: 0.0.44.dev20260713+nightly
codegen_flags: <defaults>
</compile_context>

<pallas_src>
import functools

import jax
import jax.numpy as jnp
from jax import lax
from jax.experimental import pallas as pl
from jax.experimental.pallas import tpu as pltpu
from jax.experimental.pallas import tpu_sc as plsc

_N = 100000
_E = 1600000
_H = 32
_EPS = 1e-08
_MAX_DELTA_LOG = 0.3

_NC = 2
_NS = 16
_NW = _NC * _NS
_TPN = 3136
_NP = _NW * _TPN
_ROWS = _NP // 128
_BLK = 4096
_NV = _BLK // 16
_NTS = 8
_RD = _TPN + 16
_OPAD = _N + 8
_RSTART_MAX = _OPAD - _RD


def _layer_body(hu_ref, rawseg_ref, deg_ref, w_ref, nei_ref, self_ref):
    x = hu_ref[...]
    s = jnp.sum(x)
    ss = jnp.sum(x * x)
    mu = s / _N
    var = (ss - s * s / _N) / (_N - 1)
    sigma = jnp.sqrt(var) + _EPS
    inv = 1.0 / sigma
    h0 = (x - mu) * inv
    sg = (rawseg_ref[...] - deg_ref[...] * mu) * inv
    accn = jnp.zeros_like(x)
    accs = jnp.zeros_like(x)
    for h in range(_H):
        wn1 = w_ref[0, h]
        ws1 = w_ref[1, h]
        bb = w_ref[2, h]
        wn2 = w_ref[3, h]
        ws2 = w_ref[4, h]
        h1 = jnp.maximum(bb + sg * wn1 + h0 * ws1, 0.0)
        accn = accn + h1 * wn2
        accs = accs + h1 * ws2
    nei_ref[...] = accn
    self_ref[...] = accs + w_ref[5, 0]


def _seg_body(final, table_hbm, idx_hbm, offs_hbm, sself_hbm, *rest):
    if final:
        (out_hbm, table_v, offs_v, idxbuf_v, cumvec_v, lvp_v, barr_v, seg_v,
         sself_v, deg_v, o0_v, dsem, tsem) = rest
        deg_hbm = None
    else:
        (out_hbm, deg_hbm, table_v, offs_v, idxbuf_v, cumvec_v, lvp_v, barr_v,
         seg_v, sself_v, deg_v, o0_v, dsem, tsem) = rest

    wid = lax.axis_index("s") * _NC + lax.axis_index("c")
    r0 = pl.multiple_of(wid * _TPN, 8)
    rstart = pl.multiple_of(jnp.minimum(r0, jnp.int32(_RSTART_MAX)), 8)

    def gi(x):
        return jnp.minimum(r0 + x, _N) - rstart

    pltpu.sync_copy(offs_hbm.at[pl.ds(0, 16)], o0_v)
    pltpu.sync_copy(offs_hbm.at[pl.ds(rstart, _RD)], offs_v.at[pl.ds(0, _RD)])
    if final:
        pltpu.sync_copy(sself_hbm.at[pl.ds(r0, _TPN)], sself_v)

    tot = table_hbm.shape[0]
    ch = ((tot // _NTS) // 8) * 8
    bnds = [(c * ch, min((c + 1) * ch, tot)) for c in range(_NTS - 1)]
    bnds.append(((_NTS - 1) * ch, tot))
    for a, b in bnds:
        pltpu.async_copy(table_hbm.at[pl.ds(a, b - a)],
                         table_v.at[pl.ds(a, b - a)], tsem)

    iota = lax.iota(jnp.int32, 16)
    o0 = o0_v[pl.ds(0, 16)][0]
    sh = r0 - rstart
    s_start = offs_v[pl.ds(sh, 16)][0] - o0
    s_end = offs_v[pl.ds(gi(_TPN), 16)][0] - o0
    a0 = lax.bitwise_and(s_start, jnp.int32(-8))
    nblk = (s_end - a0) // _BLK + 1

    w00 = pl.multiple_of(jnp.minimum(a0, jnp.int32(_E - _BLK)), 8)
    pltpu.async_copy(idx_hbm.at[pl.ds(w00, _BLK)],
                     idxbuf_v.at[pl.ds(0, _BLK)], dsem)

    with jax.named_scope("sc_stage_in"):
        for a, b in bnds:
            pltpu.make_async_copy(table_hbm.at[pl.ds(a, b - a)],
                                  table_v.at[pl.ds(a, b - a)], tsem).wait()

    def block_body(k, carry):
        nr, tp = carry
        b0 = a0 + k * _BLK
        off = pl.multiple_of(lax.bitwise_and(k, 1) * _BLK, 8)
        pltpu.make_async_copy(idx_hbm.at[pl.ds(0, _BLK)],
                              idxbuf_v.at[pl.ds(off, _BLK)], dsem).wait()

        @pl.when(k + 1 < nblk)
        def _prefetch():
            w0n = pl.multiple_of(
                jnp.minimum(b0 + _BLK, jnp.int32(_E - _BLK)), 8)
            offn = pl.multiple_of(lax.bitwise_and(k + 1, 1) * _BLK, 8)
            pltpu.async_copy(idx_hbm.at[pl.ds(w0n, _BLK)],
                             idxbuf_v.at[pl.ds(offn, _BLK)], dsem)

        interior = (b0 >= s_start) & (b0 + _BLK <= s_end)

        @pl.when(interior)
        def _fast():
            @plsc.parallel_loop(0, _NV, 1, unroll=8)
            def pa(v):
                bi = off + v * 16 + iota
                nid = plsc.load_gather(idxbuf_v, [bi])
                g = plsc.load_gather(table_v, [nid])
                cumvec_v[pl.ds(v * 16, 16)] = plsc.cumsum(g)

        @pl.when(jnp.logical_not(interior))
        def _slow():
            w0 = pl.multiple_of(jnp.minimum(b0, jnp.int32(_E - _BLK)), 8)

            @plsc.parallel_loop(0, _NV, 1, unroll=4)
            def pa(v):
                jg = b0 + v * 16 + iota
                m = (jg >= s_start) & (jg < s_end)
                bi = jnp.minimum(jg - w0, _BLK - 1) + off
                nid = plsc.load_gather(idxbuf_v, [bi])
                g = plsc.load_gather(table_v, [nid])
                g = jnp.where(m, g, jnp.float32(0.0))
                cumvec_v[pl.ds(v * 16, 16)] = plsc.cumsum(g)

        @plsc.parallel_loop(0, _NV // 16, 1, unroll=2)
        def pa2(u):
            idxs = (u * 16 + iota) * 16 + 15
            svals = plsc.load_gather(cumvec_v, [idxs])
            lvp_v[pl.ds(u * 16, 16)] = plsc.cumsum(svals)

        gt = plsc.load_gather(lvp_v, [iota * 16 + 15])
        cum = plsc.cumsum(gt)
        for g in range(1, _NV // 16):
            lvp_v[pl.ds(g * 16, 16)] = lvp_v[pl.ds(g * 16, 16)] + cum[g - 1]
        blk_total = cum[_NV // 16 - 1]

        b1 = b0 + _BLK

        def gcond(c):
            return c[1]

        def gbody(c):
            nrg, _ = c
            qr = nrg + iota * 16 + 15
            p1 = plsc.load_gather(offs_v, [gi(qr)]) - o0
            c1m = (p1 < b1) & (qr <= _TPN)
            cnt1 = plsc.all_reduce_population_count(c1m)[0]
            return (nrg + cnt1 * 16, cnt1 >= 16)

        nr_c, _ = lax.while_loop(gcond, gbody, (nr, jnp.bool_(True)))
        q2 = nr_c + iota
        p2 = plsc.load_gather(offs_v, [gi(q2)]) - o0
        c2m = (p2 < b1) & (q2 <= _TPN)
        nr_end = nr_c + plsc.all_reduce_population_count(c2m)[0]
        nch = (nr_end - nr + 15) >> 4

        @plsc.parallel_loop(0, nch, 1, unroll=2)
        def pb(c):
            rvec = nr + c * 16 + iota
            mask = rvec < nr_end
            p = plsc.load_gather(offs_v, [gi(jnp.minimum(rvec, _TPN))]) - o0
            sl = p - b0
            vv = lax.shift_right_logical(sl, 4)
            ll = lax.bitwise_and(sl, 15)
            lvpexc = jnp.where(
                vv > 0,
                plsc.load_gather(lvp_v, [jnp.clip(vv - 1, 0, _NV - 1)]),
                jnp.float32(0.0))
            intra = jnp.where(
                ll > 0,
                plsc.load_gather(cumvec_v, [jnp.clip(sl - 1, 0, _BLK - 1)]),
                jnp.float32(0.0))
            plsc.store_scatter(barr_v, [rvec], tp + lvpexc + intra, mask=mask)

        return (nr_end, tp + blk_total)

    with jax.named_scope("sc_blocks"):
        lax.fori_loop(0, nblk, block_body, (jnp.int32(0), jnp.float32(0.0)))

    @plsc.parallel_loop(0, _TPN // 16, 1, unroll=8)
    def segv(v):
        a = plsc.load_gather(barr_v, [v * 16 + iota])
        b = plsc.load_gather(barr_v, [v * 16 + 1 + iota])
        seg = b - a
        if final:
            z = seg + sself_v[pl.ds(v * 16, 16)]
            e = jnp.exp(z + z)
            seg = _MAX_DELTA_LOG * (1.0 - 2.0 / (e + 1.0))
        else:
            oa = plsc.load_gather(offs_v, [gi(v * 16 + iota)])
            ob = plsc.load_gather(offs_v, [gi(v * 16 + 1 + iota)])
            deg_v[pl.ds(v * 16, 16)] = (ob - oa).astype(jnp.float32)
        seg_v[pl.ds(v * 16, 16)] = seg
    pltpu.sync_copy(seg_v, out_hbm.at[pl.ds(r0, _TPN)])
    if not final:
        pltpu.sync_copy(deg_v, deg_hbm.at[pl.ds(r0, _TPN)])


def _seg_sum(table, idx, offs, sself, final):
    mesh = plsc.VectorSubcoreMesh(core_axis_name="c", subcore_axis_name="s",
                                  num_cores=_NC, num_subcores=_NS)
    out_t = jax.ShapeDtypeStruct((_NP,), jnp.float32)
    fn = pl.kernel(
        functools.partial(_seg_body, final),
        out_type=out_t if final else (out_t, out_t),
        mesh=mesh,
        scratch_types=[
            pltpu.VMEM((_NP,), jnp.float32),
            pltpu.VMEM((_RD + 16,), jnp.int32),
            pltpu.VMEM((2 * _BLK,), jnp.int32),
            pltpu.VMEM((_BLK,), jnp.float32),
            pltpu.VMEM((_NV,), jnp.float32),
            pltpu.VMEM((_TPN + 16,), jnp.float32),
            pltpu.VMEM((_TPN,), jnp.float32),
            pltpu.VMEM((_TPN,), jnp.float32),
            pltpu.VMEM((_TPN,), jnp.float32),
            pltpu.VMEM((16,), jnp.int32),
            pltpu.SemaphoreType.DMA,
            pltpu.SemaphoreType.DMA,
        ],
        compiler_params=pltpu.CompilerParams(needs_layout_passes=False),
    )
    return fn(table, idx, offs, sself)


def kernel(hu_scalar, neighbor_indices, neighbor_offsets,
           W_nei1, W_self1, b1, W_nei2, W_self2, b2):
    hu = hu_scalar.astype(jnp.float32)
    idx = neighbor_indices.astype(jnp.int32)
    offs = jnp.pad(neighbor_offsets.astype(jnp.int32), (0, 7), mode='edge')
    hu2 = jnp.pad(hu, (0, _NP - _N)).reshape(_ROWS, 128)

    wpack = jnp.zeros((8, 128), jnp.float32)
    wpack = wpack.at[0, :_H].set(W_nei1.reshape(_H).astype(jnp.float32))
    wpack = wpack.at[1, :_H].set(W_self1.reshape(_H).astype(jnp.float32))
    wpack = wpack.at[2, :_H].set(b1.astype(jnp.float32))
    wpack = wpack.at[3, :_H].set(W_nei2.astype(jnp.float32))
    wpack = wpack.at[4, :_H].set(W_self2.astype(jnp.float32))
    wpack = wpack.at[5, 0].set(b2.reshape(())[...].astype(jnp.float32))

    f32_2d = jax.ShapeDtypeStruct((_ROWS, 128), jnp.float32)
    rawseg0, degf = _seg_sum(hu, idx, offs, hu, final=False)
    s_nei, s_self = pl.pallas_call(
        _layer_body,
        out_shape=(f32_2d, f32_2d),
        in_specs=[pl.BlockSpec((_ROWS, 128), lambda: (0, 0))] * 3
        + [pl.BlockSpec(memory_space=pltpu.SMEM)],
    )(hu2, rawseg0.reshape(_ROWS, 128), degf.reshape(_ROWS, 128), wpack)
    out = _seg_sum(s_nei.reshape(_NP), idx, offs,
                   s_self.reshape(_NP), final=True)
    return out[:_N]

# --- scband reference (transcript-rebuilt; emitter-appended) ---
"""Pipeline reference for scband-tet-gcn-6279242187228 (READ-ONLY COPY).

The authoritative reference and input builder live on the scoring server;
editing this copy changes nothing except your own understanding.
"""

import jax, jax.numpy as jnp
import numpy as np

EPS = 1e-08
N = 100000
E = 1600000
H = 32
MAX_DELTA_LOG = 0.3


def setup_inputs(seed: int = 0) -> dict:
    key = jax.random.key(seed)
    k1, k2, k3, k4, k5, k6, k7 = jax.random.split(key, 7)
    hu_scalar = jax.random.normal(k1, (N,), dtype=jnp.float32)
    neighbor_indices = jax.random.randint(k2, (E,), 0, N)
    neighbor_offsets = jnp.sort(jax.random.randint(k3, (N + 1,), 0, E))
    W_nei1 = jax.random.normal(k4, (1, H), dtype=jnp.float32) * 0.01
    W_self1 = jax.random.normal(k5, (1, H), dtype=jnp.float32) * 0.01
    b1 = jnp.zeros((H,), dtype=jnp.float32)
    W_nei2 = jax.random.normal(k6, (H,), dtype=jnp.float32) * 0.01
    W_self2 = jax.random.normal(k7, (H,), dtype=jnp.float32) * 0.01
    b2 = jnp.zeros((1,), dtype=jnp.float32)
    return {
        'hu_scalar': hu_scalar,
        'neighbor_indices': neighbor_indices,
        'neighbor_offsets': neighbor_offsets,
        'W_nei1': W_nei1,
        'W_self1': W_self1,
        'b1': b1,
        'W_nei2': W_nei2,
        'W_self2': W_self2,
        'b2': b2,
    }


def reference(hu_scalar, neighbor_indices, neighbor_offsets, W_nei1, W_self1, b1, W_nei2, W_self2, b2):
    n = neighbor_offsets.shape[0] - 1
    num_edges = neighbor_indices.shape[0]
    # CSR-style row ids; torch scatter_add_ with index smaller than src uses src[:M]
    cum_counts = neighbor_offsets[1:] - neighbor_offsets[0]
    M = neighbor_offsets[-1] - neighbor_offsets[0]
    slot = jnp.arange(num_edges)
    valid = slot < M
    row_ids = jnp.clip(jnp.searchsorted(cum_counts, slot, side='right'), 0, n - 1)
    idx = neighbor_indices

    hu = hu_scalar.astype(jnp.float32)
    mu = jnp.mean(hu)
    sigma = jnp.std(hu, ddof=1) + EPS  # torch.std is unbiased (ddof=1)
    h0 = (hu - mu) / sigma

    # layer 1: scalar neighbor sum (gather + scatter-add)
    nei_sum0 = jnp.zeros_like(h0).at[row_ids].add(jnp.where(valid, h0[idx], 0.0))
    h1 = jax.nn.relu(b1 + nei_sum0[:, None] * W_nei1 + h0[:, None] * W_self1)

    # layer 2: feature neighbor sum (gather + scatter-add over rows)
    nei_sum1 = jnp.zeros_like(h1).at[row_ids].add(jnp.where(valid[:, None], h1[idx], 0.0))
    delta_raw = b2 + (nei_sum1 * W_nei2).sum(axis=1) + (h1 * W_self2).sum(axis=1)
    delta_log = MAX_DELTA_LOG * jnp.tanh(delta_raw)
    return delta_log

if __name__ == "__main__":
    import jax
    _d = setup_inputs()
    print(jax.jit(kernel)(*tuple(_d.values())))

</pallas_src>

<mosaic_0001>
#map = affine_map<(d0, d1) -> (0)>
module attributes {stable_mosaic.version = 14 : i64} {
  func.func @_seg_body(%arg0: i32, %arg1: i32, %arg2: memref<100352xf32, #tpu.memory_space<hbm>>, %arg3: memref<1600000xi32, #tpu.memory_space<hbm>>, %arg4: memref<100008xi32, #tpu.memory_space<hbm>>, %arg5: memref<100352xf32, #tpu.memory_space<hbm>>, %arg6: memref<100352xf32, #tpu.memory_space<hbm>>, %arg7: memref<100352xf32, #tpu.memory_space<vmem>>, %arg8: memref<3168xi32, #tpu.memory_space<vmem>>, %arg9: memref<8192xi32, #tpu.memory_space<vmem>>, %arg10: memref<4096xf32, #tpu.memory_space<vmem>>, %arg11: memref<256xf32, #tpu.memory_space<vmem>>, %arg12: memref<3152xf32, #tpu.memory_space<vmem>>, %arg13: memref<3136xf32, #tpu.memory_space<vmem>>, %arg14: memref<3136xf32, #tpu.memory_space<vmem>>, %arg15: memref<3136xf32, #tpu.memory_space<vmem>>, %arg16: memref<16xi32, #tpu.memory_space<vmem>>, %arg17: memref<!tpu.dma_semaphore, #tpu.memory_space<semaphore_mem>>, %arg18: memref<!tpu.dma_semaphore, #tpu.memory_space<semaphore_mem>>) attributes {dimension_semantics = [#tpu.dimension_semantics<core_parallel>, #tpu.dimension_semantics<subcore_parallel>], iteration_bounds = array<i64: 2, 16>, scalar_prefetch = 0 : i64, scratch_operands = 12 : i64, tpu.core_type = #tpu.core_type<sc_vector_subcore>, window_params = [{transform_indices = #map}, {transform_indices = #map}, {transform_indices = #map}, {transform_indices = #map}, {transform_indices = #map}]} {
    %mul3A = arith.constant 2 : i32
    %mul3A_0 = arith.muli %arg1, %mul3A : i32
    %add3A = arith.addi %mul3A_0, %arg0 : i32
    %mul3A_1 = arith.constant 3136 : i32
    %mul3A_2 = arith.muli %add3A, %mul3A_1 : i32
    %multiple_of3A = tpu.assume_multiple %mul3A_2, 8 : i32
    %min3A = arith.constant 96856 : i32
    %min3A_3 = arith.minsi %multiple_of3A, %min3A : i32
    %multiple_of3A_4 = tpu.assume_multiple %min3A_3, 8 : i32
    "tpu.region"() ({
      %run_scoped3A = tpu.sem_alloc : memref<!tpu.dma_semaphore, #tpu.memory_space<semaphore_mem>>
      %dma_start3A_192 = arith.constant 0 : i32
      %dma_start3A_193 = tpu.memref_slice %arg4[%dma_start3A_192] : memref<100008xi32, #tpu.memory_space<hbm>> -> memref<16xi32, #tpu.memory_space<hbm>>
      %dma_start3A_194 = arith.constant 0 : i32
      %dma_start3A_195 = tpu.memref_slice %arg4[%dma_start3A_194] : memref<100008xi32, #tpu.memory_space<hbm>> -> memref<16xi32, #tpu.memory_space<hbm>>
      tpu.enqueue_dma source(%dma_start3A_195 : memref<16xi32, #tpu.memory_space<hbm>>) target(%arg16 : memref<16xi32, #tpu.memory_space<vmem>>) target_semaphore(%run_scoped3A : memref<!tpu.dma_semaphore, #tpu.memory_space<semaphore_mem>>)
      %dma_wait3A_196 = arith.constant 0 : i32
      %dma_wait3A_197 = tpu.memref_slice %arg4[%dma_wait3A_196] : memref<100008xi32, #tpu.memory_space<hbm>> -> memref<16xi32, #tpu.memory_space<hbm>>
      %dma_wait3A_198 = arith.constant 0 : i32
      %dma_wait3A_199 = tpu.memref_slice %arg4[%dma_wait3A_198] : memref<100008xi32, #tpu.memory_space<hbm>> -> memref<16xi32, #tpu.memory_space<hbm>>
      tpu.wait_dma2 semaphore(%run_scoped3A : memref<!tpu.dma_semaphore, #tpu.memory_space<semaphore_mem>>) src(%dma_wait3A_199 : memref<16xi32, #tpu.memory_space<hbm>>) dst(%arg16 : memref<16xi32, #tpu.memory_space<vmem>>)
      tpu.yield
    }) : () -> ()
    "tpu.region"() ({
      %run_scoped3A = tpu.sem_alloc : memref<!tpu.dma_semaphore, #tpu.memory_space<semaphore_mem>>
      %dma_start3A_192 = arith.constant 0 : i32
      %dma_start3A_193 = tpu.memref_slice %arg8[%dma_start3A_192] : memref<3168xi32, #tpu.memory_space<vmem>> -> memref<3152xi32, #tpu.memory_space<vmem>>
      %dma_start3A_194 = tpu.memref_slice %arg4[%multiple_of3A_4] : memref<100008xi32, #tpu.memory_space<hbm>> -> memref<3152xi32, #tpu.memory_space<hbm>>
      %dma_start3A_195 = arith.constant 0 : i32
      %dma_start3A_196 = tpu.memref_slice %arg8[%dma_start3A_195] : memref<3168xi32, #tpu.memory_space<vmem>> -> memref<3152xi32, #tpu.memory_space<vmem>>
      %dma_start3A_197 = tpu.memref_slice %arg4[%multiple_of3A_4] : memref<100008xi32, #tpu.memory_space<hbm>> -> memref<3152xi32, #tpu.memory_space<hbm>>
      tpu.enqueue_dma source(%dma_start3A_197 : memref<3152xi32, #tpu.memory_space<hbm>>) target(%dma_start3A_196 : memref<3152xi32, #tpu.memory_space<vmem>>) target_semaphore(%run_scoped3A : memref<!tpu.dma_semaphore, #tpu.memory_space<semaphore_mem>>)
      %dma_wait3A_198 = arith.constant 0 : i32
      %dma_wait3A_199 = tpu.memref_slice %arg8[%dma_wait3A_198] : memref<3168xi32, #tpu.memory_space<vmem>> -> memref<3152xi32, #tpu.memory_space<vmem>>
      %dma_wait3A_200 = tpu.memref_slice %arg4[%multiple_of3A_4] : memref<100008xi32, #tpu.memory_space<hbm>> -> memref<3152xi32, #tpu.memory_space<hbm>>
      %dma_wait3A_201 = arith.constant 0 : i32
      %dma_wait3A_202 = tpu.memref_slice %arg8[%dma_wait3A_201] : memref<3168xi32, #tpu.memory_space<vmem>> -> memref<3152xi32, #tpu.memory_space<vmem>>
      %dma_wait3A_203 = tpu.memref_slice %arg4[%multiple_of3A_4] : memref<100008xi32, #tpu.memory_space<hbm>> -> memref<3152xi32, #tpu.memory_space<hbm>>
      tpu.wait_dma2 semaphore(%run_scoped3A : memref<!tpu.dma_semaphore, #tpu.memory_space<semaphore_mem>>) src(%dma_wait3A_203 : memref<3152xi32, #tpu.memory_space<hbm>>) dst(%dma_wait3A_202 : memref<3152xi32, #tpu.memory_space<vmem>>)
      tpu.yield
    }) : () -> ()
    "tpu.region"() ({
      %run_scoped3A = tpu.sem_alloc : memref<!tpu.dma_semaphore, #tpu.memory_space<semaphore_mem>>
      %dma_start3A_192 = tpu.memref_slice %arg5[%multiple_of3A] : memref<100352xf32, #tpu.memory_space<hbm>> -> memref<3136xf32, #tpu.memory_space<hbm>>
      %dma_start3A_193 = tpu.memref_slice %arg5[%multiple_of3A] : memref<100352xf32, #tpu.memory_space<hbm>> -> memref<3136xf32, #tpu.memory_space<hbm>>
      tpu.enqueue_dma source(%dma_start3A_193 : memref<3136xf32, #tpu.memory_space<hbm>>) target(%arg14 : memref<3136xf32, #tpu.memory_space<vmem>>) target_semaphore(%run_scoped3A : memref<!tpu.dma_semaphore, #tpu.memory_space<semaphore_mem>>)
      %dma_wait3A_194 = tpu.memref_slice %arg5[%multiple_of3A] : memref<100352xf32, #tpu.memory_space<hbm>> -> memref<3136xf32, #tpu.memory_space<hbm>>
      %dma_wait3A_195 = tpu.memref_slice %arg5[%multiple_of3A] : memref<100352xf32, #tpu.memory_space<hbm>> -> memref<3136xf32, #tpu.memory_space<hbm>>
      tpu.wait_dma2 semaphore(%run_scoped3A : memref<!tpu.dma_semaphore, #tpu.memory_space<semaphore_mem>>) src(%dma_wait3A_195 : memref<3136xf32, #tpu.memory_space<hbm>>) dst(%arg14 : memref<3136xf32, #tpu.memory_space<vmem>>)
      tpu.yield
    }) : () -> ()
    %dma_start3A = arith.constant 0 : i32
    %dma_start3A_5 = tpu.memref_slice %arg7[%dma_start3A] : memref<100352xf32, #tpu.memory_space<vmem>> -> memref<12544xf32, #tpu.memory_space<vmem>>
    %dma_start3A_6 = arith.constant 0 : i32
    %dma_start3A_7 = tpu.memref_slice %arg2[%dma_start3A_6] : memref<100352xf32, #tpu.memory_space<hbm>> -> memref<12544xf32, #tpu.memory_space<hbm>>
    %dma_start3A_8 = arith.constant 0 : i32
    %dma_start3A_9 = tpu.memref_slice %arg7[%dma_start3A_8] : memref<100352xf32, #tpu.memory_space<vmem>> -> memref<12544xf32, #tpu.memory_space<vmem>>
    %dma_start3A_10 = arith.constant 0 : i32
    %dma_start3A_11 = tpu.memref_slice %arg2[%dma_start3A_10] : memref<100352xf32, #tpu.memory_space<hbm>> -> memref<12544xf32, #tpu.memory_space<hbm>>
    tpu.enqueue_dma source(%dma_start3A_11 : memref<12544xf32, #tpu.memory_space<hbm>>) target(%dma_start3A_9 : memref<12544xf32, #tpu.memory_space<vmem>>) target_semaphore(%arg18 : memref<!tpu.dma_semaphore, #tpu.memory_space<semaphore_mem>>)
    %dma_start3A_12 = arith.constant 12544 : i32
    %dma_start3A_13 = tpu.memref_slice %arg7[%dma_start3A_12] : memref<100352xf32, #tpu.memory_space<vmem>> -> memref<12544xf32, #tpu.memory_space<vmem>>
    %dma_start3A_14 = arith.constant 12544 : i32
    %dma_start3A_15 = tpu.memref_slice %arg2[%dma_start3A_14] : memref<100352xf32, #tpu.memory_space<hbm>> -> memref<12544xf32, #tpu.memory_space<hbm>>
    %dma_start3A_16 = arith.constant 12544 : i32
    %dma_start3A_17 = tpu.memref_slice %arg7[%dma_start3A_16] : memref<100352xf32, #tpu.memory_space<vmem>> -> memref<12544xf32, #tpu.memory_space<vmem>>
    %dma_start3A_18 = arith.constant 12544 : i32
    %dma_start3A_19 = tpu.memref_slice %arg2[%dma_start3A_18] : memref<100352xf32, #tpu.memory_space<hbm>> -> memref<12544xf32, #tpu.memory_space<hbm>>
    tpu.enqueue_dma source(%dma_start3A_19 : memref<12544xf32, #tpu.memory_space<hbm>>) target(%dma_start3A_17 : memref<12544xf32, #tpu.memory_space<vmem>>) target_semaphore(%arg18 : memref<!tpu.dma_semaphore, #tpu.memory_space<semaphore_mem>>)
    %dma_start3A_20 = arith.constant 25088 : i32
    %dma_start3A_21 = tpu.memref_slice %arg7[%dma_start3A_20] : memref<100352xf32, #tpu.memory_space<vmem>> -> memref<12544xf32, #tpu.memory_space<vmem>>
    %dma_start3A_22 = arith.constant 25088 : i32
    %dma_start3A_23 = tpu.memref_slice %arg2[%dma_start3A_22] : memref<100352xf32, #tpu.memory_space<hbm>> -> memref<12544xf32, #tpu.memory_space<hbm>>
    %dma_start3A_24 = arith.constant 25088 : i32
    %dma_start3A_25 = tpu.memref_slice %arg7[%dma_start3A_24] : memref<100352xf32, #tpu.memory_space<vmem>> -> memref<12544xf32, #tpu.memory_space<vmem>>
    %dma_start3A_26 = arith.constant 25088 : i32
    %dma_start3A_27 = tpu.memref_slice %arg2[%dma_start3A_26] : memref<100352xf32, #tpu.memory_space<hbm>> -> memref<12544xf32, #tpu.memory_space<hbm>>
    tpu.enqueue_dma source(%dma_start3A_27 : memref<12544xf32, #tpu.memory_space<hbm>>) target(%dma_start3A_25 : memref<12544xf32, #tpu.memory_space<vmem>>) target_semaphore(%arg18 : memref<!tpu.dma_semaphore, #tpu.memory_space<semaphore_mem>>)
    %dma_start3A_28 = arith.constant 37632 : i32
    %dma_start3A_29 = tpu.memref_slice %arg7[%dma_start3A_28] : memref<100352xf32, #tpu.memory_space<vmem>> -> memref<12544xf32, #tpu.memory_space<vmem>>
    %dma_start3A_30 = arith.constant 37632 : i32
    %dma_start3A_31 = tpu.memref_slice %arg2[%dma_start3A_30] : memref<100352xf32, #tpu.memory_space<hbm>> -> memref<12544xf32, #tpu.memory_space<hbm>>
    %dma_start3A_32 = arith.constant 37632 : i32
    %dma_start3A_33 = tpu.memref_slice %arg7[%dma_start3A_32] : memref<100352xf32, #tpu.memory_space<vmem>> -> memref<12544xf32, #tpu.memory_space<vmem>>
    %dma_start3A_34 = arith.constant 37632 : i32
    %dma_start3A_35 = tpu.memref_slice %arg2[%dma_start3A_34] : memref<100352xf32, #tpu.memory_space<hbm>> -> memref<12544xf32, #tpu.memory_space<hbm>>
    tpu.enqueue_dma source(%dma_start3A_35 : memref<12544xf32, #tpu.memory_space<hbm>>) target(%dma_start3A_33 : memref<12544xf32, #tpu.memory_space<vmem>>) target_semaphore(%arg18 : memref<!tpu.dma_semaphore, #tpu.memory_space<semaphore_mem>>)
    %dma_start3A_36 = arith.constant 50176 : i32
    %dma_start3A_37 = tpu.memref_slice %arg7[%dma_start3A_36] : memref<100352xf32, #tpu.memory_space<vmem>> -> memref<12544xf32, #tpu.memory_space<vmem>>
    %dma_start3A_38 = arith.constant 50176 : i32
    %dma_start3A_39 = tpu.memref_slice %arg2[%dma_start3A_38] : memref<100352xf32, #tpu.memory_space<hbm>> -> memref<12544xf32, #tpu.memory_space<hbm>>
    %dma_start3A_40 = arith.constant 50176 : i32
    %dma_start3A_41 = tpu.memref_slice %arg7[%dma_start3A_40] : memref<100352xf32, #tpu.memory_space<vmem>> -> memref<12544xf32, #tpu.memory_space<vmem>>
    %dma_start3A_42 = arith.constant 50176 : i32
    %dma_start3A_43 = tpu.memref_slice %arg2[%dma_start3A_42] : memref<100352xf32, #tpu.memory_space<hbm>> -> memref<12544xf32, #tpu.memory_space<hbm>>
    tpu.enqueue_dma source(%dma_start3A_43 : memref<12544xf32, #tpu.memory_space<hbm>>) target(%dma_start3A_41 : memref<12544xf32, #tpu.memory_space<vmem>>) target_semaphore(%arg18 : memref<!tpu.dma_semaphore, #tpu.memory_space<semaphore_mem>>)
    %dma_start3A_44 = arith.constant 62720 : i32
    %dma_start3A_45 = tpu.memref_slice %arg7[%dma_start3A_44] : memref<100352xf32, #tpu.memory_space<vmem>> -> memref<12544xf32, #tpu.memory_space<vmem>>
    %dma_start3A_46 = arith.constant 62720 : i32
    %dma_start3A_47 = tpu.memref_slice %arg2[%dma_start3A_46] : memref<100352xf32, #tpu.memory_space<hbm>> -> memref<12544xf32, #tpu.memory_space<hbm>>
    %dma_start3A_48 = arith.constant 62720 : i32
    %dma_start3A_49 = tpu.memref_slice %arg7[%dma_start3A_48] : memref<100352xf32, #tpu.memory_space<vmem>> -> memref<12544xf32, #tpu.memory_space<vmem>>
    %dma_start3A_50 = arith.constant 62720 : i32
    %dma_start3A_51 = tpu.memref_slice %arg2[%dma_start3A_50] : memref<100352xf32, #tpu.memory_space<hbm>> -> memref<12544xf32, #tpu.memory_space<hbm>>
    tpu.enqueue_dma source(%dma_start3A_51 : memref<12544xf32, #tpu.memory_space<hbm>>) target(%dma_start3A_49 : memref<12544xf32, #tpu.memory_space<vmem>>) target_semaphore(%arg18 : memref<!tpu.dma_semaphore, #tpu.memory_space<semaphore_mem>>)
    %dma_start3A_52 = arith.constant 75264 : i32
    %dma_start3A_53 = tpu.memref_slice %arg7[%dma_start3A_52] : memref<100352xf32, #tpu.memory_space<vmem>> -> memref<12544xf32, #tpu.memory_space<vmem>>
    %dma_start3A_54 = arith.constant 75264 : i32
    %dma_start3A_55 = tpu.memref_slice %arg2[%dma_start3A_54] : memref<100352xf32, #tpu.memory_space<hbm>> -> memref<12544xf32, #tpu.memory_space<hbm>>
    %dma_start3A_56 = arith.constant 75264 : i32
    %dma_start3A_57 = tpu.memref_slice %arg7[%dma_start3A_56] : memref<100352xf32, #tpu.memory_space<vmem>> -> memref<12544xf32, #tpu.memory_space<vmem>>
    %dma_start3A_58 = arith.constant 75264 : i32
    %dma_start3A_59 = tpu.memref_slice %arg2[%dma_start3A_58] : memref<100352xf32, #tpu.memory_space<hbm>> -> memref<12544xf32, #tpu.memory_space<hbm>>
    tpu.enqueue_dma source(%dma_start3A_59 : memref<12544xf32, #tpu.memory_space<hbm>>) target(%dma_start3A_57 : memref<12544xf32, #tpu.memory_space<vmem>>) target_semaphore(%arg18 : memref<!tpu.dma_semaphore, #tpu.memory_space<semaphore_mem>>)
    %dma_start3A_60 = arith.constant 87808 : i32
    %dma_start3A_61 = tpu.memref_slice %arg7[%dma_start3A_60] : memref<100352xf32, #tpu.memory_space<vmem>> -> memref<12544xf32, #tpu.memory_space<vmem>>
    %dma_start3A_62 = arith.constant 87808 : i32
    %dma_start3A_63 = tpu.memref_slice %arg2[%dma_start3A_62] : memref<100352xf32, #tpu.memory_space<hbm>> -> memref<12544xf32, #tpu.memory_space<hbm>>
    %dma_start3A_64 = arith.constant 87808 : i32
    %dma_start3A_65 = tpu.memref_slice %arg7[%dma_start3A_64] : memref<100352xf32, #tpu.memory_space<vmem>> -> memref<12544xf32, #tpu.memory_space<vmem>>
    %dma_start3A_66 = arith.constant 87808 : i32
    %dma_start3A_67 = tpu.memref_slice %arg2[%dma_start3A_66] : memref<100352xf32, #tpu.memory_space<hbm>> -> memref<12544xf32, #tpu.memory_space<hbm>>
    tpu.enqueue_dma source(%dma_start3A_67 : memref<12544xf32, #tpu.memory_space<hbm>>) target(%dma_start3A_65 : memref<12544xf32, #tpu.memory_space<vmem>>) target_semaphore(%arg18 : memref<!tpu.dma_semaphore, #tpu.memory_space<semaphore_mem>>)
    %iota3A = tpu.iota {dimensions = array<i32: 0>} : vector<16xi32>
    %get3A = arith.constant 0 : index
    %get3A_68 = tpu.vector_load %arg16[%get3A] {strides = array<i32>} : memref<16xi32, #tpu.memory_space<vmem>>, vector<16xi32>,
    %slice3A = vector.extract_strided_slice %get3A_68 {offsets = [0], sizes = [1], strides = [1]} : vector<16xi32> to vector<1xi32>
    %squeeze3A = vector.extract %slice3A[0] : i32 from vector<1xi32>
    %sub3A = arith.subi %multiple_of3A, %multiple_of3A_4 : i32
    %get3A_69 = arith.index_cast %sub3A : i32 to index
    %get3A_70 = tpu.vector_load %arg8[%get3A_69] {strides = array<i32>} : memref<3168xi32, #tpu.memory_space<vmem>>, vector<16xi32>,
    %slice3A_71 = vector.extract_strided_slice %get3A_70 {offsets = [0], sizes = [1], strides = [1]} : vector<16xi32> to vector<1xi32>
    %squeeze3A_72 = vector.extract %slice3A_71[0] : i32 from vector<1xi32>
    %sub3A_73 = arith.subi %squeeze3A_72, %squeeze3A : i32
    %add3A_74 = arith.constant 3136 : i32
    %add3A_75 = arith.addi %multiple_of3A, %add3A_74 : i32
    %min3A_76 = arith.constant 100000 : i32
    %min3A_77 = arith.minsi %add3A_75, %min3A_76 : i32
    %sub3A_78 = arith.subi %min3A_77, %multiple_of3A_4 : i32
    %get3A_79 = arith.index_cast %sub3A_78 : i32 to index
    %get3A_80 = tpu.vector_load %arg8[%get3A_79] {strides = array<i32>} : memref<3168xi32, #tpu.memory_space<vmem>>, vector<16xi32>,
    %slice3A_81 = vector.extract_strided_slice %get3A_80 {offsets = [0], sizes = [1], strides = [1]} : vector<16xi32> to vector<1xi32>
    %squeeze3A_82 = vector.extract %slice3A_81[0] : i32 from vector<1xi32>
    %sub3A_83 = arith.subi %squeeze3A_82, %squeeze3A : i32
    %and3A = arith.constant -8 : i32
    %and3A_84 = arith.andi %sub3A_73, %and3A : i32
    %sub3A_85 = arith.subi %sub3A_83, %and3A_84 : i32
    %jit3A = arith.constant 4096 : i32
    %div3A = arith.divsi %sub3A_85, %jit3A : i32
    %sign3A = arith.constant 0 : i32
    %sign3A_86 = arith.cmpi sgt, %sub3A_85, %sign3A : i32
    %sign3A_87 = arith.extui %sign3A_86 : i1 to i32
    %sign3A_88 = arith.constant 0 : i32
    %sign3A_89 = arith.cmpi slt, %sub3A_85, %sign3A_88 : i32
    %sign3A_90 = arith.extui %sign3A_89 : i1 to i32
    %sign3A_91 = arith.subi %sign3A_87, %sign3A_90 : i32
    %sign3A_92 = arith.constant 0 : i32
    %sign3A_93 = arith.cmpi sgt, %jit3A, %sign3A_92 : i32
    %sign3A_94 = arith.extui %sign3A_93 : i1 to i32
    %sign3A_95 = arith.constant 0 : i32
    %sign3A_96 = arith.cmpi slt, %jit3A, %sign3A_95 : i32
    %sign3A_97 = arith.extui %sign3A_96 : i1 to i32
    %sign3A_98 = arith.subi %sign3A_94, %sign3A_97 : i32
    %ne3A = arith.cmpi ne, %sign3A_91, %sign3A_98 : i32
    %rem3A = arith.remsi %sub3A_85, %jit3A : i32
    %ne3A_99 = arith.constant 0 : i32
    %ne3A_100 = arith.cmpi ne, %rem3A, %ne3A_99 : i32
    %and3A_101 = arith.andi %ne3A, %ne3A_100 : i1
    %sub3A_102 = arith.constant 1 : i32
    %sub3A_103 = arith.subi %div3A, %sub3A_102 : i32
    %select_n3A = arith.select %and3A_101, %sub3A_103, %div3A : i32
    %add3A_104 = arith.constant 1 : i32
    %add3A_105 = arith.addi %select_n3A, %add3A_104 : i32
    %min3A_106 = arith.constant 1595904 : i32
    %min3A_107 = arith.minsi %and3A_84, %min3A_106 : i32
    %multiple_of3A_108 = tpu.assume_multiple %min3A_107, 8 : i32
    %dma_start3A_109 = arith.constant 0 : i32
    %dma_start3A_110 = tpu.memref_slice %arg9[%dma_start3A_109] : memref<8192xi32, #tpu.memory_space<vmem>> -> memref<4096xi32, #tpu.memory_space<vmem>>
    %dma_start3A_111 = tpu.memref_slice %arg3[%multiple_of3A_108] : memref<1600000xi32, #tpu.memory_space<hbm>> -> memref<4096xi32, #tpu.memory_space<hbm>>
    %dma_start3A_112 = arith.constant 0 : i32
    %dma_start3A_113 = tpu.memref_slice %arg9[%dma_start3A_112] : memref<8192xi32, #tpu.memory_space<vmem>> -> memref<4096xi32, #tpu.memory_space<vmem>>
    %dma_start3A_114 = tpu.memref_slice %arg3[%multiple_of3A_108] : memref<1600000xi32, #tpu.memory_space<hbm>> -> memref<4096xi32, #tpu.memory_space<hbm>>
    tpu.enqueue_dma source(%dma_start3A_114 : memref<4096xi32, #tpu.memory_space<hbm>>) target(%dma_start3A_113 : memref<4096xi32, #tpu.memory_space<vmem>>) target_semaphore(%arg17 : memref<!tpu.dma_semaphore, #tpu.memory_space<semaphore_mem>>)
    "tpu.trace_start"() <{level = 10 : i32, message = "sc_stage_in"}> : () -> ()
    %dma_wait3A = arith.constant 0 : i32
    %dma_wait3A_115 = tpu.memref_slice %arg7[%dma_wait3A] : memref<100352xf32, #tpu.memory_space<vmem>> -> memref<12544xf32, #tpu.memory_space<vmem>>
    %dma_wait3A_116 = arith.constant 0 : i32
    %dma_wait3A_117 = tpu.memref_slice %arg2[%dma_wait3A_116] : memref<100352xf32, #tpu.memory_space<hbm>> -> memref<12544xf32, #tpu.memory_space<hbm>>
    %dma_wait3A_118 = arith.constant 0 : i32
    %dma_wait3A_119 = tpu.memref_slice %arg7[%dma_wait3A_118] : memref<100352xf32, #tpu.memory_space<vmem>> -> memref<12544xf32, #tpu.memory_space<vmem>>
    %dma_wait3A_120 = arith.constant 0 : i32
    %dma_wait3A_121 = tpu.memref_slice %arg2[%dma_wait3A_120] : memref<100352xf32, #tpu.memory_space<hbm>> -> memref<12544xf32, #tpu.memory_space<hbm>>
    tpu.wait_dma2 semaphore(%arg18 : memref<!tpu.dma_semaphore, #tpu.memory_space<semaphore_mem>>) src(%dma_wait3A_121 : memref<12544xf32, #tpu.memory_space<hbm>>) dst(%dma_wait3A_119 : memref<12544xf32, #tpu.memory_space<vmem>>)
    %dma_wait3A_122 = arith.constant 12544 : i32
    %dma_wait3A_123 = tpu.memref_slice %arg7[%dma_wait3A_122] : memref<100352xf32, #tpu.memory_space<vmem>> -> memref<12544xf32, #tpu.memory_space<vmem>>
    %dma_wait3A_124 = arith.constant 12544 : i32
    %dma_wait3A_125 = tpu.memref_slice %arg2[%dma_wait3A_124] : memref<100352xf32, #tpu.memory_space<hbm>> -> memref<12544xf32, #tpu.memory_space<hbm>>
    %dma_wait3A_126 = arith.constant 12544 : i32
    %dma_wait3A_127 = tpu.memref_slice %arg7[%dma_wait3A_126] : memref<100352xf32, #tpu.memory_space<vmem>> -> memref<12544xf32, #tpu.memory_space<vmem>>
    %dma_wait3A_128 = arith.constant 12544 : i32
    %dma_wait3A_129 = tpu.memref_slice %arg2[%dma_wait3A_128] : memref<100352xf32, #tpu.memory_space<hbm>> -> memref<12544xf32, #tpu.memory_space<hbm>>
    tpu.wait_dma2 semaphore(%arg18 : memref<!tpu.dma_semaphore, #tpu.memory_space<semaphore_mem>>) src(%dma_wait3A_129 : memref<12544xf32, #tpu.memory_space<hbm>>) dst(%dma_wait3A_127 : memref<12544xf32, #tpu.memory_space<vmem>>)
    %dma_wait3A_130 = arith.constant 25088 : i32
    %dma_wait3A_131 = tpu.memref_slice %arg7[%dma_wait3A_130] : memref<100352xf32, #tpu.memory_space<vmem>> -> memref<12544xf32, #tpu.memory_space<vmem>>
    %dma_wait3A_132 = arith.constant 25088 : i32
    %dma_wait3A_133 = tpu.memref_slice %arg2[%dma_wait3A_132] : memref<100352xf32, #tpu.memory_space<hbm>> -> memref<12544xf32, #tpu.memory_space<hbm>>
    %dma_wait3A_134 = arith.constant 25088 : i32
    %dma_wait3A_135 = tpu.memref_slice %arg7[%dma_wait3A_134] : memref<100352xf32, #tpu.memory_space<vmem>> -> memref<12544xf32, #tpu.memory_space<vmem>>
    %dma_wait3A_136 = arith.constant 25088 : i32
    %dma_wait3A_137 = tpu.memref_slice %arg2[%dma_wait3A_136] : memref<100352xf32, #tpu.memory_space<hbm>> -> memref<12544xf32, #tpu.memory_space<hbm>>
    tpu.wait_dma2 semaphore(%arg18 : memref<!tpu.dma_semaphore, #tpu.memory_space<semaphore_mem>>) src(%dma_wait3A_137 : memref<12544xf32, #tpu.memory_space<hbm>>) dst(%dma_wait3A_135 : memref<12544xf32, #tpu.memory_space<vmem>>)
    %dma_wait3A_138 = arith.constant 37632 : i32
    %dma_wait3A_139 = tpu.memref_slice %arg7[%dma_wait3A_138] : memref<100352xf32, #tpu.memory_space<vmem>> -> memref<12544xf32, #tpu.memory_space<vmem>>
    %dma_wait3A_140 = arith.constant 37632 : i32
    %dma_wait3A_141 = tpu.memref_slice %arg2[%dma_wait3A_140] : memref<100352xf32, #tpu.memory_space<hbm>> -> memref<12544xf32, #tpu.memory_space<hbm>>
    %dma_wait3A_142 = arith.constant 37632 : i32
    %dma_wait3A_143 = tpu.memref_slice %arg7[%dma_wait3A_142] : memref<100352xf32, #tpu.memory_space<vmem>> -> memref<12544xf32, #tpu.memory_space<vmem>>
    %dma_wait3A_144 = arith.constant 37632 : i32
    %dma_wait3A_145 = tpu.memref_slice %arg2[%dma_wait3A_144] : memref<100352xf32, #tpu.memory_space<hbm>> -> memref<12544xf32, #tpu.memory_space<hbm>>
    tpu.wait_dma2 semaphore(%arg18 : memref<!tpu.dma_semaphore, #tpu.memory_space<semaphore_mem>>) src(%dma_wait3A_145 : memref<12544xf32, #tpu.memory_space<hbm>>) dst(%dma_wait3A_143 : memref<12544xf32, #tpu.memory_space<vmem>>)
    %dma_wait3A_146 = arith.constant 50176 : i32
    %dma_wait3A_147 = tpu.memref_slice %arg7[%dma_wait3A_146] : memref<100352xf32, #tpu.memory_space<vmem>> -> memref<12544xf32, #tpu.memory_space<vmem>>
    %dma_wait3A_148 = arith.constant 50176 : i32
    %dma_wait3A_149 = tpu.memref_slice %arg2[%dma_wait3A_148] : memref<100352xf32, #tpu.memory_space<hbm>> -> memref<12544xf32, #tpu.memory_space<hbm>>
    %dma_wait3A_150 = arith.constant 50176 : i32
    %dma_wait3A_151 = tpu.memref_slice %arg7[%dma_wait3A_150] : memref<100352xf32, #tpu.memory_space<vmem>> -> memref<12544xf32, #tpu.memory_space<vmem>>
    %dma_wait3A_152 = arith.constant 50176 : i32
    %dma_wait3A_153 = tpu.memref_slice %arg2[%dma_wait3A_152] : memref<100352xf32, #tpu.memory_space<hbm>> -> memref<12544xf32, #tpu.memory_space<hbm>>
    tpu.wait_dma2 semaphore(%arg18 : memref<!tpu.dma_semaphore, #tpu.memory_space<semaphore_mem>>) src(%dma_wait3A_153 : memref<12544xf32, #tpu.memory_space<hbm>>) dst(%dma_wait3A_151 : memref<12544xf32, #tpu.memory_space<vmem>>)
    %dma_wait3A_154 = arith.constant 62720 : i32
    %dma_wait3A_155 = tpu.memref_slice %arg7[%dma_wait3A_154] : memref<100352xf32, #tpu.memory_space<vmem>> -> memref<12544xf32, #tpu.memory_space<vmem>>
    %dma_wait3A_156 = arith.constant 62720 : i32
    %dma_wait3A_157 = tpu.memref_slice %arg2[%dma_wait3A_156] : memref<100352xf32, #tpu.memory_space<hbm>> -> memref<12544xf32, #tpu.memory_space<hbm>>
    %dma_wait3A_158 = arith.constant 62720 : i32
    %dma_wait3A_159 = tpu.memref_slice %arg7[%dma_wait3A_158] : memref<100352xf32, #tpu.memory_space<vmem>> -> memref<12544xf32, #tpu.memory_space<vmem>>
    %dma_wait3A_160 = arith.constant 62720 : i32
    %dma_wait3A_161 = tpu.memref_slice %arg2[%dma_wait3A_160] : memref<100352xf32, #tpu.memory_space<hbm>> -> memref<12544xf32, #tpu.memory_space<hbm>>
    tpu.wait_dma2 semaphore(%arg18 : memref<!tpu.dma_semaphore, #tpu.memory_space<semaphore_mem>>) src(%dma_wait3A_161 : memref<12544xf32, #tpu.memory_space<hbm>>) dst(%dma_wait3A_159 : memref<12544xf32, #tpu.memory_space<vmem>>)
    %dma_wait3A_162 = arith.constant 75264 : i32
    %dma_wait3A_163 = tpu.memref_slice %arg7[%dma_wait3A_162] : memref<100352xf32, #tpu.memory_space<vmem>> -> memref<12544xf32, #tpu.memory_space<vmem>>
    %dma_wait3A_164 = arith.constant 75264 : i32
    %dma_wait3A_165 = tpu.memref_slice %arg2[%dma_wait3A_164] : memref<100352xf32, #tpu.memory_space<hbm>> -> memref<12544xf32, #tpu.memory_space<hbm>>
    %dma_wait3A_166 = arith.constant 75264 : i32
    %dma_wait3A_167 = tpu.memref_slice %arg7[%dma_wait3A_166] : memref<100352xf32, #tpu.memory_space<vmem>> -> memref<12544xf32, #tpu.memory_space<vmem>>
    %dma_wait3A_168 = arith.constant 75264 : i32
    %dma_wait3A_169 = tpu.memref_slice %arg2[%dma_wait3A_168] : memref<100352xf32, #tpu.memory_space<hbm>> -> memref<12544xf32, #tpu.memory_space<hbm>>
    tpu.wait_dma2 semaphore(%arg18 : memref<!tpu.dma_semaphore, #tpu.memory_space<semaphore_mem>>) src(%dma_wait3A_169 : memref<12544xf32, #tpu.memory_space<hbm>>) dst(%dma_wait3A_167 : memref<12544xf32, #tpu.memory_space<vmem>>)
    %dma_wait3A_170 = arith.constant 87808 : i32
    %dma_wait3A_171 = tpu.memref_slice %arg7[%dma_wait3A_170] : memref<100352xf32, #tpu.memory_space<vmem>> -> memref<12544xf32, #tpu.memory_space<vmem>>
    %dma_wait3A_172 = arith.constant 87808 : i32
    %dma_wait3A_173 = tpu.memref_slice %arg2[%dma_wait3A_172] : memref<100352xf32, #tpu.memory_space<hbm>> -> memref<12544xf32, #tpu.memory_space<hbm>>
    %dma_wait3A_174 = arith.constant 87808 : i32
    %dma_wait3A_175 = tpu.memref_slice %arg7[%dma_wait3A_174] : memref<100352xf32, #tpu.memory_space<vmem>> -> memref<12544xf32, #tpu.memory_space<vmem>>
    %dma_wait3A_176 = arith.constant 87808 : i32
    %dma_wait3A_177 = tpu.memref_slice %arg2[%dma_wait3A_176] : memref<100352xf32, #tpu.memory_space<hbm>> -> memref<12544xf32, #tpu.memory_space<hbm>>
    tpu.wait_dma2 semaphore(%arg18 : memref<!tpu.dma_semaphore, #tpu.memory_space<semaphore_mem>>) src(%dma_wait3A_177 : memref<12544xf32, #tpu.memory_space<hbm>>) dst(%dma_wait3A_175 : memref<12544xf32, #tpu.memory_space<vmem>>)
    %while3A = arith.constant 0 : i32
    %while3A_178 = arith.constant 0 : i32
    %while3A_179 = arith.constant 0.000000e+00 : f32
    "tpu.trace_stop"() : () -> ()
    "tpu.trace_start"() <{level = 10 : i32, message = "sc_blocks"}> : () -> ()
    %while3A_180 = arith.subi %add3A_105, %while3A : i32
    %while3A_181 = arith.addi %while3A, %while3A_180 : i32
    %while3A_182 = arith.constant 1 : i32
    %while3A_183 = arith.divsi %while3A_180, %while3A_182 : i32
    %while3A_184 = arith.muli %while3A_183, %while3A_182 : i32
    %while3A_185 = arith.addi %while3A, %while3A_184 : i32
    %while3A_186 = arith.constant 1 : i32
    %while3A_187:2 = scf.for %while3A_192 = %while3A to %while3A_185 step %while3A_186 iter_args(%while3A_193 = %while3A_178, %while3A_194 = %while3A_179) -> (i32, f32)  : i32 {
      %mul3A_195 = arith.constant 4096 : i32
      %mul3A_196 = arith.muli %while3A_192, %mul3A_195 : i32
      %add3A_197 = arith.addi %and3A_84, %mul3A_196 : i32
      %and3A_198 = arith.constant 1 : i32
      %and3A_199 = arith.andi %while3A_192, %and3A_198 : i32
      %mul3A_200 = arith.constant 4096 : i32
      %mul3A_201 = arith.muli %and3A_199, %mul3A_200 : i32
      %multiple_of3A_202 = tpu.assume_multiple %mul3A_201, 8 : i32
      %dma_wait3A_203 = tpu.memref_slice %arg9[%multiple_of3A_202] : memref<8192xi32, #tpu.memory_space<vmem>> -> memref<4096xi32, #tpu.memory_space<vmem>>
      %dma_wait3A_204 = arith.constant 0 : i32
      %dma_wait3A_205 = tpu.memref_slice %arg3[%dma_wait3A_204] : memref<1600000xi32, #tpu.memory_space<hbm>> -> memref<4096xi32, #tpu.memory_space<hbm>>
      %dma_wait3A_206 = tpu.memref_slice %arg9[%multiple_of3A_202] : memref<8192xi32, #tpu.memory_space<vmem>> -> memref<4096xi32, #tpu.memory_space<vmem>>
      %dma_wait3A_207 = arith.constant 0 : i32
      %dma_wait3A_208 = tpu.memref_slice %arg3[%dma_wait3A_207] : memref<1600000xi32, #tpu.memory_space<hbm>> -> memref<4096xi32, #tpu.memory_space<hbm>>
      tpu.wait_dma2 semaphore(%arg17 : memref<!tpu.dma_semaphore, #tpu.memory_space<semaphore_mem>>) src(%dma_wait3A_208 : memref<4096xi32, #tpu.memory_space<hbm>>) dst(%dma_wait3A_206 : memref<4096xi32, #tpu.memory_space<vmem>>)
      %add3A_209 = arith.constant 1 : i32
      %add3A_210 = arith.addi %while3A_192, %add3A_209 : i32
      %lt3A = arith.cmpi slt, %add3A_210, %add3A_105 : i32
      %convert_element_type3A = arith.extui %lt3A : i1 to i32
      %cond3A = arith.constant 0 : i32
      %cond3A_211 = arith.cmpi ne, %convert_element_type3A, %cond3A : i32
      scf.if %cond3A_211 {
        %add3A_385 = arith.constant 4096 : i32
        %add3A_386 = arith.addi %add3A_197, %add3A_385 : i32
        %min3A_387 = arith.constant 1595904 : i32
        %min3A_388 = arith.minsi %add3A_386, %min3A_387 : i32
        %multiple_of3A_389 = tpu.assume_multiple %min3A_388, 8 : i32
        %add3A_390 = arith.constant 1 : i32
        %add3A_391 = arith.addi %while3A_192, %add3A_390 : i32
        %and3A_392 = arith.constant 1 : i32
        %and3A_393 = arith.andi %add3A_391, %and3A_392 : i32
        %mul3A_394 = arith.constant 4096 : i32
        %mul3A_395 = arith.muli %and3A_393, %mul3A_394 : i32
        %multiple_of3A_396 = tpu.assume_multiple %mul3A_395, 8 : i32
        %dma_start3A_397 = tpu.memref_slice %arg9[%multiple_of3A_396] : memref<8192xi32, #tpu.memory_space<vmem>> -> memref<4096xi32, #tpu.memory_space<vmem>>
        %dma_start3A_398 = tpu.memref_slice %arg3[%multiple_of3A_389] : memref<1600000xi32, #tpu.memory_space<hbm>> -> memref<4096xi32, #tpu.memory_space<hbm>>
        %dma_start3A_399 = tpu.memref_slice %arg9[%multiple_of3A_396] : memref<8192xi32, #tpu.memory_space<vmem>> -> memref<4096xi32, #tpu.memory_space<vmem>>
        %dma_start3A_400 = tpu.memref_slice %arg3[%multiple_of3A_389] : memref<1600000xi32, #tpu.memory_space<hbm>> -> memref<4096xi32, #tpu.memory_space<hbm>>
        tpu.enqueue_dma source(%dma_start3A_400 : memref<4096xi32, #tpu.memory_space<hbm>>) target(%dma_start3A_399 : memref<4096xi32, #tpu.memory_space<vmem>>) target_semaphore(%arg17 : memref<!tpu.dma_semaphore, #tpu.memory_space<semaphore_mem>>)
      } else {
      }
      %ge3A = arith.cmpi sge, %add3A_197, %sub3A_73 : i32
      %add3A_212 = arith.constant 4096 : i32
      %add3A_213 = arith.addi %add3A_197, %add3A_212 : i32
      %le3A = arith.cmpi sle, %add3A_213, %sub3A_83 : i32
      %and3A_214 = arith.andi %ge3A, %le3A : i1
      %convert_element_type3A_215 = arith.extui %and3A_214 : i1 to i32
      %cond3A_216 = arith.constant 0 : i32
      %cond3A_217 = arith.cmpi ne, %convert_element_type3A_215, %cond3A_216 : i32
      scf.if %cond3A_217 {
        %parallel_loop3A_385 = arith.constant 0 : i32
        %parallel_loop3A_386 = arith.constant 256 : i32
        %parallel_loop3A_387 = arith.constant 1 : i32
        scf.for %parallel_loop3A_388 = %parallel_loop3A_385 to %parallel_loop3A_386 step %parallel_loop3A_387  : i32 {
          %parallel_loop3A_389 = arith.constant 16 : i32
          %parallel_loop3A_390 = arith.muli %parallel_loop3A_388, %parallel_loop3A_389 : i32
          %parallel_loop3A_391 = arith.addi %multiple_of3A_202, %parallel_loop3A_390 : i32
          %parallel_loop3A_392 = vector.broadcast %parallel_loop3A_391 : i32 to vector<16xi32>
          %parallel_loop3A_393 = arith.addi %parallel_loop3A_392, %iota3A : vector<16xi32>
          %parallel_loop3A_394 = tpu.vector_load_idx %arg9[%parallel_loop3A_393] : memref<8192xi32, #tpu.memory_space<vmem>>[vector<16xi32>], vector<16xi32>,
          %parallel_loop3A_395 = tpu.vector_load_idx %arg7[%parallel_loop3A_394] : memref<100352xf32, #tpu.memory_space<vmem>>[vector<16xi32>], vector<16xf32>,
          %parallel_loop3A_396 = arith.constant true
          %parallel_loop3A_397 = vector.broadcast %parallel_loop3A_396 : i1 to vector<16xi1>
          %parallel_loop3A_398 = tpu.scan <sum>, %parallel_loop3A_395 masked %parallel_loop3A_397 : vector<16xf32>, vector<16xi1> -> vector<16xf32>
          %parallel_loop3A_399 = arith.constant 16 : i32
          %parallel_loop3A_400 = arith.muli %parallel_loop3A_388, %parallel_loop3A_399 : i32
          %parallel_loop3A_401 = arith.index_cast %parallel_loop3A_400 : i32 to index
          %parallel_loop3A_402 = tpu.vector_load %arg10[%parallel_loop3A_401] {strides = array<i32>} : memref<4096xf32, #tpu.memory_space<vmem>>, vector<16xf32>,
          tpu.vector_store %arg10[%parallel_loop3A_401], %parallel_loop3A_398 {strides = array<i32>} : memref<4096xf32, #tpu.memory_space<vmem>>, vector<16xf32>,
        } {sc.loop_unroll_factor = 8 : i64, sc.parallel_access}
      } else {
      }
      %not3A = arith.constant true
      %not3A_218 = arith.xori %and3A_214, %not3A : i1
      %convert_element_type3A_219 = arith.extui %not3A_218 : i1 to i32
      %cond3A_220 = arith.constant 0 : i32
      %cond3A_221 = arith.cmpi ne, %convert_element_type3A_219, %cond3A_220 : i32
      scf.if %cond3A_221 {
        %min3A_385 = arith.constant 1595904 : i32
        %min3A_386 = arith.minsi %add3A_197, %min3A_385 : i32
        %multiple_of3A_387 = tpu.assume_multiple %min3A_386, 8 : i32
        %parallel_loop3A_388 = arith.constant 0 : i32
        %parallel_loop3A_389 = arith.constant 256 : i32
        %parallel_loop3A_390 = arith.constant 1 : i32
        scf.for %parallel_loop3A_391 = %parallel_loop3A_388 to %parallel_loop3A_389 step %parallel_loop3A_390  : i32 {
          %parallel_loop3A_392 = arith.constant 16 : i32
          %parallel_loop3A_393 = arith.muli %parallel_loop3A_391, %parallel_loop3A_392 : i32
          %parallel_loop3A_394 = arith.addi %add3A_197, %parallel_loop3A_393 : i32
          %parallel_loop3A_395 = vector.broadcast %parallel_loop3A_394 : i32 to vector<16xi32>
          %parallel_loop3A_396 = arith.addi %parallel_loop3A_395, %iota3A : vector<16xi32>
          %parallel_loop3A_397 = vector.broadcast %sub3A_73 : i32 to vector<16xi32>
          %parallel_loop3A_398 = arith.cmpi sge, %parallel_loop3A_396, %parallel_loop3A_397 : vector<16xi32>
          %parallel_loop3A_399 = vector.broadcast %sub3A_83 : i32 to vector<16xi32>
          %parallel_loop3A_400 = arith.cmpi slt, %parallel_loop3A_396, %parallel_loop3A_399 : vector<16xi32>
          %parallel_loop3A_401 = arith.andi %parallel_loop3A_398, %parallel_loop3A_400 : vector<16xi1>
          %parallel_loop3A_402 = vector.broadcast %multiple_of3A_387 : i32 to vector<16xi32>
          %parallel_loop3A_403 = arith.subi %parallel_loop3A_396, %parallel_loop3A_402 : vector<16xi32>
          %parallel_loop3A_404 = arith.constant 4095 : i32
          %parallel_loop3A_405 = vector.broadcast %parallel_loop3A_404 : i32 to vector<16xi32>
          %parallel_loop3A_406 = arith.minsi %parallel_loop3A_403, %parallel_loop3A_405 : vector<16xi32>
          %parallel_loop3A_407 = vector.broadcast %multiple_of3A_202 : i32 to vector<16xi32>
          %parallel_loop3A_408 = arith.addi %parallel_loop3A_406, %parallel_loop3A_407 : vector<16xi32>
          %parallel_loop3A_409 = tpu.vector_load_idx %arg9[%parallel_loop3A_408] : memref<8192xi32, #tpu.memory_space<vmem>>[vector<16xi32>], vector<16xi32>,
          %parallel_loop3A_410 = tpu.vector_load_idx %arg7[%parallel_loop3A_409] : memref<100352xf32, #tpu.memory_space<vmem>>[vector<16xi32>], vector<16xf32>,
          %parallel_loop3A_411 = arith.constant 0.000000e+00 : f32
          %parallel_loop3A_412 = vector.broadcast %parallel_loop3A_411 : f32 to vector<16xf32>
          %parallel_loop3A_413 = arith.select %parallel_loop3A_401, %parallel_loop3A_410, %parallel_loop3A_412 : vector<16xi1>, vector<16xf32>
          %parallel_loop3A_414 = arith.constant true
          %parallel_loop3A_415 = vector.broadcast %parallel_loop3A_414 : i1 to vector<16xi1>
          %parallel_loop3A_416 = tpu.scan <sum>, %parallel_loop3A_413 masked %parallel_loop3A_415 : vector<16xf32>, vector<16xi1> -> vector<16xf32>
          %parallel_loop3A_417 = arith.constant 16 : i32
          %parallel_loop3A_418 = arith.muli %parallel_loop3A_391, %parallel_loop3A_417 : i32
          %parallel_loop3A_419 = arith.index_cast %parallel_loop3A_418 : i32 to index
          %parallel_loop3A_420 = tpu.vector_load %arg10[%parallel_loop3A_419] {strides = array<i32>} : memref<4096xf32, #tpu.memory_space<vmem>>, vector<16xf32>,
          tpu.vector_store %arg10[%parallel_loop3A_419], %parallel_loop3A_416 {strides = array<i32>} : memref<4096xf32, #tpu.memory_space<vmem>>, vector<16xf32>,
        } {sc.loop_unroll_factor = 4 : i64, sc.parallel_access}
      } else {
      }
      %parallel_loop3A_222 = arith.constant 0 : i32
      %parallel_loop3A_223 = arith.constant 16 : i32
      %parallel_loop3A_224 = arith.constant 1 : i32
      scf.for %parallel_loop3A_385 = %parallel_loop3A_222 to %parallel_loop3A_223 step %parallel_loop3A_224  : i32 {
        %parallel_loop3A_386 = arith.constant 16 : i32
        %parallel_loop3A_387 = arith.muli %parallel_loop3A_385, %parallel_loop3A_386 : i32
        %parallel_loop3A_388 = vector.broadcast %parallel_loop3A_387 : i32 to vector<16xi32>
        %parallel_loop3A_389 = arith.addi %parallel_loop3A_388, %iota3A : vector<16xi32>
        %parallel_loop3A_390 = arith.constant 16 : i32
        %parallel_loop3A_391 = vector.broadcast %parallel_loop3A_390 : i32 to vector<16xi32>
        %parallel_loop3A_392 = arith.muli %parallel_loop3A_389, %parallel_loop3A_391 : vector<16xi32>
        %parallel_loop3A_393 = arith.constant 15 : i32
        %parallel_loop3A_394 = vector.broadcast %parallel_loop3A_393 : i32 to vector<16xi32>
        %parallel_loop3A_395 = arith.addi %parallel_loop3A_392, %parallel_loop3A_394 : vector<16xi32>
        %parallel_loop3A_396 = tpu.vector_load_idx %arg10[%parallel_loop3A_395] : memref<4096xf32, #tpu.memory_space<vmem>>[vector<16xi32>], vector<16xf32>,
        %parallel_loop3A_397 = arith.constant true
        %parallel_loop3A_398 = vector.broadcast %parallel_loop3A_397 : i1 to vector<16xi1>
        %parallel_loop3A_399 = tpu.scan <sum>, %parallel_loop3A_396 masked %parallel_loop3A_398 : vector<16xf32>, vector<16xi1> -> vector<16xf32>
        %parallel_loop3A_400 = arith.constant 16 : i32
        %parallel_loop3A_401 = arith.muli %parallel_loop3A_385, %parallel_loop3A_400 : i32
        %parallel_loop3A_402 = arith.index_cast %parallel_loop3A_401 : i32 to index
        %parallel_loop3A_403 = tpu.vector_load %arg11[%parallel_loop3A_402] {strides = array<i32>} : memref<256xf32, #tpu.memory_space<vmem>>, vector<16xf32>,
        tpu.vector_store %arg11[%parallel_loop3A_402], %parallel_loop3A_399 {strides = array<i32>} : memref<256xf32, #tpu.memory_space<vmem>>, vector<16xf32>,
      } {sc.loop_unroll_factor = 2 : i64, sc.parallel_access}
      %mul3A_225 = arith.constant 16 : i32
      %mul3A_226 = vector.broadcast %mul3A_225 : i32 to vector<16xi32>
      %mul3A_227 = arith.muli %iota3A, %mul3A_226 : vector<16xi32>
      %add3A_228 = arith.constant 15 : i32
      %add3A_229 = vector.broadcast %add3A_228 : i32 to vector<16xi32>
      %add3A_230 = arith.addi %mul3A_227, %add3A_229 : vector<16xi32>
      %gather3A = tpu.vector_load_idx %arg11[%add3A_230] : memref<256xf32, #tpu.memory_space<vmem>>[vector<16xi32>], vector<16xf32>,
      %broadcast_in_dim3A = arith.constant true
      %broadcast_in_dim3A_231 = vector.broadcast %broadcast_in_dim3A : i1 to vector<16xi1>
      %masked_cumsum3A = tpu.scan <sum>, %gather3A masked %broadcast_in_dim3A_231 : vector<16xf32>, vector<16xi1> -> vector<16xf32>
      %get3A_232 = arith.constant 16 : index
      %get3A_233 = tpu.vector_load %arg11[%get3A_232] {strides = array<i32>} : memref<256xf32, #tpu.memory_space<vmem>>, vector<16xf32>,
      %slice3A_234 = vector.extract_strided_slice %masked_cumsum3A {offsets = [0], sizes = [1], strides = [1]} : vector<16xf32> to vector<1xf32>
      %squeeze3A_235 = vector.extract %slice3A_234[0] : f32 from vector<1xf32>
      %add3A_236 = vector.broadcast %squeeze3A_235 : f32 to vector<16xf32>
      %add3A_237 = arith.addf %get3A_233, %add3A_236 : vector<16xf32>
      %swap3A = arith.constant 16 : index
      %swap3A_238 = tpu.vector_load %arg11[%swap3A] {strides = array<i32>} : memref<256xf32, #tpu.memory_space<vmem>>, vector<16xf32>,
      tpu.vector_store %arg11[%swap3A], %add3A_237 {strides = array<i32>} : memref<256xf32, #tpu.memory_space<vmem>>, vector<16xf32>,
      %get3A_239 = arith.constant 32 : index
      %get3A_240 = tpu.vector_load %arg11[%get3A_239] {strides = array<i32>} : memref<256xf32, #tpu.memory_space<vmem>>, vector<16xf32>,
      %slice3A_241 = vector.extract_strided_slice %masked_cumsum3A {offsets = [1], sizes = [1], strides = [1]} : vector<16xf32> to vector<1xf32>
      %squeeze3A_242 = vector.extract %slice3A_241[0] : f32 from vector<1xf32>
      %add3A_243 = vector.broadcast %squeeze3A_242 : f32 to vector<16xf32>
      %add3A_244 = arith.addf %get3A_240, %add3A_243 : vector<16xf32>
      %swap3A_245 = arith.constant 32 : index
      %swap3A_246 = tpu.vector_load %arg11[%swap3A_245] {strides = array<i32>} : memref<256xf32, #tpu.memory_space<vmem>>, vector<16xf32>,
      tpu.vector_store %arg11[%swap3A_245], %add3A_244 {strides = array<i32>} : memref<256xf32, #tpu.memory_space<vmem>>, vector<16xf32>,
      %get3A_247 = arith.constant 48 : index
      %get3A_248 = tpu.vector_load %arg11[%get3A_247] {strides = array<i32>} : memref<256xf32, #tpu.memory_space<vmem>>, vector<16xf32>,
      %slice3A_249 = vector.extract_strided_slice %masked_cumsum3A {offsets = [2], sizes = [1], strides = [1]} : vector<16xf32> to vector<1xf32>
      %squeeze3A_250 = vector.extract %slice3A_249[0] : f32 from vector<1xf32>
      %add3A_251 = vector.broadcast %squeeze3A_250 : f32 to vector<16xf32>
      %add3A_252 = arith.addf %get3A_248, %add3A_251 : vector<16xf32>
      %swap3A_253 = arith.constant 48 : index
      %swap3A_254 = tpu.vector_load %arg11[%swap3A_253] {strides = array<i32>} : memref<256xf32, #tpu.memory_space<vmem>>, vector<16xf32>,
      tpu.vector_store %arg11[%swap3A_253], %add3A_252 {strides = array<i32>} : memref<256xf32, #tpu.memory_space<vmem>>, vector<16xf32>,
      %get3A_255 = arith.constant 64 : index
      %get3A_256 = tpu.vector_load %arg11[%get3A_255] {strides = array<i32>} : memref<256xf32, #tpu.memory_space<vmem>>, vector<16xf32>,
      %slice3A_257 = vector.extract_strided_slice %masked_cumsum3A {offsets = [3], sizes = [1], strides = [1]} : vector<16xf32> to vector<1xf32>
      %squeeze3A_258 = vector.extract %slice3A_257[0] : f32 from vector<1xf32>
      %add3A_259 = vector.broadcast %squeeze3A_258 : f32 to vector<16xf32>
      %add3A_260 = arith.addf %get3A_256, %add3A_259 : vector<16xf32>
      %swap3A_261 = arith.constant 64 : index
      %swap3A_262 = tpu.vector_load %arg11[%swap3A_261] {strides = array<i32>} : memref<256xf32, #tpu.memory_space<vmem>>, vector<16xf32>,
      tpu.vector_store %arg11[%swap3A_261], %add3A_260 {strides = array<i32>} : memref<256xf32, #tpu.memory_space<vmem>>, vector<16xf32>,
      %get3A_263 = arith.constant 80 : index
      %get3A_264 = tpu.vector_load %arg11[%get3A_263] {strides = array<i32>} : memref<256xf32, #tpu.memory_space<vmem>>, vector<16xf32>,
      %slice3A_265 = vector.extract_strided_slice %masked_cumsum3A {offsets = [4], sizes = [1], strides = [1]} : vector<16xf32> to vector<1xf32>
      %squeeze3A_266 = vector.extract %slice3A_265[0] : f32 from vector<1xf32>
      %add3A_267 = vector.broadcast %squeeze3A_266 : f32 to vector<16xf32>
      %add3A_268 = arith.addf %get3A_264, %add3A_267 : vector<16xf32>
      %swap3A_269 = arith.constant 80 : index
      %swap3A_270 = tpu.vector_load %arg11[%swap3A_269] {strides = array<i32>} : memref<256xf32, #tpu.memory_space<vmem>>, vector<16xf32>,
      tpu.vector_store %arg11[%swap3A_269], %add3A_268 {strides = array<i32>} : memref<256xf32, #tpu.memory_space<vmem>>, vector<16xf32>,
      %get3A_271 = arith.constant 96 : index
      %get3A_272 = tpu.vector_load %arg11[%get3A_271] {strides = array<i32>} : memref<256xf32, #tpu.memory_space<vmem>>, vector<16xf32>,
      %slice3A_273 = vector.extract_strided_slice %masked_cumsum3A {offsets = [5], sizes = [1], strides = [1]} : vector<16xf32> to vector<1xf32>
      %squeeze3A_274 = vector.extract %slice3A_273[0] : f32 from vector<1xf32>
      %add3A_275 = vector.broadcast %squeeze3A_274 : f32 to vector<16xf32>
      %add3A_276 = arith.addf %get3A_272, %add3A_275 : vector<16xf32>
      %swap3A_277 = arith.constant 96 : index
      %swap3A_278 = tpu.vector_load %arg11[%swap3A_277] {strides = array<i32>} : memref<256xf32, #tpu.memory_space<vmem>>, vector<16xf32>,
      tpu.vector_store %arg11[%swap3A_277], %add3A_276 {strides = array<i32>} : memref<256xf32, #tpu.memory_space<vmem>>, vector<16xf32>,
      %get3A_279 = arith.constant 112 : index
      %get3A_280 = tpu.vector_load %arg11[%get3A_279] {strides = array<i32>} : memref<256xf32, #tpu.memory_space<vmem>>, vector<16xf32>,
      %slice3A_281 = vector.extract_strided_slice %masked_cumsum3A {offsets = [6], sizes = [1], strides = [1]} : vector<16xf32> to vector<1xf32>
      %squeeze3A_282 = vector.extract %slice3A_281[0] : f32 from vector<1xf32>
      %add3A_283 = vector.broadcast %squeeze3A_282 : f32 to vector<16xf32>
      %add3A_284 = arith.addf %get3A_280, %add3A_283 : vector<16xf32>
      %swap3A_285 = arith.constant 112 : index
      %swap3A_286 = tpu.vector_load %arg11[%swap3A_285] {strides = array<i32>} : memref<256xf32, #tpu.memory_space<vmem>>, vector<16xf32>,
      tpu.vector_store %arg11[%swap3A_285], %add3A_284 {strides = array<i32>} : memref<256xf32, #tpu.memory_space<vmem>>, vector<16xf32>,
      %get3A_287 = arith.constant 128 : index
      %get3A_288 = tpu.vector_load %arg11[%get3A_287] {strides = array<i32>} : memref<256xf32, #tpu.memory_space<vmem>>, vector<16xf32>,
      %slice3A_289 = vector.extract_strided_slice %masked_cumsum3A {offsets = [7], sizes = [1], strides = [1]} : vector<16xf32> to vector<1xf32>
      %squeeze3A_290 = vector.extract %slice3A_289[0] : f32 from vector<1xf32>
      %add3A_291 = vector.broadcast %squeeze3A_290 : f32 to vector<16xf32>
      %add3A_292 = arith.addf %get3A_288, %add3A_291 : vector<16xf32>
      %swap3A_293 = arith.constant 128 : index
      %swap3A_294 = tpu.vector_load %arg11[%swap3A_293] {strides = array<i32>} : memref<256xf32, #tpu.memory_space<vmem>>, vector<16xf32>,
      tpu.vector_store %arg11[%swap3A_293], %add3A_292 {strides = array<i32>} : memref<256xf32, #tpu.memory_space<vmem>>, vector<16xf32>,
      %get3A_295 = arith.constant 144 : index
      %get3A_296 = tpu.vector_load %arg11[%get3A_295] {strides = array<i32>} : memref<256xf32, #tpu.memory_space<vmem>>, vector<16xf32>,
      %slice3A_297 = vector.extract_strided_slice %masked_cumsum3A {offsets = [8], sizes = [1], strides = [1]} : vector<16xf32> to vector<1xf32>
      %squeeze3A_298 = vector.extract %slice3A_297[0] : f32 from vector<1xf32>
      %add3A_299 = vector.broadcast %squeeze3A_298 : f32 to vector<16xf32>
      %add3A_300 = arith.addf %get3A_296, %add3A_299 : vector<16xf32>
      %swap3A_301 = arith.constant 144 : index
      %swap3A_302 = tpu.vector_load %arg11[%swap3A_301] {strides = array<i32>} : memref<256xf32, #tpu.memory_space<vmem>>, vector<16xf32>,
      tpu.vector_store %arg11[%swap3A_301], %add3A_300 {strides = array<i32>} : memref<256xf32, #tpu.memory_space<vmem>>, vector<16xf32>,
      %get3A_303 = arith.constant 160 : index
      %get3A_304 = tpu.vector_load %arg11[%get3A_303] {strides = array<i32>} : memref<256xf32, #tpu.memory_space<vmem>>, vector<16xf32>,
      %slice3A_305 = vector.extract_strided_slice %masked_cumsum3A {offsets = [9], sizes = [1], strides = [1]} : vector<16xf32> to vector<1xf32>
      %squeeze3A_306 = vector.extract %slice3A_305[0] : f32 from vector<1xf32>
      %add3A_307 = vector.broadcast %squeeze3A_306 : f32 to vector<16xf32>
      %add3A_308 = arith.addf %get3A_304, %add3A_307 : vector<16xf32>
      %swap3A_309 = arith.constant 160 : index
      %swap3A_310 = tpu.vector_load %arg11[%swap3A_309] {strides = array<i32>} : memref<256xf32, #tpu.memory_space<vmem>>, vector<16xf32>,
      tpu.vector_store %arg11[%swap3A_309], %add3A_308 {strides = array<i32>} : memref<256xf32, #tpu.memory_space<vmem>>, vector<16xf32>,
      %get3A_311 = arith.constant 176 : index
      %get3A_312 = tpu.vector_load %arg11[%get3A_311] {strides = array<i32>} : memref<256xf32, #tpu.memory_space<vmem>>, vector<16xf32>,
      %slice3A_313 = vector.extract_strided_slice %masked_cumsum3A {offsets = [10], sizes = [1], strides = [1]} : vector<16xf32> to vector<1xf32>
      %squeeze3A_314 = vector.extract %slice3A_313[0] : f32 from vector<1xf32>
      %add3A_315 = vector.broadcast %squeeze3A_314 : f32 to vector<16xf32>
      %add3A_316 = arith.addf %get3A_312, %add3A_315 : vector<16xf32>
      %swap3A_317 = arith.constant 176 : index
      %swap3A_318 = tpu.vector_load %arg11[%swap3A_317] {strides = array<i32>} : memref<256xf32, #tpu.memory_space<vmem>>, vector<16xf32>,
      tpu.vector_store %arg11[%swap3A_317], %add3A_316 {strides = array<i32>} : memref<256xf32, #tpu.memory_space<vmem>>, vector<16xf32>,
      %get3A_319 = arith.constant 192 : index
      %get3A_320 = tpu.vector_load %arg11[%get3A_319] {strides = array<i32>} : memref<256xf32, #tpu.memory_space<vmem>>, vector<16xf32>,
      %slice3A_321 = vector.extract_strided_slice %masked_cumsum3A {offsets = [11], sizes = [1], strides = [1]} : vector<16xf32> to vector<1xf32>
      %squeeze3A_322 = vector.extract %slice3A_321[0] : f32 from vector<1xf32>
      %add3A_323 = vector.broadcast %squeeze3A_322 : f32 to vector<16xf32>
      %add3A_324 = arith.addf %get3A_320, %add3A_323 : vector<16xf32>
      %swap3A_325 = arith.constant 192 : index
      %swap3A_326 = tpu.vector_load %arg11[%swap3A_325] {strides = array<i32>} : memref<256xf32, #tpu.memory_space<vmem>>, vector<16xf32>,
      tpu.vector_store %arg11[%swap3A_325], %add3A_324 {strides = array<i32>} : memref<256xf32, #tpu.memory_space<vmem>>, vector<16xf32>,
      %get3A_327 = arith.constant 208 : index
      %get3A_328 = tpu.vector_load %arg11[%get3A_327] {strides = array<i32>} : memref<256xf32, #tpu.memory_space<vmem>>, vector<16xf32>,
      %slice3A_329 = vector.extract_strided_slice %masked_cumsum3A {offsets = [12], sizes = [1], strides = [1]} : vector<16xf32> to vector<1xf32>
      %squeeze3A_330 = vector.extract %slice3A_329[0] : f32 from vector<1xf32>
      %add3A_331 = vector.broadcast %squeeze3A_330 : f32 to vector<16xf32>
      %add3A_332 = arith.addf %get3A_328, %add3A_331 : vector<16xf32>
      %swap3A_333 = arith.constant 208 : index
      %swap3A_334 = tpu.vector_load %arg11[%swap3A_333] {strides = array<i32>} : memref<256xf32, #tpu.memory_space<vmem>>, vector<16xf32>,
      tpu.vector_store %arg11[%swap3A_333], %add3A_332 {strides = array<i32>} : memref<256xf32, #tpu.memory_space<vmem>>, vector<16xf32>,
      %get3A_335 = arith.constant 224 : index
      %get3A_336 = tpu.vector_load %arg11[%get3A_335] {strides = array<i32>} : memref<256xf32, #tpu.memory_space<vmem>>, vector<16xf32>,
      %slice3A_337 = vector.extract_strided_slice %masked_cumsum3A {offsets = [13], sizes = [1], strides = [1]} : vector<16xf32> to vector<1xf32>
      %squeeze3A_338 = vector.extract %slice3A_337[0] : f32 from vector<1xf32>
      %add3A_339 = vector.broadcast %squeeze3A_338 : f32 to vector<16xf32>
      %add3A_340 = arith.addf %get3A_336, %add3A_339 : vector<16xf32>
      %swap3A_341 = arith.constant 224 : index
      %swap3A_342 = tpu.vector_load %arg11[%swap3A_341] {strides = array<i32>} : memref<256xf32, #tpu.memory_space<vmem>>, vector<16xf32>,
      tpu.vector_store %arg11[%swap3A_341], %add3A_340 {strides = array<i32>} : memref<256xf32, #tpu.memory_space<vmem>>, vector<16xf32>,
      %get3A_343 = arith.constant 240 : index
      %get3A_344 = tpu.vector_load %arg11[%get3A_343] {strides = array<i32>} : memref<256xf32, #tpu.memory_space<vmem>>, vector<16xf32>,
      %slice3A_345 = vector.extract_strided_slice %masked_cumsum3A {offsets = [14], sizes = [1], strides = [1]} : vector<16xf32> to vector<1xf32>
      %squeeze3A_346 = vector.extract %slice3A_345[0] : f32 from vector<1xf32>
      %add3A_347 = vector.broadcast %squeeze3A_346 : f32 to vector<16xf32>
      %add3A_348 = arith.addf %get3A_344, %add3A_347 : vector<16xf32>
      %swap3A_349 = arith.constant 240 : index
      %swap3A_350 = tpu.vector_load %arg11[%swap3A_349] {strides = array<i32>} : memref<256xf32, #tpu.memory_space<vmem>>, vector<16xf32>,
      tpu.vector_store %arg11[%swap3A_349], %add3A_348 {strides = array<i32>} : memref<256xf32, #tpu.memory_space<vmem>>, vector<16xf32>,
      %slice3A_351 = vector.extract_strided_slice %masked_cumsum3A {offsets = [15], sizes = [1], strides = [1]} : vector<16xf32> to vector<1xf32>
      %squeeze3A_352 = vector.extract %slice3A_351[0] : f32 from vector<1xf32>
      %add3A_353 = arith.constant 4096 : i32
      %add3A_354 = arith.addi %add3A_197, %add3A_353 : i32
      %while3A_355 = arith.constant true
      %while3A_356:2 = scf.while (%while3A_385 = %while3A_193, %while3A_386 = %while3A_355) : (i32, i1) -> (i32, i1) {
        scf.condition(%while3A_386) %while3A_385, %while3A_386 : i32, i1
      } do {
      ^bb0(%while3A_385: i32, %while3A_386: i1):
        %mul3A_387 = arith.constant 16 : i32
        %mul3A_388 = vector.broadcast %mul3A_387 : i32 to vector<16xi32>
        %mul3A_389 = arith.muli %iota3A, %mul3A_388 : vector<16xi32>
        %add3A_390 = vector.broadcast %while3A_385 : i32 to vector<16xi32>
        %add3A_391 = arith.addi %add3A_390, %mul3A_389 : vector<16xi32>
        %add3A_392 = arith.constant 15 : i32
        %add3A_393 = vector.broadcast %add3A_392 : i32 to vector<16xi32>
        %add3A_394 = arith.addi %add3A_391, %add3A_393 : vector<16xi32>
        %add3A_395 = vector.broadcast %multiple_of3A : i32 to vector<16xi32>
        %add3A_396 = arith.addi %add3A_395, %add3A_394 : vector<16xi32>
        %min3A_397 = arith.constant 100000 : i32
        %min3A_398 = vector.broadcast %min3A_397 : i32 to vector<16xi32>
        %min3A_399 = arith.minsi %add3A_396, %min3A_398 : vector<16xi32>
        %sub3A_400 = vector.broadcast %multiple_of3A_4 : i32 to vector<16xi32>
        %sub3A_401 = arith.subi %min3A_399, %sub3A_400 : vector<16xi32>
        %gather3A_402 = tpu.vector_load_idx %arg8[%sub3A_401] : memref<3168xi32, #tpu.memory_space<vmem>>[vector<16xi32>], vector<16xi32>,
        %sub3A_403 = vector.broadcast %squeeze3A : i32 to vector<16xi32>
        %sub3A_404 = arith.subi %gather3A_402, %sub3A_403 : vector<16xi32>
        %lt3A_405 = vector.broadcast %add3A_354 : i32 to vector<16xi32>
        %lt3A_406 = arith.cmpi slt, %sub3A_404, %lt3A_405 : vector<16xi32>
        %le3A_407 = arith.constant 3136 : i32
        %le3A_408 = vector.broadcast %le3A_407 : i32 to vector<16xi32>
        %le3A_409 = arith.cmpi sle, %add3A_394, %le3A_408 : vector<16xi32>
        %and3A_410 = arith.andi %lt3A_406, %le3A_409 : vector<16xi1>
        %all_reduce_population_count3A_411 = tpu.all_reduce %and3A_410 {dim = 0 : i64, kind = #tpu.reduction_kind<sum>} : vector<16xi1> -> vector<16xi32>
        %slice3A_412 = vector.extract_strided_slice %all_reduce_population_count3A_411 {offsets = [0], sizes = [1], strides = [1]} : vector<16xi32> to vector<1xi32>
        %squeeze3A_413 = vector.extract %slice3A_412[0] : i32 from vector<1xi32>
        %mul3A_414 = arith.constant 16 : i32
        %mul3A_415 = arith.muli %squeeze3A_413, %mul3A_414 : i32
        %add3A_416 = arith.addi %while3A_385, %mul3A_415 : i32
        %ge3A_417 = arith.constant 16 : i32
        %ge3A_418 = arith.cmpi sge, %squeeze3A_413, %ge3A_417 : i32
        scf.yield %add3A_416, %ge3A_418 : i32, i1
      }
      %add3A_357 = vector.broadcast %while3A_356#0 : i32 to vector<16xi32>
      %add3A_358 = arith.addi %add3A_357, %iota3A : vector<16xi32>
      %add3A_359 = vector.broadcast %multiple_of3A : i32 to vector<16xi32>
      %add3A_360 = arith.addi %add3A_359, %add3A_358 : vector<16xi32>
      %min3A_361 = arith.constant 100000 : i32
      %min3A_362 = vector.broadcast %min3A_361 : i32 to vector<16xi32>
      %min3A_363 = arith.minsi %add3A_360, %min3A_362 : vector<16xi32>
      %sub3A_364 = vector.broadcast %multiple_of3A_4 : i32 to vector<16xi32>
      %sub3A_365 = arith.subi %min3A_363, %sub3A_364 : vector<16xi32>
      %gather3A_366 = tpu.vector_load_idx %arg8[%sub3A_365] : memref<3168xi32, #tpu.memory_space<vmem>>[vector<16xi32>], vector<16xi32>,
      %sub3A_367 = vector.broadcast %squeeze3A : i32 to vector<16xi32>
      %sub3A_368 = arith.subi %gather3A_366, %sub3A_367 : vector<16xi32>
      %lt3A_369 = vector.broadcast %add3A_354 : i32 to vector<16xi32>
      %lt3A_370 = arith.cmpi slt, %sub3A_368, %lt3A_369 : vector<16xi32>
      %le3A_371 = arith.constant 3136 : i32
      %le3A_372 = vector.broadcast %le3A_371 : i32 to vector<16xi32>
      %le3A_373 = arith.cmpi sle, %add3A_358, %le3A_372 : vector<16xi32>
      %and3A_374 = arith.andi %lt3A_370, %le3A_373 : vector<16xi1>
      %all_reduce_population_count3A = tpu.all_reduce %and3A_374 {dim = 0 : i64, kind = #tpu.reduction_kind<sum>} : vector<16xi1> -> vector<16xi32>
      %slice3A_375 = vector.extract_strided_slice %all_reduce_population_count3A {offsets = [0], sizes = [1], strides = [1]} : vector<16xi32> to vector<1xi32>
      %squeeze3A_376 = vector.extract %slice3A_375[0] : i32 from vector<1xi32>
      %add3A_377 = arith.addi %while3A_356#0, %squeeze3A_376 : i32
      %sub3A_378 = arith.subi %add3A_377, %while3A_193 : i32
      %add3A_379 = arith.constant 15 : i32
      %add3A_380 = arith.addi %sub3A_378, %add3A_379 : i32
      %shift_right_arithmetic3A = arith.constant 4 : i32
      %shift_right_arithmetic3A_381 = arith.shrsi %add3A_380, %shift_right_arithmetic3A : i32
      %parallel_loop3A_382 = arith.constant 0 : i32
      %parallel_loop3A_383 = arith.constant 1 : i32
      scf.for %parallel_loop3A_385 = %parallel_loop3A_382 to %shift_right_arithmetic3A_381 step %parallel_loop3A_383  : i32 {
        %parallel_loop3A_386 = arith.constant 16 : i32
        %parallel_loop3A_387 = arith.muli %parallel_loop3A_385, %parallel_loop3A_386 : i32
        %parallel_loop3A_388 = arith.addi %while3A_193, %parallel_loop3A_387 : i32
        %parallel_loop3A_389 = vector.broadcast %parallel_loop3A_388 : i32 to vector<16xi32>
        %parallel_loop3A_390 = arith.addi %parallel_loop3A_389, %iota3A : vector<16xi32>
        %parallel_loop3A_391 = vector.broadcast %add3A_377 : i32 to vector<16xi32>
        %parallel_loop3A_392 = arith.cmpi slt, %parallel_loop3A_390, %parallel_loop3A_391 : vector<16xi32>
        %parallel_loop3A_393 = arith.constant 3136 : i32
        %parallel_loop3A_394 = vector.broadcast %parallel_loop3A_393 : i32 to vector<16xi32>
        %parallel_loop3A_395 = arith.minsi %parallel_loop3A_390, %parallel_loop3A_394 : vector<16xi32>
        %parallel_loop3A_396 = vector.broadcast %multiple_of3A : i32 to vector<16xi32>
        %parallel_loop3A_397 = arith.addi %parallel_loop3A_396, %parallel_loop3A_395 : vector<16xi32>
        %parallel_loop3A_398 = arith.constant 100000 : i32
        %parallel_loop3A_399 = vector.broadcast %parallel_loop3A_398 : i32 to vector<16xi32>
        %parallel_loop3A_400 = arith.minsi %parallel_loop3A_397, %parallel_loop3A_399 : vector<16xi32>
        %parallel_loop3A_401 = vector.broadcast %multiple_of3A_4 : i32 to vector<16xi32>
        %parallel_loop3A_402 = arith.subi %parallel_loop3A_400, %parallel_loop3A_401 : vector<16xi32>
        %parallel_loop3A_403 = tpu.vector_load_idx %arg8[%parallel_loop3A_402] : memref<3168xi32, #tpu.memory_space<vmem>>[vector<16xi32>], vector<16xi32>,
        %parallel_loop3A_404 = vector.broadcast %squeeze3A : i32 to vector<16xi32>
        %parallel_loop3A_405 = arith.subi %parallel_loop3A_403, %parallel_loop3A_404 : vector<16xi32>
        %parallel_loop3A_406 = vector.broadcast %add3A_197 : i32 to vector<16xi32>
        %parallel_loop3A_407 = arith.subi %parallel_loop3A_405, %parallel_loop3A_406 : vector<16xi32>
        %parallel_loop3A_408 = arith.constant 4 : i32
        %parallel_loop3A_409 = vector.broadcast %parallel_loop3A_408 : i32 to vector<16xi32>
        %parallel_loop3A_410 = arith.shrui %parallel_loop3A_407, %parallel_loop3A_409 : vector<16xi32>
        %parallel_loop3A_411 = arith.constant 15 : i32
        %parallel_loop3A_412 = vector.broadcast %parallel_loop3A_411 : i32 to vector<16xi32>
        %parallel_loop3A_413 = arith.andi %parallel_loop3A_407, %parallel_loop3A_412 : vector<16xi32>
        %parallel_loop3A_414 = arith.constant 0 : i32
        %parallel_loop3A_415 = vector.broadcast %parallel_loop3A_414 : i32 to vector<16xi32>
        %parallel_loop3A_416 = arith.cmpi sgt, %parallel_loop3A_410, %parallel_loop3A_415 : vector<16xi32>
        %parallel_loop3A_417 = arith.constant 1 : i32
        %parallel_loop3A_418 = vector.broadcast %parallel_loop3A_417 : i32 to vector<16xi32>
        %parallel_loop3A_419 = arith.subi %parallel_loop3A_410, %parallel_loop3A_418 : vector<16xi32>
        %parallel_loop3A_420 = arith.constant 0 : i32
        %parallel_loop3A_421 = arith.constant 255 : i32
        %parallel_loop3A_422 = vector.broadcast %parallel_loop3A_420 : i32 to vector<16xi32>
        %parallel_loop3A_423 = arith.maxsi %parallel_loop3A_422, %parallel_loop3A_419 : vector<16xi32>
        %parallel_loop3A_424 = vector.broadcast %parallel_loop3A_421 : i32 to vector<16xi32>
        %parallel_loop3A_425 = arith.minsi %parallel_loop3A_424, %parallel_loop3A_423 : vector<16xi32>
        %parallel_loop3A_426 = tpu.vector_load_idx %arg11[%parallel_loop3A_425] : memref<256xf32, #tpu.memory_space<vmem>>[vector<16xi32>], vector<16xf32>,
        %parallel_loop3A_427 = arith.constant 0.000000e+00 : f32
        %parallel_loop3A_428 = vector.broadcast %parallel_loop3A_427 : f32 to vector<16xf32>
        %parallel_loop3A_429 = arith.select %parallel_loop3A_416, %parallel_loop3A_426, %parallel_loop3A_428 : vector<16xi1>, vector<16xf32>
        %parallel_loop3A_430 = arith.constant 0 : i32
        %parallel_loop3A_431 = vector.broadcast %parallel_loop3A_430 : i32 to vector<16xi32>
        %parallel_loop3A_432 = arith.cmpi sgt, %parallel_loop3A_413, %parallel_loop3A_431 : vector<16xi32>
        %parallel_loop3A_433 = arith.constant 1 : i32
        %parallel_loop3A_434 = vector.broadcast %parallel_loop3A_433 : i32 to vector<16xi32>
        %parallel_loop3A_435 = arith.subi %parallel_loop3A_407, %parallel_loop3A_434 : vector<16xi32>
        %parallel_loop3A_436 = arith.constant 0 : i32
        %parallel_loop3A_437 = arith.constant 4095 : i32
        %parallel_loop3A_438 = vector.broadcast %parallel_loop3A_436 : i32 to vector<16xi32>
        %parallel_loop3A_439 = arith.maxsi %parallel_loop3A_438, %parallel_loop3A_435 : vector<16xi32>
        %parallel_loop3A_440 = vector.broadcast %parallel_loop3A_437 : i32 to vector<16xi32>
        %parallel_loop3A_441 = arith.minsi %parallel_loop3A_440, %parallel_loop3A_439 : vector<16xi32>
        %parallel_loop3A_442 = tpu.vector_load_idx %arg10[%parallel_loop3A_441] : memref<4096xf32, #tpu.memory_space<vmem>>[vector<16xi32>], vector<16xf32>,
        %parallel_loop3A_443 = arith.constant 0.000000e+00 : f32
        %parallel_loop3A_444 = vector.broadcast %parallel_loop3A_443 : f32 to vector<16xf32>
        %parallel_loop3A_445 = arith.select %parallel_loop3A_432, %parallel_loop3A_442, %parallel_loop3A_444 : vector<16xi1>, vector<16xf32>
        %parallel_loop3A_446 = vector.broadcast %while3A_194 : f32 to vector<16xf32>
        %parallel_loop3A_447 = arith.addf %parallel_loop3A_446, %parallel_loop3A_429 : vector<16xf32>
        %parallel_loop3A_448 = arith.addf %parallel_loop3A_447, %parallel_loop3A_445 : vector<16xf32>
        tpu.vector_store_idx %arg12[%parallel_loop3A_390], %parallel_loop3A_448 masked %parallel_loop3A_392 : memref<3152xf32, #tpu.memory_space<vmem>>[vector<16xi32>], vector<16xf32>, vector<16xi1>
      } {sc.loop_unroll_factor = 2 : i64, sc.parallel_access}
      %add3A_384 = arith.addf %while3A_194, %squeeze3A_352 : f32
      scf.yield %add3A_377, %add3A_384 : i32, f32
    }
    %while3A_188 = arith.constant 1 : i32
    %while3A_189:2 = scf.for %while3A_192 = %while3A_185 to %while3A_181 step %while3A_188 iter_args(%while3A_193 = %while3A_187#0, %while3A_194 = %while3A_187#1) -> (i32, f32)  : i32 {
      %mul3A_195 = arith.constant 4096 : i32
      %mul3A_196 = arith.muli %while3A_192, %mul3A_195 : i32
      %add3A_197 = arith.addi %and3A_84, %mul3A_196 : i32
      %and3A_198 = arith.constant 1 : i32
      %and3A_199 = arith.andi %while3A_192, %and3A_198 : i32
      %mul3A_200 = arith.constant 4096 : i32
      %mul3A_201 = arith.muli %and3A_199, %mul3A_200 : i32
      %multiple_of3A_202 = tpu.assume_multiple %mul3A_201, 8 : i32
      %dma_wait3A_203 = tpu.memref_slice %arg9[%multiple_of3A_202] : memref<8192xi32, #tpu.memory_space<vmem>> -> memref<4096xi32, #tpu.memory_space<vmem>>
      %dma_wait3A_204 = arith.constant 0 : i32
      %dma_wait3A_205 = tpu.memref_slice %arg3[%dma_wait3A_204] : memref<1600000xi32, #tpu.memory_space<hbm>> -> memref<4096xi32, #tpu.memory_space<hbm>>
      %dma_wait3A_206 = tpu.memref_slice %arg9[%multiple_of3A_202] : memref<8192xi32, #tpu.memory_space<vmem>> -> memref<4096xi32, #tpu.memory_space<vmem>>
      %dma_wait3A_207 = arith.constant 0 : i32
      %dma_wait3A_208 = tpu.memref_slice %arg3[%dma_wait3A_207] : memref<1600000xi32, #tpu.memory_space<hbm>> -> memref<4096xi32, #tpu.memory_space<hbm>>
      tpu.wait_dma2 semaphore(%arg17 : memref<!tpu.dma_semaphore, #tpu.memory_space<semaphore_mem>>) src(%dma_wait3A_208 : memref<4096xi32, #tpu.memory_space<hbm>>) dst(%dma_wait3A_206 : memref<4096xi32, #tpu.memory_space<vmem>>)
      %add3A_209 = arith.constant 1 : i32
      %add3A_210 = arith.addi %while3A_192, %add3A_209 : i32
      %lt3A = arith.cmpi slt, %add3A_210, %add3A_105 : i32
      %convert_element_type3A = arith.extui %lt3A : i1 to i32
      %cond3A = arith.constant 0 : i32
      %cond3A_211 = arith.cmpi ne, %convert_element_type3A, %cond3A : i32
      scf.if %cond3A_211 {
        %add3A_385 = arith.constant 4096 : i32
        %add3A_386 = arith.addi %add3A_197, %add3A_385 : i32
        %min3A_387 = arith.constant 1595904 : i32
        %min3A_388 = arith.minsi %add3A_386, %min3A_387 : i32
        %multiple_of3A_389 = tpu.assume_multiple %min3A_388, 8 : i32
        %add3A_390 = arith.constant 1 : i32
        %add3A_391 = arith.addi %while3A_192, %add3A_390 : i32
        %and3A_392 = arith.constant 1 : i32
        %and3A_393 = arith.andi %add3A_391, %and3A_392 : i32
        %mul3A_394 = arith.constant 4096 : i32
        %mul3A_395 = arith.muli %and3A_393, %mul3A_394 : i32
        %multiple_of3A_396 = tpu.assume_multiple %mul3A_395, 8 : i32
        %dma_start3A_397 = tpu.memref_slice %arg9[%multiple_of3A_396] : memref<8192xi32, #tpu.memory_space<vmem>> -> memref<4096xi32, #tpu.memory_space<vmem>>
        %dma_start3A_398 = tpu.memref_slice %arg3[%multiple_of3A_389] : memref<1600000xi32, #tpu.memory_space<hbm>> -> memref<4096xi32, #tpu.memory_space<hbm>>
        %dma_start3A_399 = tpu.memref_slice %arg9[%multiple_of3A_396] : memref<8192xi32, #tpu.memory_space<vmem>> -> memref<4096xi32, #tpu.memory_space<vmem>>
        %dma_start3A_400 = tpu.memref_slice %arg3[%multiple_of3A_389] : memref<1600000xi32, #tpu.memory_space<hbm>> -> memref<4096xi32, #tpu.memory_space<hbm>>
        tpu.enqueue_dma source(%dma_start3A_400 : memref<4096xi32, #tpu.memory_space<hbm>>) target(%dma_start3A_399 : memref<4096xi32, #tpu.memory_space<vmem>>) target_semaphore(%arg17 : memref<!tpu.dma_semaphore, #tpu.memory_space<semaphore_mem>>)
      } else {
      }
      %ge3A = arith.cmpi sge, %add3A_197, %sub3A_73 : i32
      %add3A_212 = arith.constant 4096 : i32
      %add3A_213 = arith.addi %add3A_197, %add3A_212 : i32
      %le3A = arith.cmpi sle, %add3A_213, %sub3A_83 : i32
      %and3A_214 = arith.andi %ge3A, %le3A : i1
      %convert_element_type3A_215 = arith.extui %and3A_214 : i1 to i32
      %cond3A_216 = arith.constant 0 : i32
      %cond3A_217 = arith.cmpi ne, %convert_element_type3A_215, %cond3A_216 : i32
      scf.if %cond3A_217 {
        %parallel_loop3A_385 = arith.constant 0 : i32
        %parallel_loop3A_386 = arith.constant 256 : i32
        %parallel_loop3A_387 = arith.constant 1 : i32
        scf.for %parallel_loop3A_388 = %parallel_loop3A_385 to %parallel_loop3A_386 step %parallel_loop3A_387  : i32 {
          %parallel_loop3A_389 = arith.constant 16 : i32
          %parallel_loop3A_390 = arith.muli %parallel_loop3A_388, %parallel_loop3A_389 : i32
          %parallel_loop3A_391 = arith.addi %multiple_of3A_202, %parallel_loop3A_390 : i32
          %parallel_loop3A_392 = vector.broadcast %parallel_loop3A_391 : i32 to vector<16xi32>
          %parallel_loop3A_393 = arith.addi %parallel_loop3A_392, %iota3A : vector<16xi32>
          %parallel_loop3A_394 = tpu.vector_load_idx %arg9[%parallel_loop3A_393] : memref<8192xi32, #tpu.memory_space<vmem>>[vector<16xi32>], vector<16xi32>,
          %parallel_loop3A_395 = tpu.vector_load_idx %arg7[%parallel_loop3A_394] : memref<100352xf32, #tpu.memory_space<vmem>>[vector<16xi32>], vector<16xf32>,
          %parallel_loop3A_396 = arith.constant true
          %parallel_loop3A_397 = vector.broadcast %parallel_loop3A_396 : i1 to vector<16xi1>
          %parallel_loop3A_398 = tpu.scan <sum>, %parallel_loop3A_395 masked %parallel_loop3A_397 : vector<16xf32>, vector<16xi1> -> vector<16xf32>
          %parallel_loop3A_399 = arith.constant 16 : i32
          %parallel_loop3A_400 = arith.muli %parallel_loop3A_388, %parallel_loop3A_399 : i32
          %parallel_loop3A_401 = arith.index_cast %parallel_loop3A_400 : i32 to index
          %parallel_loop3A_402 = tpu.vector_load %arg10[%parallel_loop3A_401] {strides = array<i32>} : memref<4096xf32, #tpu.memory_space<vmem>>, vector<16xf32>,
          tpu.vector_store %arg10[%parallel_loop3A_401], %parallel_loop3A_398 {strides = array<i32>} : memref<4096xf32, #tpu.memory_space<vmem>>, vector<16xf32>,
        } {sc.loop_unroll_factor = 8 : i64, sc.parallel_access}
      } else {
      }
      %not3A = arith.constant true
      %not3A_218 = arith.xori %and3A_214, %not3A : i1
      %convert_element_type3A_219 = arith.extui %not3A_218 : i1 to i32
      %cond3A_220 = arith.constant 0 : i32
      %cond3A_221 = arith.cmpi ne, %convert_element_type3A_219, %cond3A_220 : i32
      scf.if %cond3A_221 {
        %min3A_385 = arith.constant 1595904 : i32
        %min3A_386 = arith.minsi %add3A_197, %min3A_385 : i32
        %multiple_of3A_387 = tpu.assume_multiple %min3A_386, 8 : i32
        %parallel_loop3A_388 = arith.constant 0 : i32
        %parallel_loop3A_389 = arith.constant 256 : i32
        %parallel_loop3A_390 = arith.constant 1 : i32
        scf.for %parallel_loop3A_391 = %parallel_loop3A_388 to %parallel_loop3A_389 step %parallel_loop3A_390  : i32 {
          %parallel_loop3A_392 = arith.constant 16 : i32
          %parallel_loop3A_393 = arith.muli %parallel_loop3A_391, %parallel_loop3A_392 : i32
          %parallel_loop3A_394 = arith.addi %add3A_197, %parallel_loop3A_393 : i32
          %parallel_loop3A_395 = vector.broadcast %parallel_loop3A_394 : i32 to vector<16xi32>
          %parallel_loop3A_396 = arith.addi %parallel_loop3A_395, %iota3A : vector<16xi32>
          %parallel_loop3A_397 = vector.broadcast %sub3A_73 : i32 to vector<16xi32>
          %parallel_loop3A_398 = arith.cmpi sge, %parallel_loop3A_396, %parallel_loop3A_397 : vector<16xi32>
          %parallel_loop3A_399 = vector.broadcast %sub3A_83 : i32 to vector<16xi32>
          %parallel_loop3A_400 = arith.cmpi slt, %parallel_loop3A_396, %parallel_loop3A_399 : vector<16xi32>
          %parallel_loop3A_401 = arith.andi %parallel_loop3A_398, %parallel_loop3A_400 : vector<16xi1>
          %parallel_loop3A_402 = vector.broadcast %multiple_of3A_387 : i32 to vector<16xi32>
          %parallel_loop3A_403 = arith.subi %parallel_loop3A_396, %parallel_loop3A_402 : vector<16xi32>
          %parallel_loop3A_404 = arith.constant 4095 : i32
          %parallel_loop3A_405 = vector.broadcast %parallel_loop3A_404 : i32 to vector<16xi32>
          %parallel_loop3A_406 = arith.minsi %parallel_loop3A_403, %parallel_loop3A_405 : vector<16xi32>
          %parallel_loop3A_407 = vector.broadcast %multiple_of3A_202 : i32 to vector<16xi32>
          %parallel_loop3A_408 = arith.addi %parallel_loop3A_406, %parallel_loop3A_407 : vector<16xi32>
          %parallel_loop3A_409 = tpu.vector_load_idx %arg9[%parallel_loop3A_408] : memref<8192xi32, #tpu.memory_space<vmem>>[vector<16xi32>], vector<16xi32>,
          %parallel_loop3A_410 = tpu.vector_load_idx %arg7[%parallel_loop3A_409] : memref<100352xf32, #tpu.memory_space<vmem>>[vector<16xi32>], vector<16xf32>,
          %parallel_loop3A_411 = arith.constant 0.000000e+00 : f32
          %parallel_loop3A_412 = vector.broadcast %parallel_loop3A_411 : f32 to vector<16xf32>
          %parallel_loop3A_413 = arith.select %parallel_loop3A_401, %parallel_loop3A_410, %parallel_loop3A_412 : vector<16xi1>, vector<16xf32>
          %parallel_loop3A_414 = arith.constant true
          %parallel_loop3A_415 = vector.broadcast %parallel_loop3A_414 : i1 to vector<16xi1>
          %parallel_loop3A_416 = tpu.scan <sum>, %parallel_loop3A_413 masked %parallel_loop3A_415 : vector<16xf32>, vector<16xi1> -> vector<16xf32>
          %parallel_loop3A_417 = arith.constant 16 : i32
          %parallel_loop3A_418 = arith.muli %parallel_loop3A_391, %parallel_loop3A_417 : i32
          %parallel_loop3A_419 = arith.index_cast %parallel_loop3A_418 : i32 to index
          %parallel_loop3A_420 = tpu.vector_load %arg10[%parallel_loop3A_419] {strides = array<i32>} : memref<4096xf32, #tpu.memory_space<vmem>>, vector<16xf32>,
          tpu.vector_store %arg10[%parallel_loop3A_419], %parallel_loop3A_416 {strides = array<i32>} : memref<4096xf32, #tpu.memory_space<vmem>>, vector<16xf32>,
        } {sc.loop_unroll_factor = 4 : i64, sc.parallel_access}
      } else {
      }
      %parallel_loop3A_222 = arith.constant 0 : i32
      %parallel_loop3A_223 = arith.constant 16 : i32
      %parallel_loop3A_224 = arith.constant 1 : i32
      scf.for %parallel_loop3A_385 = %parallel_loop3A_222 to %parallel_loop3A_223 step %parallel_loop3A_224  : i32 {
        %parallel_loop3A_386 = arith.constant 16 : i32
        %parallel_loop3A_387 = arith.muli %parallel_loop3A_385, %parallel_loop3A_386 : i32
        %parallel_loop3A_388 = vector.broadcast %parallel_loop3A_387 : i32 to vector<16xi32>
        %parallel_loop3A_389 = arith.addi %parallel_loop3A_388, %iota3A : vector<16xi32>
        %parallel_loop3A_390 = arith.constant 16 : i32
        %parallel_loop3A_391 = vector.broadcast %parallel_loop3A_390 : i32 to vector<16xi32>
        %parallel_loop3A_392 = arith.muli %parallel_loop3A_389, %parallel_loop3A_391 : vector<16xi32>
        %parallel_loop3A_393 = arith.constant 15 : i32
        %parallel_loop3A_394 = vector.broadcast %parallel_loop3A_393 : i32 to vector<16xi32>
        %parallel_loop3A_395 = arith.addi %parallel_loop3A_392, %parallel_loop3A_394 : vector<16xi32>
        %parallel_loop3A_396 = tpu.vector_load_idx %arg10[%parallel_loop3A_395] : memref<4096xf32, #tpu.memory_space<vmem>>[vector<16xi32>], vector<16xf32>,
        %parallel_loop3A_397 = arith.constant true
        %parallel_loop3A_398 = vector.broadcast %parallel_loop3A_397 : i1 to vector<16xi1>
        %parallel_loop3A_399 = tpu.scan <sum>, %parallel_loop3A_396 masked %parallel_loop3A_398 : vector<16xf32>, vector<16xi1> -> vector<16xf32>
        %parallel_loop3A_400 = arith.constant 16 : i32
        %parallel_loop3A_401 = arith.muli %parallel_loop3A_385, %parallel_loop3A_400 : i32
        %parallel_loop3A_402 = arith.index_cast %parallel_loop3A_401 : i32 to index
        %parallel_loop3A_403 = tpu.vector_load %arg11[%parallel_loop3A_402] {strides = array<i32>} : memref<256xf32, #tpu.memory_space<vmem>>, vector<16xf32>,
        tpu.vector_store %arg11[%parallel_loop3A_402], %parallel_loop3A_399 {strides = array<i32>} : memref<256xf32, #tpu.memory_space<vmem>>, vector<16xf32>,
      } {sc.loop_unroll_factor = 2 : i64, sc.parallel_access}
      %mul3A_225 = arith.constant 16 : i32
      %mul3A_226 = vector.broadcast %mul3A_225 : i32 to vector<16xi32>
      %mul3A_227 = arith.muli %iota3A, %mul3A_226 : vector<16xi32>
      %add3A_228 = arith.constant 15 : i32
      %add3A_229 = vector.broadcast %add3A_228 : i32 to vector<16xi32>
      %add3A_230 = arith.addi %mul3A_227, %add3A_229 : vector<16xi32>
      %gather3A = tpu.vector_load_idx %arg11[%add3A_230] : memref<256xf32, #tpu.memory_space<vmem>>[vector<16xi32>], vector<16xf32>,
      %broadcast_in_dim3A = arith.constant true
      %broadcast_in_dim3A_231 = vector.broadcast %broadcast_in_dim3A : i1 to vector<16xi1>
      %masked_cumsum3A = tpu.scan <sum>, %gather3A masked %broadcast_in_dim3A_231 : vector<16xf32>, vector<16xi1> -> vector<16xf32>
      %get3A_232 = arith.constant 16 : index
      %get3A_233 = tpu.vector_load %arg11[%get3A_232] {strides = array<i32>} : memref<256xf32, #tpu.memory_space<vmem>>, vector<16xf32>,
      %slice3A_234 = vector.extract_strided_slice %masked_cumsum3A {offsets = [0], sizes = [1], strides = [1]} : vector<16xf32> to vector<1xf32>
      %squeeze3A_235 = vector.extract %slice3A_234[0] : f32 from vector<1xf32>
      %add3A_236 = vector.broadcast %squeeze3A_235 : f32 to vector<16xf32>
      %add3A_237 = arith.addf %get3A_233, %add3A_236 : vector<16xf32>
      %swap3A = arith.constant 16 : index
      %swap3A_238 = tpu.vector_load %arg11[%swap3A] {strides = array<i32>} : memref<256xf32, #tpu.memory_space<vmem>>, vector<16xf32>,
      tpu.vector_store %arg11[%swap3A], %add3A_237 {strides = array<i32>} : memref<256xf32, #tpu.memory_space<vmem>>, vector<16xf32>,
      %get3A_239 = arith.constant 32 : index
      %get3A_240 = tpu.vector_load %arg11[%get3A_239] {strides = array<i32>} : memref<256xf32, #tpu.memory_space<vmem>>, vector<16xf32>,
      %slice3A_241 = vector.extract_strided_slice %masked_cumsum3A {offsets = [1], sizes = [1], strides = [1]} : vector<16xf32> to vector<1xf32>
      %squeeze3A_242 = vector.extract %slice3A_241[0] : f32 from vector<1xf32>
      %add3A_243 = vector.broadcast %squeeze3A_242 : f32 to vector<16xf32>
      %add3A_244 = arith.addf %get3A_240, %add3A_243 : vector<16xf32>
      %swap3A_245 = arith.constant 32 : index
      %swap3A_246 = tpu.vector_load %arg11[%swap3A_245] {strides = array<i32>} : memref<256xf32, #tpu.memory_space<vmem>>, vector<16xf32>,
      tpu.vector_store %arg11[%swap3A_245], %add3A_244 {strides = array<i32>} : memref<256xf32, #tpu.memory_space<vmem>>, vector<16xf32>,
      %get3A_247 = arith.constant 48 : index
      %get3A_248 = tpu.vector_load %arg11[%get3A_247] {strides = array<i32>} : memref<256xf32, #tpu.memory_space<vmem>>, vector<16xf32>,
      %slice3A_249 = vector.extract_strided_slice %masked_cumsum3A {offsets = [2], sizes = [1], strides = [1]} : vector<16xf32> to vector<1xf32>
      %squeeze3A_250 = vector.extract %slice3A_249[0] : f32 from vector<1xf32>
      %add3A_251 = vector.broadcast %squeeze3A_250 : f32 to vector<16xf32>
      %add3A_252 = arith.addf %get3A_248, %add3A_251 : vector<16xf32>
      %swap3A_253 = arith.constant 48 : index
      %swap3A_254 = tpu.vector_load %arg11[%swap3A_253] {strides = array<i32>} : memref<256xf32, #tpu.memory_space<vmem>>, vector<16xf32>,
      tpu.vector_store %arg11[%swap3A_253], %add3A_252 {strides = array<i32>} : memref<256xf32, #tpu.memory_space<vmem>>, vector<16xf32>,
      %get3A_255 = arith.constant 64 : index
      %get3A_256 = tpu.vector_load %arg11[%get3A_255] {strides = array<i32>} : memref<256xf32, #tpu.memory_space<vmem>>, vector<16xf32>,
      %slice3A_257 = vector.extract_strided_slice %masked_cumsum3A {offsets = [3], sizes = [1], strides = [1]} : vector<16xf32> to vector<1xf32>
      %squeeze3A_258 = vector.extract %slice3A_257[0] : f32 from vector<1xf32>
      %add3A_259 = vector.broadcast %squeeze3A_258 : f32 to vector<16xf32>
      %add3A_260 = arith.addf %get3A_256, %add3A_259 : vector<16xf32>
      %swap3A_261 = arith.constant 64 : index
      %swap3A_262 = tpu.vector_load %arg11[%swap3A_261] {strides = array<i32>} : memref<256xf32, #tpu.memory_space<vmem>>, vector<16xf32>,
      tpu.vector_store %arg11[%swap3A_261], %add3A_260 {strides = array<i32>} : memref<256xf32, #tpu.memory_space<vmem>>, vector<16xf32>,
      %get3A_263 = arith.constant 80 : index
      %get3A_264 = tpu.vector_load %arg11[%get3A_263] {strides = array<i32>} : memref<256xf32, #tpu.memory_space<vmem>>, vector<16xf32>,
      %slice3A_265 = vector.extract_strided_slice %masked_cumsum3A {offsets = [4], sizes = [1], strides = [1]} : vector<16xf32> to vector<1xf32>
      %squeeze3A_266 = vector.extract %slice3A_265[0] : f32 from vector<1xf32>
      %add3A_267 = vector.broadcast %squeeze3A_266 : f32 to vector<16xf32>
      %add3A_268 = arith.addf %get3A_264, %add3A_267 : vector<16xf32>
      %swap3A_269 = arith.constant 80 : index
      %swap3A_270 = tpu.vector_load %arg11[%swap3A_269] {strides = array<i32>} : memref<256xf32, #tpu.memory_space<vmem>>, vector<16xf32>,
      tpu.vector_store %arg11[%swap3A_269], %add3A_268 {strides = array<i32>} : memref<256xf32, #tpu.memory_space<vmem>>, vector<16xf32>,
      %get3A_271 = arith.constant 96 : index
      %get3A_272 = tpu.vector_load %arg11[%get3A_271] {strides = array<i32>} : memref<256xf32, #tpu.memory_space<vmem>>, vector<16xf32>,
      %slice3A_273 = vector.extract_strided_slice %masked_cumsum3A {offsets = [5], sizes = [1], strides = [1]} : vector<16xf32> to vector<1xf32>
      %squeeze3A_274 = vector.extract %slice3A_273[0] : f32 from vector<1xf32>
      %add3A_275 = vector.broadcast %squeeze3A_274 : f32 to vector<16xf32>
      %add3A_276 = arith.addf %get3A_272, %add3A_275 : vector<16xf32>
      %swap3A_277 = arith.constant 96 : index
      %swap3A_278 = tpu.vector_load %arg11[%swap3A_277] {strides = array<i32>} : memref<256xf32, #tpu.memory_space<vmem>>, vector<16xf32>,
      tpu.vector_store %arg11[%swap3A_277], %add3A_276 {strides = array<i32>} : memref<256xf32, #tpu.memory_space<vmem>>, vector<16xf32>,
      %get3A_279 = arith.constant 112 : index
      %get3A_280 = tpu.vector_load %arg11[%get3A_279] {strides = array<i32>} : memref<256xf32, #tpu.memory_space<vmem>>, vector<16xf32>,
      %slice3A_281 = vector.extract_strided_slice %masked_cumsum3A {offsets = [6], sizes = [1], strides = [1]} : vector<16xf32> to vector<1xf32>
      %squeeze3A_282 = vector.extract %slice3A_281[0] : f32 from vector<1xf32>
      %add3A_283 = vector.broadcast %squeeze3A_282 : f32 to vector<16xf32>
      %add3A_284 = arith.addf %get3A_280, %add3A_283 : vector<16xf32>
      %swap3A_285 = arith.constant 112 : index
      %swap3A_286 = tpu.vector_load %arg11[%swap3A_285] {strides = array<i32>} : memref<256xf32, #tpu.memory_space<vmem>>, vector<16xf32>,
      tpu.vector_store %arg11[%swap3A_285], %add3A_284 {strides = array<i32>} : memref<256xf32, #tpu.memory_space<vmem>>, vector<16xf32>,
      %get3A_287 = arith.constant 128 : index
      %get3A_288 = tpu.vector_load %arg11[%get3A_287] {strides = array<i32>} : memref<256xf32, #tpu.memory_space<vmem>>, vector<16xf32>,
      %slice3A_289 = vector.extract_strided_slice %masked_cumsum3A {offsets = [7], sizes = [1], strides = [1]} : vector<16xf32> to vector<1xf32>
      %squeeze3A_290 = vector.extract %slice3A_289[0] : f32 from vector<1xf32>
      %add3A_291 = vector.broadcast %squeeze3A_290 : f32 to vector<16xf32>
      %add3A_292 = arith.addf %get3A_288, %add3A_291 : vector<16xf32>
      %swap3A_293 = arith.constant 128 : index
      %swap3A_294 = tpu.vector_load %arg11[%swap3A_293] {strides = array<i32>} : memref<256xf32, #tpu.memory_space<vmem>>, vector<16xf32>,
      tpu.vector_store %arg11[%swap3A_293], %add3A_292 {strides = array<i32>} : memref<256xf32, #tpu.memory_space<vmem>>, vector<16xf32>,
      %get3A_295 = arith.constant 144 : index
      %get3A_296 = tpu.vector_load %arg11[%get3A_295] {strides = array<i32>} : memref<256xf32, #tpu.memory_space<vmem>>, vector<16xf32>,
      %slice3A_297 = vector.extract_strided_slice %masked_cumsum3A {offsets = [8], sizes = [1], strides = [1]} : vector<16xf32> to vector<1xf32>
      %squeeze3A_298 = vector.extract %slice3A_297[0] : f32 from vector<1xf32>
      %add3A_299 = vector.broadcast %squeeze3A_298 : f32 to vector<16xf32>
      %add3A_300 = arith.addf %get3A_296, %add3A_299 : vector<16xf32>
      %swap3A_301 = arith.constant 144 : index
      %swap3A_302 = tpu.vector_load %arg11[%swap3A_301] {strides = array<i32>} : memref<256xf32, #tpu.memory_space<vmem>>, vector<16xf32>,
      tpu.vector_store %arg11[%swap3A_301], %add3A_300 {strides = array<i32>} : memref<256xf32, #tpu.memory_space<vmem>>, vector<16xf32>,
      %get3A_303 = arith.constant 160 : index
      %get3A_304 = tpu.vector_load %arg11[%get3A_303] {strides = array<i32>} : memref<256xf32, #tpu.memory_space<vmem>>, vector<16xf32>,
      %slice3A_305 = vector.extract_strided_slice %masked_cumsum3A {offsets = [9], sizes = [1], strides = [1]} : vector<16xf32> to vector<1xf32>
      %squeeze3A_306 = vector.extract %slice3A_305[0] : f32 from vector<1xf32>
      %add3A_307 = vector.broadcast %squeeze3A_306 : f32 to vector<16xf32>
      %add3A_308 = arith.addf %get3A_304, %add3A_307 : vector<16xf32>
      %swap3A_309 = arith.constant 160 : index
      %swap3A_310 = tpu.vector_load %arg11[%swap3A_309] {strides = array<i32>} : memref<256xf32, #tpu.memory_space<vmem>>, vector<16xf32>,
      tpu.vector_store %arg11[%swap3A_309], %add3A_308 {strides = array<i32>} : memref<256xf32, #tpu.memory_space<vmem>>, vector<16xf32>,
      %get3A_311 = arith.constant 176 : index
      %get3A_312 = tpu.vector_load %arg11[%get3A_311] {strides = array<i32>} : memref<256xf32, #tpu.memory_space<vmem>>, vector<16xf32>,
      %slice3A_313 = vector.extract_strided_slice %masked_cumsum3A {offsets = [10], sizes = [1], strides = [1]} : vector<16xf32> to vector<1xf32>
      %squeeze3A_314 = vector.extract %slice3A_313[0] : f32 from vector<1xf32>
      %add3A_315 = vector.broadcast %squeeze3A_314 : f32 to vector<16xf32>
      %add3A_316 = arith.addf %get3A_312, %add3A_315 : vector<16xf32>
      %swap3A_317 = arith.constant 176 : index
      %swap3A_318 = tpu.vector_load %arg11[%swap3A_317] {strides = array<i32>} : memref<256xf32, #tpu.memory_space<vmem>>, vector<16xf32>,
      tpu.vector_store %arg11[%swap3A_317], %add3A_316 {strides = array<i32>} : memref<256xf32, #tpu.memory_space<vmem>>, vector<16xf32>,
      %get3A_319 = arith.constant 192 : index
      %get3A_320 = tpu.vector_load %arg11[%get3A_319] {strides = array<i32>} : memref<256xf32, #tpu.memory_space<vmem>>, vector<16xf32>,
      %slice3A_321 = vector.extract_strided_slice %masked_cumsum3A {offsets = [11], sizes = [1], strides = [1]} : vector<16xf32> to vector<1xf32>
      %squeeze3A_322 = vector.extract %slice3A_321[0] : f32 from vector<1xf32>
      %add3A_323 = vector.broadcast %squeeze3A_322 : f32 to vector<16xf32>
      %add3A_324 = arith.addf %get3A_320, %add3A_323 : vector<16xf32>
      %swap3A_325 = arith.constant 192 : index
      %swap3A_326 = tpu.vector_load %arg11[%swap3A_325] {strides = array<i32>} : memref<256xf32, #tpu.memory_space<vmem>>, vector<16xf32>,
      tpu.vector_store %arg11[%swap3A_325], %add3A_324 {strides = array<i32>} : memref<256xf32, #tpu.memory_space<vmem>>, vector<16xf32>,
      %get3A_327 = arith.constant 208 : index
      %get3A_328 = tpu.vector_load %arg11[%get3A_327] {strides = array<i32>} : memref<256xf32, #tpu.memory_space<vmem>>, vector<16xf32>,
      %slice3A_329 = vector.extract_strided_slice %masked_cumsum3A {offsets = [12], sizes = [1], strides = [1]} : vector<16xf32> to vector<1xf32>
      %squeeze3A_330 = vector.extract %slice3A_329[0] : f32 from vector<1xf32>
      %add3A_331 = vector.broadcast %squeeze3A_330 : f32 to vector<16xf32>
      %add3A_332 = arith.addf %get3A_328, %add3A_331 : vector<16xf32>
      %swap3A_333 = arith.constant 208 : index
      %swap3A_334 = tpu.vector_load %arg11[%swap3A_333] {strides = array<i32>} : memref<256xf32, #tpu.memory_space<vmem>>, vector<16xf32>,
      tpu.vector_store %arg11[%swap3A_333], %add3A_332 {strides = array<i32>} : memref<256xf32, #tpu.memory_space<vmem>>, vector<16xf32>,
      %get3A_335 = arith.constant 224 : index
      %get3A_336 = tpu.vector_load %arg11[%get3A_335] {strides = array<i32>} : memref<256xf32, #tpu.memory_space<vmem>>, vector<16xf32>,
      %slice3A_337 = vector.extract_strided_slice %masked_cumsum3A {offsets = [13], sizes = [1], strides = [1]} : vector<16xf32> to vector<1xf32>
      %squeeze3A_338 = vector.extract %slice3A_337[0] : f32 from vector<1xf32>
      %add3A_339 = vector.broadcast %squeeze3A_338 : f32 to vector<16xf32>
      %add3A_340 = arith.addf %get3A_336, %add3A_339 : vector<16xf32>
      %swap3A_341 = arith.constant 224 : index
      %swap3A_342 = tpu.vector_load %arg11[%swap3A_341] {strides = array<i32>} : memref<256xf32, #tpu.memory_space<vmem>>, vector<16xf32>,
      tpu.vector_store %arg11[%swap3A_341], %add3A_340 {strides = array<i32>} : memref<256xf32, #tpu.memory_space<vmem>>, vector<16xf32>,
      %get3A_343 = arith.constant 240 : index
      %get3A_344 = tpu.vector_load %arg11[%get3A_343] {strides = array<i32>} : memref<256xf32, #tpu.memory_space<vmem>>, vector<16xf32>,
      %slice3A_345 = vector.extract_strided_slice %masked_cumsum3A {offsets = [14], sizes = [1], strides = [1]} : vector<16xf32> to vector<1xf32>
      %squeeze3A_346 = vector.extract %slice3A_345[0] : f32 from vector<1xf32>
      %add3A_347 = vector.broadcast %squeeze3A_346 : f32 to vector<16xf32>
      %add3A_348 = arith.addf %get3A_344, %add3A_347 : vector<16xf32>
      %swap3A_349 = arith.constant 240 : index
      %swap3A_350 = tpu.vector_load %arg11[%swap3A_349] {strides = array<i32>} : memref<256xf32, #tpu.memory_space<vmem>>, vector<16xf32>,
      tpu.vector_store %arg11[%swap3A_349], %add3A_348 {strides = array<i32>} : memref<256xf32, #tpu.memory_space<vmem>>, vector<16xf32>,
      %slice3A_351 = vector.extract_strided_slice %masked_cumsum3A {offsets = [15], sizes = [1], strides = [1]} : vector<16xf32> to vector<1xf32>
      %squeeze3A_352 = vector.extract %slice3A_351[0] : f32 from vector<1xf32>
      %add3A_353 = arith.constant 4096 : i32
      %add3A_354 = arith.addi %add3A_197, %add3A_353 : i32
      %while3A_355 = arith.constant true
      %while3A_356:2 = scf.while (%while3A_385 = %while3A_193, %while3A_386 = %while3A_355) : (i32, i1) -> (i32, i1) {
        scf.condition(%while3A_386) %while3A_385, %while3A_386 : i32, i1
      } do {
      ^bb0(%while3A_385: i32, %while3A_386: i1):
        %mul3A_387 = arith.constant 16 : i32
        %mul3A_388 = vector.broadcast %mul3A_387 : i32 to vector<16xi32>
        %mul3A_389 = arith.muli %iota3A, %mul3A_388 : vector<16xi32>
        %add3A_390 = vector.broadcast %while3A_385 : i32 to vector<16xi32>
        %add3A_391 = arith.addi %add3A_390, %mul3A_389 : vector<16xi32>
        %add3A_392 = arith.constant 15 : i32
        %add3A_393 = vector.broadcast %add3A_392 : i32 to vector<16xi32>
        %add3A_394 = arith.addi %add3A_391, %add3A_393 : vector<16xi32>
        %add3A_395 = vector.broadcast %multiple_of3A : i32 to vector<16xi32>
        %add3A_396 = arith.addi %add3A_395, %add3A_394 : vector<16xi32>
        %min3A_397 = arith.constant 100000 : i32
        %min3A_398 = vector.broadcast %min3A_397 : i32 to vector<16xi32>
        %min3A_399 = arith.minsi %add3A_396, %min3A_398 : vector<16xi32>
        %sub3A_400 = vector.broadcast %multiple_of3A_4 : i32 to vector<16xi32>
        %sub3A_401 = arith.subi %min3A_399, %sub3A_400 : vector<16xi32>
        %gather3A_402 = tpu.vector_load_idx %arg8[%sub3A_401] : memref<3168xi32, #tpu.memory_space<vmem>>[vector<16xi32>], vector<16xi32>,
        %sub3A_403 = vector.broadcast %squeeze3A : i32 to vector<16xi32>
        %sub3A_404 = arith.subi %gather3A_402, %sub3A_403 : vector<16xi32>
        %lt3A_405 = vector.broadcast %add3A_354 : i32 to vector<16xi32>
        %lt3A_406 = arith.cmpi slt, %sub3A_404, %lt3A_405 : vector<16xi32>
        %le3A_407 = arith.constant 3136 : i32
        %le3A_408 = vector.broadcast %le3A_407 : i32 to vector<16xi32>
        %le3A_409 = arith.cmpi sle, %add3A_394, %le3A_408 : vector<16xi32>
        %and3A_410 = arith.andi %lt3A_406, %le3A_409 : vector<16xi1>
        %all_reduce_population_count3A_411 = tpu.all_reduce %and3A_410 {dim = 0 : i64, kind = #tpu.reduction_kind<sum>} : vector<16xi1> -> vector<16xi32>
        %slice3A_412 = vector.extract_strided_slice %all_reduce_population_count3A_411 {offsets = [0], sizes = [1], strides = [1]} : vector<16xi32> to vector<1xi32>
        %squeeze3A_413 = vector.extract %slice3A_412[0] : i32 from vector<1xi32>
        %mul3A_414 = arith.constant 16 : i32
        %mul3A_415 = arith.muli %squeeze3A_413, %mul3A_414 : i32
        %add3A_416 = arith.addi %while3A_385, %mul3A_415 : i32
        %ge3A_417 = arith.constant 16 : i32
        %ge3A_418 = arith.cmpi sge, %squeeze3A_413, %ge3A_417 : i32
        scf.yield %add3A_416, %ge3A_418 : i32, i1
      }
      %add3A_357 = vector.broadcast %while3A_356#0 : i32 to vector<16xi32>
      %add3A_358 = arith.addi %add3A_357, %iota3A : vector<16xi32>
      %add3A_359 = vector.broadcast %multiple_of3A : i32 to vector<16xi32>
      %add3A_360 = arith.addi %add3A_359, %add3A_358 : vector<16xi32>
      %min3A_361 = arith.constant 100000 : i32
      %min3A_362 = vector.broadcast %min3A_361 : i32 to vector<16xi32>
      %min3A_363 = arith.minsi %add3A_360, %min3A_362 : vector<16xi32>
      %sub3A_364 = vector.broadcast %multiple_of3A_4 : i32 to vector<16xi32>
      %sub3A_365 = arith.subi %min3A_363, %sub3A_364 : vector<16xi32>
      %gather3A_366 = tpu.vector_load_idx %arg8[%sub3A_365] : memref<3168xi32, #tpu.memory_space<vmem>>[vector<16xi32>], vector<16xi32>,
      %sub3A_367 = vector.broadcast %squeeze3A : i32 to vector<16xi32>
      %sub3A_368 = arith.subi %gather3A_366, %sub3A_367 : vector<16xi32>
      %lt3A_369 = vector.broadcast %add3A_354 : i32 to vector<16xi32>
      %lt3A_370 = arith.cmpi slt, %sub3A_368, %lt3A_369 : vector<16xi32>
      %le3A_371 = arith.constant 3136 : i32
      %le3A_372 = vector.broadcast %le3A_371 : i32 to vector<16xi32>
      %le3A_373 = arith.cmpi sle, %add3A_358, %le3A_372 : vector<16xi32>
      %and3A_374 = arith.andi %lt3A_370, %le3A_373 : vector<16xi1>
      %all_reduce_population_count3A = tpu.all_reduce %and3A_374 {dim = 0 : i64, kind = #tpu.reduction_kind<sum>} : vector<16xi1> -> vector<16xi32>
      %slice3A_375 = vector.extract_strided_slice %all_reduce_population_count3A {offsets = [0], sizes = [1], strides = [1]} : vector<16xi32> to vector<1xi32>
      %squeeze3A_376 = vector.extract %slice3A_375[0] : i32 from vector<1xi32>
      %add3A_377 = arith.addi %while3A_356#0, %squeeze3A_376 : i32
      %sub3A_378 = arith.subi %add3A_377, %while3A_193 : i32
      %add3A_379 = arith.constant 15 : i32
      %add3A_380 = arith.addi %sub3A_378, %add3A_379 : i32
      %shift_right_arithmetic3A = arith.constant 4 : i32
      %shift_right_arithmetic3A_381 = arith.shrsi %add3A_380, %shift_right_arithmetic3A : i32
      %parallel_loop3A_382 = arith.constant 0 : i32
      %parallel_loop3A_383 = arith.constant 1 : i32
      scf.for %parallel_loop3A_385 = %parallel_loop3A_382 to %shift_right_arithmetic3A_381 step %parallel_loop3A_383  : i32 {
        %parallel_loop3A_386 = arith.constant 16 : i32
        %parallel_loop3A_387 = arith.muli %parallel_loop3A_385, %parallel_loop3A_386 : i32
        %parallel_loop3A_388 = arith.addi %while3A_193, %parallel_loop3A_387 : i32
        %parallel_loop3A_389 = vector.broadcast %parallel_loop3A_388 : i32 to vector<16xi32>
        %parallel_loop3A_390 = arith.addi %parallel_loop3A_389, %iota3A : vector<16xi32>
        %parallel_loop3A_391 = vector.broadcast %add3A_377 : i32 to vector<16xi32>
        %parallel_loop3A_392 = arith.cmpi slt, %parallel_loop3A_390, %parallel_loop3A_391 : vector<16xi32>
        %parallel_loop3A_393 = arith.constant 3136 : i32
        %parallel_loop3A_394 = vector.broadcast %parallel_loop3A_393 : i32 to vector<16xi32>
        %parallel_loop3A_395 = arith.minsi %parallel_loop3A_390, %parallel_loop3A_394 : vector<16xi32>
        %parallel_loop3A_396 = vector.broadcast %multiple_of3A : i32 to vector<16xi32>
        %parallel_loop3A_397 = arith.addi %parallel_loop3A_396, %parallel_loop3A_395 : vector<16xi32>
        %parallel_loop3A_398 = arith.constant 100000 : i32
        %parallel_loop3A_399 = vector.broadcast %parallel_loop3A_398 : i32 to vector<16xi32>
        %parallel_loop3A_400 = arith.minsi %parallel_loop3A_397, %parallel_loop3A_399 : vector<16xi32>
        %parallel_loop3A_401 = vector.broadcast %multiple_of3A_4 : i32 to vector<16xi32>
        %parallel_loop3A_402 = arith.subi %parallel_loop3A_400, %parallel_loop3A_401 : vector<16xi32>
        %parallel_loop3A_403 = tpu.vector_load_idx %arg8[%parallel_loop3A_402] : memref<3168xi32, #tpu.memory_space<vmem>>[vector<16xi32>], vector<16xi32>,
        %parallel_loop3A_404 = vector.broadcast %squeeze3A : i32 to vector<16xi32>
        %parallel_loop3A_405 = arith.subi %parallel_loop3A_403, %parallel_loop3A_404 : vector<16xi32>
        %parallel_loop3A_406 = vector.broadcast %add3A_197 : i32 to vector<16xi32>
        %parallel_loop3A_407 = arith.subi %parallel_loop3A_405, %parallel_loop3A_406 : vector<16xi32>
        %parallel_loop3A_408 = arith.constant 4 : i32
        %parallel_loop3A_409 = vector.broadcast %parallel_loop3A_408 : i32 to vector<16xi32>
        %parallel_loop3A_410 = arith.shrui %parallel_loop3A_407, %parallel_loop3A_409 : vector<16xi32>
        %parallel_loop3A_411 = arith.constant 15 : i32
        %parallel_loop3A_412 = vector.broadcast %parallel_loop3A_411 : i32 to vector<16xi32>
        %parallel_loop3A_413 = arith.andi %parallel_loop3A_407, %parallel_loop3A_412 : vector<16xi32>
        %parallel_loop3A_414 = arith.constant 0 : i32
        %parallel_loop3A_415 = vector.broadcast %parallel_loop3A_414 : i32 to vector<16xi32>
        %parallel_loop3A_416 = arith.cmpi sgt, %parallel_loop3A_410, %parallel_loop3A_415 : vector<16xi32>
        %parallel_loop3A_417 = arith.constant 1 : i32
        %parallel_loop3A_418 = vector.broadcast %parallel_loop3A_417 : i32 to vector<16xi32>
        %parallel_loop3A_419 = arith.subi %parallel_loop3A_410, %parallel_loop3A_418 : vector<16xi32>
        %parallel_loop3A_420 = arith.constant 0 : i32
        %parallel_loop3A_421 = arith.constant 255 : i32
        %parallel_loop3A_422 = vector.broadcast %parallel_loop3A_420 : i32 to vector<16xi32>
        %parallel_loop3A_423 = arith.maxsi %parallel_loop3A_422, %parallel_loop3A_419 : vector<16xi32>
        %parallel_loop3A_424 = vector.broadcast %parallel_loop3A_421 : i32 to vector<16xi32>
        %parallel_loop3A_425 = arith.minsi %parallel_loop3A_424, %parallel_loop3A_423 : vector<16xi32>
        %parallel_loop3A_426 = tpu.vector_load_idx %arg11[%parallel_loop3A_425] : memref<256xf32, #tpu.memory_space<vmem>>[vector<16xi32>], vector<16xf32>,
        %parallel_loop3A_427 = arith.constant 0.000000e+00 : f32
        %parallel_loop3A_428 = vector.broadcast %parallel_loop3A_427 : f32 to vector<16xf32>
        %parallel_loop3A_429 = arith.select %parallel_loop3A_416, %parallel_loop3A_426, %parallel_loop3A_428 : vector<16xi1>, vector<16xf32>
        %parallel_loop3A_430 = arith.constant 0 : i32
        %parallel_loop3A_431 = vector.broadcast %parallel_loop3A_430 : i32 to vector<16xi32>
        %parallel_loop3A_432 = arith.cmpi sgt, %parallel_loop3A_413, %parallel_loop3A_431 : vector<16xi32>
        %parallel_loop3A_433 = arith.constant 1 : i32
        %parallel_loop3A_434 = vector.broadcast %parallel_loop3A_433 : i32 to vector<16xi32>
        %parallel_loop3A_435 = arith.subi %parallel_loop3A_407, %parallel_loop3A_434 : vector<16xi32>
        %parallel_loop3A_436 = arith.constant 0 : i32
        %parallel_loop3A_437 = arith.constant 4095 : i32
        %parallel_loop3A_438 = vector.broadcast %parallel_loop3A_436 : i32 to vector<16xi32>
        %parallel_loop3A_439 = arith.maxsi %parallel_loop3A_438, %parallel_loop3A_435 : vector<16xi32>
        %parallel_loop3A_440 = vector.broadcast %parallel_loop3A_437 : i32 to vector<16xi32>
        %parallel_loop3A_441 = arith.minsi %parallel_loop3A_440, %parallel_loop3A_439 : vector<16xi32>
        %parallel_loop3A_442 = tpu.vector_load_idx %arg10[%parallel_loop3A_441] : memref<4096xf32, #tpu.memory_space<vmem>>[vector<16xi32>], vector<16xf32>,
        %parallel_loop3A_443 = arith.constant 0.000000e+00 : f32
        %parallel_loop3A_444 = vector.broadcast %parallel_loop3A_443 : f32 to vector<16xf32>
        %parallel_loop3A_445 = arith.select %parallel_loop3A_432, %parallel_loop3A_442, %parallel_loop3A_444 : vector<16xi1>, vector<16xf32>
        %parallel_loop3A_446 = vector.broadcast %while3A_194 : f32 to vector<16xf32>
        %parallel_loop3A_447 = arith.addf %parallel_loop3A_446, %parallel_loop3A_429 : vector<16xf32>
        %parallel_loop3A_448 = arith.addf %parallel_loop3A_447, %parallel_loop3A_445 : vector<16xf32>
        tpu.vector_store_idx %arg12[%parallel_loop3A_390], %parallel_loop3A_448 masked %parallel_loop3A_392 : memref<3152xf32, #tpu.memory_space<vmem>>[vector<16xi32>], vector<16xf32>, vector<16xi1>
      } {sc.loop_unroll_factor = 2 : i64, sc.parallel_access}
      %add3A_384 = arith.addf %while3A_194, %squeeze3A_352 : f32
      scf.yield %add3A_377, %add3A_384 : i32, f32
    }
    %parallel_loop3A = arith.constant 0 : i32
    %parallel_loop3A_190 = arith.constant 196 : i32
    %parallel_loop3A_191 = arith.constant 1 : i32
    "tpu.trace_stop"() : () -> ()
    scf.for %parallel_loop3A_192 = %parallel_loop3A to %parallel_loop3A_190 step %parallel_loop3A_191  : i32 {
      %parallel_loop3A_193 = arith.constant 16 : i32
      %parallel_loop3A_194 = arith.muli %parallel_loop3A_192, %parallel_loop3A_193 : i32
      %parallel_loop3A_195 = vector.broadcast %parallel_loop3A_194 : i32 to vector<16xi32>
      %parallel_loop3A_196 = arith.addi %parallel_loop3A_195, %iota3A : vector<16xi32>
      %parallel_loop3A_197 = tpu.vector_load_idx %arg12[%parallel_loop3A_196] : memref<3152xf32, #tpu.memory_space<vmem>>[vector<16xi32>], vector<16xf32>,
      %parallel_loop3A_198 = arith.constant 16 : i32
      %parallel_loop3A_199 = arith.muli %parallel_loop3A_192, %parallel_loop3A_198 : i32
      %parallel_loop3A_200 = arith.constant 1 : i32
      %parallel_loop3A_201 = arith.addi %parallel_loop3A_199, %parallel_loop3A_200 : i32
      %parallel_loop3A_202 = vector.broadcast %parallel_loop3A_201 : i32 to vector<16xi32>
      %parallel_loop3A_203 = arith.addi %parallel_loop3A_202, %iota3A : vector<16xi32>
      %parallel_loop3A_204 = tpu.vector_load_idx %arg12[%parallel_loop3A_203] : memref<3152xf32, #tpu.memory_space<vmem>>[vector<16xi32>], vector<16xf32>,
      %parallel_loop3A_205 = arith.subf %parallel_loop3A_204, %parallel_loop3A_197 : vector<16xf32>
      %parallel_loop3A_206 = arith.constant 16 : i32
      %parallel_loop3A_207 = arith.muli %parallel_loop3A_192, %parallel_loop3A_206 : i32
      %parallel_loop3A_208 = arith.index_cast %parallel_loop3A_207 : i32 to index
      %parallel_loop3A_209 = tpu.vector_load %arg14[%parallel_loop3A_208] {strides = array<i32>} : memref<3136xf32, #tpu.memory_space<vmem>>, vector<16xf32>,
      %parallel_loop3A_210 = arith.addf %parallel_loop3A_205, %parallel_loop3A_209 : vector<16xf32>
      %parallel_loop3A_211 = arith.addf %parallel_loop3A_210, %parallel_loop3A_210 : vector<16xf32>
      %parallel_loop3A_212 = math.exp %parallel_loop3A_211 : vector<16xf32>
      %parallel_loop3A_213 = arith.constant 1.000000e+00 : f32
      %parallel_loop3A_214 = vector.broadcast %parallel_loop3A_213 : f32 to vector<16xf32>
      %parallel_loop3A_215 = arith.addf %parallel_loop3A_212, %parallel_loop3A_214 : vector<16xf32>
      %parallel_loop3A_216 = arith.constant 2.000000e+00 : f32
      %parallel_loop3A_217 = vector.broadcast %parallel_loop3A_216 : f32 to vector<16xf32>
      %parallel_loop3A_218 = arith.divf %parallel_loop3A_217, %parallel_loop3A_215 : vector<16xf32>
      %parallel_loop3A_219 = arith.constant 1.000000e+00 : f32
      %parallel_loop3A_220 = vector.broadcast %parallel_loop3A_219 : f32 to vector<16xf32>
      %parallel_loop3A_221 = arith.subf %parallel_loop3A_220, %parallel_loop3A_218 : vector<16xf32>
      %parallel_loop3A_222 = arith.constant 3.000000e-01 : f32
      %parallel_loop3A_223 = vector.broadcast %parallel_loop3A_222 : f32 to vector<16xf32>
      %parallel_loop3A_224 = arith.mulf %parallel_loop3A_223, %parallel_loop3A_221 : vector<16xf32>
      %parallel_loop3A_225 = arith.constant 16 : i32
      %parallel_loop3A_226 = arith.muli %parallel_loop3A_192, %parallel_loop3A_225 : i32
      %parallel_loop3A_227 = arith.index_cast %parallel_loop3A_226 : i32 to index
      %parallel_loop3A_228 = tpu.vector_load %arg13[%parallel_loop3A_227] {strides = array<i32>} : memref<3136xf32, #tpu.memory_space<vmem>>, vector<16xf32>,
      tpu.vector_store %arg13[%parallel_loop3A_227], %parallel_loop3A_224 {strides = array<i32>} : memref<3136xf32, #tpu.memory_space<vmem>>, vector<16xf32>,
    } {sc.loop_unroll_factor = 8 : i64, sc.parallel_access}
    "tpu.region"() ({
      %run_scoped3A = tpu.sem_alloc : memref<!tpu.dma_semaphore, #tpu.memory_space<semaphore_mem>>
      %dma_start3A_192 = tpu.memref_slice %arg6[%multiple_of3A] : memref<100352xf32, #tpu.memory_space<hbm>> -> memref<3136xf32, #tpu.memory_space<hbm>>
      %dma_start3A_193 = tpu.memref_slice %arg6[%multiple_of3A] : memref<100352xf32, #tpu.memory_space<hbm>> -> memref<3136xf32, #tpu.memory_space<hbm>>
      tpu.enqueue_dma source(%arg13 : memref<3136xf32, #tpu.memory_space<vmem>>) target(%dma_start3A_193 : memref<3136xf32, #tpu.memory_space<hbm>>) target_semaphore(%run_scoped3A : memref<!tpu.dma_semaphore, #tpu.memory_space<semaphore_mem>>)
      %dma_wait3A_194 = tpu.memref_slice %arg6[%multiple_of3A] : memref<100352xf32, #tpu.memory_space<hbm>> -> memref<3136xf32, #tpu.memory_space<hbm>>
      %dma_wait3A_195 = tpu.memref_slice %arg6[%multiple_of3A] : memref<100352xf32, #tpu.memory_space<hbm>> -> memref<3136xf32, #tpu.memory_space<hbm>>
      tpu.wait_dma2 semaphore(%run_scoped3A : memref<!tpu.dma_semaphore, #tpu.memory_space<semaphore_mem>>) src(%arg13 : memref<3136xf32, #tpu.memory_space<vmem>>) dst(%dma_wait3A_195 : memref<3136xf32, #tpu.memory_space<hbm>>)
      tpu.yield
    }) : () -> ()
    return
  }
}

#map = affine_map<(d0, d1) -> (0)>
module attributes {stable_mosaic.version = 14 : i64} {
  func.func @_seg_body(%arg0: i32, %arg1: i32, %arg2: memref<100000xf32, #tpu.memory_space<hbm>>, %arg3: memref<1600000xi32, #tpu.memory_space<hbm>>, %arg4: memref<100008xi32, #tpu.memory_space<hbm>>, %arg5: memref<100000xf32, #tpu.memory_space<hbm>>, %arg6: memref<100352xf32, #tpu.memory_space<hbm>>, %arg7: memref<100352xf32, #tpu.memory_space<hbm>>, %arg8: memref<100352xf32, #tpu.memory_space<vmem>>, %arg9: memref<3168xi32, #tpu.memory_space<vmem>>, %arg10: memref<8192xi32, #tpu.memory_space<vmem>>, %arg11: memref<4096xf32, #tpu.memory_space<vmem>>, %arg12: memref<256xf32, #tpu.memory_space<vmem>>, %arg13: memref<3152xf32, #tpu.memory_space<vmem>>, %arg14: memref<3136xf32, #tpu.memory_space<vmem>>, %arg15: memref<3136xf32, #tpu.memory_space<vmem>>, %arg16: memref<3136xf32, #tpu.memory_space<vmem>>, %arg17: memref<16xi32, #tpu.memory_space<vmem>>, %arg18: memref<!tpu.dma_semaphore, #tpu.memory_space<semaphore_mem>>, %arg19: memref<!tpu.dma_semaphore, #tpu.memory_space<semaphore_mem>>) attributes {dimension_semantics = [#tpu.dimension_semantics<core_parallel>, #tpu.dimension_semantics<subcore_parallel>], iteration_bounds = array<i64: 2, 16>, scalar_prefetch = 0 : i64, scratch_operands = 12 : i64, tpu.core_type = #tpu.core_type<sc_vector_subcore>, window_params = [{transform_indices = #map}, {transform_indices = #map}, {transform_indices = #map}, {transform_indices = #map}, {transform_indices = #map}, {transform_indices = #map}]} {
    %mul3A = arith.constant 2 : i32
    %mul3A_0 = arith.muli %arg1, %mul3A : i32
    %add3A = arith.addi %mul3A_0, %arg0 : i32
    %mul3A_1 = arith.constant 3136 : i32
    %mul3A_2 = arith.muli %add3A, %mul3A_1 : i32
    %multiple_of3A = tpu.assume_multiple %mul3A_2, 8 : i32
    %min3A = arith.constant 96856 : i32
    %min3A_3 = arith.minsi %multiple_of3A, %min3A : i32
    %multiple_of3A_4 = tpu.assume_multiple %min3A_3, 8 : i32
    "tpu.region"() ({
      %run_scoped3A = tpu.sem_alloc : memref<!tpu.dma_semaphore, #tpu.memory_space<semaphore_mem>>
      %dma_start3A_192 = arith.constant 0 : i32
      %dma_start3A_193 = tpu.memref_slice %arg4[%dma_start3A_192] : memref<100008xi32, #tpu.memory_space<hbm>> -> memref<16xi32, #tpu.memory_space<hbm>>
      %dma_start3A_194 = arith.constant 0 : i32
      %dma_start3A_195 = tpu.memref_slice %arg4[%dma_start3A_194] : memref<100008xi32, #tpu.memory_space<hbm>> -> memref<16xi32, #tpu.memory_space<hbm>>
      tpu.enqueue_dma source(%dma_start3A_195 : memref<16xi32, #tpu.memory_space<hbm>>) target(%arg17 : memref<16xi32, #tpu.memory_space<vmem>>) target_semaphore(%run_scoped3A : memref<!tpu.dma_semaphore, #tpu.memory_space<semaphore_mem>>)
      %dma_wait3A_196 = arith.constant 0 : i32
      %dma_wait3A_197 = tpu.memref_slice %arg4[%dma_wait3A_196] : memref<100008xi32, #tpu.memory_space<hbm>> -> memref<16xi32, #tpu.memory_space<hbm>>
      %dma_wait3A_198 = arith.constant 0 : i32
      %dma_wait3A_199 = tpu.memref_slice %arg4[%dma_wait3A_198] : memref<100008xi32, #tpu.memory_space<hbm>> -> memref<16xi32, #tpu.memory_space<hbm>>
      tpu.wait_dma2 semaphore(%run_scoped3A : memref<!tpu.dma_semaphore, #tpu.memory_space<semaphore_mem>>) src(%dma_wait3A_199 : memref<16xi32, #tpu.memory_space<hbm>>) dst(%arg17 : memref<16xi32, #tpu.memory_space<vmem>>)
      tpu.yield
    }) : () -> ()
    "tpu.region"() ({
      %run_scoped3A = tpu.sem_alloc : memref<!tpu.dma_semaphore, #tpu.memory_space<semaphore_mem>>
      %dma_start3A_192 = arith.constant 0 : i32
      %dma_start3A_193 = tpu.memref_slice %arg9[%dma_start3A_192] : memref<3168xi32, #tpu.memory_space<vmem>> -> memref<3152xi32, #tpu.memory_space<vmem>>
      %dma_start3A_194 = tpu.memref_slice %arg4[%multiple_of3A_4] : memref<100008xi32, #tpu.memory_space<hbm>> -> memref<3152xi32, #tpu.memory_space<hbm>>
      %dma_start3A_195 = arith.constant 0 : i32
      %dma_start3A_196 = tpu.memref_slice %arg9[%dma_start3A_195] : memref<3168xi32, #tpu.memory_space<vmem>> -> memref<3152xi32, #tpu.memory_space<vmem>>
      %dma_start3A_197 = tpu.memref_slice %arg4[%multiple_of3A_4] : memref<100008xi32, #tpu.memory_space<hbm>> -> memref<3152xi32, #tpu.memory_space<hbm>>
      tpu.enqueue_dma source(%dma_start3A_197 : memref<3152xi32, #tpu.memory_space<hbm>>) target(%dma_start3A_196 : memref<3152xi32, #tpu.memory_space<vmem>>) target_semaphore(%run_scoped3A : memref<!tpu.dma_semaphore, #tpu.memory_space<semaphore_mem>>)
      %dma_wait3A_198 = arith.constant 0 : i32
      %dma_wait3A_199 = tpu.memref_slice %arg9[%dma_wait3A_198] : memref<3168xi32, #tpu.memory_space<vmem>> -> memref<3152xi32, #tpu.memory_space<vmem>>
      %dma_wait3A_200 = tpu.memref_slice %arg4[%multiple_of3A_4] : memref<100008xi32, #tpu.memory_space<hbm>> -> memref<3152xi32, #tpu.memory_space<hbm>>
      %dma_wait3A_201 = arith.constant 0 : i32
      %dma_wait3A_202 = tpu.memref_slice %arg9[%dma_wait3A_201] : memref<3168xi32, #tpu.memory_space<vmem>> -> memref<3152xi32, #tpu.memory_space<vmem>>
      %dma_wait3A_203 = tpu.memref_slice %arg4[%multiple_of3A_4] : memref<100008xi32, #tpu.memory_space<hbm>> -> memref<3152xi32, #tpu.memory_space<hbm>>
      tpu.wait_dma2 semaphore(%run_scoped3A : memref<!tpu.dma_semaphore, #tpu.memory_space<semaphore_mem>>) src(%dma_wait3A_203 : memref<3152xi32, #tpu.memory_space<hbm>>) dst(%dma_wait3A_202 : memref<3152xi32, #tpu.memory_space<vmem>>)
      tpu.yield
    }) : () -> ()
    %dma_start3A = arith.constant 0 : i32
    %dma_start3A_5 = tpu.memref_slice %arg8[%dma_start3A] : memref<100352xf32, #tpu.memory_space<vmem>> -> memref<12496xf32, #tpu.memory_space<vmem>>
    %dma_start3A_6 = arith.constant 0 : i32
    %dma_start3A_7 = tpu.memref_slice %arg2[%dma_start3A_6] : memref<100000xf32, #tpu.memory_space<hbm>> -> memref<12496xf32, #tpu.memory_space<hbm>>
    %dma_start3A_8 = arith.constant 0 : i32
    %dma_start3A_9 = tpu.memref_slice %arg8[%dma_start3A_8] : memref<100352xf32, #tpu.memory_space<vmem>> -> memref<12496xf32, #tpu.memory_space<vmem>>
    %dma_start3A_10 = arith.constant 0 : i32
    %dma_start3A_11 = tpu.memref_slice %arg2[%dma_start3A_10] : memref<100000xf32, #tpu.memory_space<hbm>> -> memref<12496xf32, #tpu.memory_space<hbm>>
    tpu.enqueue_dma source(%dma_start3A_11 : memref<12496xf32, #tpu.memory_space<hbm>>) target(%dma_start3A_9 : memref<12496xf32, #tpu.memory_space<vmem>>) target_semaphore(%arg19 : memref<!tpu.dma_semaphore, #tpu.memory_space<semaphore_mem>>)
    %dma_start3A_12 = arith.constant 12496 : i32
    %dma_start3A_13 = tpu.memref_slice %arg8[%dma_start3A_12] : memref<100352xf32, #tpu.memory_space<vmem>> -> memref<12496xf32, #tpu.memory_space<vmem>>
    %dma_start3A_14 = arith.constant 12496 : i32
    %dma_start3A_15 = tpu.memref_slice %arg2[%dma_start3A_14] : memref<100000xf32, #tpu.memory_space<hbm>> -> memref<12496xf32, #tpu.memory_space<hbm>>
    %dma_start3A_16 = arith.constant 12496 : i32
    %dma_start3A_17 = tpu.memref_slice %arg8[%dma_start3A_16] : memref<100352xf32, #tpu.memory_space<vmem>> -> memref<12496xf32, #tpu.memory_space<vmem>>
    %dma_start3A_18 = arith.constant 12496 : i32
    %dma_start3A_19 = tpu.memref_slice %arg2[%dma_start3A_18] : memref<100000xf32, #tpu.memory_space<hbm>> -> memref<12496xf32, #tpu.memory_space<hbm>>
    tpu.enqueue_dma source(%dma_start3A_19 : memref<12496xf32, #tpu.memory_space<hbm>>) target(%dma_start3A_17 : memref<12496xf32, #tpu.memory_space<vmem>>) target_semaphore(%arg19 : memref<!tpu.dma_semaphore, #tpu.memory_space<semaphore_mem>>)
    %dma_start3A_20 = arith.constant 24992 : i32
    %dma_start3A_21 = tpu.memref_slice %arg8[%dma_start3A_20] : memref<100352xf32, #tpu.memory_space<vmem>> -> memref<12496xf32, #tpu.memory_space<vmem>>
    %dma_start3A_22 = arith.constant 24992 : i32
    %dma_start3A_23 = tpu.memref_slice %arg2[%dma_start3A_22] : memref<100000xf32, #tpu.memory_space<hbm>> -> memref<12496xf32, #tpu.memory_space<hbm>>
    %dma_start3A_24 = arith.constant 24992 : i32
    %dma_start3A_25 = tpu.memref_slice %arg8[%dma_start3A_24] : memref<100352xf32, #tpu.memory_space<vmem>> -> memref<12496xf32, #tpu.memory_space<vmem>>
    %dma_start3A_26 = arith.constant 24992 : i32
    %dma_start3A_27 = tpu.memref_slice %arg2[%dma_start3A_26] : memref<100000xf32, #tpu.memory_space<hbm>> -> memref<12496xf32, #tpu.memory_space<hbm>>
    tpu.enqueue_dma source(%dma_start3A_27 : memref<12496xf32, #tpu.memory_space<hbm>>) target(%dma_start3A_25 : memref<12496xf32, #tpu.memory_space<vmem>>) target_semaphore(%arg19 : memref<!tpu.dma_semaphore, #tpu.memory_space<semaphore_mem>>)
    %dma_start3A_28 = arith.constant 37488 : i32
    %dma_start3A_29 = tpu.memref_slice %arg8[%dma_start3A_28] : memref<100352xf32, #tpu.memory_space<vmem>> -> memref<12496xf32, #tpu.memory_space<vmem>>
    %dma_start3A_30 = arith.constant 37488 : i32
    %dma_start3A_31 = tpu.memref_slice %arg2[%dma_start3A_30] : memref<100000xf32, #tpu.memory_space<hbm>> -> memref<12496xf32, #tpu.memory_space<hbm>>
    %dma_start3A_32 = arith.constant 37488 : i32
    %dma_start3A_33 = tpu.memref_slice %arg8[%dma_start3A_32] : memref<100352xf32, #tpu.memory_space<vmem>> -> memref<12496xf32, #tpu.memory_space<vmem>>
    %dma_start3A_34 = arith.constant 37488 : i32
    %dma_start3A_35 = tpu.memref_slice %arg2[%dma_start3A_34] : memref<100000xf32, #tpu.memory_space<hbm>> -> memref<12496xf32, #tpu.memory_space<hbm>>
    tpu.enqueue_dma source(%dma_start3A_35 : memref<12496xf32, #tpu.memory_space<hbm>>) target(%dma_start3A_33 : memref<12496xf32, #tpu.memory_space<vmem>>) target_semaphore(%arg19 : memref<!tpu.dma_semaphore, #tpu.memory_space<semaphore_mem>>)
    %dma_start3A_36 = arith.constant 49984 : i32
    %dma_start3A_37 = tpu.memref_slice %arg8[%dma_start3A_36] : memref<100352xf32, #tpu.memory_space<vmem>> -> memref<12496xf32, #tpu.memory_space<vmem>>
    %dma_start3A_38 = arith.constant 49984 : i32
    %dma_start3A_39 = tpu.memref_slice %arg2[%dma_start3A_38] : memref<100000xf32, #tpu.memory_space<hbm>> -> memref<12496xf32, #tpu.memory_space<hbm>>
    %dma_start3A_40 = arith.constant 49984 : i32
    %dma_start3A_41 = tpu.memref_slice %arg8[%dma_start3A_40] : memref<100352xf32, #tpu.memory_space<vmem>> -> memref<12496xf32, #tpu.memory_space<vmem>>
    %dma_start3A_42 = arith.constant 49984 : i32
    %dma_start3A_43 = tpu.memref_slice %arg2[%dma_start3A_42] : memref<100000xf32, #tpu.memory_space<hbm>> -> memref<12496xf32, #tpu.memory_space<hbm>>
    tpu.enqueue_dma source(%dma_start3A_43 : memref<12496xf32, #tpu.memory_space<hbm>>) target(%dma_start3A_41 : memref<12496xf32, #tpu.memory_space<vmem>>) target_semaphore(%arg19 : memref<!tpu.dma_semaphore, #tpu.memory_space<semaphore_mem>>)
    %dma_start3A_44 = arith.constant 62480 : i32
    %dma_start3A_45 = tpu.memref_slice %arg8[%dma_start3A_44] : memref<100352xf32, #tpu.memory_space<vmem>> -> memref<12496xf32, #tpu.memory_space<vmem>>
    %dma_start3A_46 = arith.constant 62480 : i32
    %dma_start3A_47 = tpu.memref_slice %arg2[%dma_start3A_46] : memref<100000xf32, #tpu.memory_space<hbm>> -> memref<12496xf32, #tpu.memory_space<hbm>>
    %dma_start3A_48 = arith.constant 62480 : i32
    %dma_start3A_49 = tpu.memref_slice %arg8[%dma_start3A_48] : memref<100352xf32, #tpu.memory_space<vmem>> -> memref<12496xf32, #tpu.memory_space<vmem>>
    %dma_start3A_50 = arith.constant 62480 : i32
    %dma_start3A_51 = tpu.memref_slice %arg2[%dma_start3A_50] : memref<100000xf32, #tpu.memory_space<hbm>> -> memref<12496xf32, #tpu.memory_space<hbm>>
    tpu.enqueue_dma source(%dma_start3A_51 : memref<12496xf32, #tpu.memory_space<hbm>>) target(%dma_start3A_49 : memref<12496xf32, #tpu.memory_space<vmem>>) target_semaphore(%arg19 : memref<!tpu.dma_semaphore, #tpu.memory_space<semaphore_mem>>)
    %dma_start3A_52 = arith.constant 74976 : i32
    %dma_start3A_53 = tpu.memref_slice %arg8[%dma_start3A_52] : memref<100352xf32, #tpu.memory_space<vmem>> -> memref<12496xf32, #tpu.memory_space<vmem>>
    %dma_start3A_54 = arith.constant 74976 : i32
    %dma_start3A_55 = tpu.memref_slice %arg2[%dma_start3A_54] : memref<100000xf32, #tpu.memory_space<hbm>> -> memref<12496xf32, #tpu.memory_space<hbm>>
    %dma_start3A_56 = arith.constant 74976 : i32
    %dma_start3A_57 = tpu.memref_slice %arg8[%dma_start3A_56] : memref<100352xf32, #tpu.memory_space<vmem>> -> memref<12496xf32, #tpu.memory_space<vmem>>
    %dma_start3A_58 = arith.constant 74976 : i32
    %dma_start3A_59 = tpu.memref_slice %arg2[%dma_start3A_58] : memref<100000xf32, #tpu.memory_space<hbm>> -> memref<12496xf32, #tpu.memory_space<hbm>>
    tpu.enqueue_dma source(%dma_start3A_59 : memref<12496xf32, #tpu.memory_space<hbm>>) target(%dma_start3A_57 : memref<12496xf32, #tpu.memory_space<vmem>>) target_semaphore(%arg19 : memref<!tpu.dma_semaphore, #tpu.memory_space<semaphore_mem>>)
    %dma_start3A_60 = arith.constant 87472 : i32
    %dma_start3A_61 = tpu.memref_slice %arg8[%dma_start3A_60] : memref<100352xf32, #tpu.memory_space<vmem>> -> memref<12528xf32, #tpu.memory_space<vmem>>
    %dma_start3A_62 = arith.constant 87472 : i32
    %dma_start3A_63 = tpu.memref_slice %arg2[%dma_start3A_62] : memref<100000xf32, #tpu.memory_space<hbm>> -> memref<12528xf32, #tpu.memory_space<hbm>>
    %dma_start3A_64 = arith.constant 87472 : i32
    %dma_start3A_65 = tpu.memref_slice %arg8[%dma_start3A_64] : memref<100352xf32, #tpu.memory_space<vmem>> -> memref<12528xf32, #tpu.memory_space<vmem>>
    %dma_start3A_66 = arith.constant 87472 : i32
    %dma_start3A_67 = tpu.memref_slice %arg2[%dma_start3A_66] : memref<100000xf32, #tpu.memory_space<hbm>> -> memref<12528xf32, #tpu.memory_space<hbm>>
    tpu.enqueue_dma source(%dma_start3A_67 : memref<12528xf32, #tpu.memory_space<hbm>>) target(%dma_start3A_65 : memref<12528xf32, #tpu.memory_space<vmem>>) target_semaphore(%arg19 : memref<!tpu.dma_semaphore, #tpu.memory_space<semaphore_mem>>)
    %iota3A = tpu.iota {dimensions = array<i32: 0>} : vector<16xi32>
    %get3A = arith.constant 0 : index
    %get3A_68 = tpu.vector_load %arg17[%get3A] {strides = array<i32>} : memref<16xi32, #tpu.memory_space<vmem>>, vector<16xi32>,
    %slice3A = vector.extract_strided_slice %get3A_68 {offsets = [0], sizes = [1], strides = [1]} : vector<16xi32> to vector<1xi32>
    %squeeze3A = vector.extract %slice3A[0] : i32 from vector<1xi32>
    %sub3A = arith.subi %multiple_of3A, %multiple_of3A_4 : i32
    %get3A_69 = arith.index_cast %sub3A : i32 to index
    %get3A_70 = tpu.vector_load %arg9[%get3A_69] {strides = array<i32>} : memref<3168xi32, #tpu.memory_space<vmem>>, vector<16xi32>,
    %slice3A_71 = vector.extract_strided_slice %get3A_70 {offsets = [0], sizes = [1], strides = [1]} : vector<16xi32> to vector<1xi32>
    %squeeze3A_72 = vector.extract %slice3A_71[0] : i32 from vector<1xi32>
    %sub3A_73 = arith.subi %squeeze3A_72, %squeeze3A : i32
    %add3A_74 = arith.constant 3136 : i32
    %add3A_75 = arith.addi %multiple_of3A, %add3A_74 : i32
    %min3A_76 = arith.constant 100000 : i32
    %min3A_77 = arith.minsi %add3A_75, %min3A_76 : i32
    %sub3A_78 = arith.subi %min3A_77, %multiple_of3A_4 : i32
    %get3A_79 = arith.index_cast %sub3A_78 : i32 to index
    %get3A_80 = tpu.vector_load %arg9[%get3A_79] {strides = array<i32>} : memref<3168xi32, #tpu.memory_space<vmem>>, vector<16xi32>,
    %slice3A_81 = vector.extract_strided_slice %get3A_80 {offsets = [0], sizes = [1], strides = [1]} : vector<16xi32> to vector<1xi32>
    %squeeze3A_82 = vector.extract %slice3A_81[0] : i32 from vector<1xi32>
    %sub3A_83 = arith.subi %squeeze3A_82, %squeeze3A : i32
    %and3A = arith.constant -8 : i32
    %and3A_84 = arith.andi %sub3A_73, %and3A : i32
    %sub3A_85 = arith.subi %sub3A_83, %and3A_84 : i32
    %jit3A = arith.constant 4096 : i32
    %div3A = arith.divsi %sub3A_85, %jit3A : i32
    %sign3A = arith.constant 0 : i32
    %sign3A_86 = arith.cmpi sgt, %sub3A_85, %sign3A : i32
    %sign3A_87 = arith.extui %sign3A_86 : i1 to i32
    %sign3A_88 = arith.constant 0 : i32
    %sign3A_89 = arith.cmpi slt, %sub3A_85, %sign3A_88 : i32
    %sign3A_90 = arith.extui %sign3A_89 : i1 to i32
    %sign3A_91 = arith.subi %sign3A_87, %sign3A_90 : i32
    %sign3A_92 = arith.constant 0 : i32
    %sign3A_93 = arith.cmpi sgt, %jit3A, %sign3A_92 : i32
    %sign3A_94 = arith.extui %sign3A_93 : i1 to i32
    %sign3A_95 = arith.constant 0 : i32
    %sign3A_96 = arith.cmpi slt, %jit3A, %sign3A_95 : i32
    %sign3A_97 = arith.extui %sign3A_96 : i1 to i32
    %sign3A_98 = arith.subi %sign3A_94, %sign3A_97 : i32
    %ne3A = arith.cmpi ne, %sign3A_91, %sign3A_98 : i32
    %rem3A = arith.remsi %sub3A_85, %jit3A : i32
    %ne3A_99 = arith.constant 0 : i32
    %ne3A_100 = arith.cmpi ne, %rem3A, %ne3A_99 : i32
    %and3A_101 = arith.andi %ne3A, %ne3A_100 : i1
    %sub3A_102 = arith.constant 1 : i32
    %sub3A_103 = arith.subi %div3A, %sub3A_102 : i32
    %select_n3A = arith.select %and3A_101, %sub3A_103, %div3A : i32
    %add3A_104 = arith.constant 1 : i32
    %add3A_105 = arith.addi %select_n3A, %add3A_104 : i32
    %min3A_106 = arith.constant 1595904 : i32
    %min3A_107 = arith.minsi %and3A_84, %min3A_106 : i32
    %multiple_of3A_108 = tpu.assume_multiple %min3A_107, 8 : i32
    %dma_start3A_109 = arith.constant 0 : i32
    %dma_start3A_110 = tpu.memref_slice %arg10[%dma_start3A_109] : memref<8192xi32, #tpu.memory_space<vmem>> -> memref<4096xi32, #tpu.memory_space<vmem>>
    %dma_start3A_111 = tpu.memref_slice %arg3[%multiple_of3A_108] : memref<1600000xi32, #tpu.memory_space<hbm>> -> memref<4096xi32, #tpu.memory_space<hbm>>
    %dma_start3A_112 = arith.constant 0 : i32
    %dma_start3A_113 = tpu.memref_slice %arg10[%dma_start3A_112] : memref<8192xi32, #tpu.memory_space<vmem>> -> memref<4096xi32, #tpu.memory_space<vmem>>
    %dma_start3A_114 = tpu.memref_slice %arg3[%multiple_of3A_108] : memref<1600000xi32, #tpu.memory_space<hbm>> -> memref<4096xi32, #tpu.memory_space<hbm>>
    tpu.enqueue_dma source(%dma_start3A_114 : memref<4096xi32, #tpu.memory_space<hbm>>) target(%dma_start3A_113 : memref<4096xi32, #tpu.memory_space<vmem>>) target_semaphore(%arg18 : memref<!tpu.dma_semaphore, #tpu.memory_space<semaphore_mem>>)
    "tpu.trace_start"() <{level = 10 : i32, message = "sc_stage_in"}> : () -> ()
    %dma_wait3A = arith.constant 0 : i32
    %dma_wait3A_115 = tpu.memref_slice %arg8[%dma_wait3A] : memref<100352xf32, #tpu.memory_space<vmem>> -> memref<12496xf32, #tpu.memory_space<vmem>>
    %dma_wait3A_116 = arith.constant 0 : i32
    %dma_wait3A_117 = tpu.memref_slice %arg2[%dma_wait3A_116] : memref<100000xf32, #tpu.memory_space<hbm>> -> memref<12496xf32, #tpu.memory_space<hbm>>
    %dma_wait3A_118 = arith.constant 0 : i32
    %dma_wait3A_119 = tpu.memref_slice %arg8[%dma_wait3A_118] : memref<100352xf32, #tpu.memory_space<vmem>> -> memref<12496xf32, #tpu.memory_space<vmem>>
    %dma_wait3A_120 = arith.constant 0 : i32
    %dma_wait3A_121 = tpu.memref_slice %arg2[%dma_wait3A_120] : memref<100000xf32, #tpu.memory_space<hbm>> -> memref<12496xf32, #tpu.memory_space<hbm>>
    tpu.wait_dma2 semaphore(%arg19 : memref<!tpu.dma_semaphore, #tpu.memory_space<semaphore_mem>>) src(%dma_wait3A_121 : memref<12496xf32, #tpu.memory_space<hbm>>) dst(%dma_wait3A_119 : memref<12496xf32, #tpu.memory_space<vmem>>)
    %dma_wait3A_122 = arith.constant 12496 : i32
    %dma_wait3A_123 = tpu.memref_slice %arg8[%dma_wait3A_122] : memref<100352xf32, #tpu.memory_space<vmem>> -> memref<12496xf32, #tpu.memory_space<vmem>>
    %dma_wait3A_124 = arith.constant 12496 : i32
    %dma_wait3A_125 = tpu.memref_slice %arg2[%dma_wait3A_124] : memref<100000xf32, #tpu.memory_space<hbm>> -> memref<12496xf32, #tpu.memory_space<hbm>>
    %dma_wait3A_126 = arith.constant 12496 : i32
    %dma_wait3A_127 = tpu.memref_slice %arg8[%dma_wait3A_126] : memref<100352xf32, #tpu.memory_space<vmem>> -> memref<12496xf32, #tpu.memory_space<vmem>>
    %dma_wait3A_128 = arith.constant 12496 : i32
    %dma_wait3A_129 = tpu.memref_slice %arg2[%dma_wait3A_128] : memref<100000xf32, #tpu.memory_space<hbm>> -> memref<12496xf32, #tpu.memory_space<hbm>>
    tpu.wait_dma2 semaphore(%arg19 : memref<!tpu.dma_semaphore, #tpu.memory_space<semaphore_mem>>) src(%dma_wait3A_129 : memref<12496xf32, #tpu.memory_space<hbm>>) dst(%dma_wait3A_127 : memref<12496xf32, #tpu.memory_space<vmem>>)
    %dma_wait3A_130 = arith.constant 24992 : i32
    %dma_wait3A_131 = tpu.memref_slice %arg8[%dma_wait3A_130] : memref<100352xf32, #tpu.memory_space<vmem>> -> memref<12496xf32, #tpu.memory_space<vmem>>
    %dma_wait3A_132 = arith.constant 24992 : i32
    %dma_wait3A_133 = tpu.memref_slice %arg2[%dma_wait3A_132] : memref<100000xf32, #tpu.memory_space<hbm>> -> memref<12496xf32, #tpu.memory_space<hbm>>
    %dma_wait3A_134 = arith.constant 24992 : i32
    %dma_wait3A_135 = tpu.memref_slice %arg8[%dma_wait3A_134] : memref<100352xf32, #tpu.memory_space<vmem>> -> memref<12496xf32, #tpu.memory_space<vmem>>
    %dma_wait3A_136 = arith.constant 24992 : i32
    %dma_wait3A_137 = tpu.memref_slice %arg2[%dma_wait3A_136] : memref<100000xf32, #tpu.memory_space<hbm>> -> memref<12496xf32, #tpu.memory_space<hbm>>
    tpu.wait_dma2 semaphore(%arg19 : memref<!tpu.dma_semaphore, #tpu.memory_space<semaphore_mem>>) src(%dma_wait3A_137 : memref<12496xf32, #tpu.memory_space<hbm>>) dst(%dma_wait3A_135 : memref<12496xf32, #tpu.memory_space<vmem>>)
    %dma_wait3A_138 = arith.constant 37488 : i32
    %dma_wait3A_139 = tpu.memref_slice %arg8[%dma_wait3A_138] : memref<100352xf32, #tpu.memory_space<vmem>> -> memref<12496xf32, #tpu.memory_space<vmem>>
    %dma_wait3A_140 = arith.constant 37488 : i32
    %dma_wait3A_141 = tpu.memref_slice %arg2[%dma_wait3A_140] : memref<100000xf32, #tpu.memory_space<hbm>> -> memref<12496xf32, #tpu.memory_space<hbm>>
    %dma_wait3A_142 = arith.constant 37488 : i32
    %dma_wait3A_143 = tpu.memref_slice %arg8[%dma_wait3A_142] : memref<100352xf32, #tpu.memory_space<vmem>> -> memref<12496xf32, #tpu.memory_space<vmem>>
    %dma_wait3A_144 = arith.constant 37488 : i32
    %dma_wait3A_145 = tpu.memref_slice %arg2[%dma_wait3A_144] : memref<100000xf32, #tpu.memory_space<hbm>> -> memref<12496xf32, #tpu.memory_space<hbm>>
    tpu.wait_dma2 semaphore(%arg19 : memref<!tpu.dma_semaphore, #tpu.memory_space<semaphore_mem>>) src(%dma_wait3A_145 : memref<12496xf32, #tpu.memory_space<hbm>>) dst(%dma_wait3A_143 : memref<12496xf32, #tpu.memory_space<vmem>>)
    %dma_wait3A_146 = arith.constant 49984 : i32
    %dma_wait3A_147 = tpu.memref_slice %arg8[%dma_wait3A_146] : memref<100352xf32, #tpu.memory_space<vmem>> -> memref<12496xf32, #tpu.memory_space<vmem>>
    %dma_wait3A_148 = arith.constant 49984 : i32
    %dma_wait3A_149 = tpu.memref_slice %arg2[%dma_wait3A_148] : memref<100000xf32, #tpu.memory_space<hbm>> -> memref<12496xf32, #tpu.memory_space<hbm>>
    %dma_wait3A_150 = arith.constant 49984 : i32
    %dma_wait3A_151 = tpu.memref_slice %arg8[%dma_wait3A_150] : memref<100352xf32, #tpu.memory_space<vmem>> -> memref<12496xf32, #tpu.memory_space<vmem>>
    %dma_wait3A_152 = arith.constant 49984 : i32
    %dma_wait3A_153 = tpu.memref_slice %arg2[%dma_wait3A_152] : memref<100000xf32, #tpu.memory_space<hbm>> -> memref<12496xf32, #tpu.memory_space<hbm>>
    tpu.wait_dma2 semaphore(%arg19 : memref<!tpu.dma_semaphore, #tpu.memory_space<semaphore_mem>>) src(%dma_wait3A_153 : memref<12496xf32, #tpu.memory_space<hbm>>) dst(%dma_wait3A_151 : memref<12496xf32, #tpu.memory_space<vmem>>)
    %dma_wait3A_154 = arith.constant 62480 : i32
    %dma_wait3A_155 = tpu.memref_slice %arg8[%dma_wait3A_154] : memref<100352xf32, #tpu.memory_space<vmem>> -> memref<12496xf32, #tpu.memory_space<vmem>>
    %dma_wait3A_156 = arith.constant 62480 : i32
    %dma_wait3A_157 = tpu.memref_slice %arg2[%dma_wait3A_156] : memref<100000xf32, #tpu.memory_space<hbm>> -> memref<12496xf32, #tpu.memory_space<hbm>>
    %dma_wait3A_158 = arith.constant 62480 : i32
    %dma_wait3A_159 = tpu.memref_slice %arg8[%dma_wait3A_158] : memref<100352xf32, #tpu.memory_space<vmem>> -> memref<12496xf32, #tpu.memory_space<vmem>>
    %dma_wait3A_160 = arith.constant 62480 : i32
    %dma_wait3A_161 = tpu.memref_slice %arg2[%dma_wait3A_160] : memref<100000xf32, #tpu.memory_space<hbm>> -> memref<12496xf32, #tpu.memory_space<hbm>>
    tpu.wait_dma2 semaphore(%arg19 : memref<!tpu.dma_semaphore, #tpu.memory_space<semaphore_mem>>) src(%dma_wait3A_161 : memref<12496xf32, #tpu.memory_space<hbm>>) dst(%dma_wait3A_159 : memref<12496xf32, #tpu.memory_space<vmem>>)
    %dma_wait3A_162 = arith.constant 74976 : i32
    %dma_wait3A_163 = tpu.memref_slice %arg8[%dma_wait3A_162] : memref<100352xf32, #tpu.memory_space<vmem>> -> memref<12496xf32, #tpu.memory_space<vmem>>
    %dma_wait3A_164 = arith.constant 74976 : i32
    %dma_wait3A_165 = tpu.memref_slice %arg2[%dma_wait3A_164] : memref<100000xf32, #tpu.memory_space<hbm>> -> memref<12496xf32, #tpu.memory_space<hbm>>
    %dma_wait3A_166 = arith.constant 74976 : i32
    %dma_wait3A_167 = tpu.memref_slice %arg8[%dma_wait3A_166] : memref<100352xf32, #tpu.memory_space<vmem>> -> memref<12496xf32, #tpu.memory_space<vmem>>
    %dma_wait3A_168 = arith.constant 74976 : i32
    %dma_wait3A_169 = tpu.memref_slice %arg2[%dma_wait3A_168] : memref<100000xf32, #tpu.memory_space<hbm>> -> memref<12496xf32, #tpu.memory_space<hbm>>
    tpu.wait_dma2 semaphore(%arg19 : memref<!tpu.dma_semaphore, #tpu.memory_space<semaphore_mem>>) src(%dma_wait3A_169 : memref<12496xf32, #tpu.memory_space<hbm>>) dst(%dma_wait3A_167 : memref<12496xf32, #tpu.memory_space<vmem>>)
    %dma_wait3A_170 = arith.constant 87472 : i32
    %dma_wait3A_171 = tpu.memref_slice %arg8[%dma_wait3A_170] : memref<100352xf32, #tpu.memory_space<vmem>> -> memref<12528xf32, #tpu.memory_space<vmem>>
    %dma_wait3A_172 = arith.constant 87472 : i32
    %dma_wait3A_173 = tpu.memref_slice %arg2[%dma_wait3A_172] : memref<100000xf32, #tpu.memory_space<hbm>> -> memref<12528xf32, #tpu.memory_space<hbm>>
    %dma_wait3A_174 = arith.constant 87472 : i32
    %dma_wait3A_175 = tpu.memref_slice %arg8[%dma_wait3A_174] : memref<100352xf32, #tpu.memory_space<vmem>> -> memref<12528xf32, #tpu.memory_space<vmem>>
    %dma_wait3A_176 = arith.constant 87472 : i32
    %dma_wait3A_177 = tpu.memref_slice %arg2[%dma_wait3A_176] : memref<100000xf32, #tpu.memory_space<hbm>> -> memref<12528xf32, #tpu.memory_space<hbm>>
    tpu.wait_dma2 semaphore(%arg19 : memref<!tpu.dma_semaphore, #tpu.memory_space<semaphore_mem>>) src(%dma_wait3A_177 : memref<12528xf32, #tpu.memory_space<hbm>>) dst(%dma_wait3A_175 : memref<12528xf32, #tpu.memory_space<vmem>>)
    %while3A = arith.constant 0 : i32
    %while3A_178 = arith.constant 0 : i32
    %while3A_179 = arith.constant 0.000000e+00 : f32
    "tpu.trace_stop"() : () -> ()
    "tpu.trace_start"() <{level = 10 : i32, message = "sc_blocks"}> : () -> ()
    %while3A_180 = arith.subi %add3A_105, %while3A : i32
    %while3A_181 = arith.addi %while3A, %while3A_180 : i32
    %while3A_182 = arith.constant 1 : i32
    %while3A_183 = arith.divsi %while3A_180, %while3A_182 : i32
    %while3A_184 = arith.muli %while3A_183, %while3A_182 : i32
    %while3A_185 = arith.addi %while3A, %while3A_184 : i32
    %while3A_186 = arith.constant 1 : i32
    %while3A_187:2 = scf.for %while3A_192 = %while3A to %while3A_185 step %while3A_186 iter_args(%while3A_193 = %while3A_178, %while3A_194 = %while3A_179) -> (i32, f32)  : i32 {
      %mul3A_195 = arith.constant 4096 : i32
      %mul3A_196 = arith.muli %while3A_192, %mul3A_195 : i32
      %add3A_197 = arith.addi %and3A_84, %mul3A_196 : i32
      %and3A_198 = arith.constant 1 : i32
      %and3A_199 = arith.andi %while3A_192, %and3A_198 : i32
      %mul3A_200 = arith.constant 4096 : i32
      %mul3A_201 = arith.muli %and3A_199, %mul3A_200 : i32
      %multiple_of3A_202 = tpu.assume_multiple %mul3A_201, 8 : i32
      %dma_wait3A_203 = tpu.memref_slice %arg10[%multiple_of3A_202] : memref<8192xi32, #tpu.memory_space<vmem>> -> memref<4096xi32, #tpu.memory_space<vmem>>
      %dma_wait3A_204 = arith.constant 0 : i32
      %dma_wait3A_205 = tpu.memref_slice %arg3[%dma_wait3A_204] : memref<1600000xi32, #tpu.memory_space<hbm>> -> memref<4096xi32, #tpu.memory_space<hbm>>
      %dma_wait3A_206 = tpu.memref_slice %arg10[%multiple_of3A_202] : memref<8192xi32, #tpu.memory_space<vmem>> -> memref<4096xi32, #tpu.memory_space<vmem>>
      %dma_wait3A_207 = arith.constant 0 : i32
      %dma_wait3A_208 = tpu.memref_slice %arg3[%dma_wait3A_207] : memref<1600000xi32, #tpu.memory_space<hbm>> -> memref<4096xi32, #tpu.memory_space<hbm>>
      tpu.wait_dma2 semaphore(%arg18 : memref<!tpu.dma_semaphore, #tpu.memory_space<semaphore_mem>>) src(%dma_wait3A_208 : memref<4096xi32, #tpu.memory_space<hbm>>) dst(%dma_wait3A_206 : memref<4096xi32, #tpu.memory_space<vmem>>)
      %add3A_209 = arith.constant 1 : i32
      %add3A_210 = arith.addi %while3A_192, %add3A_209 : i32
      %lt3A = arith.cmpi slt, %add3A_210, %add3A_105 : i32
      %convert_element_type3A = arith.extui %lt3A : i1 to i32
      %cond3A = arith.constant 0 : i32
      %cond3A_211 = arith.cmpi ne, %convert_element_type3A, %cond3A : i32
      scf.if %cond3A_211 {
        %add3A_385 = arith.constant 4096 : i32
        %add3A_386 = arith.addi %add3A_197, %add3A_385 : i32
        %min3A_387 = arith.constant 1595904 : i32
        %min3A_388 = arith.minsi %add3A_386, %min3A_387 : i32
        %multiple_of3A_389 = tpu.assume_multiple %min3A_388, 8 : i32
        %add3A_390 = arith.constant 1 : i32
        %add3A_391 = arith.addi %while3A_192, %add3A_390 : i32
        %and3A_392 = arith.constant 1 : i32
        %and3A_393 = arith.andi %add3A_391, %and3A_392 : i32
        %mul3A_394 = arith.constant 4096 : i32
        %mul3A_395 = arith.muli %and3A_393, %mul3A_394 : i32
        %multiple_of3A_396 = tpu.assume_multiple %mul3A_395, 8 : i32
        %dma_start3A_397 = tpu.memref_slice %arg10[%multiple_of3A_396] : memref<8192xi32, #tpu.memory_space<vmem>> -> memref<4096xi32, #tpu.memory_space<vmem>>
        %dma_start3A_398 = tpu.memref_slice %arg3[%multiple_of3A_389] : memref<1600000xi32, #tpu.memory_space<hbm>> -> memref<4096xi32, #tpu.memory_space<hbm>>
        %dma_start3A_399 = tpu.memref_slice %arg10[%multiple_of3A_396] : memref<8192xi32, #tpu.memory_space<vmem>> -> memref<4096xi32, #tpu.memory_space<vmem>>
        %dma_start3A_400 = tpu.memref_slice %arg3[%multiple_of3A_389] : memref<1600000xi32, #tpu.memory_space<hbm>> -> memref<4096xi32, #tpu.memory_space<hbm>>
        tpu.enqueue_dma source(%dma_start3A_400 : memref<4096xi32, #tpu.memory_space<hbm>>) target(%dma_start3A_399 : memref<4096xi32, #tpu.memory_space<vmem>>) target_semaphore(%arg18 : memref<!tpu.dma_semaphore, #tpu.memory_space<semaphore_mem>>)
      } else {
      }
      %ge3A = arith.cmpi sge, %add3A_197, %sub3A_73 : i32
      %add3A_212 = arith.constant 4096 : i32
      %add3A_213 = arith.addi %add3A_197, %add3A_212 : i32
      %le3A = arith.cmpi sle, %add3A_213, %sub3A_83 : i32
      %and3A_214 = arith.andi %ge3A, %le3A : i1
      %convert_element_type3A_215 = arith.extui %and3A_214 : i1 to i32
      %cond3A_216 = arith.constant 0 : i32
      %cond3A_217 = arith.cmpi ne, %convert_element_type3A_215, %cond3A_216 : i32
      scf.if %cond3A_217 {
        %parallel_loop3A_385 = arith.constant 0 : i32
        %parallel_loop3A_386 = arith.constant 256 : i32
        %parallel_loop3A_387 = arith.constant 1 : i32
        scf.for %parallel_loop3A_388 = %parallel_loop3A_385 to %parallel_loop3A_386 step %parallel_loop3A_387  : i32 {
          %parallel_loop3A_389 = arith.constant 16 : i32
          %parallel_loop3A_390 = arith.muli %parallel_loop3A_388, %parallel_loop3A_389 : i32
          %parallel_loop3A_391 = arith.addi %multiple_of3A_202, %parallel_loop3A_390 : i32
          %parallel_loop3A_392 = vector.broadcast %parallel_loop3A_391 : i32 to vector<16xi32>
          %parallel_loop3A_393 = arith.addi %parallel_loop3A_392, %iota3A : vector<16xi32>
          %parallel_loop3A_394 = tpu.vector_load_idx %arg10[%parallel_loop3A_393] : memref<8192xi32, #tpu.memory_space<vmem>>[vector<16xi32>], vector<16xi32>,
          %parallel_loop3A_395 = tpu.vector_load_idx %arg8[%parallel_loop3A_394] : memref<100352xf32, #tpu.memory_space<vmem>>[vector<16xi32>], vector<16xf32>,
          %parallel_loop3A_396 = arith.constant true
          %parallel_loop3A_397 = vector.broadcast %parallel_loop3A_396 : i1 to vector<16xi1>
          %parallel_loop3A_398 = tpu.scan <sum>, %parallel_loop3A_395 masked %parallel_loop3A_397 : vector<16xf32>, vector<16xi1> -> vector<16xf32>
          %parallel_loop3A_399 = arith.constant 16 : i32
          %parallel_loop3A_400 = arith.muli %parallel_loop3A_388, %parallel_loop3A_399 : i32
          %parallel_loop3A_401 = arith.index_cast %parallel_loop3A_400 : i32 to index
          %parallel_loop3A_402 = tpu.vector_load %arg11[%parallel_loop3A_401] {strides = array<i32>} : memref<4096xf32, #tpu.memory_space<vmem>>, vector<16xf32>,
          tpu.vector_store %arg11[%parallel_loop3A_401], %parallel_loop3A_398 {strides = array<i32>} : memref<4096xf32, #tpu.memory_space<vmem>>, vector<16xf32>,
        } {sc.loop_unroll_factor = 8 : i64, sc.parallel_access}
      } else {
      }
      %not3A = arith.constant true
      %not3A_218 = arith.xori %and3A_214, %not3A : i1
      %convert_element_type3A_219 = arith.extui %not3A_218 : i1 to i32
      %cond3A_220 = arith.constant 0 : i32
      %cond3A_221 = arith.cmpi ne, %convert_element_type3A_219, %cond3A_220 : i32
      scf.if %cond3A_221 {
        %min3A_385 = arith.constant 1595904 : i32
        %min3A_386 = arith.minsi %add3A_197, %min3A_385 : i32
        %multiple_of3A_387 = tpu.assume_multiple %min3A_386, 8 : i32
        %parallel_loop3A_388 = arith.constant 0 : i32
        %parallel_loop3A_389 = arith.constant 256 : i32
        %parallel_loop3A_390 = arith.constant 1 : i32
        scf.for %parallel_loop3A_391 = %parallel_loop3A_388 to %parallel_loop3A_389 step %parallel_loop3A_390  : i32 {
          %parallel_loop3A_392 = arith.constant 16 : i32
          %parallel_loop3A_393 = arith.muli %parallel_loop3A_391, %parallel_loop3A_392 : i32
          %parallel_loop3A_394 = arith.addi %add3A_197, %parallel_loop3A_393 : i32
          %parallel_loop3A_395 = vector.broadcast %parallel_loop3A_394 : i32 to vector<16xi32>
          %parallel_loop3A_396 = arith.addi %parallel_loop3A_395, %iota3A : vector<16xi32>
          %parallel_loop3A_397 = vector.broadcast %sub3A_73 : i32 to vector<16xi32>
          %parallel_loop3A_398 = arith.cmpi sge, %parallel_loop3A_396, %parallel_loop3A_397 : vector<16xi32>
          %parallel_loop3A_399 = vector.broadcast %sub3A_83 : i32 to vector<16xi32>
          %parallel_loop3A_400 = arith.cmpi slt, %parallel_loop3A_396, %parallel_loop3A_399 : vector<16xi32>
          %parallel_loop3A_401 = arith.andi %parallel_loop3A_398, %parallel_loop3A_400 : vector<16xi1>
          %parallel_loop3A_402 = vector.broadcast %multiple_of3A_387 : i32 to vector<16xi32>
          %parallel_loop3A_403 = arith.subi %parallel_loop3A_396, %parallel_loop3A_402 : vector<16xi32>
          %parallel_loop3A_404 = arith.constant 4095 : i32
          %parallel_loop3A_405 = vector.broadcast %parallel_loop3A_404 : i32 to vector<16xi32>
          %parallel_loop3A_406 = arith.minsi %parallel_loop3A_403, %parallel_loop3A_405 : vector<16xi32>
          %parallel_loop3A_407 = vector.broadcast %multiple_of3A_202 : i32 to vector<16xi32>
          %parallel_loop3A_408 = arith.addi %parallel_loop3A_406, %parallel_loop3A_407 : vector<16xi32>
          %parallel_loop3A_409 = tpu.vector_load_idx %arg10[%parallel_loop3A_408] : memref<8192xi32, #tpu.memory_space<vmem>>[vector<16xi32>], vector<16xi32>,
          %parallel_loop3A_410 = tpu.vector_load_idx %arg8[%parallel_loop3A_409] : memref<100352xf32, #tpu.memory_space<vmem>>[vector<16xi32>], vector<16xf32>,
          %parallel_loop3A_411 = arith.constant 0.000000e+00 : f32
          %parallel_loop3A_412 = vector.broadcast %parallel_loop3A_411 : f32 to vector<16xf32>
          %parallel_loop3A_413 = arith.select %parallel_loop3A_401, %parallel_loop3A_410, %parallel_loop3A_412 : vector<16xi1>, vector<16xf32>
          %parallel_loop3A_414 = arith.constant true
          %parallel_loop3A_415 = vector.broadcast %parallel_loop3A_414 : i1 to vector<16xi1>
          %parallel_loop3A_416 = tpu.scan <sum>, %parallel_loop3A_413 masked %parallel_loop3A_415 : vector<16xf32>, vector<16xi1> -> vector<16xf32>
          %parallel_loop3A_417 = arith.constant 16 : i32
          %parallel_loop3A_418 = arith.muli %parallel_loop3A_391, %parallel_loop3A_417 : i32
          %parallel_loop3A_419 = arith.index_cast %parallel_loop3A_418 : i32 to index
          %parallel_loop3A_420 = tpu.vector_load %arg11[%parallel_loop3A_419] {strides = array<i32>} : memref<4096xf32, #tpu.memory_space<vmem>>, vector<16xf32>,
          tpu.vector_store %arg11[%parallel_loop3A_419], %parallel_loop3A_416 {strides = array<i32>} : memref<4096xf32, #tpu.memory_space<vmem>>, vector<16xf32>,
        } {sc.loop_unroll_factor = 4 : i64, sc.parallel_access}
      } else {
      }
      %parallel_loop3A_222 = arith.constant 0 : i32
      %parallel_loop3A_223 = arith.constant 16 : i32
      %parallel_loop3A_224 = arith.constant 1 : i32
      scf.for %parallel_loop3A_385 = %parallel_loop3A_222 to %parallel_loop3A_223 step %parallel_loop3A_224  : i32 {
        %parallel_loop3A_386 = arith.constant 16 : i32
        %parallel_loop3A_387 = arith.muli %parallel_loop3A_385, %parallel_loop3A_386 : i32
        %parallel_loop3A_388 = vector.broadcast %parallel_loop3A_387 : i32 to vector<16xi32>
        %parallel_loop3A_389 = arith.addi %parallel_loop3A_388, %iota3A : vector<16xi32>
        %parallel_loop3A_390 = arith.constant 16 : i32
        %parallel_loop3A_391 = vector.broadcast %parallel_loop3A_390 : i32 to vector<16xi32>
        %parallel_loop3A_392 = arith.muli %parallel_loop3A_389, %parallel_loop3A_391 : vector<16xi32>
        %parallel_loop3A_393 = arith.constant 15 : i32
        %parallel_loop3A_394 = vector.broadcast %parallel_loop3A_393 : i32 to vector<16xi32>
        %parallel_loop3A_395 = arith.addi %parallel_loop3A_392, %parallel_loop3A_394 : vector<16xi32>
        %parallel_loop3A_396 = tpu.vector_load_idx %arg11[%parallel_loop3A_395] : memref<4096xf32, #tpu.memory_space<vmem>>[vector<16xi32>], vector<16xf32>,
        %parallel_loop3A_397 = arith.constant true
        %parallel_loop3A_398 = vector.broadcast %parallel_loop3A_397 : i1 to vector<16xi1>
        %parallel_loop3A_399 = tpu.scan <sum>, %parallel_loop3A_396 masked %parallel_loop3A_398 : vector<16xf32>, vector<16xi1> -> vector<16xf32>
        %parallel_loop3A_400 = arith.constant 16 : i32
        %parallel_loop3A_401 = arith.muli %parallel_loop3A_385, %parallel_loop3A_400 : i32
        %parallel_loop3A_402 = arith.index_cast %parallel_loop3A_401 : i32 to index
        %parallel_loop3A_403 = tpu.vector_load %arg12[%parallel_loop3A_402] {strides = array<i32>} : memref<256xf32, #tpu.memory_space<vmem>>, vector<16xf32>,
        tpu.vector_store %arg12[%parallel_loop3A_402], %parallel_loop3A_399 {strides = array<i32>} : memref<256xf32, #tpu.memory_space<vmem>>, vector<16xf32>,
      } {sc.loop_unroll_factor = 2 : i64, sc.parallel_access}
      %mul3A_225 = arith.constant 16 : i32
      %mul3A_226 = vector.broadcast %mul3A_225 : i32 to vector<16xi32>
      %mul3A_227 = arith.muli %iota3A, %mul3A_226 : vector<16xi32>
      %add3A_228 = arith.constant 15 : i32
      %add3A_229 = vector.broadcast %add3A_228 : i32 to vector<16xi32>
      %add3A_230 = arith.addi %mul3A_227, %add3A_229 : vector<16xi32>
      %gather3A = tpu.vector_load_idx %arg12[%add3A_230] : memref<256xf32, #tpu.memory_space<vmem>>[vector<16xi32>], vector<16xf32>,
      %broadcast_in_dim3A = arith.constant true
      %broadcast_in_dim3A_231 = vector.broadcast %broadcast_in_dim3A : i1 to vector<16xi1>
      %masked_cumsum3A = tpu.scan <sum>, %gather3A masked %broadcast_in_dim3A_231 : vector<16xf32>, vector<16xi1> -> vector<16xf32>
      %get3A_232 = arith.constant 16 : index
      %get3A_233 = tpu.vector_load %arg12[%get3A_232] {strides = array<i32>} : memref<256xf32, #tpu.memory_space<vmem>>, vector<16xf32>,
      %slice3A_234 = vector.extract_strided_slice %masked_cumsum3A {offsets = [0], sizes = [1], strides = [1]} : vector<16xf32> to vector<1xf32>
      %squeeze3A_235 = vector.extract %slice3A_234[0] : f32 from vector<1xf32>
      %add3A_236 = vector.broadcast %squeeze3A_235 : f32 to vector<16xf32>
      %add3A_237 = arith.addf %get3A_233, %add3A_236 : vector<16xf32>
      %swap3A = arith.constant 16 : index
      %swap3A_238 = tpu.vector_load %arg12[%swap3A] {strides = array<i32>} : memref<256xf32, #tpu.memory_space<vmem>>, vector<16xf32>,
      tpu.vector_store %arg12[%swap3A], %add3A_237 {strides = array<i32>} : memref<256xf32, #tpu.memory_space<vmem>>, vector<16xf32>,
      %get3A_239 = arith.constant 32 : index
      %get3A_240 = tpu.vector_load %arg12[%get3A_239] {strides = array<i32>} : memref<256xf32, #tpu.memory_space<vmem>>, vector<16xf32>,
      %slice3A_241 = vector.extract_strided_slice %masked_cumsum3A {offsets = [1], sizes = [1], strides = [1]} : vector<16xf32> to vector<1xf32>
      %squeeze3A_242 = vector.extract %slice3A_241[0] : f32 from vector<1xf32>
      %add3A_243 = vector.broadcast %squeeze3A_242 : f32 to vector<16xf32>
      %add3A_244 = arith.addf %get3A_240, %add3A_243 : vector<16xf32>
      %swap3A_245 = arith.constant 32 : index
      %swap3A_246 = tpu.vector_load %arg12[%swap3A_245] {strides = array<i32>} : memref<256xf32, #tpu.memory_space<vmem>>, vector<16xf32>,
      tpu.vector_store %arg12[%swap3A_245], %add3A_244 {strides = array<i32>} : memref<256xf32, #tpu.memory_space<vmem>>, vector<16xf32>,
      %get3A_247 = arith.constant 48 : index
      %get3A_248 = tpu.vector_load %arg12[%get3A_247] {strides = array<i32>} : memref<256xf32, #tpu.memory_space<vmem>>, vector<16xf32>,
      %slice3A_249 = vector.extract_strided_slice %masked_cumsum3A {offsets = [2], sizes = [1], strides = [1]} : vector<16xf32> to vector<1xf32>
      %squeeze3A_250 = vector.extract %slice3A_249[0] : f32 from vector<1xf32>
      %add3A_251 = vector.broadcast %squeeze3A_250 : f32 to vector<16xf32>
      %add3A_252 = arith.addf %get3A_248, %add3A_251 : vector<16xf32>
      %swap3A_253 = arith.constant 48 : index
      %swap3A_254 = tpu.vector_load %arg12[%swap3A_253] {strides = array<i32>} : memref<256xf32, #tpu.memory_space<vmem>>, vector<16xf32>,
      tpu.vector_store %arg12[%swap3A_253], %add3A_252 {strides = array<i32>} : memref<256xf32, #tpu.memory_space<vmem>>, vector<16xf32>,
      %get3A_255 = arith.constant 64 : index
      %get3A_256 = tpu.vector_load %arg12[%get3A_255] {strides = array<i32>} : memref<256xf32, #tpu.memory_space<vmem>>, vector<16xf32>,
      %slice3A_257 = vector.extract_strided_slice %masked_cumsum3A {offsets = [3], sizes = [1], strides = [1]} : vector<16xf32> to vector<1xf32>
      %squeeze3A_258 = vector.extract %slice3A_257[0] : f32 from vector<1xf32>
      %add3A_259 = vector.broadcast %squeeze3A_258 : f32 to vector<16xf32>
      %add3A_260 = arith.addf %get3A_256, %add3A_259 : vector<16xf32>
      %swap3A_261 = arith.constant 64 : index
      %swap3A_262 = tpu.vector_load %arg12[%swap3A_261] {strides = array<i32>} : memref<256xf32, #tpu.memory_space<vmem>>, vector<16xf32>,
      tpu.vector_store %arg12[%swap3A_261], %add3A_260 {strides = array<i32>} : memref<256xf32, #tpu.memory_space<vmem>>, vector<16xf32>,
      %get3A_263 = arith.constant 80 : index
      %get3A_264 = tpu.vector_load %arg12[%get3A_263] {strides = array<i32>} : memref<256xf32, #tpu.memory_space<vmem>>, vector<16xf32>,
      %slice3A_265 = vector.extract_strided_slice %masked_cumsum3A {offsets = [4], sizes = [1], strides = [1]} : vector<16xf32> to vector<1xf32>
      %squeeze3A_266 = vector.extract %slice3A_265[0] : f32 from vector<1xf32>
      %add3A_267 = vector.broadcast %squeeze3A_266 : f32 to vector<16xf32>
      %add3A_268 = arith.addf %get3A_264, %add3A_267 : vector<16xf32>
      %swap3A_269 = arith.constant 80 : index
      %swap3A_270 = tpu.vector_load %arg12[%swap3A_269] {strides = array<i32>} : memref<256xf32, #tpu.memory_space<vmem>>, vector<16xf32>,
      tpu.vector_store %arg12[%swap3A_269], %add3A_268 {strides = array<i32>} : memref<256xf32, #tpu.memory_space<vmem>>, vector<16xf32>,
      %get3A_271 = arith.constant 96 : index
      %get3A_272 = tpu.vector_load %arg12[%get3A_271] {strides = array<i32>} : memref<256xf32, #tpu.memory_space<vmem>>, vector<16xf32>,
      %slice3A_273 = vector.extract_strided_slice %masked_cumsum3A {offsets = [5], sizes = [1], strides = [1]} : vector<16xf32> to vector<1xf32>
      %squeeze3A_274 = vector.extract %slice3A_273[0] : f32 from vector<1xf32>
      %add3A_275 = vector.broadcast %squeeze3A_274 : f32 to vector<16xf32>
      %add3A_276 = arith.addf %get3A_272, %add3A_275 : vector<16xf32>
      %swap3A_277 = arith.constant 96 : index
      %swap3A_278 = tpu.vector_load %arg12[%swap3A_277] {strides = array<i32>} : memref<256xf32, #tpu.memory_space<vmem>>, vector<16xf32>,
      tpu.vector_store %arg12[%swap3A_277], %add3A_276 {strides = array<i32>} : memref<256xf32, #tpu.memory_space<vmem>>, vector<16xf32>,
      %get3A_279 = arith.constant 112 : index
      %get3A_280 = tpu.vector_load %arg12[%get3A_279] {strides = array<i32>} : memref<256xf32, #tpu.memory_space<vmem>>, vector<16xf32>,
      %slice3A_281 = vector.extract_strided_slice %masked_cumsum3A {offsets = [6], sizes = [1], strides = [1]} : vector<16xf32> to vector<1xf32>
      %squeeze3A_282 = vector.extract %slice3A_281[0] : f32 from vector<1xf32>
      %add3A_283 = vector.broadcast %squeeze3A_282 : f32 to vector<16xf32>
      %add3A_284 = arith.addf %get3A_280, %add3A_283 : vector<16xf32>
      %swap3A_285 = arith.constant 112 : index
      %swap3A_286 = tpu.vector_load %arg12[%swap3A_285] {strides = array<i32>} : memref<256xf32, #tpu.memory_space<vmem>>, vector<16xf32>,
      tpu.vector_store %arg12[%swap3A_285], %add3A_284 {strides = array<i32>} : memref<256xf32, #tpu.memory_space<vmem>>, vector<16xf32>,
      %get3A_287 = arith.constant 128 : index
      %get3A_288 = tpu.vector_load %arg12[%get3A_287] {strides = array<i32>} : memref<256xf32, #tpu.memory_space<vmem>>, vector<16xf32>,
      %slice3A_289 = vector.extract_strided_slice %masked_cumsum3A {offsets = [7], sizes = [1], strides = [1]} : vector<16xf32> to vector<1xf32>
      %squeeze3A_290 = vector.extract %slice3A_289[0] : f32 from vector<1xf32>
      %add3A_291 = vector.broadcast %squeeze3A_290 : f32 to vector<16xf32>
      %add3A_292 = arith.addf %get3A_288, %add3A_291 : vector<16xf32>
      %swap3A_293 = arith.constant 128 : index
      %swap3A_294 = tpu.vector_load %arg12[%swap3A_293] {strides = array<i32>} : memref<256xf32, #tpu.memory_space<vmem>>, vector<16xf32>,
      tpu.vector_store %arg12[%swap3A_293], %add3A_292 {strides = array<i32>} : memref<256xf32, #tpu.memory_space<vmem>>, vector<16xf32>,
      %get3A_295 = arith.constant 144 : index
      %get3A_296 = tpu.vector_load %arg12[%get3A_295] {strides = array<i32>} : memref<256xf32, #tpu.memory_space<vmem>>, vector<16xf32>,
      %slice3A_297 = vector.extract_strided_slice %masked_cumsum3A {offsets = [8], sizes = [1], strides = [1]} : vector<16xf32> to vector<1xf32>
      %squeeze3A_298 = vector.extract %slice3A_297[0] : f32 from vector<1xf32>
      %add3A_299 = vector.broadcast %squeeze3A_298 : f32 to vector<16xf32>
      %add3A_300 = arith.addf %get3A_296, %add3A_299 : vector<16xf32>
      %swap3A_301 = arith.constant 144 : index
      %swap3A_302 = tpu.vector_load %arg12[%swap3A_301] {strides = array<i32>} : memref<256xf32, #tpu.memory_space<vmem>>, vector<16xf32>,
      tpu.vector_store %arg12[%swap3A_301], %add3A_300 {strides = array<i32>} : memref<256xf32, #tpu.memory_space<vmem>>, vector<16xf32>,
      %get3A_303 = arith.constant 160 : index
      %get3A_304 = tpu.vector_load %arg12[%get3A_303] {strides = array<i32>} : memref<256xf32, #tpu.memory_space<vmem>>, vector<16xf32>,
      %slice3A_305 = vector.extract_strided_slice %masked_cumsum3A {offsets = [9], sizes = [1], strides = [1]} : vector<16xf32> to vector<1xf32>
      %squeeze3A_306 = vector.extract %slice3A_305[0] : f32 from vector<1xf32>
      %add3A_307 = vector.broadcast %squeeze3A_306 : f32 to vector<16xf32>
      %add3A_308 = arith.addf %get3A_304, %add3A_307 : vector<16xf32>
      %swap3A_309 = arith.constant 160 : index
      %swap3A_310 = tpu.vector_load %arg12[%swap3A_309] {strides = array<i32>} : memref<256xf32, #tpu.memory_space<vmem>>, vector<16xf32>,
      tpu.vector_store %arg12[%swap3A_309], %add3A_308 {strides = array<i32>} : memref<256xf32, #tpu.memory_space<vmem>>, vector<16xf32>,
      %get3A_311 = arith.constant 176 : index
      %get3A_312 = tpu.vector_load %arg12[%get3A_311] {strides = array<i32>} : memref<256xf32, #tpu.memory_space<vmem>>, vector<16xf32>,
      %slice3A_313 = vector.extract_strided_slice %masked_cumsum3A {offsets = [10], sizes = [1], strides = [1]} : vector<16xf32> to vector<1xf32>
      %squeeze3A_314 = vector.extract %slice3A_313[0] : f32 from vector<1xf32>
      %add3A_315 = vector.broadcast %squeeze3A_314 : f32 to vector<16xf32>
      %add3A_316 = arith.addf %get3A_312, %add3A_315 : vector<16xf32>
      %swap3A_317 = arith.constant 176 : index
      %swap3A_318 = tpu.vector_load %arg12[%swap3A_317] {strides = array<i32>} : memref<256xf32, #tpu.memory_space<vmem>>, vector<16xf32>,
      tpu.vector_store %arg12[%swap3A_317], %add3A_316 {strides = array<i32>} : memref<256xf32, #tpu.memory_space<vmem>>, vector<16xf32>,
      %get3A_319 = arith.constant 192 : index
      %get3A_320 = tpu.vector_load %arg12[%get3A_319] {strides = array<i32>} : memref<256xf32, #tpu.memory_space<vmem>>, vector<16xf32>,
      %slice3A_321 = vector.extract_strided_slice %masked_cumsum3A {offsets = [11], sizes = [1], strides = [1]} : vector<16xf32> to vector<1xf32>
      %squeeze3A_322 = vector.extract %slice3A_321[0] : f32 from vector<1xf32>
      %add3A_323 = vector.broadcast %squeeze3A_322 : f32 to vector<16xf32>
      %add3A_324 = arith.addf %get3A_320, %add3A_323 : vector<16xf32>
      %swap3A_325 = arith.constant 192 : index
      %swap3A_326 = tpu.vector_load %arg12[%swap3A_325] {strides = array<i32>} : memref<256xf32, #tpu.memory_space<vmem>>, vector<16xf32>,
      tpu.vector_store %arg12[%swap3A_325], %add3A_324 {strides = array<i32>} : memref<256xf32, #tpu.memory_space<vmem>>, vector<16xf32>,
      %get3A_327 = arith.constant 208 : index
      %get3A_328 = tpu.vector_load %arg12[%get3A_327] {strides = array<i32>} : memref<256xf32, #tpu.memory_space<vmem>>, vector<16xf32>,
      %slice3A_329 = vector.extract_strided_slice %masked_cumsum3A {offsets = [12], sizes = [1], strides = [1]} : vector<16xf32> to vector<1xf32>
      %squeeze3A_330 = vector.extract %slice3A_329[0] : f32 from vector<1xf32>
      %add3A_331 = vector.broadcast %squeeze3A_330 : f32 to vector<16xf32>
      %add3A_332 = arith.addf %get3A_328, %add3A_331 : vector<16xf32>
      %swap3A_333 = arith.constant 208 : index
      %swap3A_334 = tpu.vector_load %arg12[%swap3A_333] {strides = array<i32>} : memref<256xf32, #tpu.memory_space<vmem>>, vector<16xf32>,
      tpu.vector_store %arg12[%swap3A_333], %add3A_332 {strides = array<i32>} : memref<256xf32, #tpu.memory_space<vmem>>, vector<16xf32>,
      %get3A_335 = arith.constant 224 : index
      %get3A_336 = tpu.vector_load %arg12[%get3A_335] {strides = array<i32>} : memref<256xf32, #tpu.memory_space<vmem>>, vector<16xf32>,
      %slice3A_337 = vector.extract_strided_slice %masked_cumsum3A {offsets = [13], sizes = [1], strides = [1]} : vector<16xf32> to vector<1xf32>
      %squeeze3A_338 = vector.extract %slice3A_337[0] : f32 from vector<1xf32>
      %add3A_339 = vector.broadcast %squeeze3A_338 : f32 to vector<16xf32>
      %add3A_340 = arith.addf %get3A_336, %add3A_339 : vector<16xf32>
      %swap3A_341 = arith.constant 224 : index
      %swap3A_342 = tpu.vector_load %arg12[%swap3A_341] {strides = array<i32>} : memref<256xf32, #tpu.memory_space<vmem>>, vector<16xf32>,
      tpu.vector_store %arg12[%swap3A_341], %add3A_340 {strides = array<i32>} : memref<256xf32, #tpu.memory_space<vmem>>, vector<16xf32>,
      %get3A_343 = arith.constant 240 : index
      %get3A_344 = tpu.vector_load %arg12[%get3A_343] {strides = array<i32>} : memref<256xf32, #tpu.memory_space<vmem>>, vector<16xf32>,
      %slice3A_345 = vector.extract_strided_slice %masked_cumsum3A {offsets = [14], sizes = [1], strides = [1]} : vector<16xf32> to vector<1xf32>
      %squeeze3A_346 = vector.extract %slice3A_345[0] : f32 from vector<1xf32>
      %add3A_347 = vector.broadcast %squeeze3A_346 : f32 to vector<16xf32>
      %add3A_348 = arith.addf %get3A_344, %add3A_347 : vector<16xf32>
      %swap3A_349 = arith.constant 240 : index
      %swap3A_350 = tpu.vector_load %arg12[%swap3A_349] {strides = array<i32>} : memref<256xf32, #tpu.memory_space<vmem>>, vector<16xf32>,
      tpu.vector_store %arg12[%swap3A_349], %add3A_348 {strides = array<i32>} : memref<256xf32, #tpu.memory_space<vmem>>, vector<16xf32>,
      %slice3A_351 = vector.extract_strided_slice %masked_cumsum3A {offsets = [15], sizes = [1], strides = [1]} : vector<16xf32> to vector<1xf32>
      %squeeze3A_352 = vector.extract %slice3A_351[0] : f32 from vector<1xf32>
      %add3A_353 = arith.constant 4096 : i32
      %add3A_354 = arith.addi %add3A_197, %add3A_353 : i32
      %while3A_355 = arith.constant true
      %while3A_356:2 = scf.while (%while3A_385 = %while3A_193, %while3A_386 = %while3A_355) : (i32, i1) -> (i32, i1) {
        scf.condition(%while3A_386) %while3A_385, %while3A_386 : i32, i1
      } do {
      ^bb0(%while3A_385: i32, %while3A_386: i1):
        %mul3A_387 = arith.constant 16 : i32
        %mul3A_388 = vector.broadcast %mul3A_387 : i32 to vector<16xi32>
        %mul3A_389 = arith.muli %iota3A, %mul3A_388 : vector<16xi32>
        %add3A_390 = vector.broadcast %while3A_385 : i32 to vector<16xi32>
        %add3A_391 = arith.addi %add3A_390, %mul3A_389 : vector<16xi32>
        %add3A_392 = arith.constant 15 : i32
        %add3A_393 = vector.broadcast %add3A_392 : i32 to vector<16xi32>
        %add3A_394 = arith.addi %add3A_391, %add3A_393 : vector<16xi32>
        %add3A_395 = vector.broadcast %multiple_of3A : i32 to vector<16xi32>
        %add3A_396 = arith.addi %add3A_395, %add3A_394 : vector<16xi32>
        %min3A_397 = arith.constant 100000 : i32
        %min3A_398 = vector.broadcast %min3A_397 : i32 to vector<16xi32>
        %min3A_399 = arith.minsi %add3A_396, %min3A_398 : vector<16xi32>
        %sub3A_400 = vector.broadcast %multiple_of3A_4 : i32 to vector<16xi32>
        %sub3A_401 = arith.subi %min3A_399, %sub3A_400 : vector<16xi32>
        %gather3A_402 = tpu.vector_load_idx %arg9[%sub3A_401] : memref<3168xi32, #tpu.memory_space<vmem>>[vector<16xi32>], vector<16xi32>,
        %sub3A_403 = vector.broadcast %squeeze3A : i32 to vector<16xi32>
        %sub3A_404 = arith.subi %gather3A_402, %sub3A_403 : vector<16xi32>
        %lt3A_405 = vector.broadcast %add3A_354 : i32 to vector<16xi32>
        %lt3A_406 = arith.cmpi slt, %sub3A_404, %lt3A_405 : vector<16xi32>
        %le3A_407 = arith.constant 3136 : i32
        %le3A_408 = vector.broadcast %le3A_407 : i32 to vector<16xi32>
        %le3A_409 = arith.cmpi sle, %add3A_394, %le3A_408 : vector<16xi32>
        %and3A_410 = arith.andi %lt3A_406, %le3A_409 : vector<16xi1>
        %all_reduce_population_count3A_411 = tpu.all_reduce %and3A_410 {dim = 0 : i64, kind = #tpu.reduction_kind<sum>} : vector<16xi1> -> vector<16xi32>
        %slice3A_412 = vector.extract_strided_slice %all_reduce_population_count3A_411 {offsets = [0], sizes = [1], strides = [1]} : vector<16xi32> to vector<1xi32>
        %squeeze3A_413 = vector.extract %slice3A_412[0] : i32 from vector<1xi32>
        %mul3A_414 = arith.constant 16 : i32
        %mul3A_415 = arith.muli %squeeze3A_413, %mul3A_414 : i32
        %add3A_416 = arith.addi %while3A_385, %mul3A_415 : i32
        %ge3A_417 = arith.constant 16 : i32
        %ge3A_418 = arith.cmpi sge, %squeeze3A_413, %ge3A_417 : i32
        scf.yield %add3A_416, %ge3A_418 : i32, i1
      }
      %add3A_357 = vector.broadcast %while3A_356#0 : i32 to vector<16xi32>
      %add3A_358 = arith.addi %add3A_357, %iota3A : vector<16xi32>
      %add3A_359 = vector.broadcast %multiple_of3A : i32 to vector<16xi32>
      %add3A_360 = arith.addi %add3A_359, %add3A_358 : vector<16xi32>
      %min3A_361 = arith.constant 100000 : i32
      %min3A_362 = vector.broadcast %min3A_361 : i32 to vector<16xi32>
      %min3A_363 = arith.minsi %add3A_360, %min3A_362 : vector<16xi32>
      %sub3A_364 = vector.broadcast %multiple_of3A_4 : i32 to vector<16xi32>
      %sub3A_365 = arith.subi %min3A_363, %sub3A_364 : vector<16xi32>
      %gather3A_366 = tpu.vector_load_idx %arg9[%sub3A_365] : memref<3168xi32, #tpu.memory_space<vmem>>[vector<16xi32>], vector<16xi32>,
      %sub3A_367 = vector.broadcast %squeeze3A : i32 to vector<16xi32>
      %sub3A_368 = arith.subi %gather3A_366, %sub3A_367 : vector<16xi32>
      %lt3A_369 = vector.broadcast %add3A_354 : i32 to vector<16xi32>
      %lt3A_370 = arith.cmpi slt, %sub3A_368, %lt3A_369 : vector<16xi32>
      %le3A_371 = arith.constant 3136 : i32
      %le3A_372 = vector.broadcast %le3A_371 : i32 to vector<16xi32>
      %le3A_373 = arith.cmpi sle, %add3A_358, %le3A_372 : vector<16xi32>
      %and3A_374 = arith.andi %lt3A_370, %le3A_373 : vector<16xi1>
      %all_reduce_population_count3A = tpu.all_reduce %and3A_374 {dim = 0 : i64, kind = #tpu.reduction_kind<sum>} : vector<16xi1> -> vector<16xi32>
      %slice3A_375 = vector.extract_strided_slice %all_reduce_population_count3A {offsets = [0], sizes = [1], strides = [1]} : vector<16xi32> to vector<1xi32>
      %squeeze3A_376 = vector.extract %slice3A_375[0] : i32 from vector<1xi32>
      %add3A_377 = arith.addi %while3A_356#0, %squeeze3A_376 : i32
      %sub3A_378 = arith.subi %add3A_377, %while3A_193 : i32
      %add3A_379 = arith.constant 15 : i32
      %add3A_380 = arith.addi %sub3A_378, %add3A_379 : i32
      %shift_right_arithmetic3A = arith.constant 4 : i32
      %shift_right_arithmetic3A_381 = arith.shrsi %add3A_380, %shift_right_arithmetic3A : i32
      %parallel_loop3A_382 = arith.constant 0 : i32
      %parallel_loop3A_383 = arith.constant 1 : i32
      scf.for %parallel_loop3A_385 = %parallel_loop3A_382 to %shift_right_arithmetic3A_381 step %parallel_loop3A_383  : i32 {
        %parallel_loop3A_386 = arith.constant 16 : i32
        %parallel_loop3A_387 = arith.muli %parallel_loop3A_385, %parallel_loop3A_386 : i32
        %parallel_loop3A_388 = arith.addi %while3A_193, %parallel_loop3A_387 : i32
        %parallel_loop3A_389 = vector.broadcast %parallel_loop3A_388 : i32 to vector<16xi32>
        %parallel_loop3A_390 = arith.addi %parallel_loop3A_389, %iota3A : vector<16xi32>
        %parallel_loop3A_391 = vector.broadcast %add3A_377 : i32 to vector<16xi32>
        %parallel_loop3A_392 = arith.cmpi slt, %parallel_loop3A_390, %parallel_loop3A_391 : vector<16xi32>
        %parallel_loop3A_393 = arith.constant 3136 : i32
        %parallel_loop3A_394 = vector.broadcast %parallel_loop3A_393 : i32 to vector<16xi32>
        %parallel_loop3A_395 = arith.minsi %parallel_loop3A_390, %parallel_loop3A_394 : vector<16xi32>
        %parallel_loop3A_396 = vector.broadcast %multiple_of3A : i32 to vector<16xi32>
        %parallel_loop3A_397 = arith.addi %parallel_loop3A_396, %parallel_loop3A_395 : vector<16xi32>
        %parallel_loop3A_398 = arith.constant 100000 : i32
        %parallel_loop3A_399 = vector.broadcast %parallel_loop3A_398 : i32 to vector<16xi32>
        %parallel_loop3A_400 = arith.minsi %parallel_loop3A_397, %parallel_loop3A_399 : vector<16xi32>
        %parallel_loop3A_401 = vector.broadcast %multiple_of3A_4 : i32 to vector<16xi32>
        %parallel_loop3A_402 = arith.subi %parallel_loop3A_400, %parallel_loop3A_401 : vector<16xi32>
        %parallel_loop3A_403 = tpu.vector_load_idx %arg9[%parallel_loop3A_402] : memref<3168xi32, #tpu.memory_space<vmem>>[vector<16xi32>], vector<16xi32>,
        %parallel_loop3A_404 = vector.broadcast %squeeze3A : i32 to vector<16xi32>
        %parallel_loop3A_405 = arith.subi %parallel_loop3A_403, %parallel_loop3A_404 : vector<16xi32>
        %parallel_loop3A_406 = vector.broadcast %add3A_197 : i32 to vector<16xi32>
        %parallel_loop3A_407 = arith.subi %parallel_loop3A_405, %parallel_loop3A_406 : vector<16xi32>
        %parallel_loop3A_408 = arith.constant 4 : i32
        %parallel_loop3A_409 = vector.broadcast %parallel_loop3A_408 : i32 to vector<16xi32>
        %parallel_loop3A_410 = arith.shrui %parallel_loop3A_407, %parallel_loop3A_409 : vector<16xi32>
        %parallel_loop3A_411 = arith.constant 15 : i32
        %parallel_loop3A_412 = vector.broadcast %parallel_loop3A_411 : i32 to vector<16xi32>
        %parallel_loop3A_413 = arith.andi %parallel_loop3A_407, %parallel_loop3A_412 : vector<16xi32>
        %parallel_loop3A_414 = arith.constant 0 : i32
        %parallel_loop3A_415 = vector.broadcast %parallel_loop3A_414 : i32 to vector<16xi32>
        %parallel_loop3A_416 = arith.cmpi sgt, %parallel_loop3A_410, %parallel_loop3A_415 : vector<16xi32>
        %parallel_loop3A_417 = arith.constant 1 : i32
        %parallel_loop3A_418 = vector.broadcast %parallel_loop3A_417 : i32 to vector<16xi32>
        %parallel_loop3A_419 = arith.subi %parallel_loop3A_410, %parallel_loop3A_418 : vector<16xi32>
        %parallel_loop3A_420 = arith.constant 0 : i32
        %parallel_loop3A_421 = arith.constant 255 : i32
        %parallel_loop3A_422 = vector.broadcast %parallel_loop3A_420 : i32 to vector<16xi32>
        %parallel_loop3A_423 = arith.maxsi %parallel_loop3A_422, %parallel_loop3A_419 : vector<16xi32>
        %parallel_loop3A_424 = vector.broadcast %parallel_loop3A_421 : i32 to vector<16xi32>
        %parallel_loop3A_425 = arith.minsi %parallel_loop3A_424, %parallel_loop3A_423 : vector<16xi32>
        %parallel_loop3A_426 = tpu.vector_load_idx %arg12[%parallel_loop3A_425] : memref<256xf32, #tpu.memory_space<vmem>>[vector<16xi32>], vector<16xf32>,
        %parallel_loop3A_427 = arith.constant 0.000000e+00 : f32
        %parallel_loop3A_428 = vector.broadcast %parallel_loop3A_427 : f32 to vector<16xf32>
        %parallel_loop3A_429 = arith.select %parallel_loop3A_416, %parallel_loop3A_426, %parallel_loop3A_428 : vector<16xi1>, vector<16xf32>
        %parallel_loop3A_430 = arith.constant 0 : i32
        %parallel_loop3A_431 = vector.broadcast %parallel_loop3A_430 : i32 to vector<16xi32>
        %parallel_loop3A_432 = arith.cmpi sgt, %parallel_loop3A_413, %parallel_loop3A_431 : vector<16xi32>
        %parallel_loop3A_433 = arith.constant 1 : i32
        %parallel_loop3A_434 = vector.broadcast %parallel_loop3A_433 : i32 to vector<16xi32>
        %parallel_loop3A_435 = arith.subi %parallel_loop3A_407, %parallel_loop3A_434 : vector<16xi32>
        %parallel_loop3A_436 = arith.constant 0 : i32
        %parallel_loop3A_437 = arith.constant 4095 : i32
        %parallel_loop3A_438 = vector.broadcast %parallel_loop3A_436 : i32 to vector<16xi32>
        %parallel_loop3A_439 = arith.maxsi %parallel_loop3A_438, %parallel_loop3A_435 : vector<16xi32>
        %parallel_loop3A_440 = vector.broadcast %parallel_loop3A_437 : i32 to vector<16xi32>
        %parallel_loop3A_441 = arith.minsi %parallel_loop3A_440, %parallel_loop3A_439 : vector<16xi32>
        %parallel_loop3A_442 = tpu.vector_load_idx %arg11[%parallel_loop3A_441] : memref<4096xf32, #tpu.memory_space<vmem>>[vector<16xi32>], vector<16xf32>,
        %parallel_loop3A_443 = arith.constant 0.000000e+00 : f32
        %parallel_loop3A_444 = vector.broadcast %parallel_loop3A_443 : f32 to vector<16xf32>
        %parallel_loop3A_445 = arith.select %parallel_loop3A_432, %parallel_loop3A_442, %parallel_loop3A_444 : vector<16xi1>, vector<16xf32>
        %parallel_loop3A_446 = vector.broadcast %while3A_194 : f32 to vector<16xf32>
        %parallel_loop3A_447 = arith.addf %parallel_loop3A_446, %parallel_loop3A_429 : vector<16xf32>
        %parallel_loop3A_448 = arith.addf %parallel_loop3A_447, %parallel_loop3A_445 : vector<16xf32>
        tpu.vector_store_idx %arg13[%parallel_loop3A_390], %parallel_loop3A_448 masked %parallel_loop3A_392 : memref<3152xf32, #tpu.memory_space<vmem>>[vector<16xi32>], vector<16xf32>, vector<16xi1>
      } {sc.loop_unroll_factor = 2 : i64, sc.parallel_access}
      %add3A_384 = arith.addf %while3A_194, %squeeze3A_352 : f32
      scf.yield %add3A_377, %add3A_384 : i32, f32
    }
    %while3A_188 = arith.constant 1 : i32
    %while3A_189:2 = scf.for %while3A_192 = %while3A_185 to %while3A_181 step %while3A_188 iter_args(%while3A_193 = %while3A_187#0, %while3A_194 = %while3A_187#1) -> (i32, f32)  : i32 {
      %mul3A_195 = arith.constant 4096 : i32
      %mul3A_196 = arith.muli %while3A_192, %mul3A_195 : i32
      %add3A_197 = arith.addi %and3A_84, %mul3A_196 : i32
      %and3A_198 = arith.constant 1 : i32
      %and3A_199 = arith.andi %while3A_192, %and3A_198 : i32
      %mul3A_200 = arith.constant 4096 : i32
      %mul3A_201 = arith.muli %and3A_199, %mul3A_200 : i32
      %multiple_of3A_202 = tpu.assume_multiple %mul3A_201, 8 : i32
      %dma_wait3A_203 = tpu.memref_slice %arg10[%multiple_of3A_202] : memref<8192xi32, #tpu.memory_space<vmem>> -> memref<4096xi32, #tpu.memory_space<vmem>>
      %dma_wait3A_204 = arith.constant 0 : i32
      %dma_wait3A_205 = tpu.memref_slice %arg3[%dma_wait3A_204] : memref<1600000xi32, #tpu.memory_space<hbm>> -> memref<4096xi32, #tpu.memory_space<hbm>>
      %dma_wait3A_206 = tpu.memref_slice %arg10[%multiple_of3A_202] : memref<8192xi32, #tpu.memory_space<vmem>> -> memref<4096xi32, #tpu.memory_space<vmem>>
      %dma_wait3A_207 = arith.constant 0 : i32
      %dma_wait3A_208 = tpu.memref_slice %arg3[%dma_wait3A_207] : memref<1600000xi32, #tpu.memory_space<hbm>> -> memref<4096xi32, #tpu.memory_space<hbm>>
      tpu.wait_dma2 semaphore(%arg18 : memref<!tpu.dma_semaphore, #tpu.memory_space<semaphore_mem>>) src(%dma_wait3A_208 : memref<4096xi32, #tpu.memory_space<hbm>>) dst(%dma_wait3A_206 : memref<4096xi32, #tpu.memory_space<vmem>>)
      %add3A_209 = arith.constant 1 : i32
      %add3A_210 = arith.addi %while3A_192, %add3A_209 : i32
      %lt3A = arith.cmpi slt, %add3A_210, %add3A_105 : i32
      %convert_element_type3A = arith.extui %lt3A : i1 to i32
      %cond3A = arith.constant 0 : i32
      %cond3A_211 = arith.cmpi ne, %convert_element_type3A, %cond3A : i32
      scf.if %cond3A_211 {
        %add3A_385 = arith.constant 4096 : i32
        %add3A_386 = arith.addi %add3A_197, %add3A_385 : i32
        %min3A_387 = arith.constant 1595904 : i32
        %min3A_388 = arith.minsi %add3A_386, %min3A_387 : i32
        %multiple_of3A_389 = tpu.assume_multiple %min3A_388, 8 : i32
        %add3A_390 = arith.constant 1 : i32
        %add3A_391 = arith.addi %while3A_192, %add3A_390 : i32
        %and3A_392 = arith.constant 1 : i32
        %and3A_393 = arith.andi %add3A_391, %and3A_392 : i32
        %mul3A_394 = arith.constant 4096 : i32
        %mul3A_395 = arith.muli %and3A_393, %mul3A_394 : i32
        %multiple_of3A_396 = tpu.assume_multiple %mul3A_395, 8 : i32
        %dma_start3A_397 = tpu.memref_slice %arg10[%multiple_of3A_396] : memref<8192xi32, #tpu.memory_space<vmem>> -> memref<4096xi32, #tpu.memory_space<vmem>>
        %dma_start3A_398 = tpu.memref_slice %arg3[%multiple_of3A_389] : memref<1600000xi32, #tpu.memory_space<hbm>> -> memref<4096xi32, #tpu.memory_space<hbm>>
        %dma_start3A_399 = tpu.memref_slice %arg10[%multiple_of3A_396] : memref<8192xi32, #tpu.memory_space<vmem>> -> memref<4096xi32, #tpu.memory_space<vmem>>
        %dma_start3A_400 = tpu.memref_slice %arg3[%multiple_of3A_389] : memref<1600000xi32, #tpu.memory_space<hbm>> -> memref<4096xi32, #tpu.memory_space<hbm>>
        tpu.enqueue_dma source(%dma_start3A_400 : memref<4096xi32, #tpu.memory_space<hbm>>) target(%dma_start3A_399 : memref<4096xi32, #tpu.memory_space<vmem>>) target_semaphore(%arg18 : memref<!tpu.dma_semaphore, #tpu.memory_space<semaphore_mem>>)
      } else {
      }
      %ge3A = arith.cmpi sge, %add3A_197, %sub3A_73 : i32
      %add3A_212 = arith.constant 4096 : i32
      %add3A_213 = arith.addi %add3A_197, %add3A_212 : i32
      %le3A = arith.cmpi sle, %add3A_213, %sub3A_83 : i32
      %and3A_214 = arith.andi %ge3A, %le3A : i1
      %convert_element_type3A_215 = arith.extui %and3A_214 : i1 to i32
      %cond3A_216 = arith.constant 0 : i32
      %cond3A_217 = arith.cmpi ne, %convert_element_type3A_215, %cond3A_216 : i32
      scf.if %cond3A_217 {
        %parallel_loop3A_385 = arith.constant 0 : i32
        %parallel_loop3A_386 = arith.constant 256 : i32
        %parallel_loop3A_387 = arith.constant 1 : i32
        scf.for %parallel_loop3A_388 = %parallel_loop3A_385 to %parallel_loop3A_386 step %parallel_loop3A_387  : i32 {
          %parallel_loop3A_389 = arith.constant 16 : i32
          %parallel_loop3A_390 = arith.muli %parallel_loop3A_388, %parallel_loop3A_389 : i32
          %parallel_loop3A_391 = arith.addi %multiple_of3A_202, %parallel_loop3A_390 : i32
          %parallel_loop3A_392 = vector.broadcast %parallel_loop3A_391 : i32 to vector<16xi32>
          %parallel_loop3A_393 = arith.addi %parallel_loop3A_392, %iota3A : vector<16xi32>
          %parallel_loop3A_394 = tpu.vector_load_idx %arg10[%parallel_loop3A_393] : memref<8192xi32, #tpu.memory_space<vmem>>[vector<16xi32>], vector<16xi32>,
          %parallel_loop3A_395 = tpu.vector_load_idx %arg8[%parallel_loop3A_394] : memref<100352xf32, #tpu.memory_space<vmem>>[vector<16xi32>], vector<16xf32>,
          %parallel_loop3A_396 = arith.constant true
          %parallel_loop3A_397 = vector.broadcast %parallel_loop3A_396 : i1 to vector<16xi1>
          %parallel_loop3A_398 = tpu.scan <sum>, %parallel_loop3A_395 masked %parallel_loop3A_397 : vector<16xf32>, vector<16xi1> -> vector<16xf32>
          %parallel_loop3A_399 = arith.constant 16 : i32
          %parallel_loop3A_400 = arith.muli %parallel_loop3A_388, %parallel_loop3A_399 : i32
          %parallel_loop3A_401 = arith.index_cast %parallel_loop3A_400 : i32 to index
          %parallel_loop3A_402 = tpu.vector_load %arg11[%parallel_loop3A_401] {strides = array<i32>} : memref<4096xf32, #tpu.memory_space<vmem>>, vector<16xf32>,
          tpu.vector_store %arg11[%parallel_loop3A_401], %parallel_loop3A_398 {strides = array<i32>} : memref<4096xf32, #tpu.memory_space<vmem>>, vector<16xf32>,
        } {sc.loop_unroll_factor = 8 : i64, sc.parallel_access}
      } else {
      }
      %not3A = arith.constant true
      %not3A_218 = arith.xori %and3A_214, %not3A : i1
      %convert_element_type3A_219 = arith.extui %not3A_218 : i1 to i32
      %cond3A_220 = arith.constant 0 : i32
      %cond3A_221 = arith.cmpi ne, %convert_element_type3A_219, %cond3A_220 : i32
      scf.if %cond3A_221 {
        %min3A_385 = arith.constant 1595904 : i32
        %min3A_386 = arith.minsi %add3A_197, %min3A_385 : i32
        %multiple_of3A_387 = tpu.assume_multiple %min3A_386, 8 : i32
        %parallel_loop3A_388 = arith.constant 0 : i32
        %parallel_loop3A_389 = arith.constant 256 : i32
        %parallel_loop3A_390 = arith.constant 1 : i32
        scf.for %parallel_loop3A_391 = %parallel_loop3A_388 to %parallel_loop3A_389 step %parallel_loop3A_390  : i32 {
          %parallel_loop3A_392 = arith.constant 16 : i32
          %parallel_loop3A_393 = arith.muli %parallel_loop3A_391, %parallel_loop3A_392 : i32
          %parallel_loop3A_394 = arith.addi %add3A_197, %parallel_loop3A_393 : i32
          %parallel_loop3A_395 = vector.broadcast %parallel_loop3A_394 : i32 to vector<16xi32>
          %parallel_loop3A_396 = arith.addi %parallel_loop3A_395, %iota3A : vector<16xi32>
          %parallel_loop3A_397 = vector.broadcast %sub3A_73 : i32 to vector<16xi32>
          %parallel_loop3A_398 = arith.cmpi sge, %parallel_loop3A_396, %parallel_loop3A_397 : vector<16xi32>
          %parallel_loop3A_399 = vector.broadcast %sub3A_83 : i32 to vector<16xi32>
          %parallel_loop3A_400 = arith.cmpi slt, %parallel_loop3A_396, %parallel_loop3A_399 : vector<16xi32>
          %parallel_loop3A_401 = arith.andi %parallel_loop3A_398, %parallel_loop3A_400 : vector<16xi1>
          %parallel_loop3A_402 = vector.broadcast %multiple_of3A_387 : i32 to vector<16xi32>
          %parallel_loop3A_403 = arith.subi %parallel_loop3A_396, %parallel_loop3A_402 : vector<16xi32>
          %parallel_loop3A_404 = arith.constant 4095 : i32
          %parallel_loop3A_405 = vector.broadcast %parallel_loop3A_404 : i32 to vector<16xi32>
          %parallel_loop3A_406 = arith.minsi %parallel_loop3A_403, %parallel_loop3A_405 : vector<16xi32>
          %parallel_loop3A_407 = vector.broadcast %multiple_of3A_202 : i32 to vector<16xi32>
          %parallel_loop3A_408 = arith.addi %parallel_loop3A_406, %parallel_loop3A_407 : vector<16xi32>
          %parallel_loop3A_409 = tpu.vector_load_idx %arg10[%parallel_loop3A_408] : memref<8192xi32, #tpu.memory_space<vmem>>[vector<16xi32>], vector<16xi32>,
          %parallel_loop3A_410 = tpu.vector_load_idx %arg8[%parallel_loop3A_409] : memref<100352xf32, #tpu.memory_space<vmem>>[vector<16xi32>], vector<16xf32>,
          %parallel_loop3A_411 = arith.constant 0.000000e+00 : f32
          %parallel_loop3A_412 = vector.broadcast %parallel_loop3A_411 : f32 to vector<16xf32>
          %parallel_loop3A_413 = arith.select %parallel_loop3A_401, %parallel_loop3A_410, %parallel_loop3A_412 : vector<16xi1>, vector<16xf32>
          %parallel_loop3A_414 = arith.constant true
          %parallel_loop3A_415 = vector.broadcast %parallel_loop3A_414 : i1 to vector<16xi1>
          %parallel_loop3A_416 = tpu.scan <sum>, %parallel_loop3A_413 masked %parallel_loop3A_415 : vector<16xf32>, vector<16xi1> -> vector<16xf32>
          %parallel_loop3A_417 = arith.constant 16 : i32
          %parallel_loop3A_418 = arith.muli %parallel_loop3A_391, %parallel_loop3A_417 : i32
          %parallel_loop3A_419 = arith.index_cast %parallel_loop3A_418 : i32 to index
          %parallel_loop3A_420 = tpu.vector_load %arg11[%parallel_loop3A_419] {strides = array<i32>} : memref<4096xf32, #tpu.memory_space<vmem>>, vector<16xf32>,
          tpu.vector_store %arg11[%parallel_loop3A_419], %parallel_loop3A_416 {strides = array<i32>} : memref<4096xf32, #tpu.memory_space<vmem>>, vector<16xf32>,
        } {sc.loop_unroll_factor = 4 : i64, sc.parallel_access}
      } else {
      }
      %parallel_loop3A_222 = arith.constant 0 : i32
      %parallel_loop3A_223 = arith.constant 16 : i32
      %parallel_loop3A_224 = arith.constant 1 : i32
      scf.for %parallel_loop3A_385 = %parallel_loop3A_222 to %parallel_loop3A_223 step %parallel_loop3A_224  : i32 {
        %parallel_loop3A_386 = arith.constant 16 : i32
        %parallel_loop3A_387 = arith.muli %parallel_loop3A_385, %parallel_loop3A_386 : i32
        %parallel_loop3A_388 = vector.broadcast %parallel_loop3A_387 : i32 to vector<16xi32>
        %parallel_loop3A_389 = arith.addi %parallel_loop3A_388, %iota3A : vector<16xi32>
        %parallel_loop3A_390 = arith.constant 16 : i32
        %parallel_loop3A_391 = vector.broadcast %parallel_loop3A_390 : i32 to vector<16xi32>
        %parallel_loop3A_392 = arith.muli %parallel_loop3A_389, %parallel_loop3A_391 : vector<16xi32>
        %parallel_loop3A_393 = arith.constant 15 : i32
        %parallel_loop3A_394 = vector.broadcast %parallel_loop3A_393 : i32 to vector<16xi32>
        %parallel_loop3A_395 = arith.addi %parallel_loop3A_392, %parallel_loop3A_394 : vector<16xi32>
        %parallel_loop3A_396 = tpu.vector_load_idx %arg11[%parallel_loop3A_395] : memref<4096xf32, #tpu.memory_space<vmem>>[vector<16xi32>], vector<16xf32>,
        %parallel_loop3A_397 = arith.constant true
        %parallel_loop3A_398 = vector.broadcast %parallel_loop3A_397 : i1 to vector<16xi1>
        %parallel_loop3A_399 = tpu.scan <sum>, %parallel_loop3A_396 masked %parallel_loop3A_398 : vector<16xf32>, vector<16xi1> -> vector<16xf32>
        %parallel_loop3A_400 = arith.constant 16 : i32
        %parallel_loop3A_401 = arith.muli %parallel_loop3A_385, %parallel_loop3A_400 : i32
        %parallel_loop3A_402 = arith.index_cast %parallel_loop3A_401 : i32 to index
        %parallel_loop3A_403 = tpu.vector_load %arg12[%parallel_loop3A_402] {strides = array<i32>} : memref<256xf32, #tpu.memory_space<vmem>>, vector<16xf32>,
        tpu.vector_store %arg12[%parallel_loop3A_402], %parallel_loop3A_399 {strides = array<i32>} : memref<256xf32, #tpu.memory_space<vmem>>, vector<16xf32>,
      } {sc.loop_unroll_factor = 2 : i64, sc.parallel_access}
      %mul3A_225 = arith.constant 16 : i32
      %mul3A_226 = vector.broadcast %mul3A_225 : i32 to vector<16xi32>
      %mul3A_227 = arith.muli %iota3A, %mul3A_226 : vector<16xi32>
      %add3A_228 = arith.constant 15 : i32
      %add3A_229 = vector.broadcast %add3A_228 : i32 to vector<16xi32>
      %add3A_230 = arith.addi %mul3A_227, %add3A_229 : vector<16xi32>
      %gather3A = tpu.vector_load_idx %arg12[%add3A_230] : memref<256xf32, #tpu.memory_space<vmem>>[vector<16xi32>], vector<16xf32>,
      %broadcast_in_dim3A = arith.constant true
      %broadcast_in_dim3A_231 = vector.broadcast %broadcast_in_dim3A : i1 to vector<16xi1>
      %masked_cumsum3A = tpu.scan <sum>, %gather3A masked %broadcast_in_dim3A_231 : vector<16xf32>, vector<16xi1> -> vector<16xf32>
      %get3A_232 = arith.constant 16 : index
      %get3A_233 = tpu.vector_load %arg12[%get3A_232] {strides = array<i32>} : memref<256xf32, #tpu.memory_space<vmem>>, vector<16xf32>,
      %slice3A_234 = vector.extract_strided_slice %masked_cumsum3A {offsets = [0], sizes = [1], strides = [1]} : vector<16xf32> to vector<1xf32>
      %squeeze3A_235 = vector.extract %slice3A_234[0] : f32 from vector<1xf32>
      %add3A_236 = vector.broadcast %squeeze3A_235 : f32 to vector<16xf32>
      %add3A_237 = arith.addf %get3A_233, %add3A_236 : vector<16xf32>
      %swap3A = arith.constant 16 : index
      %swap3A_238 = tpu.vector_load %arg12[%swap3A] {strides = array<i32>} : memref<256xf32, #tpu.memory_space<vmem>>, vector<16xf32>,
      tpu.vector_store %arg12[%swap3A], %add3A_237 {strides = array<i32>} : memref<256xf32, #tpu.memory_space<vmem>>, vector<16xf32>,
      %get3A_239 = arith.constant 32 : index
      %get3A_240 = tpu.vector_load %arg12[%get3A_239] {strides = array<i32>} : memref<256xf32, #tpu.memory_space<vmem>>, vector<16xf32>,
      %slice3A_241 = vector.extract_strided_slice %masked_cumsum3A {offsets = [1], sizes = [1], strides = [1]} : vector<16xf32> to vector<1xf32>
      %squeeze3A_242 = vector.extract %slice3A_241[0] : f32 from vector<1xf32>
      %add3A_243 = vector.broadcast %squeeze3A_242 : f32 to vector<16xf32>
      %add3A_244 = arith.addf %get3A_240, %add3A_243 : vector<16xf32>
      %swap3A_245 = arith.constant 32 : index
      %swap3A_246 = tpu.vector_load %arg12[%swap3A_245] {strides = array<i32>} : memref<256xf32, #tpu.memory_space<vmem>>, vector<16xf32>,
      tpu.vector_store %arg12[%swap3A_245], %add3A_244 {strides = array<i32>} : memref<256xf32, #tpu.memory_space<vmem>>, vector<16xf32>,
      %get3A_247 = arith.constant 48 : index
      %get3A_248 = tpu.vector_load %arg12[%get3A_247] {strides = array<i32>} : memref<256xf32, #tpu.memory_space<vmem>>, vector<16xf32>,
      %slice3A_249 = vector.extract_strided_slice %masked_cumsum3A {offsets = [2], sizes = [1], strides = [1]} : vector<16xf32> to vector<1xf32>
      %squeeze3A_250 = vector.extract %slice3A_249[0] : f32 from vector<1xf32>
      %add3A_251 = vector.broadcast %squeeze3A_250 : f32 to vector<16xf32>
      %add3A_252 = arith.addf %get3A_248, %add3A_251 : vector<16xf32>
      %swap3A_253 = arith.constant 48 : index
      %swap3A_254 = tpu.vector_load %arg12[%swap3A_253] {strides = array<i32>} : memref<256xf32, #tpu.memory_space<vmem>>, vector<16xf32>,
      tpu.vector_store %arg12[%swap3A_253], %add3A_252 {strides = array<i32>} : memref<256xf32, #tpu.memory_space<vmem>>, vector<16xf32>,
      %get3A_255 = arith.constant 64 : index
      %get3A_256 = tpu.vector_load %arg12[%get3A_255] {strides = array<i32>} : memref<256xf32, #tpu.memory_space<vmem>>, vector<16xf32>,
      %slice3A_257 = vector.extract_strided_slice %masked_cumsum3A {offsets = [3], sizes = [1], strides = [1]} : vector<16xf32> to vector<1xf32>
      %squeeze3A_258 = vector.extract %slice3A_257[0] : f32 from vector<1xf32>
      %add3A_259 = vector.broadcast %squeeze3A_258 : f32 to vector<16xf32>
      %add3A_260 = arith.addf %get3A_256, %add3A_259 : vector<16xf32>
      %swap3A_261 = arith.constant 64 : index
      %swap3A_262 = tpu.vector_load %arg12[%swap3A_261] {strides = array<i32>} : memref<256xf32, #tpu.memory_space<vmem>>, vector<16xf32>,
      tpu.vector_store %arg12[%swap3A_261], %add3A_260 {strides = array<i32>} : memref<256xf32, #tpu.memory_space<vmem>>, vector<16xf32>,
      %get3A_263 = arith.constant 80 : index
      %get3A_264 = tpu.vector_load %arg12[%get3A_263] {strides = array<i32>} : memref<256xf32, #tpu.memory_space<vmem>>, vector<16xf32>,
      %slice3A_265 = vector.extract_strided_slice %masked_cumsum3A {offsets = [4], sizes = [1], strides = [1]} : vector<16xf32> to vector<1xf32>
      %squeeze3A_266 = vector.extract %slice3A_265[0] : f32 from vector<1xf32>
      %add3A_267 = vector.broadcast %squeeze3A_266 : f32 to vector<16xf32>
      %add3A_268 = arith.addf %get3A_264, %add3A_267 : vector<16xf32>
      %swap3A_269 = arith.constant 80 : index
      %swap3A_270 = tpu.vector_load %arg12[%swap3A_269] {strides = array<i32>} : memref<256xf32, #tpu.memory_space<vmem>>, vector<16xf32>,
      tpu.vector_store %arg12[%swap3A_269], %add3A_268 {strides = array<i32>} : memref<256xf32, #tpu.memory_space<vmem>>, vector<16xf32>,
      %get3A_271 = arith.constant 96 : index
      %get3A_272 = tpu.vector_load %arg12[%get3A_271] {strides = array<i32>} : memref<256xf32, #tpu.memory_space<vmem>>, vector<16xf32>,
      %slice3A_273 = vector.extract_strided_slice %masked_cumsum3A {offsets = [5], sizes = [1], strides = [1]} : vector<16xf32> to vector<1xf32>
      %squeeze3A_274 = vector.extract %slice3A_273[0] : f32 from vector<1xf32>
      %add3A_275 = vector.broadcast %squeeze3A_274 : f32 to vector<16xf32>
      %add3A_276 = arith.addf %get3A_272, %add3A_275 : vector<16xf32>
      %swap3A_277 = arith.constant 96 : index
      %swap3A_278 = tpu.vector_load %arg12[%swap3A_277] {strides = array<i32>} : memref<256xf32, #tpu.memory_space<vmem>>, vector<16xf32>,
      tpu.vector_store %arg12[%swap3A_277], %add3A_276 {strides = array<i32>} : memref<256xf32, #tpu.memory_space<vmem>>, vector<16xf32>,
      %get3A_279 = arith.constant 112 : index
      %get3A_280 = tpu.vector_load %arg12[%get3A_279] {strides = array<i32>} : memref<256xf32, #tpu.memory_space<vmem>>, vector<16xf32>,
      %slice3A_281 = vector.extract_strided_slice %masked_cumsum3A {offsets = [6], sizes = [1], strides = [1]} : vector<16xf32> to vector<1xf32>
      %squeeze3A_282 = vector.extract %slice3A_281[0] : f32 from vector<1xf32>
      %add3A_283 = vector.broadcast %squeeze3A_282 : f32 to vector<16xf32>
      %add3A_284 = arith.addf %get3A_280, %add3A_283 : vector<16xf32>
      %swap3A_285 = arith.constant 112 : index
      %swap3A_286 = tpu.vector_load %arg12[%swap3A_285] {strides = array<i32>} : memref<256xf32, #tpu.memory_space<vmem>>, vector<16xf32>,
      tpu.vector_store %arg12[%swap3A_285], %add3A_284 {strides = array<i32>} : memref<256xf32, #tpu.memory_space<vmem>>, vector<16xf32>,
      %get3A_287 = arith.constant 128 : index
      %get3A_288 = tpu.vector_load %arg12[%get3A_287] {strides = array<i32>} : memref<256xf32, #tpu.memory_space<vmem>>, vector<16xf32>,
      %slice3A_289 = vector.extract_strided_slice %masked_cumsum3A {offsets = [7], sizes = [1], strides = [1]} : vector<16xf32> to vector<1xf32>
      %squeeze3A_290 = vector.extract %slice3A_289[0] : f32 from vector<1xf32>
      %add3A_291 = vector.broadcast %squeeze3A_290 : f32 to vector<16xf32>
      %add3A_292 = arith.addf %get3A_288, %add3A_291 : vector<16xf32>
      %swap3A_293 = arith.constant 128 : index
      %swap3A_294 = tpu.vector_load %arg12[%swap3A_293] {strides = array<i32>} : memref<256xf32, #tpu.memory_space<vmem>>, vector<16xf32>,
      tpu.vector_store %arg12[%swap3A_293], %add3A_292 {strides = array<i32>} : memref<256xf32, #tpu.memory_space<vmem>>, vector<16xf32>,
      %get3A_295 = arith.constant 144 : index
      %get3A_296 = tpu.vector_load %arg12[%get3A_295] {strides = array<i32>} : memref<256xf32, #tpu.memory_space<vmem>>, vector<16xf32>,
      %slice3A_297 = vector.extract_strided_slice %masked_cumsum3A {offsets = [8], sizes = [1], strides = [1]} : vector<16xf32> to vector<1xf32>
      %squeeze3A_298 = vector.extract %slice3A_297[0] : f32 from vector<1xf32>
      %add3A_299 = vector.broadcast %squeeze3A_298 : f32 to vector<16xf32>
      %add3A_300 = arith.addf %get3A_296, %add3A_299 : vector<16xf32>
      %swap3A_301 = arith.constant 144 : index
      %swap3A_302 = tpu.vector_load %arg12[%swap3A_301] {strides = array<i32>} : memref<256xf32, #tpu.memory_space<vmem>>, vector<16xf32>,
      tpu.vector_store %arg12[%swap3A_301], %add3A_300 {strides = array<i32>} : memref<256xf32, #tpu.memory_space<vmem>>, vector<16xf32>,
      %get3A_303 = arith.constant 160 : index
      %get3A_304 = tpu.vector_load %arg12[%get3A_303] {strides = array<i32>} : memref<256xf32, #tpu.memory_space<vmem>>, vector<16xf32>,
      %slice3A_305 = vector.extract_strided_slice %masked_cumsum3A {offsets = [9], sizes = [1], strides = [1]} : vector<16xf32> to vector<1xf32>
      %squeeze3A_306 = vector.extract %slice3A_305[0] : f32 from vector<1xf32>
      %add3A_307 = vector.broadcast %squeeze3A_306 : f32 to vector<16xf32>
      %add3A_308 = arith.addf %get3A_304, %add3A_307 : vector<16xf32>
      %swap3A_309 = arith.constant 160 : index
      %swap3A_310 = tpu.vector_load %arg12[%swap3A_309] {strides = array<i32>} : memref<256xf32, #tpu.memory_space<vmem>>, vector<16xf32>,
      tpu.vector_store %arg12[%swap3A_309], %add3A_308 {strides = array<i32>} : memref<256xf32, #tpu.memory_space<vmem>>, vector<16xf32>,
      %get3A_311 = arith.constant 176 : index
      %get3A_312 = tpu.vector_load %arg12[%get3A_311] {strides = array<i32>} : memref<256xf32, #tpu.memory_space<vmem>>, vector<16xf32>,
      %slice3A_313 = vector.extract_strided_slice %masked_cumsum3A {offsets = [10], sizes = [1], strides = [1]} : vector<16xf32> to vector<1xf32>
      %squeeze3A_314 = vector.extract %slice3A_313[0] : f32 from vector<1xf32>
      %add3A_315 = vector.broadcast %squeeze3A_314 : f32 to vector<16xf32>
      %add3A_316 = arith.addf %get3A_312, %add3A_315 : vector<16xf32>
      %swap3A_317 = arith.constant 176 : index
      %swap3A_318 = tpu.vector_load %arg12[%swap3A_317] {strides = array<i32>} : memref<256xf32, #tpu.memory_space<vmem>>, vector<16xf32>,
      tpu.vector_store %arg12[%swap3A_317], %add3A_316 {strides = array<i32>} : memref<256xf32, #tpu.memory_space<vmem>>, vector<16xf32>,
      %get3A_319 = arith.constant 192 : index
      %get3A_320 = tpu.vector_load %arg12[%get3A_319] {strides = array<i32>} : memref<256xf32, #tpu.memory_space<vmem>>, vector<16xf32>,
      %slice3A_321 = vector.extract_strided_slice %masked_cumsum3A {offsets = [11], sizes = [1], strides = [1]} : vector<16xf32> to vector<1xf32>
      %squeeze3A_322 = vector.extract %slice3A_321[0] : f32 from vector<1xf32>
      %add3A_323 = vector.broadcast %squeeze3A_322 : f32 to vector<16xf32>
      %add3A_324 = arith.addf %get3A_320, %add3A_323 : vector<16xf32>
      %swap3A_325 = arith.constant 192 : index
      %swap3A_326 = tpu.vector_load %arg12[%swap3A_325] {strides = array<i32>} : memref<256xf32, #tpu.memory_space<vmem>>, vector<16xf32>,
      tpu.vector_store %arg12[%swap3A_325], %add3A_324 {strides = array<i32>} : memref<256xf32, #tpu.memory_space<vmem>>, vector<16xf32>,
      %get3A_327 = arith.constant 208 : index
      %get3A_328 = tpu.vector_load %arg12[%get3A_327] {strides = array<i32>} : memref<256xf32, #tpu.memory_space<vmem>>, vector<16xf32>,
      %slice3A_329 = vector.extract_strided_slice %masked_cumsum3A {offsets = [12], sizes = [1], strides = [1]} : vector<16xf32> to vector<1xf32>
      %squeeze3A_330 = vector.extract %slice3A_329[0] : f32 from vector<1xf32>
      %add3A_331 = vector.broadcast %squeeze3A_330 : f32 to vector<16xf32>
      %add3A_332 = arith.addf %get3A_328, %add3A_331 : vector<16xf32>
      %swap3A_333 = arith.constant 208 : index
      %swap3A_334 = tpu.vector_load %arg12[%swap3A_333] {strides = array<i32>} : memref<256xf32, #tpu.memory_space<vmem>>, vector<16xf32>,
      tpu.vector_store %arg12[%swap3A_333], %add3A_332 {strides = array<i32>} : memref<256xf32, #tpu.memory_space<vmem>>, vector<16xf32>,
      %get3A_335 = arith.constant 224 : index
      %get3A_336 = tpu.vector_load %arg12[%get3A_335] {strides = array<i32>} : memref<256xf32, #tpu.memory_space<vmem>>, vector<16xf32>,
      %slice3A_337 = vector.extract_strided_slice %masked_cumsum3A {offsets = [13], sizes = [1], strides = [1]} : vector<16xf32> to vector<1xf32>
      %squeeze3A_338 = vector.extract %slice3A_337[0] : f32 from vector<1xf32>
      %add3A_339 = vector.broadcast %squeeze3A_338 : f32 to vector<16xf32>
      %add3A_340 = arith.addf %get3A_336, %add3A_339 : vector<16xf32>
      %swap3A_341 = arith.constant 224 : index
      %swap3A_342 = tpu.vector_load %arg12[%swap3A_341] {strides = array<i32>} : memref<256xf32, #tpu.memory_space<vmem>>, vector<16xf32>,
      tpu.vector_store %arg12[%swap3A_341], %add3A_340 {strides = array<i32>} : memref<256xf32, #tpu.memory_space<vmem>>, vector<16xf32>,
      %get3A_343 = arith.constant 240 : index
      %get3A_344 = tpu.vector_load %arg12[%get3A_343] {strides = array<i32>} : memref<256xf32, #tpu.memory_space<vmem>>, vector<16xf32>,
      %slice3A_345 = vector.extract_strided_slice %masked_cumsum3A {offsets = [14], sizes = [1], strides = [1]} : vector<16xf32> to vector<1xf32>
      %squeeze3A_346 = vector.extract %slice3A_345[0] : f32 from vector<1xf32>
      %add3A_347 = vector.broadcast %squeeze3A_346 : f32 to vector<16xf32>
      %add3A_348 = arith.addf %get3A_344, %add3A_347 : vector<16xf32>
      %swap3A_349 = arith.constant 240 : index
      %swap3A_350 = tpu.vector_load %arg12[%swap3A_349] {strides = array<i32>} : memref<256xf32, #tpu.memory_space<vmem>>, vector<16xf32>,
      tpu.vector_store %arg12[%swap3A_349], %add3A_348 {strides = array<i32>} : memref<256xf32, #tpu.memory_space<vmem>>, vector<16xf32>,
      %slice3A_351 = vector.extract_strided_slice %masked_cumsum3A {offsets = [15], sizes = [1], strides = [1]} : vector<16xf32> to vector<1xf32>
      %squeeze3A_352 = vector.extract %slice3A_351[0] : f32 from vector<1xf32>
      %add3A_353 = arith.constant 4096 : i32
      %add3A_354 = arith.addi %add3A_197, %add3A_353 : i32
      %while3A_355 = arith.constant true
      %while3A_356:2 = scf.while (%while3A_385 = %while3A_193, %while3A_386 = %while3A_355) : (i32, i1) -> (i32, i1) {
        scf.condition(%while3A_386) %while3A_385, %while3A_386 : i32, i1
      } do {
      ^bb0(%while3A_385: i32, %while3A_386: i1):
        %mul3A_387 = arith.constant 16 : i32
        %mul3A_388 = vector.broadcast %mul3A_387 : i32 to vector<16xi32>
        %mul3A_389 = arith.muli %iota3A, %mul3A_388 : vector<16xi32>
        %add3A_390 = vector.broadcast %while3A_385 : i32 to vector<16xi32>
        %add3A_391 = arith.addi %add3A_390, %mul3A_389 : vector<16xi32>
        %add3A_392 = arith.constant 15 : i32
        %add3A_393 = vector.broadcast %add3A_392 : i32 to vector<16xi32>
        %add3A_394 = arith.addi %add3A_391, %add3A_393 : vector<16xi32>
        %add3A_395 = vector.broadcast %multiple_of3A : i32 to vector<16xi32>
        %add3A_396 = arith.addi %add3A_395, %add3A_394 : vector<16xi32>
        %min3A_397 = arith.constant 100000 : i32
        %min3A_398 = vector.broadcast %min3A_397 : i32 to vector<16xi32>
        %min3A_399 = arith.minsi %add3A_396, %min3A_398 : vector<16xi32>
        %sub3A_400 = vector.broadcast %multiple_of3A_4 : i32 to vector<16xi32>
        %sub3A_401 = arith.subi %min3A_399, %sub3A_400 : vector<16xi32>
        %gather3A_402 = tpu.vector_load_idx %arg9[%sub3A_401] : memref<3168xi32, #tpu.memory_space<vmem>>[vector<16xi32>], vector<16xi32>,
        %sub3A_403 = vector.broadcast %squeeze3A : i32 to vector<16xi32>
        %sub3A_404 = arith.subi %gather3A_402, %sub3A_403 : vector<16xi32>
        %lt3A_405 = vector.broadcast %add3A_354 : i32 to vector<16xi32>
        %lt3A_406 = arith.cmpi slt, %sub3A_404, %lt3A_405 : vector<16xi32>
        %le3A_407 = arith.constant 3136 : i32
        %le3A_408 = vector.broadcast %le3A_407 : i32 to vector<16xi32>
        %le3A_409 = arith.cmpi sle, %add3A_394, %le3A_408 : vector<16xi32>
        %and3A_410 = arith.andi %lt3A_406, %le3A_409 : vector<16xi1>
        %all_reduce_population_count3A_411 = tpu.all_reduce %and3A_410 {dim = 0 : i64, kind = #tpu.reduction_kind<sum>} : vector<16xi1> -> vector<16xi32>
        %slice3A_412 = vector.extract_strided_slice %all_reduce_population_count3A_411 {offsets = [0], sizes = [1], strides = [1]} : vector<16xi32> to vector<1xi32>
        %squeeze3A_413 = vector.extract %slice3A_412[0] : i32 from vector<1xi32>
        %mul3A_414 = arith.constant 16 : i32
        %mul3A_415 = arith.muli %squeeze3A_413, %mul3A_414 : i32
        %add3A_416 = arith.addi %while3A_385, %mul3A_415 : i32
        %ge3A_417 = arith.constant 16 : i32
        %ge3A_418 = arith.cmpi sge, %squeeze3A_413, %ge3A_417 : i32
        scf.yield %add3A_416, %ge3A_418 : i32, i1
      }
      %add3A_357 = vector.broadcast %while3A_356#0 : i32 to vector<16xi32>
      %add3A_358 = arith.addi %add3A_357, %iota3A : vector<16xi32>
      %add3A_359 = vector.broadcast %multiple_of3A : i32 to vector<16xi32>
      %add3A_360 = arith.addi %add3A_359, %add3A_358 : vector<16xi32>
      %min3A_361 = arith.constant 100000 : i32
      %min3A_362 = vector.broadcast %min3A_361 : i32 to vector<16xi32>
      %min3A_363 = arith.minsi %add3A_360, %min3A_362 : vector<16xi32>
      %sub3A_364 = vector.broadcast %multiple_of3A_4 : i32 to vector<16xi32>
      %sub3A_365 = arith.subi %min3A_363, %sub3A_364 : vector<16xi32>
      %gather3A_366 = tpu.vector_load_idx %arg9[%sub3A_365] : memref<3168xi32, #tpu.memory_space<vmem>>[vector<16xi32>], vector<16xi32>,
      %sub3A_367 = vector.broadcast %squeeze3A : i32 to vector<16xi32>
      %sub3A_368 = arith.subi %gather3A_366, %sub3A_367 : vector<16xi32>
      %lt3A_369 = vector.broadcast %add3A_354 : i32 to vector<16xi32>
      %lt3A_370 = arith.cmpi slt, %sub3A_368, %lt3A_369 : vector<16xi32>
      %le3A_371 = arith.constant 3136 : i32
      %le3A_372 = vector.broadcast %le3A_371 : i32 to vector<16xi32>
      %le3A_373 = arith.cmpi sle, %add3A_358, %le3A_372 : vector<16xi32>
      %and3A_374 = arith.andi %lt3A_370, %le3A_373 : vector<16xi1>
      %all_reduce_population_count3A = tpu.all_reduce %and3A_374 {dim = 0 : i64, kind = #tpu.reduction_kind<sum>} : vector<16xi1> -> vector<16xi32>
      %slice3A_375 = vector.extract_strided_slice %all_reduce_population_count3A {offsets = [0], sizes = [1], strides = [1]} : vector<16xi32> to vector<1xi32>
      %squeeze3A_376 = vector.extract %slice3A_375[0] : i32 from vector<1xi32>
      %add3A_377 = arith.addi %while3A_356#0, %squeeze3A_376 : i32
      %sub3A_378 = arith.subi %add3A_377, %while3A_193 : i32
      %add3A_379 = arith.constant 15 : i32
      %add3A_380 = arith.addi %sub3A_378, %add3A_379 : i32
      %shift_right_arithmetic3A = arith.constant 4 : i32
      %shift_right_arithmetic3A_381 = arith.shrsi %add3A_380, %shift_right_arithmetic3A : i32
      %parallel_loop3A_382 = arith.constant 0 : i32
      %parallel_loop3A_383 = arith.constant 1 : i32
      scf.for %parallel_loop3A_385 = %parallel_loop3A_382 to %shift_right_arithmetic3A_381 step %parallel_loop3A_383  : i32 {
        %parallel_loop3A_386 = arith.constant 16 : i32
        %parallel_loop3A_387 = arith.muli %parallel_loop3A_385, %parallel_loop3A_386 : i32
        %parallel_loop3A_388 = arith.addi %while3A_193, %parallel_loop3A_387 : i32
        %parallel_loop3A_389 = vector.broadcast %parallel_loop3A_388 : i32 to vector<16xi32>
        %parallel_loop3A_390 = arith.addi %parallel_loop3A_389, %iota3A : vector<16xi32>
        %parallel_loop3A_391 = vector.broadcast %add3A_377 : i32 to vector<16xi32>
        %parallel_loop3A_392 = arith.cmpi slt, %parallel_loop3A_390, %parallel_loop3A_391 : vector<16xi32>
        %parallel_loop3A_393 = arith.constant 3136 : i32
        %parallel_loop3A_394 = vector.broadcast %parallel_loop3A_393 : i32 to vector<16xi32>
        %parallel_loop3A_395 = arith.minsi %parallel_loop3A_390, %parallel_loop3A_394 : vector<16xi32>
        %parallel_loop3A_396 = vector.broadcast %multiple_of3A : i32 to vector<16xi32>
        %parallel_loop3A_397 = arith.addi %parallel_loop3A_396, %parallel_loop3A_395 : vector<16xi32>
        %parallel_loop3A_398 = arith.constant 100000 : i32
        %parallel_loop3A_399 = vector.broadcast %parallel_loop3A_398 : i32 to vector<16xi32>
        %parallel_loop3A_400 = arith.minsi %parallel_loop3A_397, %parallel_loop3A_399 : vector<16xi32>
        %parallel_loop3A_401 = vector.broadcast %multiple_of3A_4 : i32 to vector<16xi32>
        %parallel_loop3A_402 = arith.subi %parallel_loop3A_400, %parallel_loop3A_401 : vector<16xi32>
        %parallel_loop3A_403 = tpu.vector_load_idx %arg9[%parallel_loop3A_402] : memref<3168xi32, #tpu.memory_space<vmem>>[vector<16xi32>], vector<16xi32>,
        %parallel_loop3A_404 = vector.broadcast %squeeze3A : i32 to vector<16xi32>
        %parallel_loop3A_405 = arith.subi %parallel_loop3A_403, %parallel_loop3A_404 : vector<16xi32>
        %parallel_loop3A_406 = vector.broadcast %add3A_197 : i32 to vector<16xi32>
        %parallel_loop3A_407 = arith.subi %parallel_loop3A_405, %parallel_loop3A_406 : vector<16xi32>
        %parallel_loop3A_408 = arith.constant 4 : i32
        %parallel_loop3A_409 = vector.broadcast %parallel_loop3A_408 : i32 to vector<16xi32>
        %parallel_loop3A_410 = arith.shrui %parallel_loop3A_407, %parallel_loop3A_409 : vector<16xi32>
        %parallel_loop3A_411 = arith.constant 15 : i32
        %parallel_loop3A_412 = vector.broadcast %parallel_loop3A_411 : i32 to vector<16xi32>
        %parallel_loop3A_413 = arith.andi %parallel_loop3A_407, %parallel_loop3A_412 : vector<16xi32>
        %parallel_loop3A_414 = arith.constant 0 : i32
        %parallel_loop3A_415 = vector.broadcast %parallel_loop3A_414 : i32 to vector<16xi32>
        %parallel_loop3A_416 = arith.cmpi sgt, %parallel_loop3A_410, %parallel_loop3A_415 : vector<16xi32>
        %parallel_loop3A_417 = arith.constant 1 : i32
        %parallel_loop3A_418 = vector.broadcast %parallel_loop3A_417 : i32 to vector<16xi32>
        %parallel_loop3A_419 = arith.subi %parallel_loop3A_410, %parallel_loop3A_418 : vector<16xi32>
        %parallel_loop3A_420 = arith.constant 0 : i32
        %parallel_loop3A_421 = arith.constant 255 : i32
        %parallel_loop3A_422 = vector.broadcast %parallel_loop3A_420 : i32 to vector<16xi32>
        %parallel_loop3A_423 = arith.maxsi %parallel_loop3A_422, %parallel_loop3A_419 : vector<16xi32>
        %parallel_loop3A_424 = vector.broadcast %parallel_loop3A_421 : i32 to vector<16xi32>
        %parallel_loop3A_425 = arith.minsi %parallel_loop3A_424, %parallel_loop3A_423 : vector<16xi32>
        %parallel_loop3A_426 = tpu.vector_load_idx %arg12[%parallel_loop3A_425] : memref<256xf32, #tpu.memory_space<vmem>>[vector<16xi32>], vector<16xf32>,
        %parallel_loop3A_427 = arith.constant 0.000000e+00 : f32
        %parallel_loop3A_428 = vector.broadcast %parallel_loop3A_427 : f32 to vector<16xf32>
        %parallel_loop3A_429 = arith.select %parallel_loop3A_416, %parallel_loop3A_426, %parallel_loop3A_428 : vector<16xi1>, vector<16xf32>
        %parallel_loop3A_430 = arith.constant 0 : i32
        %parallel_loop3A_431 = vector.broadcast %parallel_loop3A_430 : i32 to vector<16xi32>
        %parallel_loop3A_432 = arith.cmpi sgt, %parallel_loop3A_413, %parallel_loop3A_431 : vector<16xi32>
        %parallel_loop3A_433 = arith.constant 1 : i32
        %parallel_loop3A_434 = vector.broadcast %parallel_loop3A_433 : i32 to vector<16xi32>
        %parallel_loop3A_435 = arith.subi %parallel_loop3A_407, %parallel_loop3A_434 : vector<16xi32>
        %parallel_loop3A_436 = arith.constant 0 : i32
        %parallel_loop3A_437 = arith.constant 4095 : i32
        %parallel_loop3A_438 = vector.broadcast %parallel_loop3A_436 : i32 to vector<16xi32>
        %parallel_loop3A_439 = arith.maxsi %parallel_loop3A_438, %parallel_loop3A_435 : vector<16xi32>
        %parallel_loop3A_440 = vector.broadcast %parallel_loop3A_437 : i32 to vector<16xi32>
        %parallel_loop3A_441 = arith.minsi %parallel_loop3A_440, %parallel_loop3A_439 : vector<16xi32>
        %parallel_loop3A_442 = tpu.vector_load_idx %arg11[%parallel_loop3A_441] : memref<4096xf32, #tpu.memory_space<vmem>>[vector<16xi32>], vector<16xf32>,
        %parallel_loop3A_443 = arith.constant 0.000000e+00 : f32
        %parallel_loop3A_444 = vector.broadcast %parallel_loop3A_443 : f32 to vector<16xf32>
        %parallel_loop3A_445 = arith.select %parallel_loop3A_432, %parallel_loop3A_442, %parallel_loop3A_444 : vector<16xi1>, vector<16xf32>
        %parallel_loop3A_446 = vector.broadcast %while3A_194 : f32 to vector<16xf32>
        %parallel_loop3A_447 = arith.addf %parallel_loop3A_446, %parallel_loop3A_429 : vector<16xf32>
        %parallel_loop3A_448 = arith.addf %parallel_loop3A_447, %parallel_loop3A_445 : vector<16xf32>
        tpu.vector_store_idx %arg13[%parallel_loop3A_390], %parallel_loop3A_448 masked %parallel_loop3A_392 : memref<3152xf32, #tpu.memory_space<vmem>>[vector<16xi32>], vector<16xf32>, vector<16xi1>
      } {sc.loop_unroll_factor = 2 : i64, sc.parallel_access}
      %add3A_384 = arith.addf %while3A_194, %squeeze3A_352 : f32
      scf.yield %add3A_377, %add3A_384 : i32, f32
    }
    %parallel_loop3A = arith.constant 0 : i32
    %parallel_loop3A_190 = arith.constant 196 : i32
    %parallel_loop3A_191 = arith.constant 1 : i32
    "tpu.trace_stop"() : () -> ()
    scf.for %parallel_loop3A_192 = %parallel_loop3A to %parallel_loop3A_190 step %parallel_loop3A_191  : i32 {
      %parallel_loop3A_193 = arith.constant 16 : i32
      %parallel_loop3A_194 = arith.muli %parallel_loop3A_192, %parallel_loop3A_193 : i32
      %parallel_loop3A_195 = vector.broadcast %parallel_loop3A_194 : i32 to vector<16xi32>
      %parallel_loop3A_196 = arith.addi %parallel_loop3A_195, %iota3A : vector<16xi32>
      %parallel_loop3A_197 = tpu.vector_load_idx %arg13[%parallel_loop3A_196] : memref<3152xf32, #tpu.memory_space<vmem>>[vector<16xi32>], vector<16xf32>,
      %parallel_loop3A_198 = arith.constant 16 : i32
      %parallel_loop3A_199 = arith.muli %parallel_loop3A_192, %parallel_loop3A_198 : i32
      %parallel_loop3A_200 = arith.constant 1 : i32
      %parallel_loop3A_201 = arith.addi %parallel_loop3A_199, %parallel_loop3A_200 : i32
      %parallel_loop3A_202 = vector.broadcast %parallel_loop3A_201 : i32 to vector<16xi32>
      %parallel_loop3A_203 = arith.addi %parallel_loop3A_202, %iota3A : vector<16xi32>
      %parallel_loop3A_204 = tpu.vector_load_idx %arg13[%parallel_loop3A_203] : memref<3152xf32, #tpu.memory_space<vmem>>[vector<16xi32>], vector<16xf32>,
      %parallel_loop3A_205 = arith.subf %parallel_loop3A_204, %parallel_loop3A_197 : vector<16xf32>
      %parallel_loop3A_206 = arith.constant 16 : i32
      %parallel_loop3A_207 = arith.muli %parallel_loop3A_192, %parallel_loop3A_206 : i32
      %parallel_loop3A_208 = vector.broadcast %parallel_loop3A_207 : i32 to vector<16xi32>
      %parallel_loop3A_209 = arith.addi %parallel_loop3A_208, %iota3A : vector<16xi32>
      %parallel_loop3A_210 = vector.broadcast %multiple_of3A : i32 to vector<16xi32>
      %parallel_loop3A_211 = arith.addi %parallel_loop3A_210, %parallel_loop3A_209 : vector<16xi32>
      %parallel_loop3A_212 = arith.constant 100000 : i32
      %parallel_loop3A_213 = vector.broadcast %parallel_loop3A_212 : i32 to vector<16xi32>
      %parallel_loop3A_214 = arith.minsi %parallel_loop3A_211, %parallel_loop3A_213 : vector<16xi32>
      %parallel_loop3A_215 = vector.broadcast %multiple_of3A_4 : i32 to vector<16xi32>
      %parallel_loop3A_216 = arith.subi %parallel_loop3A_214, %parallel_loop3A_215 : vector<16xi32>
      %parallel_loop3A_217 = tpu.vector_load_idx %arg9[%parallel_loop3A_216] : memref<3168xi32, #tpu.memory_space<vmem>>[vector<16xi32>], vector<16xi32>,
      %parallel_loop3A_218 = arith.constant 16 : i32
      %parallel_loop3A_219 = arith.muli %parallel_loop3A_192, %parallel_loop3A_218 : i32
      %parallel_loop3A_220 = arith.constant 1 : i32
      %parallel_loop3A_221 = arith.addi %parallel_loop3A_219, %parallel_loop3A_220 : i32
      %parallel_loop3A_222 = vector.broadcast %parallel_loop3A_221 : i32 to vector<16xi32>
      %parallel_loop3A_223 = arith.addi %parallel_loop3A_222, %iota3A : vector<16xi32>
      %parallel_loop3A_224 = vector.broadcast %multiple_of3A : i32 to vector<16xi32>
      %parallel_loop3A_225 = arith.addi %parallel_loop3A_224, %parallel_loop3A_223 : vector<16xi32>
      %parallel_loop3A_226 = arith.constant 100000 : i32
      %parallel_loop3A_227 = vector.broadcast %parallel_loop3A_226 : i32 to vector<16xi32>
      %parallel_loop3A_228 = arith.minsi %parallel_loop3A_225, %parallel_loop3A_227 : vector<16xi32>
      %parallel_loop3A_229 = vector.broadcast %multiple_of3A_4 : i32 to vector<16xi32>
      %parallel_loop3A_230 = arith.subi %parallel_loop3A_228, %parallel_loop3A_229 : vector<16xi32>
      %parallel_loop3A_231 = tpu.vector_load_idx %arg9[%parallel_loop3A_230] : memref<3168xi32, #tpu.memory_space<vmem>>[vector<16xi32>], vector<16xi32>,
      %parallel_loop3A_232 = arith.subi %parallel_loop3A_231, %parallel_loop3A_217 : vector<16xi32>
      %parallel_loop3A_233 = arith.sitofp %parallel_loop3A_232 : vector<16xi32> to vector<16xf32>
      %parallel_loop3A_234 = arith.constant 16 : i32
      %parallel_loop3A_235 = arith.muli %parallel_loop3A_192, %parallel_loop3A_234 : i32
      %parallel_loop3A_236 = arith.index_cast %parallel_loop3A_235 : i32 to index
      %parallel_loop3A_237 = tpu.vector_load %arg16[%parallel_loop3A_236] {strides = array<i32>} : memref<3136xf32, #tpu.memory_space<vmem>>, vector<16xf32>,
      tpu.vector_store %arg16[%parallel_loop3A_236], %parallel_loop3A_233 {strides = array<i32>} : memref<3136xf32, #tpu.memory_space<vmem>>, vector<16xf32>,
      %parallel_loop3A_238 = arith.constant 16 : i32
      %parallel_loop3A_239 = arith.muli %parallel_loop3A_192, %parallel_loop3A_238 : i32
      %parallel_loop3A_240 = arith.index_cast %parallel_loop3A_239 : i32 to index
      %parallel_loop3A_241 = tpu.vector_load %arg14[%parallel_loop3A_240] {strides = array<i32>} : memref<3136xf32, #tpu.memory_space<vmem>>, vector<16xf32>,
      tpu.vector_store %arg14[%parallel_loop3A_240], %parallel_loop3A_205 {strides = array<i32>} : memref<3136xf32, #tpu.memory_space<vmem>>, vector<16xf32>,
    } {sc.loop_unroll_factor = 8 : i64, sc.parallel_access}
    "tpu.region"() ({
      %run_scoped3A = tpu.sem_alloc : memref<!tpu.dma_semaphore, #tpu.memory_space<semaphore_mem>>
      %dma_start3A_192 = tpu.memref_slice %arg6[%multiple_of3A] : memref<100352xf32, #tpu.memory_space<hbm>> -> memref<3136xf32, #tpu.memory_space<hbm>>
      %dma_start3A_193 = tpu.memref_slice %arg6[%multiple_of3A] : memref<100352xf32, #tpu.memory_space<hbm>> -> memref<3136xf32, #tpu.memory_space<hbm>>
      tpu.enqueue_dma source(%arg14 : memref<3136xf32, #tpu.memory_space<vmem>>) target(%dma_start3A_193 : memref<3136xf32, #tpu.memory_space<hbm>>) target_semaphore(%run_scoped3A : memref<!tpu.dma_semaphore, #tpu.memory_space<semaphore_mem>>)
      %dma_wait3A_194 = tpu.memref_slice %arg6[%multiple_of3A] : memref<100352xf32, #tpu.memory_space<hbm>> -> memref<3136xf32, #tpu.memory_space<hbm>>
      %dma_wait3A_195 = tpu.memref_slice %arg6[%multiple_of3A] : memref<100352xf32, #tpu.memory_space<hbm>> -> memref<3136xf32, #tpu.memory_space<hbm>>
      tpu.wait_dma2 semaphore(%run_scoped3A : memref<!tpu.dma_semaphore, #tpu.memory_space<semaphore_mem>>) src(%arg14 : memref<3136xf32, #tpu.memory_space<vmem>>) dst(%dma_wait3A_195 : memref<3136xf32, #tpu.memory_space<hbm>>)
      tpu.yield
    }) : () -> ()
    "tpu.region"() ({
      %run_scoped3A = tpu.sem_alloc : memref<!tpu.dma_semaphore, #tpu.memory_space<semaphore_mem>>
      %dma_start3A_192 = tpu.memref_slice %arg7[%multiple_of3A] : memref<100352xf32, #tpu.memory_space<hbm>> -> memref<3136xf32, #tpu.memory_space<hbm>>
      %dma_start3A_193 = tpu.memref_slice %arg7[%multiple_of3A] : memref<100352xf32, #tpu.memory_space<hbm>> -> memref<3136xf32, #tpu.memory_space<hbm>>
      tpu.enqueue_dma source(%arg16 : memref<3136xf32, #tpu.memory_space<vmem>>) target(%dma_start3A_193 : memref<3136xf32, #tpu.memory_space<hbm>>) target_semaphore(%run_scoped3A : memref<!tpu.dma_semaphore, #tpu.memory_space<semaphore_mem>>)
      %dma_wait3A_194 = tpu.memref_slice %arg7[%multiple_of3A] : memref<100352xf32, #tpu.memory_space<hbm>> -> memref<3136xf32, #tpu.memory_space<hbm>>
      %dma_wait3A_195 = tpu.memref_slice %arg7[%multiple_of3A] : memref<100352xf32, #tpu.memory_space<hbm>> -> memref<3136xf32, #tpu.memory_space<hbm>>
      tpu.wait_dma2 semaphore(%run_scoped3A : memref<!tpu.dma_semaphore, #tpu.memory_space<semaphore_mem>>) src(%arg16 : memref<3136xf32, #tpu.memory_space<vmem>>) dst(%dma_wait3A_195 : memref<3136xf32, #tpu.memory_space<hbm>>)
      tpu.yield
    }) : () -> ()
    return
  }
}

module attributes {stable_mosaic.version = 14 : i64} {
  func.func @_layer_body(%arg0: memref<784x128xf32, #tpu.memory_space<vmem>>, %arg1: memref<784x128xf32, #tpu.memory_space<vmem>>, %arg2: memref<784x128xf32, #tpu.memory_space<vmem>>, %arg3: memref<8x128xf32, #tpu.memory_space<smem>>, %arg4: memref<784x128xf32, #tpu.memory_space<vmem>>, %arg5: memref<784x128xf32, #tpu.memory_space<vmem>>) attributes {dimension_semantics = [], scalar_prefetch = 0 : i64, scratch_operands = 0 : i64, tpu.core_type = #tpu.core_type<tc>} {
    %get3A = arith.constant 0 : index
    %get3A_0 = arith.constant 0 : index
    %get3A_1 = vector.load %arg0[%get3A, %get3A_0] : memref<784x128xf32, #tpu.memory_space<vmem>>, vector<784x128xf32>
    %reduce_sum3A = vector.shape_cast %get3A_1 : vector<784x128xf32> to vector<1x784x128xf32>
    %reduce_sum3A_2 = arith.constant dense<0.000000e+00> : vector<1xf32>
    %reduce_sum3A_3 = vector.multi_reduction <add>, %reduce_sum3A, %reduce_sum3A_2 [1, 2] : vector<1x784x128xf32> to vector<1xf32>
    %reduce_sum3A_4 = vector.shape_cast %reduce_sum3A_3 : vector<1xf32> to vector<1x1x1xf32>
    %reduce_sum3A_5 = vector.extract %reduce_sum3A_4[0, 0, 0] : f32 from vector<1x1x1xf32>
    %mul3A = arith.mulf %get3A_1, %get3A_1 : vector<784x128xf32>
    %reduce_sum3A_6 = vector.shape_cast %mul3A : vector<784x128xf32> to vector<1x784x128xf32>
    %reduce_sum3A_7 = arith.constant dense<0.000000e+00> : vector<1xf32>
    %reduce_sum3A_8 = vector.multi_reduction <add>, %reduce_sum3A_6, %reduce_sum3A_7 [1, 2] : vector<1x784x128xf32> to vector<1xf32>
    %reduce_sum3A_9 = vector.shape_cast %reduce_sum3A_8 : vector<1xf32> to vector<1x1x1xf32>
    %reduce_sum3A_10 = vector.extract %reduce_sum3A_9[0, 0, 0] : f32 from vector<1x1x1xf32>
    %div3A = arith.constant 1.000000e+05 : f32
    %div3A_11 = arith.divf %reduce_sum3A_5, %div3A : f32
    %mul3A_12 = arith.mulf %reduce_sum3A_5, %reduce_sum3A_5 : f32
    %div3A_13 = arith.constant 1.000000e+05 : f32
    %div3A_14 = arith.divf %mul3A_12, %div3A_13 : f32
    %sub3A = arith.subf %reduce_sum3A_10, %div3A_14 : f32
    %div3A_15 = arith.constant 9.999900e+04 : f32
    %div3A_16 = arith.divf %sub3A, %div3A_15 : f32
    %sqrt3A = math.sqrt %div3A_16 : f32
    %add3A = arith.constant 9.99999993E-9 : f32
    %add3A_17 = arith.addf %sqrt3A, %add3A : f32
    %div3A_18 = arith.constant 1.000000e+00 : f32
    %div3A_19 = arith.divf %div3A_18, %add3A_17 : f32
    %sub3A_20 = vector.broadcast %div3A_11 : f32 to vector<784x128xf32>
    %sub3A_21 = arith.subf %get3A_1, %sub3A_20 : vector<784x128xf32>
    %mul3A_22 = vector.broadcast %div3A_19 : f32 to vector<784x128xf32>
    %mul3A_23 = arith.mulf %sub3A_21, %mul3A_22 : vector<784x128xf32>
    %get3A_24 = arith.constant 0 : index
    %get3A_25 = arith.constant 0 : index
    %get3A_26 = vector.load %arg1[%get3A_24, %get3A_25] : memref<784x128xf32, #tpu.memory_space<vmem>>, vector<784x128xf32>
    %get3A_27 = arith.constant 0 : index
    %get3A_28 = arith.constant 0 : index
    %get3A_29 = vector.load %arg2[%get3A_27, %get3A_28] : memref<784x128xf32, #tpu.memory_space<vmem>>, vector<784x128xf32>
    %mul3A_30 = vector.broadcast %div3A_11 : f32 to vector<784x128xf32>
    %mul3A_31 = arith.mulf %get3A_29, %mul3A_30 : vector<784x128xf32>
    %sub3A_32 = arith.subf %get3A_26, %mul3A_31 : vector<784x128xf32>
    %mul3A_33 = vector.broadcast %div3A_19 : f32 to vector<784x128xf32>
    %mul3A_34 = arith.mulf %sub3A_32, %mul3A_33 : vector<784x128xf32>
    %broadcast_in_dim3A = arith.constant 0.000000e+00 : f32
    %broadcast_in_dim3A_35 = vector.broadcast %broadcast_in_dim3A : f32 to vector<784x128xf32>
    %broadcast_in_dim3A_36 = arith.constant 0.000000e+00 : f32
    %broadcast_in_dim3A_37 = vector.broadcast %broadcast_in_dim3A_36 : f32 to vector<784x128xf32>
    %get3A_38 = arith.constant 0 : index
    %get3A_39 = arith.constant 0 : index
    %get3A_40 = memref.load %arg3[%get3A_38, %get3A_39] : memref<8x128xf32, #tpu.memory_space<smem>>
    %get3A_41 = arith.constant 1 : index
    %get3A_42 = arith.constant 0 : index
    %get3A_43 = memref.load %arg3[%get3A_41, %get3A_42] : memref<8x128xf32, #tpu.memory_space<smem>>
    %get3A_44 = arith.constant 2 : index
    %get3A_45 = arith.constant 0 : index
    %get3A_46 = memref.load %arg3[%get3A_44, %get3A_45] : memref<8x128xf32, #tpu.memory_space<smem>>
    %get3A_47 = arith.constant 3 : index
    %get3A_48 = arith.constant 0 : index
    %get3A_49 = memref.load %arg3[%get3A_47, %get3A_48] : memref<8x128xf32, #tpu.memory_space<smem>>
    %get3A_50 = arith.constant 4 : index
    %get3A_51 = arith.constant 0 : index
    %get3A_52 = memref.load %arg3[%get3A_50, %get3A_51] : memref<8x128xf32, #tpu.memory_space<smem>>
    %mul3A_53 = vector.broadcast %get3A_40 : f32 to vector<784x128xf32>
    %mul3A_54 = arith.mulf %mul3A_34, %mul3A_53 : vector<784x128xf32>
    %add3A_55 = vector.broadcast %get3A_46 : f32 to vector<784x128xf32>
    %add3A_56 = arith.addf %add3A_55, %mul3A_54 : vector<784x128xf32>
    %mul3A_57 = vector.broadcast %get3A_43 : f32 to vector<784x128xf32>
    %mul3A_58 = arith.mulf %mul3A_23, %mul3A_57 : vector<784x128xf32>
    %add3A_59 = arith.addf %add3A_56, %mul3A_58 : vector<784x128xf32>
    %max3A = arith.constant 0.000000e+00 : f32
    %max3A_60 = vector.broadcast %max3A : f32 to vector<784x128xf32>
    %max3A_61 = arith.maximumf %add3A_59, %max3A_60 : vector<784x128xf32>
    %mul3A_62 = vector.broadcast %get3A_49 : f32 to vector<784x128xf32>
    %mul3A_63 = arith.mulf %max3A_61, %mul3A_62 : vector<784x128xf32>
    %add3A_64 = arith.addf %broadcast_in_dim3A_35, %mul3A_63 : vector<784x128xf32>
    %mul3A_65 = vector.broadcast %get3A_52 : f32 to vector<784x128xf32>
    %mul3A_66 = arith.mulf %max3A_61, %mul3A_65 : vector<784x128xf32>
    %add3A_67 = arith.addf %broadcast_in_dim3A_37, %mul3A_66 : vector<784x128xf32>
    %get3A_68 = arith.constant 0 : index
    %get3A_69 = arith.constant 1 : index
    %get3A_70 = memref.load %arg3[%get3A_68, %get3A_69] : memref<8x128xf32, #tpu.memory_space<smem>>
    %get3A_71 = arith.constant 1 : index
    %get3A_72 = arith.constant 1 : index
    %get3A_73 = memref.load %arg3[%get3A_71, %get3A_72] : memref<8x128xf32, #tpu.memory_space<smem>>
    %get3A_74 = arith.constant 2 : index
    %get3A_75 = arith.constant 1 : index
    %get3A_76 = memref.load %arg3[%get3A_74, %get3A_75] : memref<8x128xf32, #tpu.memory_space<smem>>
    %get3A_77 = arith.constant 3 : index
    %get3A_78 = arith.constant 1 : index
    %get3A_79 = memref.load %arg3[%get3A_77, %get3A_78] : memref<8x128xf32, #tpu.memory_space<smem>>
    %get3A_80 = arith.constant 4 : index
    %get3A_81 = arith.constant 1 : index
    %get3A_82 = memref.load %arg3[%get3A_80, %get3A_81] : memref<8x128xf32, #tpu.memory_space<smem>>
    %mul3A_83 = vector.broadcast %get3A_70 : f32 to vector<784x128xf32>
    %mul3A_84 = arith.mulf %mul3A_34, %mul3A_83 : vector<784x128xf32>
    %add3A_85 = vector.broadcast %get3A_76 : f32 to vector<784x128xf32>
    %add3A_86 = arith.addf %add3A_85, %mul3A_84 : vector<784x128xf32>
    %mul3A_87 = vector.broadcast %get3A_73 : f32 to vector<784x128xf32>
    %mul3A_88 = arith.mulf %mul3A_23, %mul3A_87 : vector<784x128xf32>
    %add3A_89 = arith.addf %add3A_86, %mul3A_88 : vector<784x128xf32>
    %max3A_90 = arith.constant 0.000000e+00 : f32
    %max3A_91 = vector.broadcast %max3A_90 : f32 to vector<784x128xf32>
    %max3A_92 = arith.maximumf %add3A_89, %max3A_91 : vector<784x128xf32>
    %mul3A_93 = vector.broadcast %get3A_79 : f32 to vector<784x128xf32>
    %mul3A_94 = arith.mulf %max3A_92, %mul3A_93 : vector<784x128xf32>
    %add3A_95 = arith.addf %add3A_64, %mul3A_94 : vector<784x128xf32>
    %mul3A_96 = vector.broadcast %get3A_82 : f32 to vector<784x128xf32>
    %mul3A_97 = arith.mulf %max3A_92, %mul3A_96 : vector<784x128xf32>
    %add3A_98 = arith.addf %add3A_67, %mul3A_97 : vector<784x128xf32>
    %get3A_99 = arith.constant 0 : index
    %get3A_100 = arith.constant 2 : index
    %get3A_101 = memref.load %arg3[%get3A_99, %get3A_100] : memref<8x128xf32, #tpu.memory_space<smem>>
    %get3A_102 = arith.constant 1 : index
    %get3A_103 = arith.constant 2 : index
    %get3A_104 = memref.load %arg3[%get3A_102, %get3A_103] : memref<8x128xf32, #tpu.memory_space<smem>>
    %get3A_105 = arith.constant 2 : index
    %get3A_106 = arith.constant 2 : index
    %get3A_107 = memref.load %arg3[%get3A_105, %get3A_106] : memref<8x128xf32, #tpu.memory_space<smem>>
    %get3A_108 = arith.constant 3 : index
    %get3A_109 = arith.constant 2 : index
    %get3A_110 = memref.load %arg3[%get3A_108, %get3A_109] : memref<8x128xf32, #tpu.memory_space<smem>>
    %get3A_111 = arith.constant 4 : index
    %get3A_112 = arith.constant 2 : index
    %get3A_113 = memref.load %arg3[%get3A_111, %get3A_112] : memref<8x128xf32, #tpu.memory_space<smem>>
    %mul3A_114 = vector.broadcast %get3A_101 : f32 to vector<784x128xf32>
    %mul3A_115 = arith.mulf %mul3A_34, %mul3A_114 : vector<784x128xf32>
    %add3A_116 = vector.broadcast %get3A_107 : f32 to vector<784x128xf32>
    %add3A_117 = arith.addf %add3A_116, %mul3A_115 : vector<784x128xf32>
    %mul3A_118 = vector.broadcast %get3A_104 : f32 to vector<784x128xf32>
    %mul3A_119 = arith.mulf %mul3A_23, %mul3A_118 : vector<784x128xf32>
    %add3A_120 = arith.addf %add3A_117, %mul3A_119 : vector<784x128xf32>
    %max3A_121 = arith.constant 0.000000e+00 : f32
    %max3A_122 = vector.broadcast %max3A_121 : f32 to vector<784x128xf32>
    %max3A_123 = arith.maximumf %add3A_120, %max3A_122 : vector<784x128xf32>
    %mul3A_124 = vector.broadcast %get3A_110 : f32 to vector<784x128xf32>
    %mul3A_125 = arith.mulf %max3A_123, %mul3A_124 : vector<784x128xf32>
    %add3A_126 = arith.addf %add3A_95, %mul3A_125 : vector<784x128xf32>
    %mul3A_127 = vector.broadcast %get3A_113 : f32 to vector<784x128xf32>
    %mul3A_128 = arith.mulf %max3A_123, %mul3A_127 : vector<784x128xf32>
    %add3A_129 = arith.addf %add3A_98, %mul3A_128 : vector<784x128xf32>
    %get3A_130 = arith.constant 0 : index
    %get3A_131 = arith.constant 3 : index
    %get3A_132 = memref.load %arg3[%get3A_130, %get3A_131] : memref<8x128xf32, #tpu.memory_space<smem>>
    %get3A_133 = arith.constant 1 : index
    %get3A_134 = arith.constant 3 : index
    %get3A_135 = memref.load %arg3[%get3A_133, %get3A_134] : memref<8x128xf32, #tpu.memory_space<smem>>
    %get3A_136 = arith.constant 2 : index
    %get3A_137 = arith.constant 3 : index
    %get3A_138 = memref.load %arg3[%get3A_136, %get3A_137] : memref<8x128xf32, #tpu.memory_space<smem>>
    %get3A_139 = arith.constant 3 : index
    %get3A_140 = arith.constant 3 : index
    %get3A_141 = memref.load %arg3[%get3A_139, %get3A_140] : memref<8x128xf32, #tpu.memory_space<smem>>
    %get3A_142 = arith.constant 4 : index
    %get3A_143 = arith.constant 3 : index
    %get3A_144 = memref.load %arg3[%get3A_142, %get3A_143] : memref<8x128xf32, #tpu.memory_space<smem>>
    %mul3A_145 = vector.broadcast %get3A_132 : f32 to vector<784x128xf32>
    %mul3A_146 = arith.mulf %mul3A_34, %mul3A_145 : vector<784x128xf32>
    %add3A_147 = vector.broadcast %get3A_138 : f32 to vector<784x128xf32>
    %add3A_148 = arith.addf %add3A_147, %mul3A_146 : vector<784x128xf32>
    %mul3A_149 = vector.broadcast %get3A_135 : f32 to vector<784x128xf32>
    %mul3A_150 = arith.mulf %mul3A_23, %mul3A_149 : vector<784x128xf32>
    %add3A_151 = arith.addf %add3A_148, %mul3A_150 : vector<784x128xf32>
    %max3A_152 = arith.constant 0.000000e+00 : f32
    %max3A_153 = vector.broadcast %max3A_152 : f32 to vector<784x128xf32>
    %max3A_154 = arith.maximumf %add3A_151, %max3A_153 : vector<784x128xf32>
    %mul3A_155 = vector.broadcast %get3A_141 : f32 to vector<784x128xf32>
    %mul3A_156 = arith.mulf %max3A_154, %mul3A_155 : vector<784x128xf32>
    %add3A_157 = arith.addf %add3A_126, %mul3A_156 : vector<784x128xf32>
    %mul3A_158 = vector.broadcast %get3A_144 : f32 to vector<784x128xf32>
    %mul3A_159 = arith.mulf %max3A_154, %mul3A_158 : vector<784x128xf32>
    %add3A_160 = arith.addf %add3A_129, %mul3A_159 : vector<784x128xf32>
    %get3A_161 = arith.constant 0 : index
    %get3A_162 = arith.constant 4 : index
    %get3A_163 = memref.load %arg3[%get3A_161, %get3A_162] : memref<8x128xf32, #tpu.memory_space<smem>>
    %get3A_164 = arith.constant 1 : index
    %get3A_165 = arith.constant 4 : index
    %get3A_166 = memref.load %arg3[%get3A_164, %get3A_165] : memref<8x128xf32, #tpu.memory_space<smem>>
    %get3A_167 = arith.constant 2 : index
    %get3A_168 = arith.constant 4 : index
    %get3A_169 = memref.load %arg3[%get3A_167, %get3A_168] : memref<8x128xf32, #tpu.memory_space<smem>>
    %get3A_170 = arith.constant 3 : index
    %get3A_171 = arith.constant 4 : index
    %get3A_172 = memref.load %arg3[%get3A_170, %get3A_171] : memref<8x128xf32, #tpu.memory_space<smem>>
    %get3A_173 = arith.constant 4 : index
    %get3A_174 = arith.constant 4 : index
    %get3A_175 = memref.load %arg3[%get3A_173, %get3A_174] : memref<8x128xf32, #tpu.memory_space<smem>>
    %mul3A_176 = vector.broadcast %get3A_163 : f32 to vector<784x128xf32>
    %mul3A_177 = arith.mulf %mul3A_34, %mul3A_176 : vector<784x128xf32>
    %add3A_178 = vector.broadcast %get3A_169 : f32 to vector<784x128xf32>
    %add3A_179 = arith.addf %add3A_178, %mul3A_177 : vector<784x128xf32>
    %mul3A_180 = vector.broadcast %get3A_166 : f32 to vector<784x128xf32>
    %mul3A_181 = arith.mulf %mul3A_23, %mul3A_180 : vector<784x128xf32>
    %add3A_182 = arith.addf %add3A_179, %mul3A_181 : vector<784x128xf32>
    %max3A_183 = arith.constant 0.000000e+00 : f32
    %max3A_184 = vector.broadcast %max3A_183 : f32 to vector<784x128xf32>
    %max3A_185 = arith.maximumf %add3A_182, %max3A_184 : vector<784x128xf32>
    %mul3A_186 = vector.broadcast %get3A_172 : f32 to vector<784x128xf32>
    %mul3A_187 = arith.mulf %max3A_185, %mul3A_186 : vector<784x128xf32>
    %add3A_188 = arith.addf %add3A_157, %mul3A_187 : vector<784x128xf32>
    %mul3A_189 = vector.broadcast %get3A_175 : f32 to vector<784x128xf32>
    %mul3A_190 = arith.mulf %max3A_185, %mul3A_189 : vector<784x128xf32>
    %add3A_191 = arith.addf %add3A_160, %mul3A_190 : vector<784x128xf32>
    %get3A_192 = arith.constant 0 : index
    %get3A_193 = arith.constant 5 : index
    %get3A_194 = memref.load %arg3[%get3A_192, %get3A_193] : memref<8x128xf32, #tpu.memory_space<smem>>
    %get3A_195 = arith.constant 1 : index
    %get3A_196 = arith.constant 5 : index
    %get3A_197 = memref.load %arg3[%get3A_195, %get3A_196] : memref<8x128xf32, #tpu.memory_space<smem>>
    %get3A_198 = arith.constant 2 : index
    %get3A_199 = arith.constant 5 : index
    %get3A_200 = memref.load %arg3[%get3A_198, %get3A_199] : memref<8x128xf32, #tpu.memory_space<smem>>
    %get3A_201 = arith.constant 3 : index
    %get3A_202 = arith.constant 5 : index
    %get3A_203 = memref.load %arg3[%get3A_201, %get3A_202] : memref<8x128xf32, #tpu.memory_space<smem>>
    %get3A_204 = arith.constant 4 : index
    %get3A_205 = arith.constant 5 : index
    %get3A_206 = memref.load %arg3[%get3A_204, %get3A_205] : memref<8x128xf32, #tpu.memory_space<smem>>
    %mul3A_207 = vector.broadcast %get3A_194 : f32 to vector<784x128xf32>
    %mul3A_208 = arith.mulf %mul3A_34, %mul3A_207 : vector<784x128xf32>
    %add3A_209 = vector.broadcast %get3A_200 : f32 to vector<784x128xf32>
    %add3A_210 = arith.addf %add3A_209, %mul3A_208 : vector<784x128xf32>
    %mul3A_211 = vector.broadcast %get3A_197 : f32 to vector<784x128xf32>
    %mul3A_212 = arith.mulf %mul3A_23, %mul3A_211 : vector<784x128xf32>
    %add3A_213 = arith.addf %add3A_210, %mul3A_212 : vector<784x128xf32>
    %max3A_214 = arith.constant 0.000000e+00 : f32
    %max3A_215 = vector.broadcast %max3A_214 : f32 to vector<784x128xf32>
    %max3A_216 = arith.maximumf %add3A_213, %max3A_215 : vector<784x128xf32>
    %mul3A_217 = vector.broadcast %get3A_203 : f32 to vector<784x128xf32>
    %mul3A_218 = arith.mulf %max3A_216, %mul3A_217 : vector<784x128xf32>
    %add3A_219 = arith.addf %add3A_188, %mul3A_218 : vector<784x128xf32>
    %mul3A_220 = vector.broadcast %get3A_206 : f32 to vector<784x128xf32>
    %mul3A_221 = arith.mulf %max3A_216, %mul3A_220 : vector<784x128xf32>
    %add3A_222 = arith.addf %add3A_191, %mul3A_221 : vector<784x128xf32>
    %get3A_223 = arith.constant 0 : index
    %get3A_224 = arith.constant 6 : index
    %get3A_225 = memref.load %arg3[%get3A_223, %get3A_224] : memref<8x128xf32, #tpu.memory_space<smem>>
    %get3A_226 = arith.constant 1 : index
    %get3A_227 = arith.constant 6 : index
    %get3A_228 = memref.load %arg3[%get3A_226, %get3A_227] : memref<8x128xf32, #tpu.memory_space<smem>>
    %get3A_229 = arith.constant 2 : index
    %get3A_230 = arith.constant 6 : index
    %get3A_231 = memref.load %arg3[%get3A_229, %get3A_230] : memref<8x128xf32, #tpu.memory_space<smem>>
    %get3A_232 = arith.constant 3 : index
    %get3A_233 = arith.constant 6 : index
    %get3A_234 = memref.load %arg3[%get3A_232, %get3A_233] : memref<8x128xf32, #tpu.memory_space<smem>>
    %get3A_235 = arith.constant 4 : index
    %get3A_236 = arith.constant 6 : index
    %get3A_237 = memref.load %arg3[%get3A_235, %get3A_236] : memref<8x128xf32, #tpu.memory_space<smem>>
    %mul3A_238 = vector.broadcast %get3A_225 : f32 to vector<784x128xf32>
    %mul3A_239 = arith.mulf %mul3A_34, %mul3A_238 : vector<784x128xf32>
    %add3A_240 = vector.broadcast %get3A_231 : f32 to vector<784x128xf32>
    %add3A_241 = arith.addf %add3A_240, %mul3A_239 : vector<784x128xf32>
    %mul3A_242 = vector.broadcast %get3A_228 : f32 to vector<784x128xf32>
    %mul3A_243 = arith.mulf %mul3A_23, %mul3A_242 : vector<784x128xf32>
    %add3A_244 = arith.addf %add3A_241, %mul3A_243 : vector<784x128xf32>
    %max3A_245 = arith.constant 0.000000e+00 : f32
    %max3A_246 = vector.broadcast %max3A_245 : f32 to vector<784x128xf32>
    %max3A_247 = arith.maximumf %add3A_244, %max3A_246 : vector<784x128xf32>
    %mul3A_248 = vector.broadcast %get3A_234 : f32 to vector<784x128xf32>
    %mul3A_249 = arith.mulf %max3A_247, %mul3A_248 : vector<784x128xf32>
    %add3A_250 = arith.addf %add3A_219, %mul3A_249 : vector<784x128xf32>
    %mul3A_251 = vector.broadcast %get3A_237 : f32 to vector<784x128xf32>
    %mul3A_252 = arith.mulf %max3A_247, %mul3A_251 : vector<784x128xf32>
    %add3A_253 = arith.addf %add3A_222, %mul3A_252 : vector<784x128xf32>
    %get3A_254 = arith.constant 0 : index
    %get3A_255 = arith.constant 7 : index
    %get3A_256 = memref.load %arg3[%get3A_254, %get3A_255] : memref<8x128xf32, #tpu.memory_space<smem>>
    %get3A_257 = arith.constant 1 : index
    %get3A_258 = arith.constant 7 : index
    %get3A_259 = memref.load %arg3[%get3A_257, %get3A_258] : memref<8x128xf32, #tpu.memory_space<smem>>
    %get3A_260 = arith.constant 2 : index
    %get3A_261 = arith.constant 7 : index
    %get3A_262 = memref.load %arg3[%get3A_260, %get3A_261] : memref<8x128xf32, #tpu.memory_space<smem>>
    %get3A_263 = arith.constant 3 : index
    %get3A_264 = arith.constant 7 : index
    %get3A_265 = memref.load %arg3[%get3A_263, %get3A_264] : memref<8x128xf32, #tpu.memory_space<smem>>
    %get3A_266 = arith.constant 4 : index
    %get3A_267 = arith.constant 7 : index
    %get3A_268 = memref.load %arg3[%get3A_266, %get3A_267] : memref<8x128xf32, #tpu.memory_space<smem>>
    %mul3A_269 = vector.broadcast %get3A_256 : f32 to vector<784x128xf32>
    %mul3A_270 = arith.mulf %mul3A_34, %mul3A_269 : vector<784x128xf32>
    %add3A_271 = vector.broadcast %get3A_262 : f32 to vector<784x128xf32>
    %add3A_272 = arith.addf %add3A_271, %mul3A_270 : vector<784x128xf32>
    %mul3A_273 = vector.broadcast %get3A_259 : f32 to vector<784x128xf32>
    %mul3A_274 = arith.mulf %mul3A_23, %mul3A_273 : vector<784x128xf32>
    %add3A_275 = arith.addf %add3A_272, %mul3A_274 : vector<784x128xf32>
    %max3A_276 = arith.constant 0.000000e+00 : f32
    %max3A_277 = vector.broadcast %max3A_276 : f32 to vector<784x128xf32>
    %max3A_278 = arith.maximumf %add3A_275, %max3A_277 : vector<784x128xf32>
    %mul3A_279 = vector.broadcast %get3A_265 : f32 to vector<784x128xf32>
    %mul3A_280 = arith.mulf %max3A_278, %mul3A_279 : vector<784x128xf32>
    %add3A_281 = arith.addf %add3A_250, %mul3A_280 : vector<784x128xf32>
    %mul3A_282 = vector.broadcast %get3A_268 : f32 to vector<784x128xf32>
    %mul3A_283 = arith.mulf %max3A_278, %mul3A_282 : vector<784x128xf32>
    %add3A_284 = arith.addf %add3A_253, %mul3A_283 : vector<784x128xf32>
    %get3A_285 = arith.constant 0 : index
    %get3A_286 = arith.constant 8 : index
    %get3A_287 = memref.load %arg3[%get3A_285, %get3A_286] : memref<8x128xf32, #tpu.memory_space<smem>>
    %get3A_288 = arith.constant 1 : index
    %get3A_289 = arith.constant 8 : index
    %get3A_290 = memref.load %arg3[%get3A_288, %get3A_289] : memref<8x128xf32, #tpu.memory_space<smem>>
    %get3A_291 = arith.constant 2 : index
    %get3A_292 = arith.constant 8 : index
    %get3A_293 = memref.load %arg3[%get3A_291, %get3A_292] : memref<8x128xf32, #tpu.memory_space<smem>>
    %get3A_294 = arith.constant 3 : index
    %get3A_295 = arith.constant 8 : index
    %get3A_296 = memref.load %arg3[%get3A_294, %get3A_295] : memref<8x128xf32, #tpu.memory_space<smem>>
    %get3A_297 = arith.constant 4 : index
    %get3A_298 = arith.constant 8 : index
    %get3A_299 = memref.load %arg3[%get3A_297, %get3A_298] : memref<8x128xf32, #tpu.memory_space<smem>>
    %mul3A_300 = vector.broadcast %get3A_287 : f32 to vector<784x128xf32>
    %mul3A_301 = arith.mulf %mul3A_34, %mul3A_300 : vector<784x128xf32>
    %add3A_302 = vector.broadcast %get3A_293 : f32 to vector<784x128xf32>
    %add3A_303 = arith.addf %add3A_302, %mul3A_301 : vector<784x128xf32>
    %mul3A_304 = vector.broadcast %get3A_290 : f32 to vector<784x128xf32>
    %mul3A_305 = arith.mulf %mul3A_23, %mul3A_304 : vector<784x128xf32>
    %add3A_306 = arith.addf %add3A_303, %mul3A_305 : vector<784x128xf32>
    %max3A_307 = arith.constant 0.000000e+00 : f32
    %max3A_308 = vector.broadcast %max3A_307 : f32 to vector<784x128xf32>
    %max3A_309 = arith.maximumf %add3A_306, %max3A_308 : vector<784x128xf32>
    %mul3A_310 = vector.broadcast %get3A_296 : f32 to vector<784x128xf32>
    %mul3A_311 = arith.mulf %max3A_309, %mul3A_310 : vector<784x128xf32>
    %add3A_312 = arith.addf %add3A_281, %mul3A_311 : vector<784x128xf32>
    %mul3A_313 = vector.broadcast %get3A_299 : f32 to vector<784x128xf32>
    %mul3A_314 = arith.mulf %max3A_309, %mul3A_313 : vector<784x128xf32>
    %add3A_315 = arith.addf %add3A_284, %mul3A_314 : vector<784x128xf32>
    %get3A_316 = arith.constant 0 : index
    %get3A_317 = arith.constant 9 : index
    %get3A_318 = memref.load %arg3[%get3A_316, %get3A_317] : memref<8x128xf32, #tpu.memory_space<smem>>
    %get3A_319 = arith.constant 1 : index
    %get3A_320 = arith.constant 9 : index
    %get3A_321 = memref.load %arg3[%get3A_319, %get3A_320] : memref<8x128xf32, #tpu.memory_space<smem>>
    %get3A_322 = arith.constant 2 : index
    %get3A_323 = arith.constant 9 : index
    %get3A_324 = memref.load %arg3[%get3A_322, %get3A_323] : memref<8x128xf32, #tpu.memory_space<smem>>
    %get3A_325 = arith.constant 3 : index
    %get3A_326 = arith.constant 9 : index
    %get3A_327 = memref.load %arg3[%get3A_325, %get3A_326] : memref<8x128xf32, #tpu.memory_space<smem>>
    %get3A_328 = arith.constant 4 : index
    %get3A_329 = arith.constant 9 : index
    %get3A_330 = memref.load %arg3[%get3A_328, %get3A_329] : memref<8x128xf32, #tpu.memory_space<smem>>
    %mul3A_331 = vector.broadcast %get3A_318 : f32 to vector<784x128xf32>
    %mul3A_332 = arith.mulf %mul3A_34, %mul3A_331 : vector<784x128xf32>
    %add3A_333 = vector.broadcast %get3A_324 : f32 to vector<784x128xf32>
    %add3A_334 = arith.addf %add3A_333, %mul3A_332 : vector<784x128xf32>
    %mul3A_335 = vector.broadcast %get3A_321 : f32 to vector<784x128xf32>
    %mul3A_336 = arith.mulf %mul3A_23, %mul3A_335 : vector<784x128xf32>
    %add3A_337 = arith.addf %add3A_334, %mul3A_336 : vector<784x128xf32>
    %max3A_338 = arith.constant 0.000000e+00 : f32
    %max3A_339 = vector.broadcast %max3A_338 : f32 to vector<784x128xf32>
    %max3A_340 = arith.maximumf %add3A_337, %max3A_339 : vector<784x128xf32>
    %mul3A_341 = vector.broadcast %get3A_327 : f32 to vector<784x128xf32>
    %mul3A_342 = arith.mulf %max3A_340, %mul3A_341 : vector<784x128xf32>
    %add3A_343 = arith.addf %add3A_312, %mul3A_342 : vector<784x128xf32>
    %mul3A_344 = vector.broadcast %get3A_330 : f32 to vector<784x128xf32>
    %mul3A_345 = arith.mulf %max3A_340, %mul3A_344 : vector<784x128xf32>
    %add3A_346 = arith.addf %add3A_315, %mul3A_345 : vector<784x128xf32>
    %get3A_347 = arith.constant 0 : index
    %get3A_348 = arith.constant 10 : index
    %get3A_349 = memref.load %arg3[%get3A_347, %get3A_348] : memref<8x128xf32, #tpu.memory_space<smem>>
    %get3A_350 = arith.constant 1 : index
    %get3A_351 = arith.constant 10 : index
    %get3A_352 = memref.load %arg3[%get3A_350, %get3A_351] : memref<8x128xf32, #tpu.memory_space<smem>>
    %get3A_353 = arith.constant 2 : index
    %get3A_354 = arith.constant 10 : index
    %get3A_355 = memref.load %arg3[%get3A_353, %get3A_354] : memref<8x128xf32, #tpu.memory_space<smem>>
    %get3A_356 = arith.constant 3 : index
    %get3A_357 = arith.constant 10 : index
    %get3A_358 = memref.load %arg3[%get3A_356, %get3A_357] : memref<8x128xf32, #tpu.memory_space<smem>>
    %get3A_359 = arith.constant 4 : index
    %get3A_360 = arith.constant 10 : index
    %get3A_361 = memref.load %arg3[%get3A_359, %get3A_360] : memref<8x128xf32, #tpu.memory_space<smem>>
    %mul3A_362 = vector.broadcast %get3A_349 : f32 to vector<784x128xf32>
    %mul3A_363 = arith.mulf %mul3A_34, %mul3A_362 : vector<784x128xf32>
    %add3A_364 = vector.broadcast %get3A_355 : f32 to vector<784x128xf32>
    %add3A_365 = arith.addf %add3A_364, %mul3A_363 : vector<784x128xf32>
    %mul3A_366 = vector.broadcast %get3A_352 : f32 to vector<784x128xf32>
    %mul3A_367 = arith.mulf %mul3A_23, %mul3A_366 : vector<784x128xf32>
    %add3A_368 = arith.addf %add3A_365, %mul3A_367 : vector<784x128xf32>
    %max3A_369 = arith.constant 0.000000e+00 : f32
    %max3A_370 = vector.broadcast %max3A_369 : f32 to vector<784x128xf32>
    %max3A_371 = arith.maximumf %add3A_368, %max3A_370 : vector<784x128xf32>
    %mul3A_372 = vector.broadcast %get3A_358 : f32 to vector<784x128xf32>
    %mul3A_373 = arith.mulf %max3A_371, %mul3A_372 : vector<784x128xf32>
    %add3A_374 = arith.addf %add3A_343, %mul3A_373 : vector<784x128xf32>
    %mul3A_375 = vector.broadcast %get3A_361 : f32 to vector<784x128xf32>
    %mul3A_376 = arith.mulf %max3A_371, %mul3A_375 : vector<784x128xf32>
    %add3A_377 = arith.addf %add3A_346, %mul3A_376 : vector<784x128xf32>
    %get3A_378 = arith.constant 0 : index
    %get3A_379 = arith.constant 11 : index
    %get3A_380 = memref.load %arg3[%get3A_378, %get3A_379] : memref<8x128xf32, #tpu.memory_space<smem>>
    %get3A_381 = arith.constant 1 : index
    %get3A_382 = arith.constant 11 : index
    %get3A_383 = memref.load %arg3[%get3A_381, %get3A_382] : memref<8x128xf32, #tpu.memory_space<smem>>
    %get3A_384 = arith.constant 2 : index
    %get3A_385 = arith.constant 11 : index
    %get3A_386 = memref.load %arg3[%get3A_384, %get3A_385] : memref<8x128xf32, #tpu.memory_space<smem>>
    %get3A_387 = arith.constant 3 : index
    %get3A_388 = arith.constant 11 : index
    %get3A_389 = memref.load %arg3[%get3A_387, %get3A_388] : memref<8x128xf32, #tpu.memory_space<smem>>
    %get3A_390 = arith.constant 4 : index
    %get3A_391 = arith.constant 11 : index
    %get3A_392 = memref.load %arg3[%get3A_390, %get3A_391] : memref<8x128xf32, #tpu.memory_space<smem>>
    %mul3A_393 = vector.broadcast %get3A_380 : f32 to vector<784x128xf32>
    %mul3A_394 = arith.mulf %mul3A_34, %mul3A_393 : vector<784x128xf32>
    %add3A_395 = vector.broadcast %get3A_386 : f32 to vector<784x128xf32>
    %add3A_396 = arith.addf %add3A_395, %mul3A_394 : vector<784x128xf32>
    %mul3A_397 = vector.broadcast %get3A_383 : f32 to vector<784x128xf32>
    %mul3A_398 = arith.mulf %mul3A_23, %mul3A_397 : vector<784x128xf32>
    %add3A_399 = arith.addf %add3A_396, %mul3A_398 : vector<784x128xf32>
    %max3A_400 = arith.constant 0.000000e+00 : f32
    %max3A_401 = vector.broadcast %max3A_400 : f32 to vector<784x128xf32>
    %max3A_402 = arith.maximumf %add3A_399, %max3A_401 : vector<784x128xf32>
    %mul3A_403 = vector.broadcast %get3A_389 : f32 to vector<784x128xf32>
    %mul3A_404 = arith.mulf %max3A_402, %mul3A_403 : vector<784x128xf32>
    %add3A_405 = arith.addf %add3A_374, %mul3A_404 : vector<784x128xf32>
    %mul3A_406 = vector.broadcast %get3A_392 : f32 to vector<784x128xf32>
    %mul3A_407 = arith.mulf %max3A_402, %mul3A_406 : vector<784x128xf32>
    %add3A_408 = arith.addf %add3A_377, %mul3A_407 : vector<784x128xf32>
    %get3A_409 = arith.constant 0 : index
    %get3A_410 = arith.constant 12 : index
    %get3A_411 = memref.load %arg3[%get3A_409, %get3A_410] : memref<8x128xf32, #tpu.memory_space<smem>>
    %get3A_412 = arith.constant 1 : index
    %get3A_413 = arith.constant 12 : index
    %get3A_414 = memref.load %arg3[%get3A_412, %get3A_413] : memref<8x128xf32, #tpu.memory_space<smem>>
    %get3A_415 = arith.constant 2 : index
    %get3A_416 = arith.constant 12 : index
    %get3A_417 = memref.load %arg3[%get3A_415, %get3A_416] : memref<8x128xf32, #tpu.memory_space<smem>>
    %get3A_418 = arith.constant 3 : index
    %get3A_419 = arith.constant 12 : index
    %get3A_420 = memref.load %arg3[%get3A_418, %get3A_419] : memref<8x128xf32, #tpu.memory_space<smem>>
    %get3A_421 = arith.constant 4 : index
    %get3A_422 = arith.constant 12 : index
    %get3A_423 = memref.load %arg3[%get3A_421, %get3A_422] : memref<8x128xf32, #tpu.memory_space<smem>>
    %mul3A_424 = vector.broadcast %get3A_411 : f32 to vector<784x128xf32>
    %mul3A_425 = arith.mulf %mul3A_34, %mul3A_424 : vector<784x128xf32>
    %add3A_426 = vector.broadcast %get3A_417 : f32 to vector<784x128xf32>
    %add3A_427 = arith.addf %add3A_426, %mul3A_425 : vector<784x128xf32>
    %mul3A_428 = vector.broadcast %get3A_414 : f32 to vector<784x128xf32>
    %mul3A_429 = arith.mulf %mul3A_23, %mul3A_428 : vector<784x128xf32>
    %add3A_430 = arith.addf %add3A_427, %mul3A_429 : vector<784x128xf32>
    %max3A_431 = arith.constant 0.000000e+00 : f32
    %max3A_432 = vector.broadcast %max3A_431 : f32 to vector<784x128xf32>
    %max3A_433 = arith.maximumf %add3A_430, %max3A_432 : vector<784x128xf32>
    %mul3A_434 = vector.broadcast %get3A_420 : f32 to vector<784x128xf32>
    %mul3A_435 = arith.mulf %max3A_433, %mul3A_434 : vector<784x128xf32>
    %add3A_436 = arith.addf %add3A_405, %mul3A_435 : vector<784x128xf32>
    %mul3A_437 = vector.broadcast %get3A_423 : f32 to vector<784x128xf32>
    %mul3A_438 = arith.mulf %max3A_433, %mul3A_437 : vector<784x128xf32>
    %add3A_439 = arith.addf %add3A_408, %mul3A_438 : vector<784x128xf32>
    %get3A_440 = arith.constant 0 : index
    %get3A_441 = arith.constant 13 : index
    %get3A_442 = memref.load %arg3[%get3A_440, %get3A_441] : memref<8x128xf32, #tpu.memory_space<smem>>
    %get3A_443 = arith.constant 1 : index
    %get3A_444 = arith.constant 13 : index
    %get3A_445 = memref.load %arg3[%get3A_443, %get3A_444] : memref<8x128xf32, #tpu.memory_space<smem>>
    %get3A_446 = arith.constant 2 : index
    %get3A_447 = arith.constant 13 : index
    %get3A_448 = memref.load %arg3[%get3A_446, %get3A_447] : memref<8x128xf32, #tpu.memory_space<smem>>
    %get3A_449 = arith.constant 3 : index
    %get3A_450 = arith.constant 13 : index
    %get3A_451 = memref.load %arg3[%get3A_449, %get3A_450] : memref<8x128xf32, #tpu.memory_space<smem>>
    %get3A_452 = arith.constant 4 : index
    %get3A_453 = arith.constant 13 : index
    %get3A_454 = memref.load %arg3[%get3A_452, %get3A_453] : memref<8x128xf32, #tpu.memory_space<smem>>
    %mul3A_455 = vector.broadcast %get3A_442 : f32 to vector<784x128xf32>
    %mul3A_456 = arith.mulf %mul3A_34, %mul3A_455 : vector<784x128xf32>
    %add3A_457 = vector.broadcast %get3A_448 : f32 to vector<784x128xf32>
    %add3A_458 = arith.addf %add3A_457, %mul3A_456 : vector<784x128xf32>
    %mul3A_459 = vector.broadcast %get3A_445 : f32 to vector<784x128xf32>
    %mul3A_460 = arith.mulf %mul3A_23, %mul3A_459 : vector<784x128xf32>
    %add3A_461 = arith.addf %add3A_458, %mul3A_460 : vector<784x128xf32>
    %max3A_462 = arith.constant 0.000000e+00 : f32
    %max3A_463 = vector.broadcast %max3A_462 : f32 to vector<784x128xf32>
    %max3A_464 = arith.maximumf %add3A_461, %max3A_463 : vector<784x128xf32>
    %mul3A_465 = vector.broadcast %get3A_451 : f32 to vector<784x128xf32>
    %mul3A_466 = arith.mulf %max3A_464, %mul3A_465 : vector<784x128xf32>
    %add3A_467 = arith.addf %add3A_436, %mul3A_466 : vector<784x128xf32>
    %mul3A_468 = vector.broadcast %get3A_454 : f32 to vector<784x128xf32>
    %mul3A_469 = arith.mulf %max3A_464, %mul3A_468 : vector<784x128xf32>
    %add3A_470 = arith.addf %add3A_439, %mul3A_469 : vector<784x128xf32>
    %get3A_471 = arith.constant 0 : index
    %get3A_472 = arith.constant 14 : index
    %get3A_473 = memref.load %arg3[%get3A_471, %get3A_472] : memref<8x128xf32, #tpu.memory_space<smem>>
    %get3A_474 = arith.constant 1 : index
    %get3A_475 = arith.constant 14 : index
    %get3A_476 = memref.load %arg3[%get3A_474, %get3A_475] : memref<8x128xf32, #tpu.memory_space<smem>>
    %get3A_477 = arith.constant 2 : index
    %get3A_478 = arith.constant 14 : index
    %get3A_479 = memref.load %arg3[%get3A_477, %get3A_478] : memref<8x128xf32, #tpu.memory_space<smem>>
    %get3A_480 = arith.constant 3 : index
    %get3A_481 = arith.constant 14 : index
    %get3A_482 = memref.load %arg3[%get3A_480, %get3A_481] : memref<8x128xf32, #tpu.memory_space<smem>>
    %get3A_483 = arith.constant 4 : index
    %get3A_484 = arith.constant 14 : index
    %get3A_485 = memref.load %arg3[%get3A_483, %get3A_484] : memref<8x128xf32, #tpu.memory_space<smem>>
    %mul3A_486 = vector.broadcast %get3A_473 : f32 to vector<784x128xf32>
    %mul3A_487 = arith.mulf %mul3A_34, %mul3A_486 : vector<784x128xf32>
    %add3A_488 = vector.broadcast %get3A_479 : f32 to vector<784x128xf32>
    %add3A_489 = arith.addf %add3A_488, %mul3A_487 : vector<784x128xf32>
    %mul3A_490 = vector.broadcast %get3A_476 : f32 to vector<784x128xf32>
    %mul3A_491 = arith.mulf %mul3A_23, %mul3A_490 : vector<784x128xf32>
    %add3A_492 = arith.addf %add3A_489, %mul3A_491 : vector<784x128xf32>
    %max3A_493 = arith.constant 0.000000e+00 : f32
    %max3A_494 = vector.broadcast %max3A_493 : f32 to vector<784x128xf32>
    %max3A_495 = arith.maximumf %add3A_492, %max3A_494 : vector<784x128xf32>
    %mul3A_496 = vector.broadcast %get3A_482 : f32 to vector<784x128xf32>
    %mul3A_497 = arith.mulf %max3A_495, %mul3A_496 : vector<784x128xf32>
    %add3A_498 = arith.addf %add3A_467, %mul3A_497 : vector<784x128xf32>
    %mul3A_499 = vector.broadcast %get3A_485 : f32 to vector<784x128xf32>
    %mul3A_500 = arith.mulf %max3A_495, %mul3A_499 : vector<784x128xf32>
    %add3A_501 = arith.addf %add3A_470, %mul3A_500 : vector<784x128xf32>
    %get3A_502 = arith.constant 0 : index
    %get3A_503 = arith.constant 15 : index
    %get3A_504 = memref.load %arg3[%get3A_502, %get3A_503] : memref<8x128xf32, #tpu.memory_space<smem>>
    %get3A_505 = arith.constant 1 : index
    %get3A_506 = arith.constant 15 : index
    %get3A_507 = memref.load %arg3[%get3A_505, %get3A_506] : memref<8x128xf32, #tpu.memory_space<smem>>
    %get3A_508 = arith.constant 2 : index
    %get3A_509 = arith.constant 15 : index
    %get3A_510 = memref.load %arg3[%get3A_508, %get3A_509] : memref<8x128xf32, #tpu.memory_space<smem>>
    %get3A_511 = arith.constant 3 : index
    %get3A_512 = arith.constant 15 : index
    %get3A_513 = memref.load %arg3[%get3A_511, %get3A_512] : memref<8x128xf32, #tpu.memory_space<smem>>
    %get3A_514 = arith.constant 4 : index
    %get3A_515 = arith.constant 15 : index
    %get3A_516 = memref.load %arg3[%get3A_514, %get3A_515] : memref<8x128xf32, #tpu.memory_space<smem>>
    %mul3A_517 = vector.broadcast %get3A_504 : f32 to vector<784x128xf32>
    %mul3A_518 = arith.mulf %mul3A_34, %mul3A_517 : vector<784x128xf32>
    %add3A_519 = vector.broadcast %get3A_510 : f32 to vector<784x128xf32>
    %add3A_520 = arith.addf %add3A_519, %mul3A_518 : vector<784x128xf32>
    %mul3A_521 = vector.broadcast %get3A_507 : f32 to vector<784x128xf32>
    %mul3A_522 = arith.mulf %mul3A_23, %mul3A_521 : vector<784x128xf32>
    %add3A_523 = arith.addf %add3A_520, %mul3A_522 : vector<784x128xf32>
    %max3A_524 = arith.constant 0.000000e+00 : f32
    %max3A_525 = vector.broadcast %max3A_524 : f32 to vector<784x128xf32>
    %max3A_526 = arith.maximumf %add3A_523, %max3A_525 : vector<784x128xf32>
    %mul3A_527 = vector.broadcast %get3A_513 : f32 to vector<784x128xf32>
    %mul3A_528 = arith.mulf %max3A_526, %mul3A_527 : vector<784x128xf32>
    %add3A_529 = arith.addf %add3A_498, %mul3A_528 : vector<784x128xf32>
    %mul3A_530 = vector.broadcast %get3A_516 : f32 to vector<784x128xf32>
    %mul3A_531 = arith.mulf %max3A_526, %mul3A_530 : vector<784x128xf32>
    %add3A_532 = arith.addf %add3A_501, %mul3A_531 : vector<784x128xf32>
    %get3A_533 = arith.constant 0 : index
    %get3A_534 = arith.constant 16 : index
    %get3A_535 = memref.load %arg3[%get3A_533, %get3A_534] : memref<8x128xf32, #tpu.memory_space<smem>>
    %get3A_536 = arith.constant 1 : index
    %get3A_537 = arith.constant 16 : index
    %get3A_538 = memref.load %arg3[%get3A_536, %get3A_537] : memref<8x128xf32, #tpu.memory_space<smem>>
    %get3A_539 = arith.constant 2 : index
    %get3A_540 = arith.constant 16 : index
    %get3A_541 = memref.load %arg3[%get3A_539, %get3A_540] : memref<8x128xf32, #tpu.memory_space<smem>>
    %get3A_542 = arith.constant 3 : index
    %get3A_543 = arith.constant 16 : index
    %get3A_544 = memref.load %arg3[%get3A_542, %get3A_543] : memref<8x128xf32, #tpu.memory_space<smem>>
    %get3A_545 = arith.constant 4 : index
    %get3A_546 = arith.constant 16 : index
    %get3A_547 = memref.load %arg3[%get3A_545, %get3A_546] : memref<8x128xf32, #tpu.memory_space<smem>>
    %mul3A_548 = vector.broadcast %get3A_535 : f32 to vector<784x128xf32>
    %mul3A_549 = arith.mulf %mul3A_34, %mul3A_548 : vector<784x128xf32>
    %add3A_550 = vector.broadcast %get3A_541 : f32 to vector<784x128xf32>
    %add3A_551 = arith.addf %add3A_550, %mul3A_549 : vector<784x128xf32>
    %mul3A_552 = vector.broadcast %get3A_538 : f32 to vector<784x128xf32>
    %mul3A_553 = arith.mulf %mul3A_23, %mul3A_552 : vector<784x128xf32>
    %add3A_554 = arith.addf %add3A_551, %mul3A_553 : vector<784x128xf32>
    %max3A_555 = arith.constant 0.000000e+00 : f32
    %max3A_556 = vector.broadcast %max3A_555 : f32 to vector<784x128xf32>
    %max3A_557 = arith.maximumf %add3A_554, %max3A_556 : vector<784x128xf32>
    %mul3A_558 = vector.broadcast %get3A_544 : f32 to vector<784x128xf32>
    %mul3A_559 = arith.mulf %max3A_557, %mul3A_558 : vector<784x128xf32>
    %add3A_560 = arith.addf %add3A_529, %mul3A_559 : vector<784x128xf32>
    %mul3A_561 = vector.broadcast %get3A_547 : f32 to vector<784x128xf32>
    %mul3A_562 = arith.mulf %max3A_557, %mul3A_561 : vector<784x128xf32>
    %add3A_563 = arith.addf %add3A_532, %mul3A_562 : vector<784x128xf32>
    %get3A_564 = arith.constant 0 : index
    %get3A_565 = arith.constant 17 : index
    %get3A_566 = memref.load %arg3[%get3A_564, %get3A_565] : memref<8x128xf32, #tpu.memory_space<smem>>
    %get3A_567 = arith.constant 1 : index
    %get3A_568 = arith.constant 17 : index
    %get3A_569 = memref.load %arg3[%get3A_567, %get3A_568] : memref<8x128xf32, #tpu.memory_space<smem>>
    %get3A_570 = arith.constant 2 : index
    %get3A_571 = arith.constant 17 : index
    %get3A_572 = memref.load %arg3[%get3A_570, %get3A_571] : memref<8x128xf32, #tpu.memory_space<smem>>
    %get3A_573 = arith.constant 3 : index
    %get3A_574 = arith.constant 17 : index
    %get3A_575 = memref.load %arg3[%get3A_573, %get3A_574] : memref<8x128xf32, #tpu.memory_space<smem>>
    %get3A_576 = arith.constant 4 : index
    %get3A_577 = arith.constant 17 : index
    %get3A_578 = memref.load %arg3[%get3A_576, %get3A_577] : memref<8x128xf32, #tpu.memory_space<smem>>
    %mul3A_579 = vector.broadcast %get3A_566 : f32 to vector<784x128xf32>
    %mul3A_580 = arith.mulf %mul3A_34, %mul3A_579 : vector<784x128xf32>
    %add3A_581 = vector.broadcast %get3A_572 : f32 to vector<784x128xf32>
    %add3A_582 = arith.addf %add3A_581, %mul3A_580 : vector<784x128xf32>
    %mul3A_583 = vector.broadcast %get3A_569 : f32 to vector<784x128xf32>
    %mul3A_584 = arith.mulf %mul3A_23, %mul3A_583 : vector<784x128xf32>
    %add3A_585 = arith.addf %add3A_582, %mul3A_584 : vector<784x128xf32>
    %max3A_586 = arith.constant 0.000000e+00 : f32
    %max3A_587 = vector.broadcast %max3A_586 : f32 to vector<784x128xf32>
    %max3A_588 = arith.maximumf %add3A_585, %max3A_587 : vector<784x128xf32>
    %mul3A_589 = vector.broadcast %get3A_575 : f32 to vector<784x128xf32>
    %mul3A_590 = arith.mulf %max3A_588, %mul3A_589 : vector<784x128xf32>
    %add3A_591 = arith.addf %add3A_560, %mul3A_590 : vector<784x128xf32>
    %mul3A_592 = vector.broadcast %get3A_578 : f32 to vector<784x128xf32>
    %mul3A_593 = arith.mulf %max3A_588, %mul3A_592 : vector<784x128xf32>
    %add3A_594 = arith.addf %add3A_563, %mul3A_593 : vector<784x128xf32>
    %get3A_595 = arith.constant 0 : index
    %get3A_596 = arith.constant 18 : index
    %get3A_597 = memref.load %arg3[%get3A_595, %get3A_596] : memref<8x128xf32, #tpu.memory_space<smem>>
    %get3A_598 = arith.constant 1 : index
    %get3A_599 = arith.constant 18 : index
    %get3A_600 = memref.load %arg3[%get3A_598, %get3A_599] : memref<8x128xf32, #tpu.memory_space<smem>>
    %get3A_601 = arith.constant 2 : index
    %get3A_602 = arith.constant 18 : index
    %get3A_603 = memref.load %arg3[%get3A_601, %get3A_602] : memref<8x128xf32, #tpu.memory_space<smem>>
    %get3A_604 = arith.constant 3 : index
    %get3A_605 = arith.constant 18 : index
    %get3A_606 = memref.load %arg3[%get3A_604, %get3A_605] : memref<8x128xf32, #tpu.memory_space<smem>>
    %get3A_607 = arith.constant 4 : index
    %get3A_608 = arith.constant 18 : index
    %get3A_609 = memref.load %arg3[%get3A_607, %get3A_608] : memref<8x128xf32, #tpu.memory_space<smem>>
    %mul3A_610 = vector.broadcast %get3A_597 : f32 to vector<784x128xf32>
    %mul3A_611 = arith.mulf %mul3A_34, %mul3A_610 : vector<784x128xf32>
    %add3A_612 = vector.broadcast %get3A_603 : f32 to vector<784x128xf32>
    %add3A_613 = arith.addf %add3A_612, %mul3A_611 : vector<784x128xf32>
    %mul3A_614 = vector.broadcast %get3A_600 : f32 to vector<784x128xf32>
    %mul3A_615 = arith.mulf %mul3A_23, %mul3A_614 : vector<784x128xf32>
    %add3A_616 = arith.addf %add3A_613, %mul3A_615 : vector<784x128xf32>
    %max3A_617 = arith.constant 0.000000e+00 : f32
    %max3A_618 = vector.broadcast %max3A_617 : f32 to vector<784x128xf32>
    %max3A_619 = arith.maximumf %add3A_616, %max3A_618 : vector<784x128xf32>
    %mul3A_620 = vector.broadcast %get3A_606 : f32 to vector<784x128xf32>
    %mul3A_621 = arith.mulf %max3A_619, %mul3A_620 : vector<784x128xf32>
    %add3A_622 = arith.addf %add3A_591, %mul3A_621 : vector<784x128xf32>
    %mul3A_623 = vector.broadcast %get3A_609 : f32 to vector<784x128xf32>
    %mul3A_624 = arith.mulf %max3A_619, %mul3A_623 : vector<784x128xf32>
    %add3A_625 = arith.addf %add3A_594, %mul3A_624 : vector<784x128xf32>
    %get3A_626 = arith.constant 0 : index
    %get3A_627 = arith.constant 19 : index
    %get3A_628 = memref.load %arg3[%get3A_626, %get3A_627] : memref<8x128xf32, #tpu.memory_space<smem>>
    %get3A_629 = arith.constant 1 : index
    %get3A_630 = arith.constant 19 : index
    %get3A_631 = memref.load %arg3[%get3A_629, %get3A_630] : memref<8x128xf32, #tpu.memory_space<smem>>
    %get3A_632 = arith.constant 2 : index
    %get3A_633 = arith.constant 19 : index
    %get3A_634 = memref.load %arg3[%get3A_632, %get3A_633] : memref<8x128xf32, #tpu.memory_space<smem>>
    %get3A_635 = arith.constant 3 : index
    %get3A_636 = arith.constant 19 : index
    %get3A_637 = memref.load %arg3[%get3A_635, %get3A_636] : memref<8x128xf32, #tpu.memory_space<smem>>
    %get3A_638 = arith.constant 4 : index
    %get3A_639 = arith.constant 19 : index
    %get3A_640 = memref.load %arg3[%get3A_638, %get3A_639] : memref<8x128xf32, #tpu.memory_space<smem>>
    %mul3A_641 = vector.broadcast %get3A_628 : f32 to vector<784x128xf32>
    %mul3A_642 = arith.mulf %mul3A_34, %mul3A_641 : vector<784x128xf32>
    %add3A_643 = vector.broadcast %get3A_634 : f32 to vector<784x128xf32>
    %add3A_644 = arith.addf %add3A_643, %mul3A_642 : vector<784x128xf32>
    %mul3A_645 = vector.broadcast %get3A_631 : f32 to vector<784x128xf32>
    %mul3A_646 = arith.mulf %mul3A_23, %mul3A_645 : vector<784x128xf32>
    %add3A_647 = arith.addf %add3A_644, %mul3A_646 : vector<784x128xf32>
    %max3A_648 = arith.constant 0.000000e+00 : f32
    %max3A_649 = vector.broadcast %max3A_648 : f32 to vector<784x128xf32>
    %max3A_650 = arith.maximumf %add3A_647, %max3A_649 : vector<784x128xf32>
    %mul3A_651 = vector.broadcast %get3A_637 : f32 to vector<784x128xf32>
    %mul3A_652 = arith.mulf %max3A_650, %mul3A_651 : vector<784x128xf32>
    %add3A_653 = arith.addf %add3A_622, %mul3A_652 : vector<784x128xf32>
    %mul3A_654 = vector.broadcast %get3A_640 : f32 to vector<784x128xf32>
    %mul3A_655 = arith.mulf %max3A_650, %mul3A_654 : vector<784x128xf32>
    %add3A_656 = arith.addf %add3A_625, %mul3A_655 : vector<784x128xf32>
    %get3A_657 = arith.constant 0 : index
    %get3A_658 = arith.constant 20 : index
    %get3A_659 = memref.load %arg3[%get3A_657, %get3A_658] : memref<8x128xf32, #tpu.memory_space<smem>>
    %get3A_660 = arith.constant 1 : index
    %get3A_661 = arith.constant 20 : index
    %get3A_662 = memref.load %arg3[%get3A_660, %get3A_661] : memref<8x128xf32, #tpu.memory_space<smem>>
    %get3A_663 = arith.constant 2 : index
    %get3A_664 = arith.constant 20 : index
    %get3A_665 = memref.load %arg3[%get3A_663, %get3A_664] : memref<8x128xf32, #tpu.memory_space<smem>>
    %get3A_666 = arith.constant 3 : index
    %get3A_667 = arith.constant 20 : index
    %get3A_668 = memref.load %arg3[%get3A_666, %get3A_667] : memref<8x128xf32, #tpu.memory_space<smem>>
    %get3A_669 = arith.constant 4 : index
    %get3A_670 = arith.constant 20 : index
    %get3A_671 = memref.load %arg3[%get3A_669, %get3A_670] : memref<8x128xf32, #tpu.memory_space<smem>>
    %mul3A_672 = vector.broadcast %get3A_659 : f32 to vector<784x128xf32>
    %mul3A_673 = arith.mulf %mul3A_34, %mul3A_672 : vector<784x128xf32>
    %add3A_674 = vector.broadcast %get3A_665 : f32 to vector<784x128xf32>
    %add3A_675 = arith.addf %add3A_674, %mul3A_673 : vector<784x128xf32>
    %mul3A_676 = vector.broadcast %get3A_662 : f32 to vector<784x128xf32>
    %mul3A_677 = arith.mulf %mul3A_23, %mul3A_676 : vector<784x128xf32>
    %add3A_678 = arith.addf %add3A_675, %mul3A_677 : vector<784x128xf32>
    %max3A_679 = arith.constant 0.000000e+00 : f32
    %max3A_680 = vector.broadcast %max3A_679 : f32 to vector<784x128xf32>
    %max3A_681 = arith.maximumf %add3A_678, %max3A_680 : vector<784x128xf32>
    %mul3A_682 = vector.broadcast %get3A_668 : f32 to vector<784x128xf32>
    %mul3A_683 = arith.mulf %max3A_681, %mul3A_682 : vector<784x128xf32>
    %add3A_684 = arith.addf %add3A_653, %mul3A_683 : vector<784x128xf32>
    %mul3A_685 = vector.broadcast %get3A_671 : f32 to vector<784x128xf32>
    %mul3A_686 = arith.mulf %max3A_681, %mul3A_685 : vector<784x128xf32>
    %add3A_687 = arith.addf %add3A_656, %mul3A_686 : vector<784x128xf32>
    %get3A_688 = arith.constant 0 : index
    %get3A_689 = arith.constant 21 : index
    %get3A_690 = memref.load %arg3[%get3A_688, %get3A_689] : memref<8x128xf32, #tpu.memory_space<smem>>
    %get3A_691 = arith.constant 1 : index
    %get3A_692 = arith.constant 21 : index
    %get3A_693 = memref.load %arg3[%get3A_691, %get3A_692] : memref<8x128xf32, #tpu.memory_space<smem>>
    %get3A_694 = arith.constant 2 : index
    %get3A_695 = arith.constant 21 : index
    %get3A_696 = memref.load %arg3[%get3A_694, %get3A_695] : memref<8x128xf32, #tpu.memory_space<smem>>
    %get3A_697 = arith.constant 3 : index
    %get3A_698 = arith.constant 21 : index
    %get3A_699 = memref.load %arg3[%get3A_697, %get3A_698] : memref<8x128xf32, #tpu.memory_space<smem>>
    %get3A_700 = arith.constant 4 : index
    %get3A_701 = arith.constant 21 : index
    %get3A_702 = memref.load %arg3[%get3A_700, %get3A_701] : memref<8x128xf32, #tpu.memory_space<smem>>
    %mul3A_703 = vector.broadcast %get3A_690 : f32 to vector<784x128xf32>
    %mul3A_704 = arith.mulf %mul3A_34, %mul3A_703 : vector<784x128xf32>
    %add3A_705 = vector.broadcast %get3A_696 : f32 to vector<784x128xf32>
    %add3A_706 = arith.addf %add3A_705, %mul3A_704 : vector<784x128xf32>
    %mul3A_707 = vector.broadcast %get3A_693 : f32 to vector<784x128xf32>
    %mul3A_708 = arith.mulf %mul3A_23, %mul3A_707 : vector<784x128xf32>
    %add3A_709 = arith.addf %add3A_706, %mul3A_708 : vector<784x128xf32>
    %max3A_710 = arith.constant 0.000000e+00 : f32
    %max3A_711 = vector.broadcast %max3A_710 : f32 to vector<784x128xf32>
    %max3A_712 = arith.maximumf %add3A_709, %max3A_711 : vector<784x128xf32>
    %mul3A_713 = vector.broadcast %get3A_699 : f32 to vector<784x128xf32>
    %mul3A_714 = arith.mulf %max3A_712, %mul3A_713 : vector<784x128xf32>
    %add3A_715 = arith.addf %add3A_684, %mul3A_714 : vector<784x128xf32>
    %mul3A_716 = vector.broadcast %get3A_702 : f32 to vector<784x128xf32>
    %mul3A_717 = arith.mulf %max3A_712, %mul3A_716 : vector<784x128xf32>
    %add3A_718 = arith.addf %add3A_687, %mul3A_717 : vector<784x128xf32>
    %get3A_719 = arith.constant 0 : index
    %get3A_720 = arith.constant 22 : index
    %get3A_721 = memref.load %arg3[%get3A_719, %get3A_720] : memref<8x128xf32, #tpu.memory_space<smem>>
    %get3A_722 = arith.constant 1 : index
    %get3A_723 = arith.constant 22 : index
    %get3A_724 = memref.load %arg3[%get3A_722, %get3A_723] : memref<8x128xf32, #tpu.memory_space<smem>>
    %get3A_725 = arith.constant 2 : index
    %get3A_726 = arith.constant 22 : index
    %get3A_727 = memref.load %arg3[%get3A_725, %get3A_726] : memref<8x128xf32, #tpu.memory_space<smem>>
    %get3A_728 = arith.constant 3 : index
    %get3A_729 = arith.constant 22 : index
    %get3A_730 = memref.load %arg3[%get3A_728, %get3A_729] : memref<8x128xf32, #tpu.memory_space<smem>>
    %get3A_731 = arith.constant 4 : index
    %get3A_732 = arith.constant 22 : index
    %get3A_733 = memref.load %arg3[%get3A_731, %get3A_732] : memref<8x128xf32, #tpu.memory_space<smem>>
    %mul3A_734 = vector.broadcast %get3A_721 : f32 to vector<784x128xf32>
    %mul3A_735 = arith.mulf %mul3A_34, %mul3A_734 : vector<784x128xf32>
    %add3A_736 = vector.broadcast %get3A_727 : f32 to vector<784x128xf32>
    %add3A_737 = arith.addf %add3A_736, %mul3A_735 : vector<784x128xf32>
    %mul3A_738 = vector.broadcast %get3A_724 : f32 to vector<784x128xf32>
    %mul3A_739 = arith.mulf %mul3A_23, %mul3A_738 : vector<784x128xf32>
    %add3A_740 = arith.addf %add3A_737, %mul3A_739 : vector<784x128xf32>
    %max3A_741 = arith.constant 0.000000e+00 : f32
    %max3A_742 = vector.broadcast %max3A_741 : f32 to vector<784x128xf32>
    %max3A_743 = arith.maximumf %add3A_740, %max3A_742 : vector<784x128xf32>
    %mul3A_744 = vector.broadcast %get3A_730 : f32 to vector<784x128xf32>
    %mul3A_745 = arith.mulf %max3A_743, %mul3A_744 : vector<784x128xf32>
    %add3A_746 = arith.addf %add3A_715, %mul3A_745 : vector<784x128xf32>
    %mul3A_747 = vector.broadcast %get3A_733 : f32 to vector<784x128xf32>
    %mul3A_748 = arith.mulf %max3A_743, %mul3A_747 : vector<784x128xf32>
    %add3A_749 = arith.addf %add3A_718, %mul3A_748 : vector<784x128xf32>
    %get3A_750 = arith.constant 0 : index
    %get3A_751 = arith.constant 23 : index
    %get3A_752 = memref.load %arg3[%get3A_750, %get3A_751] : memref<8x128xf32, #tpu.memory_space<smem>>
    %get3A_753 = arith.constant 1 : index
    %get3A_754 = arith.constant 23 : index
    %get3A_755 = memref.load %arg3[%get3A_753, %get3A_754] : memref<8x128xf32, #tpu.memory_space<smem>>
    %get3A_756 = arith.constant 2 : index
    %get3A_757 = arith.constant 23 : index
    %get3A_758 = memref.load %arg3[%get3A_756, %get3A_757] : memref<8x128xf32, #tpu.memory_space<smem>>
    %get3A_759 = arith.constant 3 : index
    %get3A_760 = arith.constant 23 : index
    %get3A_761 = memref.load %arg3[%get3A_759, %get3A_760] : memref<8x128xf32, #tpu.memory_space<smem>>
    %get3A_762 = arith.constant 4 : index
    %get3A_763 = arith.constant 23 : index
    %get3A_764 = memref.load %arg3[%get3A_762, %get3A_763] : memref<8x128xf32, #tpu.memory_space<smem>>
    %mul3A_765 = vector.broadcast %get3A_752 : f32 to vector<784x128xf32>
    %mul3A_766 = arith.mulf %mul3A_34, %mul3A_765 : vector<784x128xf32>
    %add3A_767 = vector.broadcast %get3A_758 : f32 to vector<784x128xf32>
    %add3A_768 = arith.addf %add3A_767, %mul3A_766 : vector<784x128xf32>
    %mul3A_769 = vector.broadcast %get3A_755 : f32 to vector<784x128xf32>
    %mul3A_770 = arith.mulf %mul3A_23, %mul3A_769 : vector<784x128xf32>
    %add3A_771 = arith.addf %add3A_768, %mul3A_770 : vector<784x128xf32>
    %max3A_772 = arith.constant 0.000000e+00 : f32
    %max3A_773 = vector.broadcast %max3A_772 : f32 to vector<784x128xf32>
    %max3A_774 = arith.maximumf %add3A_771, %max3A_773 : vector<784x128xf32>
    %mul3A_775 = vector.broadcast %get3A_761 : f32 to vector<784x128xf32>
    %mul3A_776 = arith.mulf %max3A_774, %mul3A_775 : vector<784x128xf32>
    %add3A_777 = arith.addf %add3A_746, %mul3A_776 : vector<784x128xf32>
    %mul3A_778 = vector.broadcast %get3A_764 : f32 to vector<784x128xf32>
    %mul3A_779 = arith.mulf %max3A_774, %mul3A_778 : vector<784x128xf32>
    %add3A_780 = arith.addf %add3A_749, %mul3A_779 : vector<784x128xf32>
    %get3A_781 = arith.constant 0 : index
    %get3A_782 = arith.constant 24 : index
    %get3A_783 = memref.load %arg3[%get3A_781, %get3A_782] : memref<8x128xf32, #tpu.memory_space<smem>>
    %get3A_784 = arith.constant 1 : index
    %get3A_785 = arith.constant 24 : index
    %get3A_786 = memref.load %arg3[%get3A_784, %get3A_785] : memref<8x128xf32, #tpu.memory_space<smem>>
    %get3A_787 = arith.constant 2 : index
    %get3A_788 = arith.constant 24 : index
    %get3A_789 = memref.load %arg3[%get3A_787, %get3A_788] : memref<8x128xf32, #tpu.memory_space<smem>>
    %get3A_790 = arith.constant 3 : index
    %get3A_791 = arith.constant 24 : index
    %get3A_792 = memref.load %arg3[%get3A_790, %get3A_791] : memref<8x128xf32, #tpu.memory_space<smem>>
    %get3A_793 = arith.constant 4 : index
    %get3A_794 = arith.constant 24 : index
    %get3A_795 = memref.load %arg3[%get3A_793, %get3A_794] : memref<8x128xf32, #tpu.memory_space<smem>>
    %mul3A_796 = vector.broadcast %get3A_783 : f32 to vector<784x128xf32>
    %mul3A_797 = arith.mulf %mul3A_34, %mul3A_796 : vector<784x128xf32>
    %add3A_798 = vector.broadcast %get3A_789 : f32 to vector<784x128xf32>
    %add3A_799 = arith.addf %add3A_798, %mul3A_797 : vector<784x128xf32>
    %mul3A_800 = vector.broadcast %get3A_786 : f32 to vector<784x128xf32>
    %mul3A_801 = arith.mulf %mul3A_23, %mul3A_800 : vector<784x128xf32>
    %add3A_802 = arith.addf %add3A_799, %mul3A_801 : vector<784x128xf32>
    %max3A_803 = arith.constant 0.000000e+00 : f32
    %max3A_804 = vector.broadcast %max3A_803 : f32 to vector<784x128xf32>
    %max3A_805 = arith.maximumf %add3A_802, %max3A_804 : vector<784x128xf32>
    %mul3A_806 = vector.broadcast %get3A_792 : f32 to vector<784x128xf32>
    %mul3A_807 = arith.mulf %max3A_805, %mul3A_806 : vector<784x128xf32>
    %add3A_808 = arith.addf %add3A_777, %mul3A_807 : vector<784x128xf32>
    %mul3A_809 = vector.broadcast %get3A_795 : f32 to vector<784x128xf32>
    %mul3A_810 = arith.mulf %max3A_805, %mul3A_809 : vector<784x128xf32>
    %add3A_811 = arith.addf %add3A_780, %mul3A_810 : vector<784x128xf32>
    %get3A_812 = arith.constant 0 : index
    %get3A_813 = arith.constant 25 : index
    %get3A_814 = memref.load %arg3[%get3A_812, %get3A_813] : memref<8x128xf32, #tpu.memory_space<smem>>
    %get3A_815 = arith.constant 1 : index
    %get3A_816 = arith.constant 25 : index
    %get3A_817 = memref.load %arg3[%get3A_815, %get3A_816] : memref<8x128xf32, #tpu.memory_space<smem>>
    %get3A_818 = arith.constant 2 : index
    %get3A_819 = arith.constant 25 : index
    %get3A_820 = memref.load %arg3[%get3A_818, %get3A_819] : memref<8x128xf32, #tpu.memory_space<smem>>
    %get3A_821 = arith.constant 3 : index
    %get3A_822 = arith.constant 25 : index
    %get3A_823 = memref.load %arg3[%get3A_821, %get3A_822] : memref<8x128xf32, #tpu.memory_space<smem>>
    %get3A_824 = arith.constant 4 : index
    %get3A_825 = arith.constant 25 : index
    %get3A_826 = memref.load %arg3[%get3A_824, %get3A_825] : memref<8x128xf32, #tpu.memory_space<smem>>
    %mul3A_827 = vector.broadcast %get3A_814 : f32 to vector<784x128xf32>
    %mul3A_828 = arith.mulf %mul3A_34, %mul3A_827 : vector<784x128xf32>
    %add3A_829 = vector.broadcast %get3A_820 : f32 to vector<784x128xf32>
    %add3A_830 = arith.addf %add3A_829, %mul3A_828 : vector<784x128xf32>
    %mul3A_831 = vector.broadcast %get3A_817 : f32 to vector<784x128xf32>
    %mul3A_832 = arith.mulf %mul3A_23, %mul3A_831 : vector<784x128xf32>
    %add3A_833 = arith.addf %add3A_830, %mul3A_832 : vector<784x128xf32>
    %max3A_834 = arith.constant 0.000000e+00 : f32
    %max3A_835 = vector.broadcast %max3A_834 : f32 to vector<784x128xf32>
    %max3A_836 = arith.maximumf %add3A_833, %max3A_835 : vector<784x128xf32>
    %mul3A_837 = vector.broadcast %get3A_823 : f32 to vector<784x128xf32>
    %mul3A_838 = arith.mulf %max3A_836, %mul3A_837 : vector<784x128xf32>
    %add3A_839 = arith.addf %add3A_808, %mul3A_838 : vector<784x128xf32>
    %mul3A_840 = vector.broadcast %get3A_826 : f32 to vector<784x128xf32>
    %mul3A_841 = arith.mulf %max3A_836, %mul3A_840 : vector<784x128xf32>
    %add3A_842 = arith.addf %add3A_811, %mul3A_841 : vector<784x128xf32>
    %get3A_843 = arith.constant 0 : index
    %get3A_844 = arith.constant 26 : index
    %get3A_845 = memref.load %arg3[%get3A_843, %get3A_844] : memref<8x128xf32, #tpu.memory_space<smem>>
    %get3A_846 = arith.constant 1 : index
    %get3A_847 = arith.constant 26 : index
    %get3A_848 = memref.load %arg3[%get3A_846, %get3A_847] : memref<8x128xf32, #tpu.memory_space<smem>>
    %get3A_849 = arith.constant 2 : index
    %get3A_850 = arith.constant 26 : index
    %get3A_851 = memref.load %arg3[%get3A_849, %get3A_850] : memref<8x128xf32, #tpu.memory_space<smem>>
    %get3A_852 = arith.constant 3 : index
    %get3A_853 = arith.constant 26 : index
    %get3A_854 = memref.load %arg3[%get3A_852, %get3A_853] : memref<8x128xf32, #tpu.memory_space<smem>>
    %get3A_855 = arith.constant 4 : index
    %get3A_856 = arith.constant 26 : index
    %get3A_857 = memref.load %arg3[%get3A_855, %get3A_856] : memref<8x128xf32, #tpu.memory_space<smem>>
    %mul3A_858 = vector.broadcast %get3A_845 : f32 to vector<784x128xf32>
    %mul3A_859 = arith.mulf %mul3A_34, %mul3A_858 : vector<784x128xf32>
    %add3A_860 = vector.broadcast %get3A_851 : f32 to vector<784x128xf32>
    %add3A_861 = arith.addf %add3A_860, %mul3A_859 : vector<784x128xf32>
    %mul3A_862 = vector.broadcast %get3A_848 : f32 to vector<784x128xf32>
    %mul3A_863 = arith.mulf %mul3A_23, %mul3A_862 : vector<784x128xf32>
    %add3A_864 = arith.addf %add3A_861, %mul3A_863 : vector<784x128xf32>
    %max3A_865 = arith.constant 0.000000e+00 : f32
    %max3A_866 = vector.broadcast %max3A_865 : f32 to vector<784x128xf32>
    %max3A_867 = arith.maximumf %add3A_864, %max3A_866 : vector<784x128xf32>
    %mul3A_868 = vector.broadcast %get3A_854 : f32 to vector<784x128xf32>
    %mul3A_869 = arith.mulf %max3A_867, %mul3A_868 : vector<784x128xf32>
    %add3A_870 = arith.addf %add3A_839, %mul3A_869 : vector<784x128xf32>
    %mul3A_871 = vector.broadcast %get3A_857 : f32 to vector<784x128xf32>
    %mul3A_872 = arith.mulf %max3A_867, %mul3A_871 : vector<784x128xf32>
    %add3A_873 = arith.addf %add3A_842, %mul3A_872 : vector<784x128xf32>
    %get3A_874 = arith.constant 0 : index
    %get3A_875 = arith.constant 27 : index
    %get3A_876 = memref.load %arg3[%get3A_874, %get3A_875] : memref<8x128xf32, #tpu.memory_space<smem>>
    %get3A_877 = arith.constant 1 : index
    %get3A_878 = arith.constant 27 : index
    %get3A_879 = memref.load %arg3[%get3A_877, %get3A_878] : memref<8x128xf32, #tpu.memory_space<smem>>
    %get3A_880 = arith.constant 2 : index
    %get3A_881 = arith.constant 27 : index
    %get3A_882 = memref.load %arg3[%get3A_880, %get3A_881] : memref<8x128xf32, #tpu.memory_space<smem>>
    %get3A_883 = arith.constant 3 : index
    %get3A_884 = arith.constant 27 : index
    %get3A_885 = memref.load %arg3[%get3A_883, %get3A_884] : memref<8x128xf32, #tpu.memory_space<smem>>
    %get3A_886 = arith.constant 4 : index
    %get3A_887 = arith.constant 27 : index
    %get3A_888 = memref.load %arg3[%get3A_886, %get3A_887] : memref<8x128xf32, #tpu.memory_space<smem>>
    %mul3A_889 = vector.broadcast %get3A_876 : f32 to vector<784x128xf32>
    %mul3A_890 = arith.mulf %mul3A_34, %mul3A_889 : vector<784x128xf32>
    %add3A_891 = vector.broadcast %get3A_882 : f32 to vector<784x128xf32>
    %add3A_892 = arith.addf %add3A_891, %mul3A_890 : vector<784x128xf32>
    %mul3A_893 = vector.broadcast %get3A_879 : f32 to vector<784x128xf32>
    %mul3A_894 = arith.mulf %mul3A_23, %mul3A_893 : vector<784x128xf32>
    %add3A_895 = arith.addf %add3A_892, %mul3A_894 : vector<784x128xf32>
    %max3A_896 = arith.constant 0.000000e+00 : f32
    %max3A_897 = vector.broadcast %max3A_896 : f32 to vector<784x128xf32>
    %max3A_898 = arith.maximumf %add3A_895, %max3A_897 : vector<784x128xf32>
    %mul3A_899 = vector.broadcast %get3A_885 : f32 to vector<784x128xf32>
    %mul3A_900 = arith.mulf %max3A_898, %mul3A_899 : vector<784x128xf32>
    %add3A_901 = arith.addf %add3A_870, %mul3A_900 : vector<784x128xf32>
    %mul3A_902 = vector.broadcast %get3A_888 : f32 to vector<784x128xf32>
    %mul3A_903 = arith.mulf %max3A_898, %mul3A_902 : vector<784x128xf32>
    %add3A_904 = arith.addf %add3A_873, %mul3A_903 : vector<784x128xf32>
    %get3A_905 = arith.constant 0 : index
    %get3A_906 = arith.constant 28 : index
    %get3A_907 = memref.load %arg3[%get3A_905, %get3A_906] : memref<8x128xf32, #tpu.memory_space<smem>>
    %get3A_908 = arith.constant 1 : index
    %get3A_909 = arith.constant 28 : index
    %get3A_910 = memref.load %arg3[%get3A_908, %get3A_909] : memref<8x128xf32, #tpu.memory_space<smem>>
    %get3A_911 = arith.constant 2 : index
    %get3A_912 = arith.constant 28 : index
    %get3A_913 = memref.load %arg3[%get3A_911, %get3A_912] : memref<8x128xf32, #tpu.memory_space<smem>>
    %get3A_914 = arith.constant 3 : index
    %get3A_915 = arith.constant 28 : index
    %get3A_916 = memref.load %arg3[%get3A_914, %get3A_915] : memref<8x128xf32, #tpu.memory_space<smem>>
    %get3A_917 = arith.constant 4 : index
    %get3A_918 = arith.constant 28 : index
    %get3A_919 = memref.load %arg3[%get3A_917, %get3A_918] : memref<8x128xf32, #tpu.memory_space<smem>>
    %mul3A_920 = vector.broadcast %get3A_907 : f32 to vector<784x128xf32>
    %mul3A_921 = arith.mulf %mul3A_34, %mul3A_920 : vector<784x128xf32>
    %add3A_922 = vector.broadcast %get3A_913 : f32 to vector<784x128xf32>
    %add3A_923 = arith.addf %add3A_922, %mul3A_921 : vector<784x128xf32>
    %mul3A_924 = vector.broadcast %get3A_910 : f32 to vector<784x128xf32>
    %mul3A_925 = arith.mulf %mul3A_23, %mul3A_924 : vector<784x128xf32>
    %add3A_926 = arith.addf %add3A_923, %mul3A_925 : vector<784x128xf32>
    %max3A_927 = arith.constant 0.000000e+00 : f32
    %max3A_928 = vector.broadcast %max3A_927 : f32 to vector<784x128xf32>
    %max3A_929 = arith.maximumf %add3A_926, %max3A_928 : vector<784x128xf32>
    %mul3A_930 = vector.broadcast %get3A_916 : f32 to vector<784x128xf32>
    %mul3A_931 = arith.mulf %max3A_929, %mul3A_930 : vector<784x128xf32>
    %add3A_932 = arith.addf %add3A_901, %mul3A_931 : vector<784x128xf32>
    %mul3A_933 = vector.broadcast %get3A_919 : f32 to vector<784x128xf32>
    %mul3A_934 = arith.mulf %max3A_929, %mul3A_933 : vector<784x128xf32>
    %add3A_935 = arith.addf %add3A_904, %mul3A_934 : vector<784x128xf32>
    %get3A_936 = arith.constant 0 : index
    %get3A_937 = arith.constant 29 : index
    %get3A_938 = memref.load %arg3[%get3A_936, %get3A_937] : memref<8x128xf32, #tpu.memory_space<smem>>
    %get3A_939 = arith.constant 1 : index
    %get3A_940 = arith.constant 29 : index
    %get3A_941 = memref.load %arg3[%get3A_939, %get3A_940] : memref<8x128xf32, #tpu.memory_space<smem>>
    %get3A_942 = arith.constant 2 : index
    %get3A_943 = arith.constant 29 : index
    %get3A_944 = memref.load %arg3[%get3A_942, %get3A_943] : memref<8x128xf32, #tpu.memory_space<smem>>
    %get3A_945 = arith.constant 3 : index
    %get3A_946 = arith.constant 29 : index
    %get3A_947 = memref.load %arg3[%get3A_945, %get3A_946] : memref<8x128xf32, #tpu.memory_space<smem>>
    %get3A_948 = arith.constant 4 : index
    %get3A_949 = arith.constant 29 : index
    %get3A_950 = memref.load %arg3[%get3A_948, %get3A_949] : memref<8x128xf32, #tpu.memory_space<smem>>
    %mul3A_951 = vector.broadcast %get3A_938 : f32 to vector<784x128xf32>
    %mul3A_952 = arith.mulf %mul3A_34, %mul3A_951 : vector<784x128xf32>
    %add3A_953 = vector.broadcast %get3A_944 : f32 to vector<784x128xf32>
    %add3A_954 = arith.addf %add3A_953, %mul3A_952 : vector<784x128xf32>
    %mul3A_955 = vector.broadcast %get3A_941 : f32 to vector<784x128xf32>
    %mul3A_956 = arith.mulf %mul3A_23, %mul3A_955 : vector<784x128xf32>
    %add3A_957 = arith.addf %add3A_954, %mul3A_956 : vector<784x128xf32>
    %max3A_958 = arith.constant 0.000000e+00 : f32
    %max3A_959 = vector.broadcast %max3A_958 : f32 to vector<784x128xf32>
    %max3A_960 = arith.maximumf %add3A_957, %max3A_959 : vector<784x128xf32>
    %mul3A_961 = vector.broadcast %get3A_947 : f32 to vector<784x128xf32>
    %mul3A_962 = arith.mulf %max3A_960, %mul3A_961 : vector<784x128xf32>
    %add3A_963 = arith.addf %add3A_932, %mul3A_962 : vector<784x128xf32>
    %mul3A_964 = vector.broadcast %get3A_950 : f32 to vector<784x128xf32>
    %mul3A_965 = arith.mulf %max3A_960, %mul3A_964 : vector<784x128xf32>
    %add3A_966 = arith.addf %add3A_935, %mul3A_965 : vector<784x128xf32>
    %get3A_967 = arith.constant 0 : index
    %get3A_968 = arith.constant 30 : index
    %get3A_969 = memref.load %arg3[%get3A_967, %get3A_968] : memref<8x128xf32, #tpu.memory_space<smem>>
    %get3A_970 = arith.constant 1 : index
    %get3A_971 = arith.constant 30 : index
    %get3A_972 = memref.load %arg3[%get3A_970, %get3A_971] : memref<8x128xf32, #tpu.memory_space<smem>>
    %get3A_973 = arith.constant 2 : index
    %get3A_974 = arith.constant 30 : index
    %get3A_975 = memref.load %arg3[%get3A_973, %get3A_974] : memref<8x128xf32, #tpu.memory_space<smem>>
    %get3A_976 = arith.constant 3 : index
    %get3A_977 = arith.constant 30 : index
    %get3A_978 = memref.load %arg3[%get3A_976, %get3A_977] : memref<8x128xf32, #tpu.memory_space<smem>>
    %get3A_979 = arith.constant 4 : index
    %get3A_980 = arith.constant 30 : index
    %get3A_981 = memref.load %arg3[%get3A_979, %get3A_980] : memref<8x128xf32, #tpu.memory_space<smem>>
    %mul3A_982 = vector.broadcast %get3A_969 : f32 to vector<784x128xf32>
    %mul3A_983 = arith.mulf %mul3A_34, %mul3A_982 : vector<784x128xf32>
    %add3A_984 = vector.broadcast %get3A_975 : f32 to vector<784x128xf32>
    %add3A_985 = arith.addf %add3A_984, %mul3A_983 : vector<784x128xf32>
    %mul3A_986 = vector.broadcast %get3A_972 : f32 to vector<784x128xf32>
    %mul3A_987 = arith.mulf %mul3A_23, %mul3A_986 : vector<784x128xf32>
    %add3A_988 = arith.addf %add3A_985, %mul3A_987 : vector<784x128xf32>
    %max3A_989 = arith.constant 0.000000e+00 : f32
    %max3A_990 = vector.broadcast %max3A_989 : f32 to vector<784x128xf32>
    %max3A_991 = arith.maximumf %add3A_988, %max3A_990 : vector<784x128xf32>
    %mul3A_992 = vector.broadcast %get3A_978 : f32 to vector<784x128xf32>
    %mul3A_993 = arith.mulf %max3A_991, %mul3A_992 : vector<784x128xf32>
    %add3A_994 = arith.addf %add3A_963, %mul3A_993 : vector<784x128xf32>
    %mul3A_995 = vector.broadcast %get3A_981 : f32 to vector<784x128xf32>
    %mul3A_996 = arith.mulf %max3A_991, %mul3A_995 : vector<784x128xf32>
    %add3A_997 = arith.addf %add3A_966, %mul3A_996 : vector<784x128xf32>
    %get3A_998 = arith.constant 0 : index
    %get3A_999 = arith.constant 31 : index
    %get3A_1000 = memref.load %arg3[%get3A_998, %get3A_999] : memref<8x128xf32, #tpu.memory_space<smem>>
    %get3A_1001 = arith.constant 1 : index
    %get3A_1002 = arith.constant 31 : index
    %get3A_1003 = memref.load %arg3[%get3A_1001, %get3A_1002] : memref<8x128xf32, #tpu.memory_space<smem>>
    %get3A_1004 = arith.constant 2 : index
    %get3A_1005 = arith.constant 31 : index
    %get3A_1006 = memref.load %arg3[%get3A_1004, %get3A_1005] : memref<8x128xf32, #tpu.memory_space<smem>>
    %get3A_1007 = arith.constant 3 : index
    %get3A_1008 = arith.constant 31 : index
    %get3A_1009 = memref.load %arg3[%get3A_1007, %get3A_1008] : memref<8x128xf32, #tpu.memory_space<smem>>
    %get3A_1010 = arith.constant 4 : index
    %get3A_1011 = arith.constant 31 : index
    %get3A_1012 = memref.load %arg3[%get3A_1010, %get3A_1011] : memref<8x128xf32, #tpu.memory_space<smem>>
    %mul3A_1013 = vector.broadcast %get3A_1000 : f32 to vector<784x128xf32>
    %mul3A_1014 = arith.mulf %mul3A_34, %mul3A_1013 : vector<784x128xf32>
    %add3A_1015 = vector.broadcast %get3A_1006 : f32 to vector<784x128xf32>
    %add3A_1016 = arith.addf %add3A_1015, %mul3A_1014 : vector<784x128xf32>
    %mul3A_1017 = vector.broadcast %get3A_1003 : f32 to vector<784x128xf32>
    %mul3A_1018 = arith.mulf %mul3A_23, %mul3A_1017 : vector<784x128xf32>
    %add3A_1019 = arith.addf %add3A_1016, %mul3A_1018 : vector<784x128xf32>
    %max3A_1020 = arith.constant 0.000000e+00 : f32
    %max3A_1021 = vector.broadcast %max3A_1020 : f32 to vector<784x128xf32>
    %max3A_1022 = arith.maximumf %add3A_1019, %max3A_1021 : vector<784x128xf32>
    %mul3A_1023 = vector.broadcast %get3A_1009 : f32 to vector<784x128xf32>
    %mul3A_1024 = arith.mulf %max3A_1022, %mul3A_1023 : vector<784x128xf32>
    %add3A_1025 = arith.addf %add3A_994, %mul3A_1024 : vector<784x128xf32>
    %mul3A_1026 = vector.broadcast %get3A_1012 : f32 to vector<784x128xf32>
    %mul3A_1027 = arith.mulf %max3A_1022, %mul3A_1026 : vector<784x128xf32>
    %add3A_1028 = arith.addf %add3A_997, %mul3A_1027 : vector<784x128xf32>
    %swap3A = arith.constant 0 : index
    %swap3A_1029 = arith.constant 0 : index
    %swap3A_1030 = vector.load %arg4[%swap3A, %swap3A_1029] : memref<784x128xf32, #tpu.memory_space<vmem>>, vector<784x128xf32>
    tpu.vector_store %arg4[%swap3A, %swap3A_1029], %add3A_1025 {strides = array<i32>} : memref<784x128xf32, #tpu.memory_space<vmem>>, vector<784x128xf32>,
    %get3A_1031 = arith.constant 5 : index
    %get3A_1032 = arith.constant 0 : index
    %get3A_1033 = memref.load %arg3[%get3A_1031, %get3A_1032] : memref<8x128xf32, #tpu.memory_space<smem>>
    %add3A_1034 = vector.broadcast %get3A_1033 : f32 to vector<784x128xf32>
    %add3A_1035 = arith.addf %add3A_1028, %add3A_1034 : vector<784x128xf32>
    %swap3A_1036 = arith.constant 0 : index
    %swap3A_1037 = arith.constant 0 : index
    %swap3A_1038 = vector.load %arg5[%swap3A_1036, %swap3A_1037] : memref<784x128xf32, #tpu.memory_space<vmem>>, vector<784x128xf32>
    tpu.vector_store %arg5[%swap3A_1036, %swap3A_1037], %add3A_1035 {strides = array<i32>} : memref<784x128xf32, #tpu.memory_space<vmem>>, vector<784x128xf32>,
    return
  }
}

</mosaic_0001>

<sc_bundles>
// kernel: kernel.5.cloned.1.call-start
scs
__scs_entry_jumppad:
0x0: {  	(pc) =	sbr.rel $0x88, $3  }
0x1: {  	(tag) =	ssettag $0x0;
	lr =	simm.s32 $0x1  }
0x2: {  	[smem:$0x3F98] =	sst lr;
	_ =	strace $0xD0000000  }
0x3: {  	_ = 	snop  }
0x4: {  	_ = 	snop  }
0x5: {  	_ = 	snop  }
0x6: {  	_ = 	snop  }
0x7: {  	_ = 	snop  }
__scs_overlays_trampoline_lowered:
0x8: {  	[smem:$0x3FA7] =	sst s0  }
0x9: {  	[smem:$0x3FA8] =	sst s1  }
0xa: {  	[smem:$0x3FA9] =	sst s2  }
0xb: {  	[smem:$0x3FAA] =	sst s3  }
0xc: {  	[smem:$0x3FAB] =	sst s4  }
0xd: {  	[smem:$0x3FAC] =	sst s5  }
0xe: {  	[smem:$0x3FAD] =	sst s6  }
0xf: {  	[smem:$0x3FAE] =	sst s7  }
0x10: {  	[smem:$0x3FAF] =	sst s8  }
0x11: {  	[smem:$0x3FB0] =	sst s9;
	s0 =	simm.s32 @!p0 $0x0  }
0x12: {  	s1 =	sld [smem:$0x3F96];
	s0 =	simm.s32 @p0 $0x1  }
0x13: {  	[smem:$0x3FB1] =	sst s0;
	s0 =	simm.s32 @!p1 $0x0  }
0x14: {  	s2 =	sld [smem:$0x3F95];
	s0 =	simm.s32 @p1 $0x1  }
0x15: {  	[smem:$0x3FB2] =	sst s0;
	s0 =	simm.s32 @!p2 $0x0  }
0x16: {  	s3 =	sld [smem:$0x3FDB];
	s0 =	simm.s32 @p2 $0x1  }
0x17: {  	s4 =	simm.s32 $0x1BF5;
	[smem:$0x3FB4] =	sst s0  }
0x18: {  	s0 =	sld [smem:$0x3F97];
	_ =	swait.ge [sflag:s4], $0x0  }
0x19: {  	s7 =	sld [smem:$0x3F98]  }
0x1a: {  	s8 =	sadd.s32 $0xFFFFE003, lr  }
0x1b: {  	s9 =	sadd.s32 $0xFFFFFEF7, lr;
	s5 =	simm.s32 $0xFFFFFFFF;
	p2 =	slt.u32 s8, $0xFFFFF086  }
0x1c: {  	p1 =	slt.u32 s9, $0xF7A;
	s5 =	simm.s32 @!p2 $0x0  }
0x1d: {  	s5 =	simm.s32 @p1 $0x1;
	p0 =	seq.s32 s7, s2  }
0x1e: {  	s7 =	smul.u32 @!p0 $0xF7A, s2;
	p2 =	seq.s32 @!p0 s5, $0x0  }
0x1f: {  	s9 =	smul.u32 $0xF7A, s1;
	s8 =	simm.s32 @!p0 $0x1BF5;
	p2 =	por !p2, p0  }
0x20: {  	[sflag:s8] =	ssyncset.s32 @!p0 $0xFFFFF086;
	s6 =	sadd.s32 @!p0 s3, s7;
	s7 =	simm.s32 @!p0 $0x108  }
0x21: {  	s3 =	sadd.s32 s3, s9;
	s6 =	sadd.s32 @!p0 $0x88, s6;
	s7 =	simm.s32 @p2 $0x1082  }
0x22: {  	[simem:s7], [sflag:s8] =	dma.local @!p0 [hbm:s6], $0xF7A  }
0x23: {  	s9 =	sor.u32 $0xD0000000, s2;
	s6 =	simm.s32 $0x108;
	_ =	swait.ge @!p0 [sflag:s8], $0x0  }
0x24: {  	s3 =	sadd.s32 $0x88, s3;
	s6 =	simm.s32 @!p1 $0x1082;
	[sflag:s4] =	ssyncset.s32 $0xFFFFF086  }
0x25: {  	[simem:s6], [sflag:s4] =	dma.local [hbm:s3], $0xF7A  }
0x26: {  	[smem:$0x3F98] =	sst s1;
	(tag) =	ssettag s2;
	_ =	strace s9  }
0x27: {  	s1 =	sld [smem:$0x3FA8]  }
0x28: {  	s2 =	sld [smem:$0x3FA9]  }
0x29: {  	s4 =	sld [smem:$0x3FAB]  }
0x2a: {  	p0 =	seq.s32 s5, $0x0;
	s5 =	sld [smem:$0x3FAC]  }
0x2b: {  	s6 =	sld [smem:$0x3FAD]  }
0x2c: {  	s7 =	sld [smem:$0x3FAE]  }
0x2d: {  	s3 =	simm.s32 $0x108;
	s8 =	sld [smem:$0x3FAF]  }
0x2e: {  	s3 =	simm.s32 @!p0 $0x1082;
	s9 =	sld [smem:$0x3FB0]  }
0x2f: {  	lr =	sadd.s32 s0, s3;
	s0 =	sld [smem:$0x3FA7]  }
0x30: {  	s3 =	sld [smem:$0x3FAA]  }
0x31: {  	[smem:$0x3FB3] =	sst s10  }
0x32: {  	s10 =	sld [smem:$0x3FB1];
	_ =	sdelay $0x3  }
0x33: {  	p0 =	seq.s32 s10, $0x1;
	s10 =	sld [smem:$0x3FB3];
	_ =	sdelay $0x3  }
0x34: {  	[smem:$0x3FB3] =	sst s10  }
0x35: {  	s10 =	sld [smem:$0x3FB2];
	_ =	sdelay $0x3  }
0x36: {  	p1 =	seq.s32 s10, $0x1;
	s10 =	sld [smem:$0x3FB3];
	_ =	sdelay $0x3  }
0x37: {  	[smem:$0x3FB3] =	sst s10  }
0x38: {  	s10 =	sld [smem:$0x3FB4]  }
0x39: {  	_ = 	snop;
	(pc) =	sbr.ind lr, $3  }
0x3a: {  	_ = 	snop  }
0x3b: {  	_ = 	snop  }
0x3c: {  	p2 =	seq.s32 s10, $0x1;
	s10 =	sld [smem:$0x3FB3]  }
0x3d: {  	_ =	shalt  }
0x3e: {  	_ =	shalt  }
0x3f: {  	_ =	shalt  }
0x40: {  	_ =	shalt  }
0x41: {  	_ =	shalt  }
0x42: {  	_ =	shalt  }
0x43: {  	_ =	shalt  }
0x44: {  	_ =	shalt  }
0x45: {  	_ =	shalt  }
0x46: {  	_ =	shalt  }
0x47: {  	_ =	shalt  }
0x48: {  	_ =	shalt  }
0x49: {  	_ =	shalt  }
0x4a: {  	_ =	shalt  }
0x4b: {  	_ =	shalt  }
0x4c: {  	_ =	shalt  }
0x4d: {  	_ =	shalt  }
0x4e: {  	_ =	shalt  }
0x4f: {  	_ =	shalt  }
0x50: {  	_ =	shalt  }
0x51: {  	_ =	shalt  }
0x52: {  	_ =	shalt  }
0x53: {  	_ =	shalt  }
0x54: {  	_ =	shalt  }
0x55: {  	_ =	shalt  }
0x56: {  	_ =	shalt  }
0x57: {  	_ =	shalt  }
0x58: {  	_ =	shalt  }
0x59: {  	_ =	shalt  }
0x5a: {  	_ =	shalt  }
0x5b: {  	_ =	shalt  }
0x5c: {  	_ =	shalt  }
0x5d: {  	_ =	shalt  }
0x5e: {  	_ =	shalt  }
0x5f: {  	_ =	shalt  }
0x60: {  	_ =	shalt  }
0x61: {  	_ =	shalt  }
0x62: {  	_ =	shalt  }
0x63: {  	_ =	shalt  }
0x64: {  	_ =	shalt  }
0x65: {  	_ =	shalt  }
0x66: {  	_ =	shalt  }
0x67: {  	_ =	shalt  }
0x68: {  	_ =	shalt  }
0x69: {  	_ =	shalt  }
0x6a: {  	_ =	shalt  }
0x6b: {  	_ =	shalt  }
0x6c: {  	_ =	shalt  }
0x6d: {  	_ =	shalt  }
0x6e: {  	_ =	shalt  }
0x6f: {  	_ =	shalt  }
0x70: {  	_ =	shalt  }
0x71: {  	_ =	shalt  }
0x72: {  	_ =	shalt  }
0x73: {  	_ =	shalt  }
0x74: {  	_ =	shalt  }
0x75: {  	_ =	shalt  }
0x76: {  	_ =	shalt  }
0x77: {  	_ =	shalt  }
0x78: {  	_ =	shalt  }
0x79: {  	_ =	shalt  }
0x7a: {  	_ =	shalt  }
0x7b: {  	_ =	shalt  }
0x7c: {  	_ =	shalt  }
0x7d: {  	_ =	shalt  }
0x7e: {  	_ =	shalt  }
0x7f: {  	_ =	shalt  }
0x80: {  	_ =	shalt  }
0x81: {  	_ =	shalt  }
0x82: {  	_ =	shalt  }
0x83: {  	_ =	shalt  }
0x84: {  	_ =	shalt  }
0x85: {  	_ =	shalt  }
0x86: {  	_ =	shalt  }
0x87: {  	_ =	shalt  }
.Lfunc_end0:
.L_simem_size_0:
called_computation_lowered:
.L_overlay_start_0:
0x88: {  	s2 =	sld [smem:$0x3FD9]  }
0x89: {  	s3 =	sld [smem:$0x3FFE];
	_ =	sdelay $0x1  }
0x8a: {  	s1 =	srdreg.scid  }
0x8b: {  	s0 =	sand.u32 $0x1, s1  }
0x8c: {  	s17 =	sshll.u32 s0, $0xA;
	s2 =	sadd.s32 s3, s2  }
0x8d: {  	s2 =	sadd.s32 s2, s17  }
0x8e: {  	[smem:$0x3FBF] =	sst s2  }
0x8f: {  	_ = 	snop  }
0x90: {  	s2 =	sld [smem:$0x3FC9]  }
0x91: {  	s18 =	sld [smem:$0x3FC8]  }
0x92: {  	s4 =	sld [smem:$0x3FD0];
	(tm) =	ssettm $0x1  }
0x93: {  	s5 =	sld [smem:$0x3FFB];
	_ =	sdelay $0x3  }
0x94: {  	_ =	strace s5  }
0x95: {  	s5 =	sld [smem:$0x3FFC];
	_ =	sdelay $0x3  }
0x96: {  	_ =	strace s5  }
0x97: {  	s5 =	sld [smem:$0x3FFD];
	_ =	sdelay $0x3  }
0x98: {  	_ =	strace s5  }
0x99: {  	_ =	strace $0x8FFFFFFF  }
0x9a: {  	s19 =	sld [smem:$0x3FDB];
	_ =	sdelay $0x1  }
0x9b: {  	s6 =	simm.s32 $_scs_section_size  }
0x9c: {  	s7 =	simm.s32 $_size__tile_overlayer_lowered;
	s8 =	simm.s32 $_tile_overlayer_lowered  }
0x9d: {  	s22 =	simm.s32 $0x1BFF;
	s21 =	sshll.u32 s8, $0x1;
	s5 =	sadd.s32 s6, s19  }
0x9e: {  	s9 =	simm.s32 $0x0;
	s20 =	sshll.u32 s7, $0x1;
	s7 =	sadd.s32 s21, s5  }
0x9f: {  	[timem:s9], [sflag:s22] =	dma.local [hbm:s7], s20  }
0xa0: {  	_ =	swait.ge [sflag:s22], s20  }
0xa1: {  	s6 =	ssub.s32 $0x0, s20;
	[sflag:s22] =	ssyncset.done $0x0  }
0xa2: {  	[sflag:s22] =	ssyncadd.s32 s6;
	_ =	sdelay $0x1  }
0xa3: {  	s23 =	simm.s32 $0x1B8B  }
0xa4: {  	_ =	swait.ge [sflag:s23], $0x1  }
0xa5: {  	[sflag:s23] =	ssyncset.done $0x0  }
0xa6: {  	s25 =	simm.s32 $0x1B8E;
	s24 =	sld [smem:$0x3FFE];
	[sflag:s23] =	ssyncadd.s32 $0xFFFFFFFF  }
0xa7: {  	s26 =	simm.s32 $execute0_lowered;
	[smem:$0x3FD2] =	sst s25  }
0xa8: {  	s7 =	sshll.u32 s26, $0x1;
	_ =	strace $0x80000046;
	[dreg:$0x1] =	wrdreg $0xFFFFFFFF  }
0xa9: {  	s28 =	simm.s32 $_size_execute0_lowered;
	s5 =	sadd.s32 s5, s7;
	[dreg:$0x0] =	wrdreg $0x0  }
0xaa: {  	s7 =	sshll.u32 s28, $0x1;
	[dreg:$0x2] =	wrdreg s5  }
0xab: {  	[dreg:$0x3] =	wrdreg s7  }
0xac: {  	[dreg:$0x4] =	wrdreg $0xC0  }
0xad: {  	_ =	task [dreg:s9], $0x5FFFF  }
0xae: {  	[dreg:$0x1] =	wrdreg $0xFFFFFFFF  }
0xaf: {  	[dreg:$0x0] =	wrdreg $0x60  }
0xb0: {  	[dreg:$0x2] =	wrdreg s2  }
0xb1: {  	[dreg:$0x3] =	wrdreg s18  }
0xb2: {  	[dreg:$0x4] =	wrdreg s24  }
0xb3: {  	[dreg:$0x5] =	wrdreg s4  }
0xb4: {  	[dreg:$0x6] =	wrdreg $0x9  }
0xb5: {  	_ =	task.clear_ibuf [dreg:s9], $0x7FFFF;
	_ =	strace $0x90000046  }
0xb6: {  	s29 =	simm.s32 $0x9;
	_ =	strace $0x8000004A  }
0xb7: {  	_ =	swait.ge [sflag:s29], $0x1  }
0xb8: {  	[sflag:s29] =	ssyncadd.s32 $0xFFFFFFFF  }
0xb9: {  	_ =	strace $0x9000004A  }
0xba: {  	_ =	sfence  }
0xbb: {  	s30 =	sld [smem:$0x0];
	_ =	sdelay $0x2  }
0xbc: {  	s31 =	sshll.u32 s1, $0xD;
	s1 =	sshrl.u32 s1, $0x2  }
0xbd: {  	s3 =	sand.u32 $0x4000, s31;
	s1 =	sadd.s32 s1, s30  }
0xbe: {  	s0 =	sor.u32 s3, s0;
	s1 =	sshll.u32 s1, $0x11  }
0xbf: {  	s0 =	sor.u32 s1, s0  }
0xc0: {  	s0 =	sadd.s32 $0x8F2B, s0  }
0xc1: {  	[sflag:s0] =	ssyncadd.remote.s32 $0x1  }
0xc2: {  	_ =	sfence.sel $0xFFFF  }
0xc3: {  	[dreg:$0x0] =	wrdreg $0xFFFFFFFF;
	(pc) =	sbr.abs _section_cstart, $3  }
0xc4: {  	[dreg:$0x1] =	wrdreg $0xFFFFFFFF  }
0xc5: {  	_ =	task.clear_ibuf [dreg:s9], $0x2FFFF;
	_ =	strace $0x9FFFFFFF  }
0xc6: {  	(tm) =	ssettm $0x7FFFFFFF  }
0xc7: {  	_ =	shalt  }
tec
execute0_lowered:
.L_overlay_start_1:
0x0: {  	(tag) =	ssettag $0x1  }
0x1: {  	s11 =	rddreg [dreg:$0x0]  }
0x2: {  	s2 =	rddreg [dreg:$0x1]  }
0x3: {  	s0 =	rddreg [dreg:$0x2]  }
0x4: {  	s1 =	srdreg.scid;
	s4 =	stileid.u32  }
0x5: {  	s3 =	rddreg [dreg:$0x3];
	s5 =	sshll.u32 s4, $0x1;
	s4 =	simm.s32 $0x0  }
0x6: {  	s30 =	simm.s32 $0x1;
	s17 =	sadd.s32 $0x2200, s0;
	[smem:$0x7FF] =	sst s4  }
0x7: {  	s18 =	sadd.s32 $0x61A, s11;
	_ =	strace $0x80000047;
	[dreg:$0x5] =	wrdreg s17  }
0x8: {  	s31 =	simm.s32 $0x19480;
	s19 =	sadd.s32 $0xC34, s11;
	[dreg:$0x7] =	wrdreg s18  }
0x9: {  	s1 =	sand.u32 $0x1, s1;
	s20 =	sadd.s32 $0x124E, s11;
	[dreg:$0x8] =	wrdreg s19  }
0xa: {  	s21 =	sadd.s32 $0x1868, s11;
	s22 =	sadd.s32 $0x1E82, s11;
	[dreg:$0x9] =	wrdreg s20  }
0xb: {  	s24 =	sadd.s32 $0x249C, s11;
	s25 =	sadd.s32 $0x2AB6, s11;
	[dreg:$0xa] =	wrdreg s21  }
0xc: {  	s5 =	sor.u32 s1, s5;
	s1 =	ssub.s32 $0x2, s1;
	[dreg:$0xb] =	wrdreg s22  }
0xd: {  	s6 =	smul.u32 $0xC40, s5;
	s9 =	sshrl.u32 s1, $0x1;
	[dreg:$0xc] =	wrdreg s24  }
0xe: {  	[dreg:$0xd] =	wrdreg s25;
	s21 =	simm.s32 $0x18800;
	s24 =	simm.s32 $0x1C480  }
0xf: {  	s1 =	ssub.s32 s1, s9;
	s7 =	smin.u32 s6, $0x17A58;
	s8 =	sshrl.u32 s6, $0x3  }
0x10: {  	s23 =	smin.u32 s6, $0x17A60;
	s29 =	smax.u32 s1, $0x1;
	s10 =	sshrl.u32 s7, $0x3  }
0x11: {  	v0 =	vlaneseq.u32;
	s0 =	sadd.s32 s8, s0;
	s26 =	ssub.s32 s6, s7;
	[dreg:$0x12] =	wrdreg s29  }
0x12: {  	v1 =	vmul.u32 $0x10, v0;
	s9 =	ssub.s32 s23, s7;
	s3 =	sadd.s32 s3, s8;
	[dreg:$0xe] =	wrdreg s26  }
0x13: {  	s8 =	simm.s32 $0x3;
	s5 =	sadd.s32 s17, s10;
	[dreg:$0x10] =	wrdreg s3  }
0x14: {  	v3 =	vor.u32 $0xF, v1;
	s23 =	simm.s32 $0x1B480;
	s28 =	sadd.s32 $0xC40, s9;
	[dreg:$0x6] =	wrdreg s5  }
0x15: {  	[tilespmem:$0x1FFE0] =	vst v3;
	v5 =	vadd.s32 s6, v3;
	s0 =	sadd.s32 $0x5400, s0;
	s3 =	simm.s32 $0x2;
	[dreg:$0xf] =	wrdreg s28  }
0x16: {  	v4 =	vmov s6;
	v33 =	vor.u32 s6, v0;
	v2 =	vmov s7;
	[tilespmem:$0x1FFF0] =	vst v5;
	[dreg:$0x11] =	wrdreg s0;
	s0 =	simm.s32 $0x1C580;
	s5 =	simm.s32 $0x0  }
.LBB2_1:
0x17: {  	[dreg:$0x13] =	wrdreg s5  }
0x18: {  	s1 =	rddreg [dreg:$0x5];
	s20 =	simm.s32 $0x1EB00  }
0x19: {  	[tilespmem:s20], [sflag:$0x3] =	stream.linear.gather [hbm4b:s1+s4], $0x10, $0x38;
	[tilespmem:$0x1EB80] =	vst v63  }
0x1a: {  	_ =	swait.ge [sflag:s8], $0x10  }
0x1b: {  	[sflag:s8] =	ssyncset.done $0x0  }
0x1c: {  	s22 =	rddreg [dreg:$0x6];
	[sflag:s8] =	ssyncadd.s32 $0xFFFFFFF0  }
0x1d: {  	[tilespmem:s21], [sflag:$0x3] =	stream.linear.gather [hbm4b:s22+s4], $0xC50, $0x38;
	[tilespmem:$0x1EB80] =	vst v63  }
0x1e: {  	_ =	swait.ge [sflag:s8], $0xC50  }
0x1f: {  	[sflag:s8] =	ssyncset.done $0x0  }
0x20: {  	[sflag:s8] =	ssyncadd.s32 $0xFFFFF3B0  }
0x21: {  	s25 =	rddreg [dreg:$0x0]  }
0x22: {  	[tilespmem:s4], [sflag:$0x2] =	stream.linear.gather [hbm4b:s25+s4], $0x30D0, $0x38;
	[tilespmem:$0x1EB80] =	vst v63  }
0x23: {  	s28 =	simm.s32 $0x30D0;
	s26 =	rddreg [dreg:$0x7]  }
0x24: {  	[tilespmem:s28], [sflag:$0x2] =	stream.linear.gather [hbm4b:s26+s4], $0x30D0, $0x38;
	[tilespmem:$0x1EB80] =	vst v63  }
0x25: {  	s6 =	simm.s32 $0x61A0;
	s5 =	rddreg [dreg:$0x8]  }
0x26: {  	[tilespmem:s6], [sflag:$0x2] =	stream.linear.gather [hbm4b:s5+s4], $0x30D0, $0x38;
	[tilespmem:$0x1EB80] =	vst v63  }
0x27: {  	s7 =	rddreg [dreg:$0x9];
	s8 =	simm.s32 $0x9270  }
0x28: {  	[tilespmem:s8], [sflag:$0x2] =	stream.linear.gather [hbm4b:s7+s4], $0x30D0, $0x38;
	[tilespmem:$0x1EB80] =	vst v63  }
0x29: {  	s10 =	simm.s32 $0xC340;
	s9 =	rddreg [dreg:$0xa]  }
0x2a: {  	[tilespmem:s10], [sflag:$0x2] =	stream.linear.gather [hbm4b:s9+s4], $0x30D0, $0x38;
	[tilespmem:$0x1EB80] =	vst v63  }
0x2b: {  	s12 =	simm.s32 $0xF410;
	s11 =	rddreg [dreg:$0xb]  }
0x2c: {  	[tilespmem:s12], [sflag:$0x2] =	stream.linear.gather [hbm4b:s11+s4], $0x30D0, $0x38;
	[tilespmem:$0x1EB80] =	vst v63  }
0x2d: {  	s14 =	simm.s32 $0x124E0;
	s13 =	rddreg [dreg:$0xc]  }
0x2e: {  	[tilespmem:s14], [sflag:$0x2] =	stream.linear.gather [hbm4b:s13+s4], $0x30D0, $0x38;
	[tilespmem:$0x1EB80] =	vst v63  }
0x2f: {  	s16 =	simm.s32 $0x155B0;
	s15 =	rddreg [dreg:$0xd]  }
0x30: {  	[tilespmem:s16], [sflag:$0x2] =	stream.linear.gather [hbm4b:s15+s4], $0x30F0, $0x38;
	[tilespmem:$0x1EB80] =	vst v63  }
0x31: {  	s17 =	rddreg [dreg:$0xe];
	v7 =	vld [tilespmem:$0x1EB00]  }
0x32: {  	v8 =	vld [tilespmem:s17+$0x18800];
	_ =	sdelay $0x3  }
0x33: {  	(v2sf) =	vpush v7, $0x0  }
0x34: {  	s18 =	rddreg [dreg:$0xf];
	(v2sf) =	vpush v8, $0x0  }
0x35: {  	v8 =	vld [tilespmem:s18+$0x18800];
	_ =	sdelay $0x4  }
0x36: {  	(v2sf) =	vpush v8, $0x0;
	_ =	sdelay $0x7  }
0x37: {  	s19 =	spop (v2sf)  }
0x38: {  	s6 =	spop (v2sf)  }
0x39: {  	s26 =	ssub.s32 s6, s19  }
0x3a: {  	s6 =	sand.u32 $0xFFFFFFF8, s26  }
0x3b: {  	p0 =	slt.s32 s6, $0x185A00;
	s7 =	smov.u32 s6  }
0x3c: {  	s7 =	simm.s32 @!p0 $0x185A00  }
0x3d: {  	s7 =	sshrl.u32 s7, $0x3  }
0x3e: {  	s20 =	spop (v2sf);
	s7 =	sadd.s32 s2, s7  }
0x3f: {  	[tilespmem:s31], [sflag:$0x1] =	stream.linear.gather [hbm4b:s7+s4], $0x1000, $0x38;
	[tilespmem:$0x1EB80] =	vst v63  }
0x40: {  	_ =	strace $0x80000048  }
0x41: {  	_ =	swait.ge [sflag:s3], $0x30D0  }
0x42: {  	[sflag:s3] =	ssyncset.done $0x0  }
0x43: {  	[sflag:s3] =	ssyncadd.s32 $0xFFFFCF30  }
0x44: {  	_ =	swait.ge [sflag:s3], $0x30D0  }
0x45: {  	[sflag:s3] =	ssyncset.done $0x0  }
0x46: {  	[sflag:s3] =	ssyncadd.s32 $0xFFFFCF30  }
0x47: {  	_ =	swait.ge [sflag:s3], $0x30D0  }
0x48: {  	[sflag:s3] =	ssyncset.done $0x0  }
0x49: {  	[sflag:s3] =	ssyncadd.s32 $0xFFFFCF30  }
0x4a: {  	_ =	swait.ge [sflag:s3], $0x30D0  }
0x4b: {  	s29 =	ssub.s32 s20, s19;
	[sflag:s3] =	ssyncset.done $0x0  }
0x4c: {  	s1 =	ssub.s32 s29, s6;
	p0 =	sne.s32 s29, s6;
	[sflag:s3] =	ssyncadd.s32 $0xFFFFCF30  }
0x4d: {  	s7 =	simm.s32 $0x1;
	s22 =	sshra.s32 s1, $0x1F;
	_ =	swait.ge [sflag:s3], $0x30D0  }
0x4e: {  	s7 =	simm.s32 @!p0 $0x0;
	s25 =	sand.u32 $0xFFF, s1;
	[sflag:s3] =	ssyncset.done $0x0  }
0x4f: {  	s7 =	sor.u32 s7, s22;
	p1 =	sne.s32 s25, $0x0;
	[sflag:s3] =	ssyncadd.s32 $0xFFFFCF30  }
0x50: {  	s28 =	sshrl.u32 s22, $0x14;
	p6 =	sne.s32 s7, $0x1;
	_ =	swait.ge [sflag:s3], $0x30D0  }
0x51: {  	s1 =	sadd.s32 s28, s1;
	p0 =	por !p1, !p6;
	[sflag:s3] =	ssyncset.done $0x0  }
0x52: {  	s7 =	simm.s32 $0x1;
	p0 =	por !p0, !p0;
	[sflag:s3] =	ssyncadd.s32 $0xFFFFCF30  }
0x53: {  	s1 =	sshra.s32 s1, $0xC;
	s7 =	simm.s32 @!p0 $0x0;
	_ =	swait.ge [sflag:s3], $0x30D0  }
0x54: {  	s19 =	ssub.s32 s1, s7;
	[sflag:s3] =	ssyncset.done $0x0  }
0x55: {  	p1 =	slt.s32 s19, $0x0;
	[sflag:s3] =	ssyncadd.s32 $0xFFFFCF30  }
.Ltmp0:
0x56: {  	_ =	swait.ge [sflag:s3], $0x30F0;
	(pc) =	sbr.rel @p1 .LBB2_25-.Ltmp0, $4  }
0x57: {  	[sflag:s3] =	ssyncset.done $0x0  }
0x58: {  	[sflag:s3] =	ssyncadd.s32 $0xFFFFCF10  }
0x59: {  	_ =	strace $0x90000048  }
0x5a: {  	_ =	strace $0x80000049  }
.Ltmp1:
0x5b: {  	(pc) =	sbr.rel .LBB2_3-.Ltmp1, $4  }
0x5c: {  	s7 =	simm.s32 $0xFFFFFFFF  }
0x5d: {  	s10 =	simm.s32 $0x0;
	s7 =	simm.s32 @!p0 $0x0  }
0x5e: {  	s28 =	smov.u32 s6;
	s8 =	simm.s32 $0x0;
	s1 =	sadd.s32 s7, s1  }
0x5f: {  	v8 =	vmov s26;
	v9 =	vmov s29;
	v10 =	vbroadcast v7, $0x0;
	s7 =	simm.s32 $0x0;
	s22 =	sadd.s32 $0x1, s1;
	s1 =	simm.f32 $0.0e+00  }
.LBB2_16:
0x60: {  	v15 =	vmov v18  }
.LBB2_23:
0x61: {  	v16 =	vnsel vm5, $0x186A0, v25  }
0x62: {  	v16 =	vsub.s32 v16, v2;
	_ =	sdelay $0x4  }
0x63: {  	v16 =	vld.idx.msk [tilespmem:v16+s21+$0x0], $0xffff;
	_ =	sdelay $0x2  }
0x64: {  	v20 =	vsub.s32 v23, v14  }
0x65: {  	v23 =	vadd.s32 @p0 $0xFFFFFFFF, v30;
	vm4 =	vgt.s32 @p0 v27, $0x0;
	v52 =	vshrl.u32 v20, $0x4  }
0x66: {  	v27 =	vnsel @p0 vm4, $0x0, v27;
	v31 =	vadd.s32 $0xFFFFFFFF, v20;
	v53 =	vsub.s32 v16, v14  }
0x67: {  	v29 =	vmax.u32 v52, $0x1;
	vm8 =	vgt.s32 v31, $0x0;
	v55 =	vshrl.u32 v53, $0x4  }
0x68: {  	v54 =	vmin.u32 v29, $0x100;
	v16 =	vmin.u32 @p0 v27, $0xFFF;
	v56 =	vmax.u32 v55, $0x1  }
0x69: {  	v27 =	vadd.s32 $0xFFFFFFFF, v54;
	v32 =	vadd.s32 $0xFFFFFFFF, v53;
	v30 =	vmin.u32 v56, $0x100  }
0x6a: {  	v31 =	vnsel vm8, $0x0, v31;
	vm9 =	vgt.s32 v32, $0x0;
	v30 =	vadd.s32 $0xFFFFFFFF, v30  }
0x6b: {  	v31 =	vmin.u32 v31, $0xFFF;
	v23 =	vld.idx.msk @p0 [tilespmem:v23+s24+$0x0], $0xffff;
	v32 =	vnsel vm9, $0x0, v32  }
0x6c: {  	v21 =	vsel @p0 vm3, $0x0, v21;
	v22 =	vsel @p0 vm0, $0x0, v22;
	v32 =	vmin.u32 v32, $0xFFF  }
0x6d: {  	v21 =	vadd.f32 @p0 v21, v11;
	v16 =	vld.idx.msk @p0 [tilespmem:v16+s23+$0x0], $0xffff  }
0x6e: {  	v17 =	vand.u32 @p0 $0xF, v17;
	vm11 =	vlt.s32 v15, v12;
	vm14 =	vlt.s32 v13, v12;
	v27 =	vld.idx.msk [tilespmem:v27+s24+$0x0], $0xffff  }
0x6f: {  	vm3 =	veq.s32 @p0 v17, $0x0;
	vm0 =	veq.s32 @p0 v19, $0x0;
	v21 =	vadd.f32 @p0 v21, v22;
	v22 =	vmovc @p0 v28;
	v57 =	vld.idx.msk [tilespmem:v30+s24+$0x0], $0xffff  }
0x70: {  	v20 =	vand.u32 $0xF, v20;
	v58 =	vld.idx.msk [tilespmem:v31+s23+$0x0], $0xffff;
	v17 =	vsel @p0 vm0, $0x0, v23;
	vm0 =	vlt.s32 @p0 v22, v12  }
0x71: {  	vm10 =	veq.s32 v52, $0x0;
	vm13 =	veq.s32 v20, $0x0;
	vm0 =	vmmov @p0 vm0;
	v59 =	vld.idx.msk [tilespmem:v32+s23+$0x0], $0xffff  }
0x72: {  	v22 =	vpsel p0, v22, v0;
	v17 =	vadd.f32 @p0 v17, v11;
	v14 =	vand.u32 $0xF, v53  }
0x73: {  	vm12 =	veq.s32 v55, $0x0;
	v16 =	vsel @p0 vm3, $0x0, v16;
	v25 =	vsel vm10, $0x0, v27  }
0x74: {  	v12 =	vadd.f32 @p0 v17, v16;
	v60 =	vadd.f32 v25, v11;
	v19 =	vsel vm12, $0x0, v57  }
0x75: {  	[tilespmem:v26+s0+$0x0] =	vst.idx.msk @p1 vm1, v24;
	vm15 =	veq.s32 v14, $0x0;
	v61 =	vsel vm13, $0x0, v58;
	v11 =	vadd.f32 v19, v11  }
0x76: {  	[tilespmem:v18+s0+$0x0] =	vst.idx.msk @p0 vm2, v21;
	v12 =	vpsel p0, v12, v0;
	v62 =	vadd.f32 v60, v61;
	v63 =	vsel vm15, $0x0, v59  }
0x77: {  	[tilespmem:v22+s0+$0x0] =	vst.idx.msk @p0 vm0, v12;
	v11 =	vadd.f32 v11, v63  }
0x78: {  	[tilespmem:v15+s0+$0x0] =	vst.idx.msk vm11, v62  }
0x79: {  	[tilespmem:v13+s0+$0x0] =	vst.idx.msk vm14, v11  }
.LBB2_24:
0x7a: {  	s5 =	ssub.s32 s13, s14  }
0x7b: {  	p0 =	slt.s32 s5, $0x1  }
0x7c: {  	s5 =	sshll.u32 @!p0 s14, $0x4  }
0x7d: {  	v11 =	vlaneseq.u32 @!p0;
	s5 =	sadd.s32 @!p0 s10, s5  }
0x7e: {  	v11 =	vadd.s32 @!p0 s5, v11  }
0x7f: {  	vm0 =	vlt.s32 @!p0 v11, $0xC40  }
0x80: {  	v12 =	vnsel @!p0 vm0, $0xC40, v11  }
0x81: {  	v12 =	vadd.s32 @!p0 v4, v12  }
0x82: {  	vm0 =	vlt.s32 @!p0 v12, $0x186A0  }
0x83: {  	v12 =	vnsel @!p0 vm0, $0x186A0, v12  }
0x84: {  	v12 =	vsub.s32 @!p0 v12, v2;
	_ =	sdelay $0x3  }
0x85: {  	s5 =	simm.s32 @!p0 $0x18800  }
0x86: {  	v12 =	vld.idx.msk @!p0 [tilespmem:v12+s5+$0x0], $0xffff;
	_ =	sdelay $0x1  }
0x87: {  	v13 =	vadd.s32 @!p0 s9, v7  }
0x88: {  	v13 =	vbroadcast @!p0 v13, $0x0;
	_ =	sdelay $0x1  }
0x89: {  	v12 =	vsub.s32 @!p0 v12, v13  }
0x8a: {  	v13 =	vshrl.u32 @!p0 v12, $0x4  }
0x8b: {  	v14 =	vmax.u32 @!p0 v13, $0x1  }
0x8c: {  	v15 =	vadd.s32 @!p0 $0xFFFFFFFF, v12;
	v14 =	vmin.u32 @!p0 v14, $0x100  }
0x8d: {  	vm0 =	vgt.s32 @!p0 v15, $0x0;
	v14 =	vadd.s32 @!p0 $0xFFFFFFFF, v14  }
0x8e: {  	v15 =	vnsel @!p0 vm0, $0x0, v15  }
0x8f: {  	v15 =	vmin.u32 @!p0 v15, $0xFFF;
	_ =	sdelay $0x1  }
0x90: {  	s5 =	simm.s32 @!p0 $0x1C480  }
0x91: {  	v14 =	vld.idx.msk @!p0 [tilespmem:v14+s5+$0x0], $0xffff  }
0x92: {  	s5 =	simm.s32 @!p0 $0x1B480  }
0x93: {  	v15 =	vld.idx.msk @!p0 [tilespmem:v15+s5+$0x0], $0xffff;
	_ =	sdelay $0x1  }
0x94: {  	vm1 =	vlt.s32 @!p0 v11, s11;
	vm0 =	veq.s32 @!p0 v13, $0x0  }
0x95: {  	v12 =	vand.u32 @!p0 $0xF, v12;
	v13 =	vsel @!p0 vm0, $0x0, v14  }
0x96: {  	vm0 =	veq.s32 @!p0 v12, $0x0;
	v12 =	vadd.f32 @!p0 s1, v13  }
0x97: {  	v13 =	vsel @!p0 vm0, $0x0, v15  }
0x98: {  	v12 =	vadd.f32 @!p0 v12, v13  }
0x99: {  	s5 =	simm.s32 @!p0 $0x1C580  }
0x9a: {  	[tilespmem:v11+s5+$0x0] =	vst.idx.msk @!p0 vm1, v12;
	p0 =	sne.s32 s8, s22  }
.Ltmp2:
0x9b: {  	_ = 	snop;
	(pc) =	sbr.rel @!p0 .LBB2_25-.Ltmp2, $3  }
0x9c: {  	_ =	sdelay $0x1  }
0x9d: {  	s7 =	sadd.s32 $0x1000, s7  }
0x9e: {  	s28 =	sadd.s32 $0x1000, s28;
	s10 =	smov.u32 s11;
	s1 =	sadd.f32 s12, s1  }
.LBB2_3:
0x9f: {  	s12 =	sshll.u32 s8, $0xC  }
0xa0: {  	p0 =	slt.s32 s8, s19;
	s9 =	sadd.s32 s6, s12  }
0xa1: {  	s13 =	sadd.s32 @p0 $0x1000, s9  }
0xa2: {  	_ =	swait.ge [sflag:s30], $0x1000;
	p1 =	slt.s32 @p0 s13, $0x185A00  }
0xa3: {  	s8 =	sadd.s32 $0x1, s8;
	s11 =	smov.u32 s13;
	p1 =	por !p1, !p0  }
0xa4: {  	[sflag:s30] =	ssyncset.done $0x0;
	s14 =	sshll.u32 @p0 s8, $0xC;
	s11 =	simm.s32 @p1 $0x185A00  }
0xa5: {  	s15 =	simm.s32 @p0 $0x0;
	s14 =	sand.u32 @p0 $0x1000, s14;
	s11 =	sshrl.u32 @p0 s11, $0x3  }
0xa6: {  	[sflag:s30] =	ssyncadd.s32 $0xFFFFF000;
	s14 =	sadd.s32 @p0 $0x19480, s14;
	s11 =	sadd.s32 @p0 s2, s11  }
0xa7: {  	[tilespmem:s14], [sflag:$0x1] =	stream.linear.gather @p0 [hbm4b:s11+s15], $0x1000, $0x200038;
	[tilespmem:$0x1EB80] =	vst v63  }
0xa8: {  	s11 =	sadd.s32 @!p0 $0x1000, s9  }
0xa9: {  	s11 =	smov.u32 @p0 s13;
	p0 =	slt.s32 s9, s26  }
0xaa: {  	p1 =	sgt.s32 @!p0 s11, s29  }
0xab: {  	p0 =	por p0, p1  }
.Ltmp3:
0xac: {  	_ = 	snop;
	(pc) =	sbr.rel @p0 .LBB2_7-.Ltmp3, $1  }
0xad: {  	_ =	sdelay $0x3  }
0xae: {  	s12 =	sand.u32 $0x1000, s7  }
0xaf: {  	s12 =	sor.u32 $0x60, s12  }
0xb0: {  	s16 =	sadd.s32 $0xFFFFFFE0, s12;
	v12 =	vor.u32 s12, v0  }
0xb1: {  	s14 =	sadd.s32 $0xFFFFFFF0, s12;
	v13 =	vor.u32 s16, v0  }
0xb2: {  	s13 =	sadd.s32 $0xFFFFFFA0, s12;
	s17 =	sadd.s32 $0xFFFFFFC0, s12;
	v14 =	vor.u32 s14, v0  }
0xb3: {  	s18 =	sadd.s32 $0xFFFFFFD0, s12;
	v11 =	vmov s13;
	v16 =	vor.u32 s17, v0  }
0xb4: {  	s20 =	sadd.s32 $0xFFFFFFB0, s12;
	v17 =	vor.u32 s18, v0;
	v11 =	vshrl.u32 v11, $0x7  }
0xb5: {  	s12 =	sadd.s32 $0x80, s12;
	v19 =	vor.u32 s20, v0;
	v11 =	vshll.u32 v11, $0x7;
	v12 =	vld.idx.msk [tilespmem:v12+s31+$0x0], $0xffff  }
0xb6: {  	s25 =	sadd.s32 $0xFFFFFFE0, s12;
	v22 =	vor.u32 s12, v0;
	v15 =	vbroadcast v11, $0x0;
	v13 =	vld.idx.msk [tilespmem:v13+s31+$0x0], $0xffff  }
0xb7: {  	v20 =	vor.u32 s25, v0;
	v14 =	vld.idx.msk [tilespmem:v14+s31+$0x0], $0xffff  }
0xb8: {  	v11 =	vor.u32 $0x70, v0;
	v18 =	vor.u32 v0, v15;
	v16 =	vld.idx.msk [tilespmem:v16+s31+$0x0], $0xffff  }
0xb9: {  	s14 =	sadd.s32 $0xFFFFFFF0, s12;
	v15 =	vor.u32 v11, v15;
	v17 =	vld.idx.msk [tilespmem:v17+s31+$0x0], $0xffff  }
0xba: {  	v23 =	vor.u32 s14, v0;
	v19 =	vld.idx.msk [tilespmem:v19+s31+$0x0], $0xffff  }
0xbb: {  	v22 =	vld.idx.msk [tilespmem:v22+s31+$0x0], $0xffff  }
0xbc: {  	v20 =	vld.idx.msk [tilespmem:v20+s31+$0x0], $0xffff  }
0xbd: {  	v18 =	vld.idx.msk [tilespmem:v18+s31+$0x0], $0xffff  }
0xbe: {  	v15 =	vld.idx.msk [tilespmem:v15+s31+$0x0], $0xffff  }
0xbf: {  	v23 =	vld.idx.msk [tilespmem:v23+s31+$0x0], $0xffff  }
0xc0: {  	v13 =	vld.idx.msk [tilespmem:v13+s4+$0x0], $0xffff  }
0xc1: {  	s5 =	sadd.s32 $0xFFFFFFA0, s12;
	v14 =	vld.idx.msk [tilespmem:v14+s4+$0x0], $0xffff  }
0xc2: {  	s15 =	sadd.s32 $0xFFFFFFC0, s12;
	v21 =	vmov s5;
	v12 =	vld.idx.msk [tilespmem:v12+s4+$0x0], $0xffff  }
0xc3: {  	s16 =	sadd.s32 $0xFFFFFFD0, s12;
	v24 =	vor.u32 s15, v0;
	v21 =	vshrl.u32 v21, $0x7;
	v16 =	vld.idx.msk [tilespmem:v16+s4+$0x0], $0xffff  }
0xc4: {  	v25 =	vor.u32 s16, v0;
	v21 =	vshll.u32 v21, $0x7;
	v17 =	vld.idx.msk [tilespmem:v17+s4+$0x0], $0xffff  }
0xc5: {  	v21 =	vbroadcast v21, $0x0;
	v18 =	vld.idx.msk [tilespmem:v18+s4+$0x0], $0xffff;
	(xrf2) =	vadd.scan.msk.f32 $0xffff, v13  }
0xc6: {  	v15 =	vld.idx.msk [tilespmem:v15+s4+$0x0], $0xffff;
	(xrf2) =	vadd.scan.msk.f32 $0xffff, v14  }
0xc7: {  	s17 =	sadd.s32 $0xFFFFFFB0, s12;
	v13 =	vor.u32 v0, v21;
	(xrf2) =	vadd.scan.msk.f32 $0xffff, v12;
	v12 =	vld.idx.msk [tilespmem:v20+s4+$0x0], $0xffff  }
0xc8: {  	v14 =	vor.u32 s17, v0;
	v20 =	vld.idx.msk [tilespmem:v24+s31+$0x0], $0xffff  }
0xc9: {  	(xrf2) =	vadd.scan.msk.f32 $0xffff, v17;
	v17 =	vld.idx.msk [tilespmem:v25+s31+$0x0], $0xffff  }
0xca: {  	v21 =	vor.u32 v11, v21;
	v25 =	vld.idx.msk [tilespmem:v19+s4+$0x0], $0xffff  }
0xcb: {  	v19 =	vld.idx.msk [tilespmem:v23+s4+$0x0], $0xffff;
	(xrf2) =	vadd.scan.msk.f32 $0xffff, v18  }
0xcc: {  	v18 =	vld.idx.msk [tilespmem:v13+s31+$0x0], $0xffff  }
0xcd: {  	(xrf2) =	vadd.scan.msk.f32 $0xffff, v15;
	v24 =	vld.idx.msk [tilespmem:v14+s31+$0x0], $0xffff  }
0xce: {  	(xrf2) =	vadd.scan.msk.f32 $0xffff, v16  }
0xcf: {  	v16 =	vld.idx.msk [tilespmem:v21+s31+$0x0], $0xffff;
	(xrf2) =	vadd.scan.msk.f32 $0xffff, v12  }
0xd0: {  	s14 =	sadd.s32 $0x80, s12;
	v21 =	vld.idx.msk [tilespmem:v22+s4+$0x0], $0xffff  }
0xd1: {  	s12 =	simm.s32 $0x1B4C0;
	s18 =	sadd.s32 $0xFFFFFFA0, s14;
	v12, _, _ =	vpop (xrf2)  }
0xd2: {  	v13 =	vld.idx.msk [tilespmem:v20+s4+$0x0], $0xffff;
	(xrf2) =	vadd.scan.msk.f32 $0xffff, v19;
	v14, _, _ =	vpop (xrf2);
	[tilespmem:s12+$0x0] =	vst v12;
	v12 =	vmov s18  }
0xd3: {  	s20 =	sadd.s32 $0xFFFFFFE0, s14;
	v20 =	vor.u32 s14, v0;
	v15 =	vld.idx.msk [tilespmem:v17+s4+$0x0], $0xffff;
	v22, _, _ =	vpop (xrf2);
	v12 =	vshrl.u32 v12, $0x7  }
0xd4: {  	s15 =	sadd.s32 $0xFFFFFFF0, s14;
	v26 =	vor.u32 s20, v0;
	[tilespmem:s12+$0x10] =	vst v14;
	v17, _, _ =	vpop (xrf2);
	v14 =	vld.idx.msk [tilespmem:v18+s4+$0x0], $0xffff;
	v18 =	vshll.u32 v12, $0x7  }
0xd5: {  	s25 =	sadd.s32 $0xFFFFFFC0, s14;
	(xrf2) =	vadd.scan.msk.f32 $0xffff, v21;
	[tilespmem:s12+$0x20] =	vst v22;
	v22 =	vor.u32 s15, v0;
	v12 =	vld.idx.msk [tilespmem:v24+s4+$0x0], $0xffff;
	v24 =	vbroadcast v18, $0x0;
	v23, _, _ =	vpop (xrf2)  }
0xd6: {  	s18 =	sadd.s32 $0xFFFFFFD0, s14;
	[tilespmem:s12+$0xFFFFFFC0] =	vst v23;
	v23 =	vor.u32 s25, v0  }
0xd7: {  	[tilespmem:s12+$0xFFFFFFF0] =	vst v17;
	v16 =	vld.idx.msk [tilespmem:v16+s4+$0x0], $0xffff;
	v17, _, _ =	vpop (xrf2);
	v18 =	vor.u32 v0, v24;
	v19 =	vor.u32 v11, v24;
	v24 =	vor.u32 s18, v0  }
0xd8: {  	s17 =	sadd.s32 $0xFFFFFFB0, s14;
	(xrf2) =	vadd.scan.msk.f32 $0xffff, v25;
	v27, _, _ =	vpop (xrf2);
	[tilespmem:s12+$0x30] =	vst v17;
	v17 =	vld.idx.msk [tilespmem:v20+s31+$0x0], $0xffff  }
0xd9: {  	s13 =	simm.s32 $0x1B540;
	v21 =	vor.u32 s17, v0;
	v20 =	vld.idx.msk [tilespmem:v26+s31+$0x0], $0xffff;
	[tilespmem:s12+$0xFFFFFFE0] =	vst v27;
	v26, _, _ =	vpop (xrf2)  }
0xda: {  	s16 =	simm.s32 $0x10;
	s15 =	simm.s32 $0x1B540;
	v22 =	vld.idx.msk [tilespmem:v22+s31+$0x0], $0xffff;
	[tilespmem:s13+$0x0] =	vst v26  }
.LBB2_5:
0xdb: {  	s16 =	sadd.s32 $0x8, s16;
	v23 =	vld.idx.msk [tilespmem:v23+s31+$0x0], $0xffff;
	s13 =	sadd.s32 $0x80, s13;
	(xrf2) =	vadd.scan.msk.f32 $0xffff, v15  }
0xdc: {  	p0 =	slt.u32 s16, $0xF8;
	v15 =	vld.idx.msk [tilespmem:v24+s31+$0x0], $0xffff;
	v24, _, _ =	vpop (xrf2)  }
0xdd: {  	v18 =	vld.idx.msk [tilespmem:v18+s31+$0x0], $0xffff;
	[tilespmem:s15+$0x10] =	vst v24  }
0xde: {  	v21 =	vld.idx.msk [tilespmem:v21+s31+$0x0], $0xffff;
	(xrf2) =	vadd.scan.msk.f32 $0xffff, v14  }
0xdf: {  	v19 =	vld.idx.msk [tilespmem:v19+s31+$0x0], $0xffff;
	v14, _, _ =	vpop (xrf2)  }
0xe0: {  	v17 =	vld.idx.msk [tilespmem:v17+s4+$0x0], $0xffff;
	[tilespmem:s15+$0x20] =	vst v14  }
0xe1: {  	v20 =	vld.idx.msk [tilespmem:v20+s4+$0x0], $0xffff;
	(xrf2) =	vadd.scan.msk.f32 $0xffff, v16  }
0xe2: {  	v22 =	vld.idx.msk [tilespmem:v22+s4+$0x0], $0xffff;
	v14, _, _ =	vpop (xrf2)  }
0xe3: {  	v23 =	vld.idx.msk [tilespmem:v23+s4+$0x0], $0xffff;
	[tilespmem:s12+$0xFFFFFFD0] =	vst v14;
	s12 =	smov.u32 s15;
	s15 =	smov.u32 s13  }
0xe4: {  	v15 =	vld.idx.msk [tilespmem:v15+s4+$0x0], $0xffff;
	(xrf2) =	vadd.scan.msk.f32 $0xffff, v13  }
0xe5: {  	v14 =	vld.idx.msk [tilespmem:v18+s4+$0x0], $0xffff;
	v13, _, _ =	vpop (xrf2)  }
0xe6: {  	s14 =	sadd.s32 $0x80, s14;
	v25 =	vld.idx.msk [tilespmem:v21+s4+$0x0], $0xffff  }
0xe7: {  	s17 =	sadd.s32 $0xFFFFFFA0, s14;
	v16 =	vld.idx.msk [tilespmem:v19+s4+$0x0], $0xffff;
	(xrf2) =	vadd.scan.msk.f32 $0xffff, v20  }
0xe8: {  	v18 =	vmov s17;
	v19, _, _ =	vpop (xrf2)  }
0xe9: {  	v18 =	vshrl.u32 v18, $0x7;
	[tilespmem:s12+$0xFFFFFFF0] =	vst v13;
	v13 =	vmov v23  }
0xea: {  	v18 =	vshll.u32 v18, $0x7;
	(xrf2) =	vadd.scan.msk.f32 $0xffff, v22;
	[tilespmem:s12+$0xFFFFFFC0] =	vst v19  }
0xeb: {  	s18 =	sadd.s32 $0xFFFFFFF0, s14;
	s17 =	sadd.s32 $0xFFFFFFE0, s14;
	v20 =	vor.u32 s14, v0;
	v19 =	vbroadcast v18, $0x0;
	v22, _, _ =	vpop (xrf2)  }
0xec: {  	s5 =	sadd.s32 $0xFFFFFFB0, s14;
	s20 =	sadd.s32 $0xFFFFFFC0, s14;
	s25 =	sadd.s32 $0xFFFFFFD0, s14;
	v27 =	vor.u32 s18, v0;
	v26 =	vor.u32 s17, v0  }
0xed: {  	v23 =	vor.u32 s20, v0;
	v18 =	vor.u32 v0, v19;
	v19 =	vor.u32 v11, v19;
	(xrf2) =	vadd.scan.msk.f32 $0xffff, v17  }
.Ltmp4:
0xee: {  	v24 =	vor.u32 s25, v0;
	v21 =	vor.u32 s5, v0;
	v28, _, _ =	vpop (xrf2);
	(pc) =	sbr.rel @p0 .LBB2_5-.Ltmp4, $4  }
0xef: {  	[tilespmem:s12+$0x30] =	vst v22  }
0xf0: {  	v17 =	vld.idx.msk [tilespmem:v20+s31+$0x0], $0xffff;
	[tilespmem:s12+$0xFFFFFFE0] =	vst v28;
	(xrf2) =	vadd.scan.msk.f32 $0xffff, v12;
	v12 =	vmov v25  }
0xf1: {  	v20 =	vld.idx.msk [tilespmem:v26+s31+$0x0], $0xffff;
	v25, _, _ =	vpop (xrf2)  }
0xf2: {  	v22 =	vld.idx.msk [tilespmem:v27+s31+$0x0], $0xffff;
	[tilespmem:s13+$0x0] =	vst v25  }
0xf3: {  	_ =	sdelay $0x3  }
0xf4: {  	v11 =	vld.idx.msk [tilespmem:v23+s31+$0x0], $0xffff  }
0xf5: {  	v47 =	vld.idx.msk [tilespmem:v24+s31+$0x0], $0xffff  }
0xf6: {  	v18 =	vld.idx.msk [tilespmem:v18+s31+$0x0], $0xffff  }
0xf7: {  	v19 =	vld.idx.msk [tilespmem:v19+s31+$0x0], $0xffff  }
0xf8: {  	v21 =	vld.idx.msk [tilespmem:v21+s31+$0x0], $0xffff  }
0xf9: {  	v20 =	vld.idx.msk [tilespmem:v20+s4+$0x0], $0xffff  }
0xfa: {  	(xrf2) =	vadd.scan.msk.f32 $0xffff, v15;
	v48 =	vld.idx.msk [tilespmem:v22+s4+$0x0], $0xffff  }
0xfb: {  	(xrf2) =	vadd.scan.msk.f32 $0xffff, v14;
	v49 =	vld.idx.msk [tilespmem:v17+s4+$0x0], $0xffff  }
0xfc: {  	(xrf2) =	vadd.scan.msk.f32 $0xffff, v16  }
0xfd: {  	(xrf2) =	vadd.scan.msk.f32 $0xffff, v13;
	v50 =	vld.idx.msk [tilespmem:v47+s4+$0x0], $0xffff  }
0xfe: {  	v51 =	vld.idx.msk [tilespmem:v18+s4+$0x0], $0xffff;
	(xrf2) =	vadd.scan.msk.f32 $0xffff, v20  }
0xff: {  	v52 =	vld.idx.msk [tilespmem:v19+s4+$0x0], $0xffff;
	(xrf2) =	vadd.scan.msk.f32 $0xffff, v48  }
0x100: {  	v11 =	vld.idx.msk [tilespmem:v11+s4+$0x0], $0xffff;
	(xrf2) =	vadd.scan.msk.f32 $0xffff, v49  }
0x101: {  	v53, _, _ =	vpop (xrf2);
	v54 =	vld.idx.msk [tilespmem:v21+s4+$0x0], $0xffff;
	(xrf2) =	vadd.scan.msk.f32 $0xffff, v12  }
0x102: {  	[tilespmem:s15+$0x10] =	vst v53;
	v55, _, _ =	vpop (xrf2);
	(xrf2) =	vadd.scan.msk.f32 $0xffff, v50  }
0x103: {  	[tilespmem:s15+$0x20] =	vst v55;
	v56, _, _ =	vpop (xrf2);
	(xrf2) =	vadd.scan.msk.f32 $0xffff, v51  }
0x104: {  	[tilespmem:s12+$0xFFFFFFD0] =	vst v56;
	v57, _, _ =	vpop (xrf2);
	(xrf2) =	vadd.scan.msk.f32 $0xffff, v52  }
0x105: {  	v58, _, _ =	vpop (xrf2);
	[tilespmem:s15+$0xFFFFFFF0] =	vst v57;
	(xrf2) =	vadd.scan.msk.f32 $0xffff, v11  }
0x106: {  	[tilespmem:s15+$0xFFFFFFC0] =	vst v58;
	v11, _, _ =	vpop (xrf2);
	(xrf2) =	vadd.scan.msk.f32 $0xffff, v54  }
0x107: {  	v59, _, _ =	vpop (xrf2);
	[tilespmem:s15+$0x30] =	vst v11  }
0x108: {  	s5 =	sadd.s32 $0x80, s13;
	v11, _, _ =	vpop (xrf2);
	[tilespmem:s15+$0xFFFFFFE0] =	vst v59  }
0x109: {  	v60, _, _ =	vpop (xrf2);
	[tilespmem:s5+$0x0] =	vst v11  }
0x10a: {  	v11, _, _ =	vpop (xrf2);
	[tilespmem:s5+$0x10] =	vst v60  }
0x10b: {  	v61, _, _ =	vpop (xrf2);
	[tilespmem:s5+$0x20] =	vst v11  }
0x10c: {  	[tilespmem:s15+$0xFFFFFFD0] =	vst v61;
	v11, _, _ =	vpop (xrf2)  }
.Ltmp5:
0x10d: {  	v62, _, _ =	vpop (xrf2);
	[tilespmem:s5+$0xFFFFFFF0] =	vst v11;
	(pc) =	sbr.rel .LBB2_10-.Ltmp5, $4  }
0x10e: {  	[tilespmem:s5+$0xFFFFFFC0] =	vst v62;
	v11, _, _ =	vpop (xrf2)  }
0x10f: {  	v63, _, _ =	vpop (xrf2);
	[tilespmem:s5+$0x30] =	vst v11  }
0x110: {  	[tilespmem:s5+$0xFFFFFFE0] =	vst v63;
	v11, _, _ =	vpop (xrf2)  }
0x111: {  	[tilespmem:s5+$0xFFFFFFD0] =	vst v11  }
.LBB2_7:
0x112: {  	p0 =	slt.s32 s9, $0x185A00;
	s5 =	smov.u32 s9;
	s12 =	sand.u32 $0x1000, s12  }
0x113: {  	s13 =	sadd.s32 $0x30, s28;
	s18 =	sadd.s32 $0x10, s28;
	v14 =	vadd.s32 s28, v0;
	s20 =	sadd.s32 $0x20, s28;
	v12 =	vmov s12  }
0x114: {  	s5 =	simm.s32 @!p0 $0x185A00;
	v13 =	vadd.s32 s13, v0;
	v15 =	vadd.s32 s18, v0;
	v18 =	vadd.s32 s20, v0  }
0x115: {  	s25 =	sadd.s32 $0x40, s28;
	vm2 =	vge.s32 v14, v8;
	vm5 =	vlt.s32 v14, v9;
	v11 =	vmov s5  }
0x116: {  	s14 =	sadd.s32 $0x30, s25;
	s15 =	sadd.s32 $0x20, s25;
	vm3 =	vge.s32 v18, v8;
	vm4 =	vlt.s32 v18, v9;
	vm2 =	vmand vm2, vm5  }
0x117: {  	v21 =	vadd.s32 s14, v0;
	v23 =	vadd.s32 s15, v0;
	vm9 =	vge.s32 v13, v8  }
0x118: {  	vm10 =	vlt.s32 v13, v9;
	v16 =	vsub.s32 v13, v11;
	v17 =	vsub.s32 v15, v11  }
0x119: {  	v19 =	vsub.s32 v18, v11;
	v20 =	vsub.s32 v14, v11;
	vm0 =	vlt.s32 v16, $0xFFF  }
0x11a: {  	vm3 =	vmand vm3, vm4;
	vm1 =	vlt.s32 v17, $0xFFF;
	v16 =	vnsel vm0, $0xFFF, v16  }
0x11b: {  	s13 =	sadd.s32 $0x10, s25;
	vm2 =	vmmov vm2;
	v17 =	vnsel vm1, $0xFFF, v17;
	v16 =	vadd.s32 v12, v16  }
0x11c: {  	v18 =	vadd.s32 s13, v0;
	v24 =	vsub.s32 v21, v11;
	v17 =	vadd.s32 v12, v17  }
0x11d: {  	v25 =	vsub.s32 v23, v11;
	vm7 =	vlt.s32 v23, v9;
	vm15 =	vge.s32 v21, v8  }
0x11e: {  	vm11 =	vlt.s32 v21, v9;
	v22 =	vsub.s32 v18, v11;
	vm0 =	vlt.s32 v19, $0xFFF  }
0x11f: {  	vm1 =	vlt.s32 v15, v9;
	v19 =	vnsel vm0, $0xFFF, v19;
	vm0 =	vlt.s32 v20, $0xFFF  }
0x120: {  	s5 =	sadd.s32 $0x40, s25;
	v19 =	vadd.s32 v12, v19;
	v20 =	vnsel vm0, $0xFFF, v20;
	vm0 =	vge.s32 v15, v8;
	v15 =	vld.idx.msk [tilespmem:v16+s31+$0x0], $0xffff  }
0x121: {  	s17 =	sadd.s32 $0x30, s5;
	s18 =	sadd.s32 $0x20, s5;
	s14 =	sadd.s32 $0x40, s5;
	vm4 =	vlt.s32 v24, $0xFFF;
	vm6 =	vlt.s32 v25, $0xFFF;
	vm2 =	vmmov vm2;
	v14 =	vld.idx.msk [tilespmem:v17+s31+$0x0], $0xffff  }
0x122: {  	v54 =	vadd.s32 s17, v0;
	v27 =	vadd.s32 s18, v0;
	v21 =	vadd.s32 s14, v0  }
0x123: {  	v24 =	vnsel vm4, $0xFFF, v24;
	v25 =	vnsel vm6, $0xFFF, v25;
	vm4 =	vlt.s32 v18, v9  }
0x124: {  	vm6 =	vge.s32 v23, v8;
	v24 =	vadd.s32 v12, v24;
	vm0 =	vmand vm0, vm1  }
0x125: {  	s16 =	sadd.s32 $0x10, s5;
	vm1 =	vmmov vm0;
	vm0 =	vmmov vm3;
	vm3 =	vlt.s32 v22, $0xFFF;
	v16 =	vld.idx.msk [tilespmem:v19+s31+$0x0], $0xffff  }
0x126: {  	v23 =	vadd.s32 s16, v0;
	v20 =	vadd.s32 v12, v20;
	v22 =	vnsel vm3, $0xFFF, v22  }
0x127: {  	v28 =	vsub.s32 v54, v11;
	v29 =	vsub.s32 v27, v11;
	v22 =	vadd.s32 v12, v22  }
0x128: {  	vm13 =	vlt.s32 v27, v9;
	v25 =	vadd.s32 v12, v25;
	v17 =	vadd.s32 s25, v0;
	v15 =	vld.idx.msk [tilespmem:v15+s4+$0x0], $0xffff  }
0x129: {  	v26 =	vsub.s32 v23, v11;
	vm3 =	vge.s32 v18, v8;
	v19 =	vsub.s32 v17, v11;
	v14 =	vld.idx.msk [tilespmem:v14+s4+$0x0], $0xffff  }
0x12a: {  	vm3 =	vmand vm3, vm4;
	vm4 =	vmand vm6, vm7;
	v13 =	vld.idx.msk [tilespmem:v24+s31+$0x0], $0xffff;
	vm5 =	vlt.s32 v19, $0xFFF  }
0x12b: {  	s25 =	sadd.s32 $0x20, s14;
	vm8 =	vlt.s32 v17, v9;
	v19 =	vnsel vm5, $0xFFF, v19;
	vm5 =	vge.s32 v17, v8;
	v17 =	vld.idx.msk [tilespmem:v20+s31+$0x0], $0xffff  }
0x12c: {  	vm6 =	vmand vm9, vm10;
	vm7 =	vlt.s32 v29, $0xFFF;
	v58 =	vadd.s32 s25, v0;
	v18 =	vld.idx.msk [tilespmem:v22+s31+$0x0], $0xffff  }
0x12d: {  	vm9 =	vlt.s32 v21, v9;
	vm10 =	vge.s32 v54, v8;
	v60 =	vsub.s32 v58, v11;
	v16 =	vld.idx.msk [tilespmem:v16+s4+$0x0], $0xffff  }
0x12e: {  	vm5 =	vmand vm5, vm8;
	v15 =	vnsel vm6, $0x0, v15;
	v14 =	vnsel vm1, $0x0, v14  }
0x12f: {  	vm1 =	vmmov vm3;
	vm3 =	vmmov vm5;
	vm5 =	vlt.s32 v28, $0xFFF  }
0x130: {  	v20 =	vadd.s32 s5, v0;
	v19 =	vadd.s32 v12, v19;
	v22 =	vld.idx.msk [tilespmem:v25+s31+$0x0], $0xffff;
	(xrf2) =	vadd.scan.msk.f32 $0xffff, v15;
	v15 =	vnsel vm5, $0xFFF, v28  }
0x131: {  	v53 =	vsub.s32 v20, v11;
	vm14 =	vlt.s32 v20, v9;
	v15 =	vadd.s32 v12, v15  }
0x132: {  	s5 =	sadd.s32 $0x10, s14;
	v13 =	vld.idx.msk [tilespmem:v13+s4+$0x0], $0xffff;
	v16 =	vnsel vm0, $0x0, v16;
	vm0 =	vmmov vm4;
	vm4 =	vlt.s32 v26, $0xFFF  }
0x133: {  	v55 =	vadd.s32 s5, v0;
	vm8 =	vlt.s32 v58, v9;
	v17 =	vld.idx.msk [tilespmem:v17+s4+$0x0], $0xffff;
	v26 =	vnsel vm4, $0xFFF, v26  }
0x134: {  	vm6 =	vlt.s32 v53, $0xFFF;
	v18 =	vld.idx.msk [tilespmem:v18+s4+$0x0], $0xffff;
	(xrf2) =	vadd.scan.msk.f32 $0xffff, v14;
	v14 =	vnsel vm7, $0xFFF, v29;
	v26 =	vadd.s32 v12, v26  }
0x135: {  	v57 =	vsub.s32 v55, v11;
	v24 =	vnsel vm6, $0xFFF, v53;
	v14 =	vadd.s32 v12, v14;
	(xrf2) =	vadd.scan.msk.f32 $0xffff, v16  }
0x136: {  	vm5 =	vlt.s32 v23, v9;
	vm6 =	vge.s32 v20, v8;
	v24 =	vadd.s32 v12, v24;
	v15 =	vld.idx.msk [tilespmem:v15+s31+$0x0], $0xffff  }
0x137: {  	v19 =	vld.idx.msk [tilespmem:v19+s31+$0x0], $0xffff;
	vm4 =	vge.s32 v23, v8;
	vm7 =	vge.s32 v27, v8;
	vm6 =	vmand vm6, vm14  }
0x138: {  	v16 =	vld.idx.msk [tilespmem:v22+s4+$0x0], $0xffff;
	vm4 =	vmand vm4, vm5;
	vm5 =	vmand vm7, vm13;
	vm7 =	vmand vm15, vm11  }
0x139: {  	v20 =	vnsel vm2, $0x0, v17;
	v13 =	vnsel vm7, $0x0, v13;
	v17 =	vnsel vm1, $0x0, v18;
	v18 =	vld.idx.msk [tilespmem:v26+s31+$0x0], $0xffff  }
0x13a: {  	s20 =	sadd.s32 $0x30, s14;
	v23 =	vsub.s32 v21, v11;
	vm2 =	vmmov vm3;
	vm3 =	vmmov vm6;
	(xrf2) =	vadd.scan.msk.f32 $0xffff, v13;
	v14 =	vld.idx.msk [tilespmem:v14+s31+$0x0], $0xffff  }
0x13b: {  	vm6 =	vlt.s32 v23, $0xFFF;
	vm11 =	vlt.s32 v54, v9;
	v13 =	vadd.s32 s20, v0;
	v22 =	vld.idx.msk [tilespmem:v24+s31+$0x0], $0xffff  }
0x13c: {  	vm7 =	vge.s32 v58, v8;
	vm1 =	vmmov vm4;
	v59 =	vsub.s32 v13, v11;
	(xrf2) =	vadd.scan.msk.f32 $0xffff, v17  }
0x13d: {  	v16 =	vnsel vm0, $0x0, v16;
	vm0 =	vmmov vm5;
	vm5 =	vlt.s32 v59, $0xFFF;
	v56, _, _ =	vpop (xrf2)  }
0x13e: {  	s12 =	simm.s32 $0x1B4A0;
	vm4 =	vlt.s32 v57, $0xFFF;
	v29 =	vnsel vm5, $0xFFF, v59;
	vm5 =	vlt.s32 v60, $0xFFF;
	v17, _, _ =	vpop (xrf2);
	v62 =	vld.idx.msk [tilespmem:v15+s4+$0x0], $0xffff  }
0x13f: {  	v30 =	vld.idx.msk [tilespmem:v19+s4+$0x0], $0xffff;
	v19 =	vnsel vm5, $0xFFF, v60;
	v61 =	vadd.s32 v12, v29;
	vm5 =	vlt.s32 v55, v9;
	[tilespmem:s12+$0xFFFFFFF0] =	vst v17;
	v17, _, _ =	vpop (xrf2)  }
0x140: {  	(xrf2) =	vadd.scan.msk.f32 $0xffff, v16;
	v63 =	vadd.s32 v12, v19;
	[tilespmem:s12+$0x0] =	vst v17;
	v17 =	vnsel vm4, $0xFFF, v57  }
0x141: {  	vm4 =	vge.s32 v55, v8;
	v15 =	vnsel vm6, $0xFFF, v23;
	v23 =	vadd.s32 v12, v17;
	v31 =	vld.idx.msk [tilespmem:v18+s4+$0x0], $0xffff  }
0x142: {  	vm12 =	vmand vm4, vm5;
	vm4 =	vmand vm7, vm8;
	vm7 =	vmand vm10, vm11;
	v17 =	vld.idx.msk [tilespmem:v14+s4+$0x0], $0xffff  }
0x143: {  	vm6 =	vge.s32 v21, v8;
	v16 =	vadd.s32 v12, v15;
	v15 =	vld.idx.msk [tilespmem:v22+s4+$0x0], $0xffff;
	v21 =	vnsel vm7, $0x0, v62  }
0x144: {  	s13 =	simm.s32 $0x1B4E0;
	[tilespmem:s12+$0x10] =	vst v56;
	(xrf2) =	vadd.scan.msk.f32 $0xffff, v20;
	v14, _, _ =	vpop (xrf2);
	v18 =	vld.idx.msk [tilespmem:v61+s31+$0x0], $0xffff  }
0x145: {  	vm5 =	vmand vm6, vm9;
	v20 =	vld.idx.msk [tilespmem:v63+s31+$0x0], $0xffff;
	[tilespmem:s13+$0x10] =	vst v14;
	v14 =	vnsel vm2, $0x0, v30  }
0x146: {  	s15 =	simm.s32 $0xC;
	s16 =	sadd.s32 $0x40, s14;
	s14 =	simm.s32 $0x1B4E0;
	vm2 =	vmmov vm3;
	v19 =	vld.idx.msk [tilespmem:v23+s31+$0x0], $0xffff;
	v22 =	vnsel vm1, $0x0, v31;
	(xrf2) =	vadd.scan.msk.f32 $0xffff, v21;
	vm1 =	vmmov vm12;
	v21, _, _ =	vpop (xrf2)  }
.LBB2_8:
0x147: {  	v23 =	vadd.s32 s16, v0  }
0x148: {  	s5 =	sadd.s32 $0x10, s16;
	s17 =	sadd.s32 $0x30, s16;
	s15 =	sadd.s32 $0x4, s15;
	v24 =	vld.idx.msk [tilespmem:v16+s31+$0x0], $0xffff;
	v16 =	vnsel vm0, $0x0, v17;
	[tilespmem:s13+$0xFFFFFFF0] =	vst v21;
	vm0 =	vmmov vm4;
	vm3 =	vmmov vm5  }
0x149: {  	v26 =	vmovc v15;
	v17 =	vsub.s32 v23, v11;
	v21 =	vadd.s32 s5, v0;
	s5 =	sadd.s32 $0x20, s16;
	v25 =	vadd.s32 s17, v0;
	p0 =	slt.u32 s15, $0xFC  }
0x14a: {  	v15 =	vsub.s32 v21, v11;
	v27 =	vadd.s32 s5, v0;
	v28 =	vsub.s32 v25, v11;
	(xrf2) =	vadd.scan.msk.f32 $0xffff, v22;
	v22, _, _ =	vpop (xrf2)  }
0x14b: {  	vm4 =	vlt.s32 v15, $0xFFF;
	v29 =	vsub.s32 v27, v11;
	vm5 =	vlt.s32 v28, $0xFFF;
	[tilespmem:s13+$0x0] =	vst v22  }
0x14c: {  	vm6 =	vlt.s32 v17, $0xFFF;
	vm7 =	vlt.s32 v29, $0xFFF;
	v22 =	vnsel vm5, $0xFFF, v28  }
0x14d: {  	v15 =	vnsel vm4, $0xFFF, v15;
	v28 =	vnsel vm7, $0xFFF, v29;
	v22 =	vadd.s32 v12, v22;
	v29 =	vld.idx.msk [tilespmem:v18+s4+$0x0], $0xffff;
	(xrf2) =	vadd.scan.msk.f32 $0xffff, v16  }
0x14e: {  	v16 =	vnsel vm6, $0xFFF, v17;
	v30 =	vadd.s32 v12, v15;
	v28 =	vadd.s32 v12, v28;
	v31 =	vld.idx.msk [tilespmem:v19+s4+$0x0], $0xffff;
	v32, _, _ =	vpop (xrf2)  }
0x14f: {  	vm4 =	vge.s32 v21, v8;
	vm5 =	vlt.s32 v21, v9;
	v16 =	vadd.s32 v12, v16;
	v17 =	vld.idx.msk [tilespmem:v20+s4+$0x0], $0xffff  }
.Ltmp6:
0x150: {  	vm8 =	vlt.s32 v27, v9;
	vm6 =	vge.s32 v23, v8;
	vm7 =	vge.s32 v27, v8;
	v15 =	vld.idx.msk [tilespmem:v24+s4+$0x0], $0xffff;
	(pc) =	sbr.rel @p0 .LBB2_8-.Ltmp6, $4  }
0x151: {  	vm10 =	vge.s32 v13, v8;
	vm11 =	vlt.s32 v13, v9;
	vm9 =	vlt.s32 v23, v9;
	s13 =	sadd.s32 $0x40, s13;
	v13, _, _ =	vpop (xrf2);
	(xrf2) =	vadd.scan.msk.f32 $0xffff, v14  }
0x152: {  	vm12 =	vmand vm4, vm5;
	vm4 =	vmand vm7, vm8;
	vm7 =	vmand vm10, vm11;
	v18 =	vld.idx.msk [tilespmem:v22+s31+$0x0], $0xffff;
	[tilespmem:s13+$0x10] =	vst v13;
	v13 =	vmovc v25  }
0x153: {  	vm5 =	vmand vm6, vm9;
	v14 =	vnsel vm2, $0x0, v26;
	v6 =	vnsel vm7, $0x0, v29;
	v19 =	vld.idx.msk [tilespmem:v30+s31+$0x0], $0xffff;
	[tilespmem:s12+$0xFFFFFFE0] =	vst v32;
	s12 =	smov.u32 s14;
	s14 =	smov.u32 s13  }
0x154: {  	s16 =	sadd.s32 $0x40, s16;
	vm2 =	vmmov vm3;
	v22 =	vnsel vm1, $0x0, v31;
	vm1 =	vmmov vm12;
	v20 =	vld.idx.msk [tilespmem:v28+s31+$0x0], $0xffff;
	(xrf2) =	vadd.scan.msk.f32 $0xffff, v6;
	v21, _, _ =	vpop (xrf2)  }
0x155: {  	_ =	sdelay $0x3  }
0x156: {  	v11 =	vld.idx.msk [tilespmem:v16+s31+$0x0], $0xffff;
	_ =	sdelay $0x3  }
0x157: {  	v12 =	vld.idx.msk [tilespmem:v18+s4+$0x0], $0xffff  }
0x158: {  	v54 =	vld.idx.msk [tilespmem:v19+s4+$0x0], $0xffff  }
0x159: {  	v55 =	vld.idx.msk [tilespmem:v20+s4+$0x0], $0xffff  }
0x15a: {  	v17 =	vnsel vm0, $0x0, v17;
	(xrf2) =	vadd.scan.msk.f32 $0xffff, v22;
	vm12 =	vge.s32 v13, v8;
	vm3 =	vlt.s32 v13, v9  }
0x15b: {  	(xrf2) =	vadd.scan.msk.f32 $0xffff, v17;
	vm0 =	vmand vm12, vm3;
	v11 =	vld.idx.msk [tilespmem:v11+s4+$0x0], $0xffff  }
0x15c: {  	(xrf2) =	vadd.scan.msk.f32 $0xffff, v14;
	v12 =	vnsel vm0, $0x0, v12  }
0x15d: {  	vm13 =	vmmov vm4;
	(xrf2) =	vadd.scan.msk.f32 $0xffff, v12;
	v56 =	vnsel vm1, $0x0, v54  }
0x15e: {  	vm14 =	vmmov vm5;
	v57 =	vnsel vm13, $0x0, v55;
	(xrf2) =	vadd.scan.msk.f32 $0xffff, v56  }
0x15f: {  	v58 =	vnsel vm2, $0x0, v15;
	vm15 =	vmmov vm14;
	(xrf2) =	vadd.scan.msk.f32 $0xffff, v57  }
0x160: {  	v59, _, _ =	vpop (xrf2);
	(xrf2) =	vadd.scan.msk.f32 $0xffff, v58;
	v11 =	vnsel vm15, $0x0, v11  }
0x161: {  	[tilespmem:s13+$0xFFFFFFF0] =	vst v21;
	v60, _, _ =	vpop (xrf2);
	(xrf2) =	vadd.scan.msk.f32 $0xffff, v11  }
0x162: {  	[tilespmem:s13+$0x0] =	vst v59  }
0x163: {  	s5 =	sadd.s32 $0x40, s13;
	[tilespmem:s12+$0xFFFFFFE0] =	vst v60;
	v11, _, _ =	vpop (xrf2)  }
0x164: {  	v61, _, _ =	vpop (xrf2);
	[tilespmem:s5+$0x10] =	vst v11  }
0x165: {  	v11, _, _ =	vpop (xrf2);
	[tilespmem:s5+$0xFFFFFFF0] =	vst v61  }
0x166: {  	v62, _, _ =	vpop (xrf2);
	[tilespmem:s5+$0x0] =	vst v11  }
0x167: {  	s25 =	sadd.s32 $0x40, s5;
	v63, _, _ =	vpop (xrf2);
	[tilespmem:s14+$0xFFFFFFE0] =	vst v62  }
0x168: {  	[tilespmem:s25+$0x10] =	vst v63;
	v11, _, _ =	vpop (xrf2)  }
0x169: {  	[tilespmem:s25+$0xFFFFFFF0] =	vst v11;
	v11, _, _ =	vpop (xrf2)  }
0x16a: {  	[tilespmem:s25+$0x0] =	vst v11;
	v11, _, _ =	vpop (xrf2)  }
0x16b: {  	[tilespmem:s5+$0xFFFFFFE0] =	vst v11;
	v11, _, _ =	vpop (xrf2)  }
0x16c: {  	[tilespmem:s25+$0xFFFFFFE0] =	vst v11  }
.LBB2_10:
0x16d: {  	s5 =	simm.s32 $0x0  }
0x16e: {  	v11 =	vmov s5  }
0x16f: {  	v11 =	vshll.u32 v11, $0x4  }
0x170: {  	v11 =	vor.u32 v1, v11  }
0x171: {  	s14 =	simm.s32 $0x10;
	v11 =	vor.u32 $0xF, v11  }
0x172: {  	v12 =	vmov s14  }
0x173: {  	s15 =	simm.s32 $0x20;
	v12 =	vshll.u32 v12, $0x4  }
0x174: {  	s12 =	simm.s32 $0x30;
	v13 =	vmov s15;
	v12 =	vor.u32 v1, v12  }
0x175: {  	v14 =	vmov s12;
	v13 =	vshll.u32 v13, $0x4;
	v12 =	vor.u32 $0xF, v12  }
0x176: {  	v14 =	vshll.u32 v14, $0x4;
	v13 =	vor.u32 v1, v13;
	v11 =	vld.idx.msk [tilespmem:v11+s23+$0x0], $0xffff  }
0x177: {  	v14 =	vor.u32 v1, v14;
	v13 =	vor.u32 $0xF, v13  }
0x178: {  	v14 =	vor.u32 $0xF, v14;
	_ =	sdelay $0x1  }
0x179: {  	s16 =	simm.s32 $0x40;
	v12 =	vld.idx.msk [tilespmem:v12+s23+$0x0], $0xffff  }
0x17a: {  	s17 =	simm.s32 $0x50;
	(xrf2) =	vadd.scan.msk.f32 $0xffff, v11;
	v11 =	vmov s16  }
0x17b: {  	v15 =	vmov s17;
	v13 =	vld.idx.msk [tilespmem:v13+s23+$0x0], $0xffff;
	v11 =	vshll.u32 v11, $0x4  }
0x17c: {  	v15 =	vshll.u32 v15, $0x4;
	v16 =	vld.idx.msk [tilespmem:v14+s23+$0x0], $0xffff;
	v11 =	vor.u32 v1, v11  }
0x17d: {  	v15 =	vor.u32 v1, v15;
	v11 =	vor.u32 $0xF, v11  }
0x17e: {  	s18 =	simm.s32 $0x60;
	v15 =	vor.u32 $0xF, v15;
	(xrf2) =	vadd.scan.msk.f32 $0xffff, v12  }
0x17f: {  	s20 =	simm.s32 $0x70;
	v14 =	vmov s18  }
0x180: {  	v17 =	vmov s20;
	v14 =	vshll.u32 v14, $0x4;
	(xrf2) =	vadd.scan.msk.f32 $0xffff, v13  }
0x181: {  	v14 =	vor.u32 v1, v14;
	v12 =	vshll.u32 v17, $0x4;
	(xrf2) =	vadd.scan.msk.f32 $0xffff, v16  }
0x182: {  	v17 =	vor.u32 v1, v12;
	v12 =	vor.u32 $0xF, v14;
	v11 =	vld.idx.msk [tilespmem:v11+s23+$0x0], $0xffff  }
0x183: {  	s25 =	simm.s32 $0x80;
	s14 =	simm.s32 $0x90;
	v13 =	vld.idx.msk [tilespmem:v15+s23+$0x0], $0xffff;
	v14 =	vor.u32 $0xF, v17  }
0x184: {  	s13 =	simm.s32 $0x1C490;
	s12 =	simm.s32 $0x1C490;
	s15 =	simm.s32 $0x8;
	v16 =	vmov s25;
	v17 =	vmov s14;
	v15, _, _ =	vpop (xrf2)  }
.LBB2_11:
0x185: {  	s15 =	sadd.s32 $0x2, s15  }
0x186: {  	v18 =	vshll.u32 v16, $0x4;
	v17 =	vshll.u32 v17, $0x4;
	s12 =	sadd.s32 $0x20, s12;
	p0 =	slt.u32 s15, $0xE  }
.Ltmp7:
0x187: {  	v6 =	vor.u32 v1, v18;
	v17 =	vor.u32 v1, v17;
	(xrf2) =	vadd.scan.msk.f32 $0xffff, v11;
	v11 =	vld.idx.msk [tilespmem:v12+s23+$0x0], $0xffff;
	(pc) =	sbr.rel @p0 .LBB2_11-.Ltmp7, $4  }
0x188: {  	v16 =	vmov v13;
	v12 =	vor.u32 $0xF, v6;
	[tilespmem:s13+$0xFFFFFFF0] =	vst v15;
	v15, _, _ =	vpop (xrf2);
	v13 =	vld.idx.msk [tilespmem:v14+s23+$0x0], $0xffff;
	v14 =	vor.u32 $0xF, v17  }
0x189: {  	s14 =	sadd.s32 $0x20, s14;
	[tilespmem:s13+$0x0] =	vst v15;
	s13 =	smov.u32 s12  }
0x18a: {  	s5 =	sadd.s32 $0xFFFFFFF0, s14;
	(xrf2) =	vadd.scan.msk.f32 $0xffff, v16  }
0x18b: {  	v17 =	vmov s14;
	v16 =	vmov s5;
	v15, _, _ =	vpop (xrf2)  }
0x18c: {  	v16 =	vshll.u32 v16, $0x4  }
0x18d: {  	v17 =	vshll.u32 v17, $0x4;
	v16 =	vor.u32 v1, v16  }
0x18e: {  	v17 =	vor.u32 v1, v17;
	v16 =	vor.u32 $0xF, v16  }
0x18f: {  	v17 =	vor.u32 $0xF, v17;
	_ =	sdelay $0x1  }
0x190: {  	v12 =	vld.idx.msk [tilespmem:v12+s23+$0x0], $0xffff  }
0x191: {  	v14 =	vld.idx.msk [tilespmem:v14+s23+$0x0], $0xffff  }
0x192: {  	v16 =	vld.idx.msk [tilespmem:v16+s23+$0x0], $0xffff  }
0x193: {  	(xrf2) =	vadd.scan.msk.f32 $0xffff, v11;
	v11 =	vld.idx.msk [tilespmem:v17+s23+$0x0], $0xffff  }
0x194: {  	(xrf2) =	vadd.scan.msk.f32 $0xffff, v13  }
0x195: {  	(xrf2) =	vadd.scan.msk.f32 $0xffff, v12  }
0x196: {  	(xrf2) =	vadd.scan.msk.f32 $0xffff, v14  }
0x197: {  	(xrf2) =	vadd.scan.msk.f32 $0xffff, v16  }
0x198: {  	(xrf2) =	vadd.scan.msk.f32 $0xffff, v11;
	_ =	sdelay $0x1  }
0x199: {  	[tilespmem:s13+$0xFFFFFFF0] =	vst v15;
	v11, _, _ =	vpop (xrf2)  }
0x19a: {  	s5 =	sadd.s32 $0x20, s12;
	v12, _, _ =	vpop (xrf2);
	[tilespmem:s13+$0x0] =	vst v11  }
0x19b: {  	v11, _, _ =	vpop (xrf2);
	[tilespmem:s5+$0xFFFFFFF0] =	vst v12  }
0x19c: {  	s12 =	sadd.s32 $0x20, s5;
	v12, _, _ =	vpop (xrf2);
	[tilespmem:s5+$0x0] =	vst v11  }
0x19d: {  	v11, _, _ =	vpop (xrf2);
	[tilespmem:s12+$0xFFFFFFF0] =	vst v12  }
0x19e: {  	s20 =	sadd.s32 $0x20, s12;
	[tilespmem:s12+$0x0] =	vst v11;
	v11, _, _ =	vpop (xrf2)  }
0x19f: {  	[tilespmem:s20+$0xFFFFFFF0] =	vst v11;
	v11, _, _ =	vpop (xrf2)  }
0x1a0: {  	s25 =	sadd.s32 $0x20, s20;
	[tilespmem:s20+$0x0] =	vst v11;
	v11, _, _ =	vpop (xrf2)  }
0x1a1: {  	[tilespmem:s25+$0xFFFFFFF0] =	vst v11;
	v11, _, _ =	vpop (xrf2)  }
0x1a2: {  	[tilespmem:s25+$0x0] =	vst v11  }
0x1a3: {  	v11 =	vld.idx.msk [tilespmem:v3+s24+$0x0], $0xffff;
	_ =	sdelay $0x4  }
0x1a4: {  	(xrf2) =	vadd.scan.msk.f32 $0xffff, v11;
	_ =	sdelay $0x7  }
0x1a5: {  	v12 =	vld [tilespmem:$0x1C490]  }
0x1a6: {  	v13 =	vld [tilespmem:$0x1C4A0]  }
0x1a7: {  	v14 =	vld [tilespmem:$0x1C4B0];
	v11, _, _ =	vpop (xrf2)  }
0x1a8: {  	v52 =	vld [tilespmem:$0x1C4C0];
	v15 =	vbroadcast v11, $0x0  }
0x1a9: {  	v18 =	vld [tilespmem:$0x1C4D0];
	v53 =	vbroadcast v11, $0x1  }
0x1aa: {  	v19 =	vld [tilespmem:$0x1C4E0];
	v12 =	vadd.f32 v15, v12;
	v15 =	vbroadcast v11, $0x2  }
0x1ab: {  	v20 =	vld [tilespmem:$0x1C4F0];
	v54 =	vbroadcast v11, $0x3;
	v13 =	vadd.f32 v53, v13  }
0x1ac: {  	[tilespmem:$0x1C490] =	vst v12;
	v12 =	vadd.f32 v14, v15;
	v14 =	vbroadcast v11, $0x4;
	v15 =	vld [tilespmem:$0x1C500]  }
0x1ad: {  	v56 =	vld [tilespmem:$0x1C510];
	v55 =	vbroadcast v11, $0x5;
	[tilespmem:$0x1C4A0] =	vst v13;
	v13 =	vadd.f32 v52, v54  }
0x1ae: {  	v57 =	vld [tilespmem:$0x1C520];
	[tilespmem:$0x1C4B0] =	vst v12;
	v12 =	vadd.f32 v18, v14;
	v14 =	vbroadcast v11, $0x6  }
0x1af: {  	v59 =	vld [tilespmem:$0x1C530];
	v58 =	vbroadcast v11, $0x7;
	[tilespmem:$0x1C4C0] =	vst v13;
	v13 =	vadd.f32 v19, v55  }
0x1b0: {  	v60 =	vld [tilespmem:$0x1C540];
	[tilespmem:$0x1C4D0] =	vst v12;
	v12 =	vadd.f32 v20, v14;
	v14 =	vbroadcast v11, $0x8  }
0x1b1: {  	v61 =	vld [tilespmem:$0x1C550];
	[tilespmem:$0x1C4E0] =	vst v13;
	v13 =	vadd.f32 v15, v58;
	v15 =	vbroadcast v11, $0x9  }
0x1b2: {  	v62 =	vld [tilespmem:$0x1C560];
	[tilespmem:$0x1C4F0] =	vst v12;
	v12 =	vadd.f32 v56, v14;
	v14 =	vbroadcast v11, $0xA  }
0x1b3: {  	v63 =	vld [tilespmem:$0x1C570];
	[tilespmem:$0x1C500] =	vst v13;
	v13 =	vadd.f32 v57, v15;
	v15 =	vbroadcast v11, $0xB  }
0x1b4: {  	[tilespmem:$0x1C510] =	vst v12;
	v12 =	vadd.f32 v59, v14;
	v14 =	vbroadcast v11, $0xC  }
0x1b5: {  	[tilespmem:$0x1C520] =	vst v13;
	v13 =	vadd.f32 v60, v15;
	v15 =	vbroadcast v11, $0xD  }
0x1b6: {  	[tilespmem:$0x1C530] =	vst v12;
	v12 =	vadd.f32 v61, v14;
	v14 =	vbroadcast v11, $0xE  }
0x1b7: {  	[tilespmem:$0x1C540] =	vst v13;
	v13 =	vadd.f32 v62, v15  }
0x1b8: {  	[tilespmem:$0x1C550] =	vst v12;
	v12 =	vadd.f32 v63, v14  }
0x1b9: {  	[tilespmem:$0x1C560] =	vst v13  }
0x1ba: {  	[tilespmem:$0x1C570] =	vst v12;
	v12 =	vmov s11;
	s11 =	smov.u32 s10  }
.LBB2_13:
0x1bb: {  	v13 =	vadd.s32 s11, v5  }
0x1bc: {  	vm0 =	vlt.s32 v13, $0x186A0  }
0x1bd: {  	v13 =	vnsel vm0, $0x186A0, v13  }
0x1be: {  	v13 =	vsub.s32 v13, v2;
	_ =	sdelay $0x4  }
0x1bf: {  	v13 =	vld.idx.msk [tilespmem:v13+s21+$0x0], $0xffff;
	_ =	sdelay $0x4  }
0x1c0: {  	v14 =	vadd.s32 s11, v3;
	v13 =	vsub.s32 v13, v10  }
0x1c1: {  	vm1 =	vlt.s32 v14, $0xC41;
	vm15 =	vlt.s32 v13, v12  }
0x1c2: {  	vm0 =	vmand vm1, vm15  }
0x1c3: {  	v13 =	vmpcnt.ones.xlane vm0;
	_ =	sdelay $0x1  }
0x1c4: {  	(v2sf) =	vpush v13, $0x0;
	_ =	sdelay $0xe  }
0x1c5: {  	s5 =	spop (v2sf)  }
0x1c6: {  	p0 =	sgt.s32 s5, $0xF  }
.Ltmp8:
0x1c7: {  	_ = 	snop;
	(pc) =	sbr.rel @p0 .LBB2_13-.Ltmp8, $3  }
0x1c8: {  	_ =	sdelay $0x1  }
0x1c9: {  	s12 =	sshll.u32 s5, $0x4  }
0x1ca: {  	s11 =	sadd.s32 s11, s12  }
0x1cb: {  	v13 =	vadd.s32 s11, v33  }
0x1cc: {  	vm0 =	vlt.s32 v13, $0x186A0  }
0x1cd: {  	v13 =	vnsel vm0, $0x186A0, v13  }
0x1ce: {  	v13 =	vsub.s32 v13, v2;
	_ =	sdelay $0x4  }
0x1cf: {  	v13 =	vld.idx.msk [tilespmem:v13+s21+$0x0], $0xffff;
	_ =	sdelay $0x4  }
0x1d0: {  	v14 =	vadd.s32 s11, v0;
	v13 =	vsub.s32 v13, v10  }
0x1d1: {  	vm1 =	vlt.s32 v14, $0xC41;
	vm15 =	vlt.s32 v13, v12  }
0x1d2: {  	vm0 =	vmand vm1, vm15  }
0x1d3: {  	v63 =	vmpcnt.ones.xlane vm0  }
0x1d4: {  	(v2sf) =	vpush v11, $0xF  }
0x1d5: {  	(v2sf) =	vpush v63, $0x0;
	_ =	sdelay $0xd  }
0x1d6: {  	s12 =	spop (v2sf)  }
0x1d7: {  	s5 =	spop (v2sf)  }
0x1d8: {  	s11 =	sadd.s32 s11, s5  }
0x1d9: {  	s5 =	ssub.s32 s11, s10  }
0x1da: {  	s5 =	sadd.s32 $0xF, s5  }
0x1db: {  	s13 =	sshra.s32 s5, $0x4;
	s5 =	sshrl.u32 s5, $0x1F  }
0x1dc: {  	s5 =	sadd.s32 s5, s13  }
0x1dd: {  	s14 =	sand.u32 $0xFFFFFFFE, s5  }
0x1de: {  	p0 =	slt.s32 s14, $0x1  }
.Ltmp9:
0x1df: {  	_ = 	snop;
	(pc) =	sbr.rel @p0 .LBB2_24-.Ltmp9, $1  }
0x1e0: {  	_ =	sdelay $0x3  }
0x1e1: {  	s15 =	sadd.s32 $0x10, s10  }
0x1e2: {  	s5 =	sadd.s32 $0xFFFFFFF0, s15  }
0x1e3: {  	v18 =	vadd.s32 s5, v0  }
0x1e4: {  	vm0 =	vlt.s32 v18, $0xC40  }
0x1e5: {  	v13 =	vnsel vm0, $0xC40, v18  }
0x1e6: {  	v13 =	vadd.s32 v4, v13  }
0x1e7: {  	vm14 =	vlt.s32 v13, $0x186A0  }
0x1e8: {  	v13 =	vnsel vm14, $0x186A0, v13  }
0x1e9: {  	p2 =	sgt.s32 s14, $0x2;
	v15 =	vsub.s32 v13, v2  }
.Ltmp10:
0x1ea: {  	v13 =	vadd.s32 s15, v0;
	(pc) =	sbr.rel @!p2 .LBB2_16-.Ltmp10, $4  }
0x1eb: {  	vm15 =	vlt.s32 v13, $0xC40  }
0x1ec: {  	v16 =	vnsel vm15, $0xC40, v13  }
0x1ed: {  	v11 =	vadd.s32 s9, v7;
	v12 =	vmov s11;
	v25 =	vadd.s32 v4, v16  }
0x1ee: {  	p0 =	por $0x0, $0x0;
	p1 =	por $0x0, $0x0;
	v14 =	vbroadcast v11, $0x0;
	v11 =	vmov s1;
	s15 =	sadd.s32 $0x20, s15;
	vm5 =	vlt.s32 v25, $0x186A0;
	v23 =	vld.idx.msk [tilespmem:v15+s21+$0x0], $0xffff  }
0x1ef: {  	_ = 	snop  }
0x1f0: {  	v15 =	vnsel vm5, $0x186A0, v25  }
0x1f1: {  	s5 =	sadd.s32 $0xFFFFFFF0, s15;
	v15 =	vsub.s32 v15, v2  }
0x1f2: {  	v16 =	vadd.s32 s5, v0  }
0x1f3: {  	vm0 =	vlt.s32 v16, $0xC40;
	v17 =	vsub.s32 v23, v14  }
0x1f4: {  	v19 =	vnsel vm0, $0xC40, v16;
	v22 =	vshrl.u32 v17, $0x4  }
0x1f5: {  	v19 =	vadd.s32 v4, v19;
	v20 =	vmax.u32 v22, $0x1  }
0x1f6: {  	v21 =	vadd.s32 $0xFFFFFFFF, v17;
	vm0 =	vlt.s32 v19, $0x186A0;
	v15 =	vld.idx.msk [tilespmem:v15+s21+$0x0], $0xffff;
	v20 =	vmin.u32 v20, $0x100  }
0x1f7: {  	v19 =	vnsel vm0, $0x186A0, v19;
	vm0 =	vgt.s32 v21, $0x0;
	v23 =	vadd.s32 $0xFFFFFFFF, v20  }
0x1f8: {  	v24 =	vsub.s32 v19, v2;
	v19 =	vnsel vm0, $0x0, v21  }
0x1f9: {  	p2 =	sgt.s32 s14, $0x4;
	v26 =	vmin.u32 v19, $0xFFF  }
.Ltmp11:
0x1fa: {  	vm2 =	vlt.s32 v18, v12;
	v20 =	vadd.s32 s15, v0;
	(pc) =	sbr.rel @!p2 .LBB2_18-.Ltmp11, $4  }
0x1fb: {  	v19 =	vand.u32 $0xF, v17;
	vm1 =	vlt.s32 v20, $0xC40;
	v17 =	vsub.s32 v15, v14  }
0x1fc: {  	vm0 =	veq.s32 v19, $0x0;
	v15 =	vnsel vm1, $0xC40, v20;
	v19 =	vshrl.u32 v17, $0x4;
	v21 =	vld.idx.msk [tilespmem:v23+s24+$0x0], $0xffff  }
0x1fd: {  	vm3 =	veq.s32 v22, $0x0;
	v25 =	vadd.s32 v4, v15;
	v23 =	vld.idx.msk [tilespmem:v24+s21+$0x0], $0xffff;
	v15 =	vmax.u32 v19, $0x1  }
0x1fe: {  	s16 =	sadd.s32 $0x20, s15;
	p0 =	por $0x1, $0x1;
	v27 =	vadd.s32 $0xFFFFFFFF, v17;
	v22 =	vld.idx.msk [tilespmem:v26+s23+$0x0], $0xffff;
	vm5 =	vlt.s32 v25, $0x186A0;
	v30 =	vmin.u32 v15, $0x100  }
0x1ff: {  	s5 =	sadd.s32 $0xFFFFFFF0, s16;
	v24 =	vnsel vm5, $0x186A0, v25;
	v25 =	vadd.s32 $0xFFFFFFFF, v30;
	vm1 =	vgt.s32 v27, $0x0  }
0x200: {  	v17 =	vand.u32 $0xF, v17;
	vm4 =	vlt.s32 v16, v12;
	v15 =	vadd.s32 s5, v0  }
0x201: {  	v24 =	vsub.s32 v24, v2;
	v26 =	vnsel vm1, $0x0, v27;
	vm5 =	veq.s32 v17, $0x0  }
0x202: {  	vm1 =	vlt.s32 v15, $0xC40;
	v26 =	vmin.u32 v26, $0xFFF;
	v21 =	vsel vm3, $0x0, v21  }
0x203: {  	vm3 =	veq.s32 v19, $0x0;
	v23 =	vsub.s32 v23, v14;
	v27 =	vnsel vm1, $0xC40, v15  }
0x204: {  	v21 =	vadd.f32 v21, v11;
	v28 =	vshrl.u32 v23, $0x4;
	v27 =	vadd.s32 v4, v27  }
0x205: {  	v30 =	vadd.s32 $0xFFFFFFFF, v23;
	v22 =	vsel vm0, $0x0, v22;
	vm1 =	vlt.s32 v27, $0x186A0;
	v25 =	vld.idx.msk [tilespmem:v25+s24+$0x0], $0xffff  }
0x206: {  	v29 =	vmax.u32 v28, $0x1;
	vm0 =	vgt.s32 v30, $0x0;
	v27 =	vnsel vm1, $0x186A0, v27;
	v24 =	vld.idx.msk [tilespmem:v24+s21+$0x0], $0xffff  }
0x207: {  	v22 =	vadd.f32 v21, v22;
	v29 =	vmin.u32 v29, $0x100;
	v27 =	vsub.s32 v27, v2;
	v26 =	vld.idx.msk [tilespmem:v26+s23+$0x0], $0xffff  }
0x208: {  	v21 =	vand.u32 $0xF, v23;
	v23 =	vnsel vm0, $0x0, v30;
	v31 =	vadd.s32 $0xFFFFFFFF, v29  }
0x209: {  	p2 =	sgt.s32 s14, $0x6;
	vm1 =	vlt.s32 v13, v12;
	v30 =	vmin.u32 v23, $0xFFF;
	v29 =	vadd.s32 s16, v0  }
.Ltmp12:
0x20a: {  	vm0 =	veq.s32 v21, $0x0;
	v19 =	vsel vm3, $0x0, v25;
	vm3 =	vlt.s32 v29, $0xC40;
	(pc) =	sbr.rel @!p2 .LBB2_20-.Ltmp12, $4  }
0x20b: {  	v17 =	vsub.s32 v24, v14;
	v24 =	vadd.f32 v19, v11;
	v25 =	vnsel vm3, $0xC40, v29  }
0x20c: {  	vm3 =	veq.s32 v28, $0x0;
	v26 =	vsel vm5, $0x0, v26;
	v19 =	vshrl.u32 v17, $0x4;
	v23 =	vld.idx.msk [tilespmem:v27+s21+$0x0], $0xffff  }
0x20d: {  	v21 =	vld.idx.msk [tilespmem:v31+s24+$0x0], $0xffff;
	v25 =	vadd.s32 v4, v25;
	v24 =	vadd.f32 v24, v26;
	v26 =	vmax.u32 v19, $0x1  }
0x20e: {  	s15 =	simm.s32 $0x6;
	p1 =	por $0x1, $0x1;
	[tilespmem:v18+s0+$0x0] =	vst.idx.msk vm2, v22;
	s16 =	sadd.s32 $0x20, s16;
	v22 =	vld.idx.msk [tilespmem:v30+s23+$0x0], $0xffff;
	v27 =	vadd.s32 $0xFFFFFFFF, v17;
	vm5 =	vlt.s32 v25, $0x186A0;
	v30 =	vmin.u32 v26, $0x100  }
.LBB2_21:
0x20f: {  	s5 =	sadd.s32 $0xFFFFFFF0, s16;
	s15 =	sadd.s32 $0x2, s15;
	v18 =	vnsel vm5, $0x186A0, v25;
	v25 =	vadd.s32 $0xFFFFFFFF, v30;
	vm2 =	vgt.s32 v27, $0x0;
	[tilespmem:v13+s0+$0x0] =	vst.idx.msk vm1, v24;
	v13 =	vmovc v20;
	v20 =	vmovc v29  }
0x210: {  	v24 =	vadd.s32 s5, v0;
	p2 =	slt.s32 s15, s14;
	v18 =	vsub.s32 v18, v2;
	v26 =	vnsel vm2, $0x0, v27  }
0x211: {  	v23 =	vsub.s32 v23, v14;
	vm1 =	vlt.s32 v24, $0xC40;
	v26 =	vmin.u32 v26, $0xFFF  }
0x212: {  	v21 =	vsel vm3, $0x0, v21;
	v28 =	vshrl.u32 v23, $0x4;
	v27 =	vnsel vm1, $0xC40, v24  }
0x213: {  	v30 =	vadd.s32 $0xFFFFFFFF, v23;
	v29 =	vmax.u32 v28, $0x1;
	v27 =	vadd.s32 v4, v27  }
0x214: {  	v21 =	vadd.f32 v21, v11;
	v29 =	vmin.u32 v29, $0x100;
	vm1 =	vlt.s32 v27, $0x186A0;
	v25 =	vld.idx.msk [tilespmem:v25+s24+$0x0], $0xffff  }
0x215: {  	v22 =	vsel vm0, $0x0, v22;
	v31 =	vadd.s32 $0xFFFFFFFF, v29;
	v27 =	vnsel vm1, $0x186A0, v27;
	v18 =	vld.idx.msk [tilespmem:v18+s21+$0x0], $0xffff  }
0x216: {  	vm0 =	vgt.s32 v30, $0x0;
	v21 =	vadd.f32 v21, v22;
	v27 =	vsub.s32 v27, v2;
	v22 =	vld.idx.msk [tilespmem:v26+s23+$0x0], $0xffff  }
0x217: {  	v17 =	vand.u32 $0xF, v17;
	v23 =	vand.u32 $0xF, v23;
	v26 =	vnsel vm0, $0x0, v30  }
0x218: {  	vm1 =	vlt.s32 v13, v12;
	v26 =	vmin.u32 v26, $0xFFF;
	[tilespmem:v16+s0+$0x0] =	vst.idx.msk vm4, v21;
	vm4 =	vlt.s32 v15, v12  }
0x219: {  	vm2 =	veq.s32 v19, $0x0;
	vm5 =	veq.s32 v17, $0x0;
	vm0 =	veq.s32 v23, $0x0;
	v16 =	vmovc v15;
	v15 =	vmovc v24  }
.Ltmp13:
0x21a: {  	vm3 =	veq.s32 v28, $0x0;
	v29 =	vadd.s32 s16, v0;
	v19 =	vsel vm2, $0x0, v25;
	v21 =	vld.idx.msk [tilespmem:v31+s24+$0x0], $0xffff;
	(pc) =	sbr.rel @p2 .LBB2_21-.Ltmp13, $4  }
0x21b: {  	vm2 =	vlt.s32 v29, $0xC40;
	v17 =	vsub.s32 v18, v14;
	v18 =	vadd.f32 v19, v11;
	v23 =	vld.idx.msk [tilespmem:v27+s21+$0x0], $0xffff  }
0x21c: {  	v24 =	vnsel vm2, $0xC40, v29;
	v19 =	vshrl.u32 v17, $0x4;
	v27 =	vsel vm5, $0x0, v22  }
0x21d: {  	v25 =	vadd.s32 v4, v24;
	v24 =	vadd.f32 v18, v27;
	v22 =	vld.idx.msk [tilespmem:v26+s23+$0x0], $0xffff;
	v26 =	vmax.u32 v19, $0x1  }
0x21e: {  	s16 =	sadd.s32 $0x20, s16;
	vm5 =	vlt.s32 v25, $0x186A0;
	v27 =	vadd.s32 $0xFFFFFFFF, v17;
	v30 =	vmin.u32 v26, $0x100  }
.Ltmp14:
0x21f: {  	(pc) =	sbr.rel .LBB2_23-.Ltmp14, $2  }
0x220: {  	_ =	sdelay $0x2  }
0x221: {  	v26 =	vmovc v13;
	v28 =	vmovc v20;
	v13 =	vmov v29;
	vm2 =	vmmov vm4;
	v18 =	vmov v16  }
.LBB2_18:
.Ltmp15:
0x222: {  	(pc) =	sbr.rel .LBB2_23-.Ltmp15, $2  }
0x223: {  	_ =	sdelay $0x2  }
0x224: {  	v28 =	vmov v13;
	v13 =	vmov v20;
	v15 =	vmov v16  }
.LBB2_20:
.Ltmp16:
0x225: {  	(pc) =	sbr.rel .LBB2_23-.Ltmp16, $2  }
0x226: {  	_ =	sdelay $0x2  }
0x227: {  	v26 =	vmovc v13;
	v28 =	vmovc v20;
	v13 =	vmov v29;
	vm2 =	vmmov vm4;
	v18 =	vmov v16  }
.LBB2_25:
0x228: {  	s1 =	simm.s32 $0x10  }
0x229: {  	s20 =	simm.s32 $0x0;
	v7 =	vor.u32 s1, v0  }
0x22a: {  	s5 =	simm.s32 $0x70;
	s6 =	simm.s32 $0x71;
	v13 =	vor.u32 s20, v0  }
0x22b: {  	v8 =	vor.u32 s5, v0;
	v9 =	vadd.s32 s6, v33;
	v18 =	vadd.s32 s6, v0  }
0x22c: {  	s7 =	simm.s32 $0x20;
	v11 =	vadd.s32 v4, v8;
	vm0 =	vlt.s32 v9, $0x186A0  }
0x22d: {  	_ =	strace $0x90000049;
	v10 =	vor.u32 s7, v0;
	vm1 =	vlt.s32 v11, $0x186A0;
	v9 =	vnsel vm0, $0x186A0, v9  }
0x22e: {  	v11 =	vnsel vm1, $0x186A0, v11;
	v9 =	vsub.s32 v9, v2;
	v5 =	vld.idx.msk [tilespmem:v7+s0+$0x0], $0xffff  }
0x22f: {  	s19 =	simm.s32 $0x30;
	v11 =	vsub.s32 v11, v2;
	v3 =	vld.idx.msk [tilespmem:v13+s0+$0x0], $0xffff  }
0x230: {  	s22 =	simm.s32 $0x40;
	s25 =	simm.s32 $0x50;
	v12 =	vor.u32 s19, v0;
	v19 =	vadd.s32 v4, v7;
	v7 =	vld.idx.msk [tilespmem:v18+s0+$0x0], $0xffff  }
0x231: {  	s26 =	simm.s32 $0x60;
	s28 =	simm.s32 $0x1;
	s29 =	simm.s32 $0x11;
	v14 =	vor.u32 s22, v0;
	v16 =	vor.u32 s25, v0;
	v8 =	vld.idx.msk [tilespmem:v8+s0+$0x0], $0xffff  }
0x232: {  	s8 =	simm.s32 $0x21;
	s9 =	simm.s32 $0x31;
	s10 =	simm.s32 $0x51;
	v28 =	vmovc v33;
	v17 =	vor.u32 s26, v0;
	v27 =	vadd.s32 s28, v33;
	v30 =	vadd.s32 s29, v33;
	v6 =	vld.idx.msk [tilespmem:v10+s0+$0x0], $0xffff  }
0x233: {  	s11 =	simm.s32 $0x61;
	s12 =	simm.s32 $0xF0;
	s14 =	simm.s32 $0xB0;
	v31 =	vadd.s32 s8, v33;
	v32 =	vadd.s32 s9, v33;
	v34 =	vadd.s32 s10, v28;
	v9 =	vld.idx.msk [tilespmem:v9+s21+$0x0], $0xffff  }
0x234: {  	s17 =	simm.s32 $0xD0;
	v35 =	vadd.s32 s11, v28;
	v37 =	vor.u32 s12, v0;
	v41 =	vor.u32 s14, v0;
	v11 =	vld.idx.msk [tilespmem:v11+s21+$0x0], $0xffff;
	[tilespmem:$0x1FFB0] =	vst v3  }
0x235: {  	v46 =	vor.u32 s17, v0;
	v15 =	vadd.s32 v4, v13;
	v20 =	vadd.s32 v4, v10;
	v3 =	vld.idx.msk [tilespmem:v12+s0+$0x0], $0xffff  }
0x236: {  	s5 =	simm.s32 $0x41;
	v21 =	vadd.s32 v4, v12;
	v22 =	vadd.s32 v4, v14;
	v24 =	vadd.s32 v4, v16  }
0x237: {  	v26 =	vadd.s32 v4, v17;
	v54 =	vadd.s32 s5, v33;
	vm5 =	vlt.s32 v27, $0x186A0  }
0x238: {  	vm8 =	vlt.s32 v30, $0x186A0;
	vm9 =	vlt.s32 v31, $0x186A0;
	vm10 =	vlt.s32 v32, $0x186A0  }
0x239: {  	vm12 =	vlt.s32 v34, $0x186A0;
	vm13 =	vlt.s32 v35, $0x186A0;
	v33 =	vadd.s32 s10, v0  }
0x23a: {  	s20 =	simm.s32 $0x91;
	s25 =	simm.s32 $0xB1;
	s26 =	simm.s32 $0xC1;
	v39 =	vadd.s32 v4, v37;
	v52 =	vadd.s32 v4, v41;
	v53 =	vadd.s32 v4, v46;
	[tilespmem:$0x1FFC0] =	vst v3  }
0x23b: {  	v56 =	vadd.s32 s20, v28;
	v59 =	vadd.s32 s25, v28;
	v60 =	vadd.s32 s26, v28;
	v3 =	vld.idx.msk [tilespmem:v14+s0+$0x0], $0xffff  }
0x23c: {  	vm0 =	vlt.s32 v15, $0x186A0;
	vm2 =	vlt.s32 v20, $0x186A0;
	vm3 =	vlt.s32 v21, $0x186A0  }
0x23d: {  	vm6 =	vlt.s32 v24, $0x186A0;
	vm1 =	vlt.s32 v19, $0x186A0;
	v10 =	vnsel vm0, $0x186A0, v15  }
0x23e: {  	v10 =	vsub.s32 v10, v2;
	v9 =	vsub.s32 v9, v11;
	v11 =	vnsel vm2, $0x186A0, v20  }
0x23f: {  	v18 =	vnsel vm1, $0x186A0, v19;
	v19 =	vnsel vm3, $0x186A0, v21;
	v11 =	vsub.s32 v11, v2  }
0x240: {  	s10 =	simm.s32 $0xF1;
	vm7 =	vlt.s32 v26, $0x186A0;
	v21 =	vnsel vm8, $0x186A0, v30;
	v19 =	vsub.s32 v19, v2;
	[tilespmem:$0x1FFD0] =	vst v3  }
0x241: {  	v47 =	vadd.s32 s10, v0;
	v21 =	vsub.s32 v21, v2;
	v13 =	vsub.f32 v7, v8;
	v7 =	vld.idx.msk [tilespmem:v16+s0+$0x0], $0xffff  }
0x242: {  	v29 =	vcvt.s32.f32 v9;
	v9 =	vsub.s32 v18, v2;
	v18 =	vnsel vm6, $0x186A0, v24;
	v8 =	vld.idx.msk [tilespmem:v17+s0+$0x0], $0xffff  }
0x243: {  	vm4 =	vlt.s32 v22, $0x186A0;
	v16 =	vnsel vm7, $0x186A0, v26;
	v26 =	vsub.s32 v18, v2;
	v18 =	vld.idx.msk [tilespmem:v10+s21+$0x0], $0xffff  }
0x244: {  	vm11 =	vlt.s32 v54, $0x186A0;
	v38 =	vadd.s32 s10, v28;
	v14 =	vnsel vm4, $0x186A0, v22;
	v12 =	vld.idx.msk [tilespmem:v11+s21+$0x0], $0xffff  }
0x245: {  	vm3 =	vlt.s32 v52, $0x186A0;
	v22 =	vnsel vm9, $0x186A0, v31;
	v17 =	vsub.s32 v14, v2;
	v31 =	vld.idx.msk [tilespmem:v19+s21+$0x0], $0xffff  }
0x246: {  	vm8 =	vlt.s32 v56, $0x186A0;
	v24 =	vnsel vm10, $0x186A0, v32;
	v11 =	vsub.s32 v22, v2;
	v42 =	vld.idx.msk [tilespmem:v21+s21+$0x0], $0xffff  }
0x247: {  	v20 =	vnsel vm5, $0x186A0, v27;
	v27 =	vnsel vm12, $0x186A0, v34;
	v22 =	vsub.s32 v24, v2;
	v47 =	vld.idx.msk [tilespmem:v47+s0+$0x0], $0xffff  }
0x248: {  	vm12 =	vlt.s32 v38, $0x186A0;
	v10 =	vnsel vm11, $0x186A0, v54;
	v19 =	vsub.s32 v27, v2;
	v37 =	vld.idx.msk [tilespmem:v37+s0+$0x0], $0xffff  }
0x249: {  	v20 =	vsub.s32 v20, v2;
	v30 =	vsub.s32 v16, v2;
	v16 =	vld.idx.msk [tilespmem:v9+s21+$0x0], $0xffff;
	v10 =	vsub.s32 v10, v2  }
0x24a: {  	s13 =	simm.s32 $0xA0;
	v32 =	vadd.s32 s9, v0;
	vm6 =	vlt.s32 v53, $0x186A0;
	v24 =	vadd.s32 s28, v0;
	v34 =	vld.idx.msk [tilespmem:v17+s21+$0x0], $0xffff  }
0x24b: {  	v53 =	vnsel vm6, $0x186A0, v53;
	v27 =	vadd.s32 s29, v0;
	v21 =	vor.u32 s13, v0;
	v43 =	vld.idx.msk [tilespmem:v11+s21+$0x0], $0xffff  }
0x24c: {  	v9 =	vnsel vm13, $0x186A0, v35;
	vm13 =	vlt.s32 v39, $0x186A0;
	v11 =	vnsel vm12, $0x186A0, v38;
	v44 =	vld.idx.msk [tilespmem:v22+s21+$0x0], $0xffff  }
0x24d: {  	v14 =	vsub.s32 v53, v2;
	v55 =	vnsel vm13, $0x186A0, v39;
	v48 =	vld.idx.msk [tilespmem:v19+s21+$0x0], $0xffff;
	v11 =	vsub.s32 v11, v2  }
0x24e: {  	s28 =	simm.s32 $0xD1;
	s29 =	simm.s32 $0xE1;
	v35 =	vadd.s32 s11, v0;
	v51 =	vadd.s32 v4, v21;
	v45 =	vld.idx.msk [tilespmem:v10+s21+$0x0], $0xffff;
	v10 =	vsub.s32 v55, v2  }
0x24f: {  	s16 =	simm.s32 $0xC0;
	s11 =	simm.s32 $0x90;
	v61 =	vadd.s32 s28, v28;
	v63 =	vadd.s32 s29, v28;
	v9 =	vsub.s32 v9, v2;
	v54 =	vld.idx.msk [tilespmem:v24+s0+$0x0], $0xffff  }
0x250: {  	s15 =	simm.s32 $0x80;
	v39 =	vor.u32 s16, v0;
	vm2 =	vlt.s32 v51, $0x186A0;
	v40 =	vld.idx.msk [tilespmem:v30+s21+$0x0], $0xffff;
	v30 =	vor.u32 s11, v0  }
0x251: {  	s18 =	simm.s32 $0xE0;
	vm13 =	vlt.s32 v60, $0x186A0;
	v17 =	vadd.s32 s8, v0;
	v22 =	vor.u32 s15, v0;
	v3 =	vld.idx.msk [tilespmem:v27+s0+$0x0], $0xffff  }
0x252: {  	v38 =	vor.u32 s18, v0;
	v24 =	vadd.s32 v4, v39;
	vm12 =	vlt.s32 v59, $0x186A0;
	v58 =	vld.idx.msk [tilespmem:v11+s21+$0x0], $0xffff  }
0x253: {  	v19 =	vadd.s32 v4, v22;
	v55 =	vadd.s32 v4, v38;
	vm4 =	vlt.s32 v24, $0x186A0;
	v62 =	vld.idx.msk [tilespmem:v10+s21+$0x0], $0xffff  }
0x254: {  	s19 =	simm.s32 $0x81;
	v49 =	vld.idx.msk [tilespmem:v9+s21+$0x0], $0xffff;
	v50 =	vadd.s32 v4, v30;
	vm14 =	vlt.s32 v19, $0x186A0;
	vm7 =	vlt.s32 v55, $0x186A0  }
0x255: {  	vm15 =	vlt.s32 v50, $0x186A0;
	v27 =	vnsel vm14, $0x186A0, v19;
	v9 =	vld.idx.msk [tilespmem:v30+s0+$0x0], $0xffff;
	v30 =	vadd.s32 s19, v28  }
0x256: {  	vm14 =	vlt.s32 v61, $0x186A0;
	v11 =	vld.idx.msk [tilespmem:v22+s0+$0x0], $0xffff;
	v22 =	vnsel vm15, $0x186A0, v50;
	vm5 =	vlt.s32 v30, $0x186A0  }
0x257: {  	vm15 =	vlt.s32 v63, $0x186A0;
	v50 =	vld.idx.msk [tilespmem:v17+s0+$0x0], $0xffff;
	v17 =	vnsel vm2, $0x186A0, v51;
	v30 =	vnsel vm5, $0x186A0, v30  }
0x258: {  	s10 =	simm.s32 $0x1DEC0;
	v20 =	vld.idx.msk [tilespmem:v20+s21+$0x0], $0xffff;
	v51 =	vnsel vm3, $0x186A0, v52;
	v23 =	vsub.s32 v30, v2;
	v19 =	vsub.s32 v58, v62  }
0x259: {  	[tilespmem:s10+$0x30] =	vst v29;
	s11 =	simm.s32 $0x1D240;
	v58 =	vsub.f32 v47, v37;
	v62 =	vld.idx.msk [tilespmem:v32+s0+$0x0], $0xffff;
	v32 =	vnsel vm8, $0x186A0, v56;
	v52 =	vcvt.s32.f32 v19  }
0x25a: {  	s8 =	simm.s32 $0x1DF40;
	[tilespmem:s11+$0x30] =	vst v13;
	v47 =	vnsel vm7, $0x186A0, v55;
	v55 =	vnsel vm12, $0x186A0, v59;
	v19 =	vld.idx.msk [tilespmem:v41+s0+$0x0], $0xffff;
	v41 =	vnsel vm4, $0x186A0, v24  }
0x25b: {  	v36 =	vld.idx.msk [tilespmem:v26+s21+$0x0], $0xffff;
	v56 =	vnsel vm13, $0x186A0, v60;
	v60 =	vnsel vm15, $0x186A0, v63;
	v63 =	vsub.s32 v41, v2;
	[tilespmem:s8+$0x30] =	vst v52  }
0x25c: {  	v59 =	vnsel vm14, $0x186A0, v61;
	v61 =	vsub.s32 v17, v2;
	v30 =	vsub.s32 v60, v2;
	v60 =	vld [tilespmem:$0x1FFB0]  }
0x25d: {  	s22 =	simm.s32 $0xA1;
	v26 =	vadd.s32 s5, v0;
	v14 =	vld.idx.msk [tilespmem:v14+s21+$0x0], $0xffff  }
0x25e: {  	v57 =	vadd.s32 s22, v28;
	v10 =	vld.idx.msk [tilespmem:v21+s0+$0x0], $0xffff  }
0x25f: {  	v21 =	vld.idx.msk [tilespmem:v39+s0+$0x0], $0xffff;
	v15 =	vsub.s32 v47, v2;
	v47 =	vsub.s32 v55, v2;
	v55 =	vsub.s32 v20, v18  }
0x260: {  	s9 =	simm.s32 $0x1D2C0;
	v29 =	vsub.s32 v42, v16;
	v42 =	vsub.s32 v43, v12;
	v12 =	vld.idx.msk [tilespmem:v63+s21+$0x0], $0xffff;
	v63 =	vcvt.s32.f32 v55  }
0x261: {  	vm9 =	vlt.s32 v57, $0x186A0;
	v27 =	vsub.s32 v27, v2;
	[tilespmem:s9+$0x30] =	vst v58;
	v41 =	vld.idx.msk [tilespmem:v61+s21+$0x0], $0xffff;
	v61 =	vsub.f32 v54, v60  }
0x262: {  	v39 =	vnsel vm9, $0x186A0, v57;
	v57 =	vld.idx.msk [tilespmem:v26+s0+$0x0], $0xffff;
	[tilespmem:s10+$0xFFFFFFC0] =	vst v63  }
0x263: {  	v37 =	vld.idx.msk [tilespmem:v33+s0+$0x0], $0xffff;
	[tilespmem:s11+$0xFFFFFFC0] =	vst v61  }
0x264: {  	v33 =	vsub.s32 v59, v2;
	v59 =	vsub.s32 v49, v40;
	v40 =	vsub.f32 v3, v5;
	v3 =	vld [tilespmem:$0x1FFC0]  }
0x265: {  	v26 =	vld.idx.msk [tilespmem:v38+s0+$0x0], $0xffff;
	v22 =	vsub.s32 v22, v2  }
0x266: {  	v51 =	vsub.s32 v51, v2;
	v17 =	vld.idx.msk [tilespmem:v27+s21+$0x0], $0xffff  }
0x267: {  	v16 =	vadd.s32 s29, v0;
	v24 =	vld.idx.msk [tilespmem:v46+s0+$0x0], $0xffff  }
0x268: {  	v31 =	vsub.s32 v44, v31;
	v36 =	vsub.s32 v48, v36;
	v42 =	vcvt.s32.f32 v42;
	v46 =	vld.idx.msk [tilespmem:v35+s0+$0x0], $0xffff  }
0x269: {  	v53 =	vsub.s32 v39, v2;
	v25 =	vsub.s32 v32, v2;
	v48 =	vsub.f32 v62, v3;
	v3 =	vld [tilespmem:$0x1FFD0]  }
0x26a: {  	v27 =	vadd.s32 s22, v0;
	v44 =	vsub.f32 v50, v6;
	v38 =	vsub.s32 v56, v2;
	v39 =	vld.idx.msk [tilespmem:v22+s21+$0x0], $0xffff  }
0x26b: {  	v35 =	vadd.s32 s19, v0;
	v32 =	vadd.s32 s20, v0;
	v22 =	vadd.s32 s25, v0;
	v13 =	vld.idx.msk [tilespmem:v51+s21+$0x0], $0xffff  }
0x26c: {  	v20 =	vadd.s32 s26, v0;
	v56 =	vsub.s32 v45, v34;
	v34 =	vcvt.s32.f32 v29;
	v23 =	vld.idx.msk [tilespmem:v23+s21+$0x0], $0xffff  }
0x26d: {  	s1 =	simm.s32 $0xC00;
	s6 =	simm.s32 $0x1EA80;
	v18 =	vadd.s32 s28, v0;
	v51 =	vcvt.s32.f32 v36;
	v50 =	vcvt.s32.f32 v59;
	v15 =	vld.idx.msk [tilespmem:v15+s21+$0x0], $0xffff  }
0x26e: {  	s7 =	simm.s32 $0x1DE00;
	s12 =	simm.s32 $0x8;
	s13 =	simm.s32 $0x171;
	v52 =	vcvt.s32.f32 v31;
	v25 =	vld.idx.msk [tilespmem:v25+s21+$0x0], $0xffff;
	v54 =	vcvt.s32.f32 v56;
	v55 =	vsub.f32 v57, v3  }
.LBB2_26:
0x26f: {  	v31 =	vld.idx.msk [tilespmem:v53+s21+$0x0], $0xffff;
	[tilespmem:s10+$0xFFFFFFE0] =	vst v42  }
0x270: {  	v3 =	vmov v19;
	[tilespmem:s10+$0xFFFFFFD0] =	vst v34  }
0x271: {  	s5 =	sadd.s32 $0xFFFFFF9F, s13;
	s15 =	sadd.s32 $0xFFFFFFFF, s13;
	v36 =	vld.idx.msk [tilespmem:v38+s21+$0x0], $0xffff;
	[tilespmem:$0x1FFA0] =	vst v3  }
0x272: {  	s14 =	sadd.s32 $0xFFFFFFAF, s13;
	v45 =	vld.idx.msk [tilespmem:v30+s21+$0x0], $0xffff;
	v19 =	vor.u32 s5, v0;
	v53 =	vor.u32 s15, v0;
	[tilespmem:s11+$0xFFFFFFE0] =	vst v44  }
0x273: {  	v37 =	vsub.f32 v37, v7;
	s16 =	sadd.s32 $0xFFFFFFCF, s13;
	v29 =	vmovc v21;
	s20 =	sadd.s32 $0xFFFFFFA0, s13;
	v3 =	vadd.s32 s13, v28;
	v34 =	vld.idx.msk [tilespmem:v47+s21+$0x0], $0xffff;
	v21 =	vor.u32 s14, v0;
	[tilespmem:s10+$0xFFFFFFF0] =	vst v52  }
0x274: {  	s25 =	sadd.s32 $0xFFFFFFB0, s13;
	s26 =	sadd.s32 $0xFFFFFFD0, s13;
	v30 =	vor.u32 s16, v0;
	v47 =	vadd.s32 s13, v0;
	v62 =	vadd.s32 s20, v28;
	[tilespmem:s10+$0x0] =	vst v54  }
0x275: {  	s19 =	sadd.s32 $0xFFFFFF8F, s13;
	s14 =	sadd.s32 $0xFFFFFF90, s13;
	v63 =	vadd.s32 s25, v28;
	v5 =	vadd.s32 s26, v28;
	[tilespmem:s10+$0x20] =	vst v50;
	vm0 =	vlt.s32 v3, $0x186A0  }
0x276: {  	[tilespmem:s11+$0xFFFFFFD0] =	vst v40;
	v40 =	vld.idx.msk [tilespmem:v33+s21+$0x0], $0xffff;
	v33 =	vor.u32 s19, v0;
	v56 =	vadd.s32 v4, v19;
	v61 =	vadd.s32 s14, v28  }
0x277: {  	v49 =	vld.idx.msk [tilespmem:v35+s0+$0x0], $0xffff;
	[tilespmem:s11+$0xFFFFFFF0] =	vst v48;
	vm13 =	vlt.s32 v62, $0x186A0;
	vm14 =	vlt.s32 v63, $0x186A0;
	vm7 =	vlt.s32 v5, $0x186A0  }
0x278: {  	s28 =	sadd.s32 $0xFFFFFFE0, s13;
	[tilespmem:s11+$0x0] =	vst v55;
	v57 =	vnsel vm0, $0x186A0, v3;
	v35 =	vadd.s32 v4, v33;
	v52 =	vld.idx.msk [tilespmem:v32+s0+$0x0], $0xffff;
	v32 =	vadd.s32 v4, v30  }
0x279: {  	[tilespmem:s10+$0x10] =	vst v51;
	v3 =	vadd.s32 s28, v28;
	vm9 =	vlt.s32 v56, $0x186A0;
	vm5 =	vlt.s32 v61, $0x186A0  }
0x27a: {  	s29 =	sadd.s32 $0xFFFFFFBF, s13;
	s17 =	sadd.s32 $0xFFFFFFDF, s13;
	v51 =	vld.idx.msk [tilespmem:v27+s0+$0x0], $0xffff;
	v5 =	vnsel vm7, $0x186A0, v5;
	v46 =	vsub.f32 v46, v8;
	v7 =	vmovc v24;
	v24 =	vadd.s32 v4, v53  }
0x27b: {  	s18 =	sadd.s32 $0xFFFFFFEF, s13;
	v50 =	vld.idx.msk [tilespmem:v22+s0+$0x0], $0xffff;
	v8 =	vmovc v26;
	v26 =	vor.u32 s29, v0;
	v42 =	vmovc v39;
	v38 =	vsub.s32 v57, v2;
	v39 =	vor.u32 s17, v0  }
0x27c: {  	[tilespmem:s11+$0x10] =	vst v37;
	v55 =	vld.idx.msk [tilespmem:v20+s0+$0x0], $0xffff;
	v43 =	vmovc v41;
	v41 =	vor.u32 s18, v0;
	v57 =	vadd.s32 v4, v21;
	vm8 =	vlt.s32 v35, $0x186A0  }
0x27d: {  	vm6 =	vlt.s32 v32, $0x186A0;
	vm3 =	vlt.s32 v3, $0x186A0;
	v27 =	vnsel vm9, $0x186A0, v56;
	v37 =	vld.idx.msk [tilespmem:v18+s0+$0x0], $0xffff  }
0x27e: {  	v20 =	vnsel vm5, $0x186A0, v61;
	vm1 =	vlt.s32 v24, $0x186A0;
	v58 =	vadd.s32 v4, v26;
	v44 =	vld.idx.msk [tilespmem:v19+s0+$0x0], $0xffff  }
0x27f: {  	s29 =	sadd.s32 $0xFFFFFFF0, s13;
	v59 =	vadd.s32 v4, v39;
	v60 =	vadd.s32 v4, v41;
	v24 =	vnsel vm1, $0x186A0, v24;
	v48 =	vld.idx.msk [tilespmem:v21+s0+$0x0], $0xffff  }
0x280: {  	v6 =	vadd.s32 s29, v28;
	vm10 =	vlt.s32 v57, $0x186A0;
	v47 =	vld.idx.msk [tilespmem:v47+s0+$0x0], $0xffff;
	v24 =	vsub.s32 v24, v2  }
0x281: {  	v32 =	vnsel vm6, $0x186A0, v32;
	v3 =	vnsel vm3, $0x186A0, v3;
	vm11 =	vlt.s32 v58, $0x186A0;
	v53 =	vld.idx.msk [tilespmem:v53+s0+$0x0], $0xffff  }
0x282: {  	vm12 =	vlt.s32 v59, $0x186A0;
	vm4 =	vlt.s32 v60, $0x186A0;
	v54 =	vld.idx.msk [tilespmem:v33+s0+$0x0], $0xffff;
	v58 =	vnsel vm11, $0x186A0, v58  }
0x283: {  	s22 =	sadd.s32 $0xFFFFFFC0, s13;
	v22 =	vnsel vm10, $0x186A0, v57;
	v61 =	vnsel vm4, $0x186A0, v60;
	v56 =	vsub.s32 v58, v2;
	v21 =	vld.idx.msk [tilespmem:v38+s21+$0x0], $0xffff  }
0x284: {  	v60 =	vsub.s32 v20, v2;
	v38 =	vadd.s32 s22, v28;
	v19 =	vld.idx.msk [tilespmem:v26+s0+$0x0], $0xffff;
	v26 =	vnsel vm8, $0x186A0, v35  }
0x285: {  	[tilespmem:s11+$0x20] =	vst v46;
	v35 =	vnsel vm12, $0x186A0, v59;
	vm2 =	vlt.s32 v38, $0x186A0;
	v18 =	vsub.s32 v26, v2;
	v24 =	vld.idx.msk [tilespmem:v24+s21+$0x0], $0xffff  }
0x286: {  	v26 =	vld.idx.msk [tilespmem:v41+s0+$0x0], $0xffff;
	v41 =	vsub.s32 v22, v2;
	v58 =	vsub.s32 v35, v2;
	v38 =	vnsel vm2, $0x186A0, v38  }
0x287: {  	v46 =	vld.idx.msk [tilespmem:v16+s0+$0x0], $0xffff;
	v59 =	vsub.f32 v47, v53;
	v47 =	vsub.s32 v38, v2;
	v38 =	vsub.s32 v5, v2  }
0x288: {  	v5 =	vsub.s32 v23, v17;
	v17 =	vsub.s32 v31, v43;
	v23 =	vsub.s32 v34, v13;
	v13 =	vld.idx.msk [tilespmem:v56+s21+$0x0], $0xffff  }
0x289: {  	v31 =	vsub.s32 v40, v14;
	v40 =	vsub.f32 v52, v9;
	v52 =	vcvt.s32.f32 v23;
	v23 =	vld.idx.msk [tilespmem:v60+s21+$0x0], $0xffff  }
0x28a: {  	v27 =	vsub.s32 v27, v2;
	v33 =	vsub.s32 v3, v2;
	v3 =	vld.idx.msk [tilespmem:v18+s21+$0x0], $0xffff;
	v24 =	vsub.s32 v21, v24  }
0x28b: {  	vm15 =	vlt.s32 v6, $0x186A0;
	v57 =	vsub.s32 v32, v2;
	v21 =	vld.idx.msk [tilespmem:v30+s0+$0x0], $0xffff;
	v30 =	vcvt.s32.f32 v24  }
0x28c: {  	s10 =	smov.u32 s8;
	s8 =	sadd.s32 $0x80, s8;
	v32 =	vadd.s32 s20, v0;
	v6 =	vnsel vm15, $0x186A0, v6;
	v20 =	vadd.s32 s26, v0;
	v41 =	vld.idx.msk [tilespmem:v41+s21+$0x0], $0xffff  }
0x28d: {  	s11 =	smov.u32 s9;
	s9 =	sadd.s32 $0x80, s9;
	v16 =	vadd.s32 s29, v0;
	v53 =	vnsel vm13, $0x186A0, v62;
	v14 =	vld.idx.msk [tilespmem:v58+s21+$0x0], $0xffff;
	[tilespmem:s8+$0x30] =	vst v30;
	v30 =	vnsel vm14, $0x186A0, v63  }
0x28e: {  	s12 =	sadd.s32 $0x8, s12;
	[tilespmem:s9+$0x30] =	vst v59;
	v59 =	vsub.s32 v61, v2;
	v61 =	vsub.s32 v53, v2;
	v53 =	vsub.s32 v30, v2  }
0x28f: {  	p0 =	slt.u32 s12, $0xB8;
	v30 =	vsub.s32 v6, v2;
	v6 =	vsub.s32 v25, v42;
	v42 =	vcvt.s32.f32 v17;
	v17 =	vmovc v3;
	v3 =	vld [tilespmem:$0x1FFA0]  }
.Ltmp17:
0x290: {  	v55 =	vsub.f32 v55, v29;
	v35 =	vadd.s32 s14, v0;
	v22 =	vadd.s32 s22, v0;
	v24 =	vld.idx.msk [tilespmem:v39+s0+$0x0], $0xffff;
	(pc) =	sbr.rel @p0 .LBB2_26-.Ltmp17, $4  }
0x291: {  	v62 =	vsub.s32 v45, v15;
	v9 =	vmovc v44;
	v44 =	vsub.f32 v51, v10;
	v5 =	vcvt.s32.f32 v5;
	v39 =	vld.idx.msk [tilespmem:v27+s21+$0x0], $0xffff  }
0x292: {  	v51 =	vcvt.s32.f32 v31;
	v63 =	vsub.f32 v49, v11;
	v25 =	vsub.s32 v36, v12;
	v12 =	vld.idx.msk [tilespmem:v57+s21+$0x0], $0xffff  }
0x293: {  	v10 =	vmovc v48;
	v18 =	vadd.s32 s28, v0;
	[tilespmem:s10+$0xFFFFFFC0] =	vst v5;
	v27 =	vadd.s32 s25, v0;
	v34 =	vcvt.s32.f32 v6;
	v15 =	vld.idx.msk [tilespmem:v59+s21+$0x0], $0xffff  }
0x294: {  	s13 =	sadd.s32 $0x80, s13;
	v11 =	vmovc v54;
	v54 =	vcvt.s32.f32 v25;
	[tilespmem:s11+$0xFFFFFFC0] =	vst v63;
	v25 =	vld.idx.msk [tilespmem:v61+s21+$0x0], $0xffff;
	v48 =	vsub.f32 v50, v3;
	v50 =	vcvt.s32.f32 v62  }
0x295: {  	[tilespmem:s10+$0xFFFFFFD0] =	vst v34  }
0x296: {  	[tilespmem:s10+$0xFFFFFFE0] =	vst v42  }
0x297: {  	[tilespmem:s10+$0xFFFFFFF0] =	vst v52  }
0x298: {  	[tilespmem:s10+$0x10] =	vst v51  }
0x299: {  	[tilespmem:s11+$0xFFFFFFD0] =	vst v40  }
0x29a: {  	[tilespmem:s11+$0xFFFFFFE0] =	vst v44  }
0x29b: {  	v3 =	vld.idx.msk [tilespmem:v35+s0+$0x0], $0xffff;
	[tilespmem:s11+$0xFFFFFFF0] =	vst v48  }
0x29c: {  	v5 =	vld.idx.msk [tilespmem:v53+s21+$0x0], $0xffff;
	v6 =	vsub.f32 v37, v7;
	[tilespmem:s10+$0x0] =	vst v54  }
0x29d: {  	v7 =	vld.idx.msk [tilespmem:v32+s0+$0x0], $0xffff;
	[tilespmem:s10+$0x20] =	vst v50  }
0x29e: {  	v8 =	vsub.f32 v46, v8;
	v29 =	vld.idx.msk [tilespmem:v47+s21+$0x0], $0xffff;
	[tilespmem:s11+$0x10] =	vst v6;
	v6 =	vsub.s32 v23, v17  }
0x29f: {  	v57 =	vld.idx.msk [tilespmem:v27+s0+$0x0], $0xffff;
	[tilespmem:s11+$0x0] =	vst v55;
	v6 =	vcvt.s32.f32 v6  }
0x2a0: {  	v58 =	vld.idx.msk [tilespmem:v38+s21+$0x0], $0xffff;
	[tilespmem:s11+$0x20] =	vst v8;
	v59 =	vsub.s32 v25, v39;
	v3 =	vsub.f32 v3, v11  }
0x2a1: {  	v60 =	vld.idx.msk [tilespmem:v22+s0+$0x0], $0xffff;
	v8 =	vcvt.s32.f32 v59;
	[tilespmem:s8+$0xFFFFFFC0] =	vst v6  }
0x2a2: {  	v6 =	vld.idx.msk [tilespmem:v33+s21+$0x0], $0xffff;
	v5 =	vsub.s32 v5, v41;
	v7 =	vsub.f32 v7, v9;
	[tilespmem:s9+$0xFFFFFFC0] =	vst v3  }
0x2a3: {  	v61 =	vld.idx.msk [tilespmem:v30+s21+$0x0], $0xffff;
	v62 =	vsub.s32 v29, v13;
	v5 =	vcvt.s32.f32 v5;
	[tilespmem:s8+$0xFFFFFFD0] =	vst v8  }
0x2a4: {  	v9 =	vcvt.s32.f32 v62;
	v3 =	vld.idx.msk [tilespmem:v20+s0+$0x0], $0xffff;
	[tilespmem:s9+$0xFFFFFFD0] =	vst v7  }
0x2a5: {  	v10 =	vsub.f32 v57, v10;
	v7 =	vld.idx.msk [tilespmem:v18+s0+$0x0], $0xffff;
	[tilespmem:s8+$0xFFFFFFE0] =	vst v5  }
0x2a6: {  	v11 =	vsub.f32 v60, v19;
	v5 =	vsub.s32 v58, v12;
	[tilespmem:s8+$0xFFFFFFF0] =	vst v9  }
0x2a7: {  	v63 =	vld.idx.msk [tilespmem:v16+s0+$0x0], $0xffff;
	[tilespmem:s9+$0xFFFFFFE0] =	vst v10;
	v5 =	vcvt.s32.f32 v5;
	v6 =	vsub.s32 v6, v14  }
0x2a8: {  	[tilespmem:s9+$0xFFFFFFF0] =	vst v11;
	v6 =	vcvt.s32.f32 v6  }
0x2a9: {  	[tilespmem:s8+$0x0] =	vst v5;
	v3 =	vsub.f32 v3, v21  }
0x2aa: {  	v5 =	vsub.s32 v61, v15;
	v7 =	vsub.f32 v7, v24;
	[tilespmem:s8+$0x10] =	vst v6  }
0x2ab: {  	[tilespmem:s9+$0x0] =	vst v3;
	v3 =	vcvt.s32.f32 v5  }
0x2ac: {  	v5 =	vsub.f32 v63, v26;
	[tilespmem:s9+$0x10] =	vst v7  }
0x2ad: {  	[tilespmem:s8+$0x20] =	vst v3  }
0x2ae: {  	v33 =	vmov v28;
	[tilespmem:s9+$0x20] =	vst v5  }
.LBB2_28:
0x2af: {  	v3 =	vor.u32 s1, v0  }
0x2b0: {  	s5 =	sadd.s32 $0x1, s1;
	v5 =	vadd.s32 v4, v3  }
0x2b1: {  	v6 =	vadd.s32 s5, v33;
	vm0 =	vlt.s32 v5, $0x186A0  }
0x2b2: {  	vm15 =	vlt.s32 v6, $0x186A0;
	v5 =	vnsel vm0, $0x186A0, v5  }
0x2b3: {  	v6 =	vnsel vm15, $0x186A0, v6;
	v5 =	vsub.s32 v5, v2  }
0x2b4: {  	v6 =	vsub.s32 v6, v2;
	_ =	sdelay $0x1  }
0x2b5: {  	v7 =	vadd.s32 s5, v0;
	_ =	sdelay $0x1  }
0x2b6: {  	v5 =	vld.idx.msk [tilespmem:v5+s21+$0x0], $0xffff  }
0x2b7: {  	v6 =	vld.idx.msk [tilespmem:v6+s21+$0x0], $0xffff  }
0x2b8: {  	v3 =	vld.idx.msk [tilespmem:v3+s0+$0x0], $0xffff  }
0x2b9: {  	v7 =	vld.idx.msk [tilespmem:v7+s0+$0x0], $0xffff;
	_ =	sdelay $0x1  }
0x2ba: {  	p0 =	sne.s32 s1, $0xC30  }
.Ltmp18:
0x2bb: {  	v5 =	vsub.s32 v6, v5;
	(pc) =	sbr.rel @p0 .LBB2_28-.Ltmp18, $4  }
0x2bc: {  	v5 =	vcvt.s32.f32 v5  }
0x2bd: {  	v3 =	vsub.f32 v7, v3  }
0x2be: {  	[tilespmem:s6+$0x0] =	vst v5  }
0x2bf: {  	s1 =	sadd.s32 $0x10, s1;
	s6 =	sadd.s32 $0x10, s6;
	[tilespmem:s7+$0x0] =	vst v3;
	s7 =	sadd.s32 $0x10, s7  }
0x2c0: {  	s1 =	rddreg [dreg:$0x10];
	s5 =	simm.s32 $0x1D200;
	s8 =	simm.s32 $0x3  }
0x2c1: {  	[hbm4b:s1+s4] =	stream.linear.scatter [tilespmem:s5], [sflag:$0x3], $0xC40, $0x38;
	[tilespmem:$0x1EB80] =	vst v63  }
0x2c2: {  	_ =	swait.ge [sflag:s8], $0xC40  }
0x2c3: {  	[sflag:s8] =	ssyncset.done $0x0  }
0x2c4: {  	s26 =	simm.s32 $0x1DE80;
	s25 =	rddreg [dreg:$0x11];
	[sflag:s8] =	ssyncadd.s32 $0xFFFFF3C0  }
0x2c5: {  	[hbm4b:s25+s4] =	stream.linear.scatter [tilespmem:s26], [sflag:$0x3], $0xC40, $0x38;
	[tilespmem:$0x1EB80] =	vst v63  }
0x2c6: {  	_ =	swait.ge [sflag:s8], $0xC40  }
0x2c7: {  	s28 =	rddreg [dreg:$0x13]  }
0x2c8: {  	s29 =	rddreg [dreg:$0x12];
	s5 =	sadd.s32 $0x1, s28  }
0x2c9: {  	p0 =	sne.s32 s5, s29  }
.Ltmp19:
0x2ca: {  	v5 =	vld [tilespmem:$0x1FFF0];
	(pc) =	sbr.rel @p0 .LBB2_1-.Ltmp19, $3  }
0x2cb: {  	_ =	sdelay $0x1  }
0x2cc: {  	[sflag:s8] =	ssyncset.done $0x0  }
0x2cd: {  	v3 =	vld [tilespmem:$0x1FFE0];
	[sflag:s8] =	ssyncadd.s32 $0xFFFFF3C0  }
0x2ce: {  	_ =	sfence.sel $0x180000  }
0x2cf: {  	[bflag:$0x0] =	sbarrier.arrive $0xFFFF  }
0x2d0: {  	_ =	strace $0x90000047  }
0x2d1: {  	s0 =	stileid.u32;
	[bflag:$0x2] =	sbarrier.arrive $0xFFFF  }
0x2d2: {  	p0 =	sne.s32 s0, $0x0;
	s0 =	rddreg [dreg:$0x4]  }
0x2d3: {  	s0 =	sadd.s32 @!p0 $0x100000, s0  }
0x2d4: {  	[sflag:s0] =	ssyncadd.tile.s32 @!p0 $0x1;
	_ =	shalt  }
.Lfunc_end2:
_tile_overlayer_lowered:
.L_overlay_start_2:
0x2d5: {  	(tag) =	ssettag $0x2  }
0x2d6: {  	s0 =	rddreg [dreg:$0x0];
	s2 =	stileid.u32  }
0x2d7: {  	s1 =	rddreg [dreg:$0x1];
	p0 =	sne.s32 s2, $0x0  }
0x2d8: {  	s3 =	rddreg [dreg:$0x2];
	[bflag:$0x3] =	sbarrier.arrive $0xFFFF;
	s2 =	simm.s32 @!p0 $0x1C03  }
0x2d9: {  	[timem:s3], [sflag:s2] =	dma.local @!p0 [hbm:s0], s1  }
0x2da: {  	s0 =	simm.s32 @!p0 $0x3  }
0x2db: {  	_ =	swait.ge @!p0 [sflag:s0], s1  }
0x2dc: {  	s1 =	ssub.s32 @!p0 $0x0, s1;
	[sflag:s0] =	ssyncset.done @!p0 $0x0  }
0x2dd: {  	[sflag:s0] =	ssyncadd.s32 @!p0 s1  }
0x2de: {  	[bflag:$0x3] =	sbarrier.arrive $0xFFFF  }
0x2df: {  	_ =	shalt  }

// kernel: kernel.8.cloned.1.call-start
scs
__scs_entry_jumppad:
0x0: {  	(pc) =	sbr.rel $0x88, $3  }
0x1: {  	(tag) =	ssettag $0x0;
	lr =	simm.s32 $0x1  }
0x2: {  	[smem:$0x3F98] =	sst lr;
	_ =	strace $0xD0000000  }
0x3: {  	_ = 	snop  }
0x4: {  	_ = 	snop  }
0x5: {  	_ = 	snop  }
0x6: {  	_ = 	snop  }
0x7: {  	_ = 	snop  }
__scs_overlays_trampoline_lowered:
0x8: {  	[smem:$0x3FA7] =	sst s0  }
0x9: {  	[smem:$0x3FA8] =	sst s1  }
0xa: {  	[smem:$0x3FA9] =	sst s2  }
0xb: {  	[smem:$0x3FAA] =	sst s3  }
0xc: {  	[smem:$0x3FAB] =	sst s4  }
0xd: {  	[smem:$0x3FAC] =	sst s5  }
0xe: {  	[smem:$0x3FAD] =	sst s6  }
0xf: {  	[smem:$0x3FAE] =	sst s7  }
0x10: {  	[smem:$0x3FAF] =	sst s8  }
0x11: {  	[smem:$0x3FB0] =	sst s9;
	s0 =	simm.s32 @!p0 $0x0  }
0x12: {  	s1 =	sld [smem:$0x3F96];
	s0 =	simm.s32 @p0 $0x1  }
0x13: {  	[smem:$0x3FB1] =	sst s0;
	s0 =	simm.s32 @!p1 $0x0  }
0x14: {  	s2 =	sld [smem:$0x3F95];
	s0 =	simm.s32 @p1 $0x1  }
0x15: {  	[smem:$0x3FB2] =	sst s0;
	s0 =	simm.s32 @!p2 $0x0  }
0x16: {  	s3 =	sld [smem:$0x3FDB];
	s0 =	simm.s32 @p2 $0x1  }
0x17: {  	s4 =	simm.s32 $0x1BF5;
	[smem:$0x3FB4] =	sst s0  }
0x18: {  	s0 =	sld [smem:$0x3F97];
	_ =	swait.ge [sflag:s4], $0x0  }
0x19: {  	s7 =	sld [smem:$0x3F98]  }
0x1a: {  	s8 =	sadd.s32 $0xFFFFE003, lr  }
0x1b: {  	s9 =	sadd.s32 $0xFFFFFEF7, lr;
	s5 =	simm.s32 $0xFFFFFFFF;
	p2 =	slt.u32 s8, $0xFFFFF086  }
0x1c: {  	p1 =	slt.u32 s9, $0xF7A;
	s5 =	simm.s32 @!p2 $0x0  }
0x1d: {  	s5 =	simm.s32 @p1 $0x1;
	p0 =	seq.s32 s7, s2  }
0x1e: {  	s7 =	smul.u32 @!p0 $0xF7A, s2;
	p2 =	seq.s32 @!p0 s5, $0x0  }
0x1f: {  	s9 =	smul.u32 $0xF7A, s1;
	s8 =	simm.s32 @!p0 $0x1BF5;
	p2 =	por !p2, p0  }
0x20: {  	[sflag:s8] =	ssyncset.s32 @!p0 $0xFFFFF086;
	s6 =	sadd.s32 @!p0 s3, s7;
	s7 =	simm.s32 @!p0 $0x108  }
0x21: {  	s3 =	sadd.s32 s3, s9;
	s6 =	sadd.s32 @!p0 $0x88, s6;
	s7 =	simm.s32 @p2 $0x1082  }
0x22: {  	[simem:s7], [sflag:s8] =	dma.local @!p0 [hbm:s6], $0xF7A  }
0x23: {  	s9 =	sor.u32 $0xD0000000, s2;
	s6 =	simm.s32 $0x108;
	_ =	swait.ge @!p0 [sflag:s8], $0x0  }
0x24: {  	s3 =	sadd.s32 $0x88, s3;
	s6 =	simm.s32 @!p1 $0x1082;
	[sflag:s4] =	ssyncset.s32 $0xFFFFF086  }
0x25: {  	[simem:s6], [sflag:s4] =	dma.local [hbm:s3], $0xF7A  }
0x26: {  	[smem:$0x3F98] =	sst s1;
	(tag) =	ssettag s2;
	_ =	strace s9  }
0x27: {  	s1 =	sld [smem:$0x3FA8]  }
0x28: {  	s2 =	sld [smem:$0x3FA9]  }
0x29: {  	s4 =	sld [smem:$0x3FAB]  }
0x2a: {  	p0 =	seq.s32 s5, $0x0;
	s5 =	sld [smem:$0x3FAC]  }
0x2b: {  	s6 =	sld [smem:$0x3FAD]  }
0x2c: {  	s7 =	sld [smem:$0x3FAE]  }
0x2d: {  	s3 =	simm.s32 $0x108;
	s8 =	sld [smem:$0x3FAF]  }
0x2e: {  	s3 =	simm.s32 @!p0 $0x1082;
	s9 =	sld [smem:$0x3FB0]  }
0x2f: {  	lr =	sadd.s32 s0, s3;
	s0 =	sld [smem:$0x3FA7]  }
0x30: {  	s3 =	sld [smem:$0x3FAA]  }
0x31: {  	[smem:$0x3FB3] =	sst s10  }
0x32: {  	s10 =	sld [smem:$0x3FB1];
	_ =	sdelay $0x3  }
0x33: {  	p0 =	seq.s32 s10, $0x1;
	s10 =	sld [smem:$0x3FB3];
	_ =	sdelay $0x3  }
0x34: {  	[smem:$0x3FB3] =	sst s10  }
0x35: {  	s10 =	sld [smem:$0x3FB2];
	_ =	sdelay $0x3  }
0x36: {  	p1 =	seq.s32 s10, $0x1;
	s10 =	sld [smem:$0x3FB3];
	_ =	sdelay $0x3  }
0x37: {  	[smem:$0x3FB3] =	sst s10  }
0x38: {  	s10 =	sld [smem:$0x3FB4]  }
0x39: {  	_ = 	snop;
	(pc) =	sbr.ind lr, $3  }
0x3a: {  	_ = 	snop  }
0x3b: {  	_ = 	snop  }
0x3c: {  	p2 =	seq.s32 s10, $0x1;
	s10 =	sld [smem:$0x3FB3]  }
0x3d: {  	_ =	shalt  }
0x3e: {  	_ =	shalt  }
0x3f: {  	_ =	shalt  }
0x40: {  	_ =	shalt  }
0x41: {  	_ =	shalt  }
0x42: {  	_ =	shalt  }
0x43: {  	_ =	shalt  }
0x44: {  	_ =	shalt  }
0x45: {  	_ =	shalt  }
0x46: {  	_ =	shalt  }
0x47: {  	_ =	shalt  }
0x48: {  	_ =	shalt  }
0x49: {  	_ =	shalt  }
0x4a: {  	_ =	shalt  }
0x4b: {  	_ =	shalt  }
0x4c: {  	_ =	shalt  }
0x4d: {  	_ =	shalt  }
0x4e: {  	_ =	shalt  }
0x4f: {  	_ =	shalt  }
0x50: {  	_ =	shalt  }
0x51: {  	_ =	shalt  }
0x52: {  	_ =	shalt  }
0x53: {  	_ =	shalt  }
0x54: {  	_ =	shalt  }
0x55: {  	_ =	shalt  }
0x56: {  	_ =	shalt  }
0x57: {  	_ =	shalt  }
0x58: {  	_ =	shalt  }
0x59: {  	_ =	shalt  }
0x5a: {  	_ =	shalt  }
0x5b: {  	_ =	shalt  }
0x5c: {  	_ =	shalt  }
0x5d: {  	_ =	shalt  }
0x5e: {  	_ =	shalt  }
0x5f: {  	_ =	shalt  }
0x60: {  	_ =	shalt  }
0x61: {  	_ =	shalt  }
0x62: {  	_ =	shalt  }
0x63: {  	_ =	shalt  }
0x64: {  	_ =	shalt  }
0x65: {  	_ =	shalt  }
0x66: {  	_ =	shalt  }
0x67: {  	_ =	shalt  }
0x68: {  	_ =	shalt  }
0x69: {  	_ =	shalt  }
0x6a: {  	_ =	shalt  }
0x6b: {  	_ =	shalt  }
0x6c: {  	_ =	shalt  }
0x6d: {  	_ =	shalt  }
0x6e: {  	_ =	shalt  }
0x6f: {  	_ =	shalt  }
0x70: {  	_ =	shalt  }
0x71: {  	_ =	shalt  }
0x72: {  	_ =	shalt  }
0x73: {  	_ =	shalt  }
0x74: {  	_ =	shalt  }
0x75: {  	_ =	shalt  }
0x76: {  	_ =	shalt  }
0x77: {  	_ =	shalt  }
0x78: {  	_ =	shalt  }
0x79: {  	_ =	shalt  }
0x7a: {  	_ =	shalt  }
0x7b: {  	_ =	shalt  }
0x7c: {  	_ =	shalt  }
0x7d: {  	_ =	shalt  }
0x7e: {  	_ =	shalt  }
0x7f: {  	_ =	shalt  }
0x80: {  	_ =	shalt  }
0x81: {  	_ =	shalt  }
0x82: {  	_ =	shalt  }
0x83: {  	_ =	shalt  }
0x84: {  	_ =	shalt  }
0x85: {  	_ =	shalt  }
0x86: {  	_ =	shalt  }
0x87: {  	_ =	shalt  }
.Lfunc_end0:
.L_simem_size_0:
called_computation.1_lowered:
.L_overlay_start_0:
0x88: {  	s2 =	sld [smem:$0x3FD9]  }
0x89: {  	s3 =	sld [smem:$0x3FFE];
	_ =	sdelay $0x1  }
0x8a: {  	s1 =	srdreg.scid  }
0x8b: {  	s0 =	sand.u32 $0x1, s1  }
0x8c: {  	s17 =	sshll.u32 s0, $0xA;
	s2 =	sadd.s32 s3, s2  }
0x8d: {  	s2 =	sadd.s32 s2, s17  }
0x8e: {  	[smem:$0x3FBF] =	sst s2  }
0x8f: {  	_ = 	snop  }
0x90: {  	s2 =	sld [smem:$0x3FC8]  }
0x91: {  	s18 =	sld [smem:$0x3FD0];
	(tm) =	ssettm $0x1  }
0x92: {  	s4 =	sld [smem:$0x3FFB];
	_ =	sdelay $0x3  }
0x93: {  	_ =	strace s4  }
0x94: {  	s4 =	sld [smem:$0x3FFC];
	_ =	sdelay $0x3  }
0x95: {  	_ =	strace s4  }
0x96: {  	s4 =	sld [smem:$0x3FFD];
	_ =	sdelay $0x3  }
0x97: {  	_ =	strace s4  }
0x98: {  	_ =	strace $0x8FFFFFFF  }
0x99: {  	s19 =	sld [smem:$0x3FDB];
	_ =	sdelay $0x1  }
0x9a: {  	s5 =	simm.s32 $_scs_section_size  }
0x9b: {  	s6 =	simm.s32 $_size__tile_overlayer_lowered;
	s7 =	simm.s32 $_tile_overlayer_lowered  }
0x9c: {  	s22 =	simm.s32 $0x1BFF;
	s21 =	sshll.u32 s7, $0x1;
	s4 =	sadd.s32 s5, s19  }
0x9d: {  	s8 =	simm.s32 $0x0;
	s20 =	sshll.u32 s6, $0x1;
	s6 =	sadd.s32 s21, s4  }
0x9e: {  	[timem:s8], [sflag:s22] =	dma.local [hbm:s6], s20  }
0x9f: {  	_ =	swait.ge [sflag:s22], s20  }
0xa0: {  	s5 =	ssub.s32 $0x0, s20;
	[sflag:s22] =	ssyncset.done $0x0  }
0xa1: {  	[sflag:s22] =	ssyncadd.s32 s5;
	_ =	sdelay $0x1  }
0xa2: {  	s23 =	simm.s32 $0x1B8B  }
0xa3: {  	_ =	swait.ge [sflag:s23], $0x1  }
0xa4: {  	[sflag:s23] =	ssyncset.done $0x0  }
0xa5: {  	s25 =	simm.s32 $0x1B8E;
	s24 =	sld [smem:$0x3FFE];
	[sflag:s23] =	ssyncadd.s32 $0xFFFFFFFF  }
0xa6: {  	s26 =	simm.s32 $execute0_lowered;
	[smem:$0x3FD2] =	sst s25  }
0xa7: {  	s6 =	sshll.u32 s26, $0x1;
	_ =	strace $0x8000004B;
	[dreg:$0x1] =	wrdreg $0xFFFFFFFF  }
0xa8: {  	s28 =	simm.s32 $_size_execute0_lowered;
	s4 =	sadd.s32 s4, s6;
	[dreg:$0x0] =	wrdreg $0x0  }
0xa9: {  	s6 =	sshll.u32 s28, $0x1;
	[dreg:$0x2] =	wrdreg s4  }
0xaa: {  	[dreg:$0x3] =	wrdreg s6  }
0xab: {  	[dreg:$0x4] =	wrdreg $0xC0  }
0xac: {  	_ =	task [dreg:s8], $0x5FFFF  }
0xad: {  	[dreg:$0x1] =	wrdreg $0xFFFFFFFF  }
0xae: {  	[dreg:$0x0] =	wrdreg $0x60  }
0xaf: {  	[dreg:$0x2] =	wrdreg s24  }
0xb0: {  	[dreg:$0x3] =	wrdreg s2  }
0xb1: {  	[dreg:$0x4] =	wrdreg s18  }
0xb2: {  	[dreg:$0x5] =	wrdreg $0x9  }
0xb3: {  	_ =	task.clear_ibuf [dreg:s8], $0x6FFFF;
	_ =	strace $0x9000004B  }
0xb4: {  	s29 =	simm.s32 $0x9;
	_ =	strace $0x8000004F  }
0xb5: {  	_ =	swait.ge [sflag:s29], $0x1  }
0xb6: {  	[sflag:s29] =	ssyncadd.s32 $0xFFFFFFFF  }
0xb7: {  	_ =	strace $0x9000004F  }
0xb8: {  	_ =	sfence  }
0xb9: {  	s30 =	sld [smem:$0x0];
	_ =	sdelay $0x2  }
0xba: {  	s31 =	sshll.u32 s1, $0xD;
	s1 =	sshrl.u32 s1, $0x2  }
0xbb: {  	s3 =	sand.u32 $0x4000, s31;
	s1 =	sadd.s32 s1, s30  }
0xbc: {  	s0 =	sor.u32 s3, s0;
	s1 =	sshll.u32 s1, $0x11  }
0xbd: {  	s0 =	sor.u32 s1, s0  }
0xbe: {  	s0 =	sadd.s32 $0x8F2B, s0  }
0xbf: {  	[sflag:s0] =	ssyncadd.remote.s32 $0x1  }
0xc0: {  	_ =	sfence.sel $0xFFFF  }
0xc1: {  	[dreg:$0x0] =	wrdreg $0xFFFFFFFF;
	(pc) =	sbr.abs _section_cstart, $3  }
0xc2: {  	[dreg:$0x1] =	wrdreg $0xFFFFFFFF  }
0xc3: {  	_ =	task.clear_ibuf [dreg:s8], $0x2FFFF;
	_ =	strace $0x9FFFFFFF  }
0xc4: {  	(tm) =	ssettm $0x7FFFFFFF  }
0xc5: {  	_ =	shalt  }
tec
execute0_lowered:
.L_overlay_start_1:
0x0: {  	(tag) =	ssettag $0x1  }
0x1: {  	s0 =	rddreg [dreg:$0x0]  }
0x2: {  	s2 =	rddreg [dreg:$0x1];
	s3 =	stileid.u32  }
0x3: {  	s4 =	rddreg [dreg:$0x2];
	s5 =	sshll.u32 s3, $0x1;
	s3 =	simm.s32 $0x0  }
0x4: {  	s1 =	srdreg.scid;
	s16 =	sadd.s32 $0x5400, s0;
	[smem:$0x7FF] =	sst s3  }
0x5: {  	s17 =	sadd.s32 $0x2200, s0;
	_ =	strace $0x8000004C;
	[dreg:$0x4] =	wrdreg s16  }
0x6: {  	s31 =	simm.s32 $0x1;
	s19 =	sadd.s32 $0x5A20, s0;
	[dreg:$0x5] =	wrdreg s17  }
0x7: {  	s1 =	sand.u32 $0x1, s1;
	s20 =	sadd.s32 $0x6040, s0;
	[dreg:$0x8] =	wrdreg s19  }
0x8: {  	s21 =	sadd.s32 $0x6660, s0;
	s22 =	sadd.s32 $0x6C80, s0;
	[dreg:$0x9] =	wrdreg s20  }
0x9: {  	s24 =	sadd.s32 $0x72A0, s0;
	s25 =	sadd.s32 $0x78C0, s0;
	[dreg:$0xa] =	wrdreg s21  }
0xa: {  	s5 =	sor.u32 s1, s5;
	s1 =	ssub.s32 $0x2, s1;
	[dreg:$0xb] =	wrdreg s22  }
0xb: {  	s6 =	smul.u32 $0xC40, s5;
	s9 =	sshrl.u32 s1, $0x1;
	[dreg:$0xc] =	wrdreg s24  }
0xc: {  	[dreg:$0xd] =	wrdreg s25;
	s21 =	simm.s32 $0x18800;
	s19 =	simm.s32 $0x1C580  }
0xd: {  	s24 =	simm.s32 $0x1C480;
	s25 =	simm.s32 $0x0;
	s1 =	ssub.s32 s1, s9  }
0xe: {  	s7 =	smin.u32 s6, $0x17A58;
	s8 =	sshrl.u32 s6, $0x3;
	s30 =	smax.u32 s1, $0x1  }
0xf: {  	s11 =	sadd.s32 s8, s0;
	s0 =	sadd.s32 $0x7EE0, s0;
	[dreg:$0x12] =	wrdreg s30  }
0x10: {  	v0 =	vlaneseq.u32;
	v7 =	vimm.s32 $0x0;
	vm0 =	vcmask $0x300;
	s23 =	smin.u32 s6, $0x17A60;
	s26 =	ssub.s32 s6, s7;
	[dreg:$0xe] =	wrdreg s0  }
0x11: {  	v1 =	vmul.u32 $0x10, v0;
	v7 =	vsel vm0, $0x7, v7;
	s10 =	sshrl.u32 s7, $0x3;
	s29 =	sadd.s32 s4, s8;
	[dreg:$0xf] =	wrdreg s26  }
0x12: {  	v8 =	vor.u32 $0x10, v0;
	v9 =	vor.u32 $0x20, v0;
	v10 =	vor.u32 $0x30, v0;
	s1 =	simm.s32 $0x19480;
	s5 =	sadd.s32 s17, s10;
	[dreg:$0x11] =	wrdreg s29  }
0x13: {  	v11 =	vor.u32 $0x40, v0;
	v12 =	vor.u32 $0x50, v0;
	v13 =	vor.u32 $0x60, v0;
	s9 =	ssub.s32 s23, s7;
	s18 =	sadd.s32 $0x8600, s11;
	[dreg:$0x6] =	wrdreg s5  }
0x14: {  	v14 =	vor.u32 $0x70, v0;
	v3 =	vor.u32 $0xF, v1;
	v2 =	vmov s6;
	s8 =	simm.s32 $0x3;
	s28 =	sadd.s32 $0xC40, s9;
	[dreg:$0x7] =	wrdreg s18  }
0x15: {  	v5 =	vadd.s32 s6, v3;
	v6 =	vor.u32 s6, v0;
	v4 =	vmov s7;
	s23 =	simm.s32 $0x1B480;
	s0 =	simm.s32 $0x2;
	[dreg:$0x10] =	wrdreg s28  }
.LBB2_1:
0x16: {  	s4 =	rddreg [dreg:$0x5];
	s5 =	simm.s32 $0x1EB00  }
0x17: {  	[tilespmem:s5], [sflag:$0x3] =	stream.linear.gather [hbm4b:s4+s3], $0x10, $0x38;
	[tilespmem:$0x1EB80] =	vst v63  }
0x18: {  	_ =	swait.ge [sflag:s8], $0x10  }
0x19: {  	[sflag:s8] =	ssyncset.done $0x0  }
0x1a: {  	s15 =	rddreg [dreg:$0x6];
	[sflag:s8] =	ssyncadd.s32 $0xFFFFFFF0  }
0x1b: {  	[tilespmem:s21], [sflag:$0x3] =	stream.linear.gather [hbm4b:s15+s3], $0xC50, $0x38;
	[tilespmem:$0x1EB80] =	vst v63  }
0x1c: {  	_ =	swait.ge [sflag:s8], $0xC50  }
0x1d: {  	[sflag:s8] =	ssyncset.done $0x0  }
0x1e: {  	s17 =	simm.s32 $0x1DE80;
	s16 =	rddreg [dreg:$0x7];
	[sflag:s8] =	ssyncadd.s32 $0xFFFFF3B0  }
0x1f: {  	[tilespmem:s17], [sflag:$0x3] =	stream.linear.gather [hbm4b:s16+s3], $0xC40, $0x38;
	[tilespmem:$0x1EB80] =	vst v63  }
0x20: {  	_ =	swait.ge [sflag:s8], $0xC40  }
0x21: {  	[sflag:s8] =	ssyncset.done $0x0  }
0x22: {  	s18 =	rddreg [dreg:$0x4];
	[sflag:s8] =	ssyncadd.s32 $0xFFFFF3C0  }
0x23: {  	[tilespmem:s3], [sflag:$0x2] =	stream.linear.gather [hbm4b:s18+s3], $0x3100, $0x38;
	[tilespmem:$0x1EB80] =	vst v63  }
0x24: {  	s22 =	simm.s32 $0x3100;
	s20 =	rddreg [dreg:$0x8]  }
0x25: {  	[tilespmem:s22], [sflag:$0x2] =	stream.linear.gather [hbm4b:s20+s3], $0x3100, $0x38;
	[tilespmem:$0x1EB80] =	vst v63  }
0x26: {  	s28 =	simm.s32 $0x6200;
	s26 =	rddreg [dreg:$0x9]  }
0x27: {  	[tilespmem:s28], [sflag:$0x2] =	stream.linear.gather [hbm4b:s26+s3], $0x3100, $0x38;
	[tilespmem:$0x1EB80] =	vst v63  }
0x28: {  	s6 =	simm.s32 $0x9300;
	s5 =	rddreg [dreg:$0xa]  }
0x29: {  	[tilespmem:s6], [sflag:$0x2] =	stream.linear.gather [hbm4b:s5+s3], $0x3100, $0x38;
	[tilespmem:$0x1EB80] =	vst v63  }
0x2a: {  	s7 =	rddreg [dreg:$0xb];
	s8 =	simm.s32 $0xC400  }
0x2b: {  	[tilespmem:s8], [sflag:$0x2] =	stream.linear.gather [hbm4b:s7+s3], $0x3100, $0x38;
	[tilespmem:$0x1EB80] =	vst v63  }
0x2c: {  	s10 =	simm.s32 $0xF500;
	s9 =	rddreg [dreg:$0xc]  }
0x2d: {  	[tilespmem:s10], [sflag:$0x2] =	stream.linear.gather [hbm4b:s9+s3], $0x3100, $0x38;
	[tilespmem:$0x1EB80] =	vst v63  }
0x2e: {  	s12 =	simm.s32 $0x12600;
	s11 =	rddreg [dreg:$0xd]  }
0x2f: {  	[tilespmem:s12], [sflag:$0x2] =	stream.linear.gather [hbm4b:s11+s3], $0x3100, $0x38;
	[tilespmem:$0x1EB80] =	vst v63  }
0x30: {  	s14 =	simm.s32 $0x15700;
	s13 =	rddreg [dreg:$0xe]  }
0x31: {  	[tilespmem:s14], [sflag:$0x2] =	stream.linear.gather [hbm4b:s13+s3], $0x3100, $0x38;
	[tilespmem:$0x1EB80] =	vst v63  }
0x32: {  	s15 =	rddreg [dreg:$0xf];
	v15 =	vld [tilespmem:$0x1EB00]  }
0x33: {  	v16 =	vld [tilespmem:s15+$0x18800];
	_ =	sdelay $0x3  }
0x34: {  	(v2sf) =	vpush v15, $0x0  }
0x35: {  	s16 =	rddreg [dreg:$0x10];
	(v2sf) =	vpush v16, $0x0  }
0x36: {  	v16 =	vld [tilespmem:s16+$0x18800];
	_ =	sdelay $0x4  }
0x37: {  	(v2sf) =	vpush v16, $0x0;
	_ =	sdelay $0x7  }
0x38: {  	s17 =	spop (v2sf)  }
0x39: {  	s6 =	spop (v2sf)  }
0x3a: {  	s26 =	ssub.s32 s6, s17  }
0x3b: {  	s6 =	sand.u32 $0xFFFFFFF8, s26  }
0x3c: {  	p0 =	slt.s32 s6, $0x185A00;
	s7 =	smov.u32 s6  }
0x3d: {  	s7 =	simm.s32 @!p0 $0x185A00  }
0x3e: {  	s7 =	sshrl.u32 s7, $0x3  }
0x3f: {  	s18 =	spop (v2sf);
	s7 =	sadd.s32 s2, s7  }
0x40: {  	[tilespmem:s1], [sflag:$0x1] =	stream.linear.gather [hbm4b:s7+s3], $0x1000, $0x38;
	[tilespmem:$0x1EB80] =	vst v63  }
0x41: {  	_ =	strace $0x8000004D  }
0x42: {  	_ =	swait.ge [sflag:s0], $0x3100  }
0x43: {  	[sflag:s0] =	ssyncset.done $0x0  }
0x44: {  	[sflag:s0] =	ssyncadd.s32 $0xFFFFCF00  }
0x45: {  	_ =	swait.ge [sflag:s0], $0x3100  }
0x46: {  	[sflag:s0] =	ssyncset.done $0x0  }
0x47: {  	[sflag:s0] =	ssyncadd.s32 $0xFFFFCF00  }
0x48: {  	_ =	swait.ge [sflag:s0], $0x3100  }
0x49: {  	[sflag:s0] =	ssyncset.done $0x0  }
0x4a: {  	[sflag:s0] =	ssyncadd.s32 $0xFFFFCF00  }
0x4b: {  	_ =	swait.ge [sflag:s0], $0x3100  }
0x4c: {  	s29 =	ssub.s32 s18, s17;
	[sflag:s0] =	ssyncset.done $0x0  }
0x4d: {  	s4 =	ssub.s32 s29, s6;
	p0 =	sne.s32 s29, s6;
	[sflag:s0] =	ssyncadd.s32 $0xFFFFCF00  }
0x4e: {  	s7 =	simm.s32 $0x1;
	s20 =	sshra.s32 s4, $0x1F;
	_ =	swait.ge [sflag:s0], $0x3100  }
0x4f: {  	s7 =	simm.s32 @!p0 $0x0;
	s22 =	sand.u32 $0xFFF, s4;
	[sflag:s0] =	ssyncset.done $0x0  }
0x50: {  	s7 =	sor.u32 s7, s20;
	p1 =	sne.s32 s22, $0x0;
	[sflag:s0] =	ssyncadd.s32 $0xFFFFCF00  }
0x51: {  	s28 =	sshrl.u32 s20, $0x14;
	p6 =	sne.s32 s7, $0x1;
	_ =	swait.ge [sflag:s0], $0x3100  }
0x52: {  	s4 =	sadd.s32 s28, s4;
	p0 =	por !p1, !p6;
	[sflag:s0] =	ssyncset.done $0x0  }
0x53: {  	s7 =	simm.s32 $0x1;
	p0 =	por !p0, !p0;
	[sflag:s0] =	ssyncadd.s32 $0xFFFFCF00  }
0x54: {  	s4 =	sshra.s32 s4, $0xC;
	s7 =	simm.s32 @!p0 $0x0;
	_ =	swait.ge [sflag:s0], $0x3100  }
0x55: {  	s30 =	ssub.s32 s4, s7;
	[sflag:s0] =	ssyncset.done $0x0  }
0x56: {  	p1 =	slt.s32 s30, $0x0;
	[sflag:s0] =	ssyncadd.s32 $0xFFFFCF00  }
.Ltmp0:
0x57: {  	_ =	swait.ge [sflag:s0], $0x3100;
	(pc) =	sbr.rel @p1 .LBB2_25-.Ltmp0, $4  }
0x58: {  	[sflag:s0] =	ssyncset.done $0x0  }
0x59: {  	[sflag:s0] =	ssyncadd.s32 $0xFFFFCF00  }
0x5a: {  	_ =	strace $0x9000004D  }
0x5b: {  	_ =	strace $0x8000004E  }
.Ltmp1:
0x5c: {  	(pc) =	sbr.rel .LBB2_3-.Ltmp1, $4  }
0x5d: {  	s7 =	simm.s32 $0xFFFFFFFF  }
0x5e: {  	s10 =	simm.s32 $0x0;
	s7 =	simm.s32 @!p0 $0x0  }
0x5f: {  	s28 =	smov.u32 s6;
	s8 =	simm.s32 $0x0;
	s4 =	sadd.s32 s7, s4  }
0x60: {  	v16 =	vmov s26;
	v17 =	vmov s29;
	v18 =	vbroadcast v15, $0x0;
	s7 =	simm.s32 $0x0;
	s22 =	sadd.s32 $0x1, s4;
	s4 =	simm.f32 $0.0e+00  }
.LBB2_16:
0x61: {  	v23 =	vmov v26  }
.LBB2_23:
0x62: {  	v24 =	vnsel vm5, $0x186A0, v33  }
0x63: {  	v24 =	vsub.s32 v24, v4;
	_ =	sdelay $0x4  }
0x64: {  	v24 =	vld.idx.msk [tilespmem:v24+s21+$0x0], $0xffff;
	_ =	sdelay $0x2  }
0x65: {  	v28 =	vsub.s32 v31, v22  }
0x66: {  	v31 =	vadd.s32 @p0 $0xFFFFFFFF, v38;
	vm4 =	vgt.s32 @p0 v35, $0x0;
	v52 =	vshrl.u32 v28, $0x4  }
0x67: {  	v35 =	vnsel @p0 vm4, $0x0, v35;
	v39 =	vadd.s32 $0xFFFFFFFF, v28;
	v53 =	vsub.s32 v24, v22  }
0x68: {  	v37 =	vmax.u32 v52, $0x1;
	vm8 =	vgt.s32 v39, $0x0;
	v55 =	vshrl.u32 v53, $0x4  }
0x69: {  	v54 =	vmin.u32 v37, $0x100;
	v24 =	vmin.u32 @p0 v35, $0xFFF;
	v56 =	vmax.u32 v55, $0x1  }
0x6a: {  	v35 =	vadd.s32 $0xFFFFFFFF, v54;
	v40 =	vadd.s32 $0xFFFFFFFF, v53;
	v38 =	vmin.u32 v56, $0x100  }
0x6b: {  	v39 =	vnsel vm8, $0x0, v39;
	vm9 =	vgt.s32 v40, $0x0;
	v38 =	vadd.s32 $0xFFFFFFFF, v38  }
0x6c: {  	v39 =	vmin.u32 v39, $0xFFF;
	v31 =	vld.idx.msk @p0 [tilespmem:v31+s24+$0x0], $0xffff;
	v40 =	vnsel vm9, $0x0, v40  }
0x6d: {  	v29 =	vsel @p0 vm3, $0x0, v29;
	v30 =	vsel @p0 vm0, $0x0, v30;
	v40 =	vmin.u32 v40, $0xFFF  }
0x6e: {  	v29 =	vadd.f32 @p0 v29, v19;
	v24 =	vld.idx.msk @p0 [tilespmem:v24+s23+$0x0], $0xffff  }
0x6f: {  	v25 =	vand.u32 @p0 $0xF, v25;
	vm11 =	vlt.s32 v23, v20;
	vm14 =	vlt.s32 v21, v20;
	v35 =	vld.idx.msk [tilespmem:v35+s24+$0x0], $0xffff  }
0x70: {  	vm3 =	veq.s32 @p0 v25, $0x0;
	vm0 =	veq.s32 @p0 v27, $0x0;
	v29 =	vadd.f32 @p0 v29, v30;
	v30 =	vmovc @p0 v36;
	v57 =	vld.idx.msk [tilespmem:v38+s24+$0x0], $0xffff  }
0x71: {  	v28 =	vand.u32 $0xF, v28;
	v58 =	vld.idx.msk [tilespmem:v39+s23+$0x0], $0xffff;
	v25 =	vsel @p0 vm0, $0x0, v31;
	vm0 =	vlt.s32 @p0 v30, v20  }
0x72: {  	vm10 =	veq.s32 v52, $0x0;
	vm13 =	veq.s32 v28, $0x0;
	vm0 =	vmmov @p0 vm0;
	v59 =	vld.idx.msk [tilespmem:v40+s23+$0x0], $0xffff  }
0x73: {  	v30 =	vpsel p0, v30, v0;
	v25 =	vadd.f32 @p0 v25, v19;
	v22 =	vand.u32 $0xF, v53  }
0x74: {  	vm12 =	veq.s32 v55, $0x0;
	v24 =	vsel @p0 vm3, $0x0, v24;
	v33 =	vsel vm10, $0x0, v35  }
0x75: {  	v20 =	vadd.f32 @p0 v25, v24;
	v60 =	vadd.f32 v33, v19;
	v27 =	vsel vm12, $0x0, v57  }
0x76: {  	[tilespmem:v34+s19+$0x0] =	vst.idx.msk @p1 vm1, v32;
	vm15 =	veq.s32 v22, $0x0;
	v61 =	vsel vm13, $0x0, v58;
	v19 =	vadd.f32 v27, v19  }
0x77: {  	[tilespmem:v26+s19+$0x0] =	vst.idx.msk @p0 vm2, v29;
	v20 =	vpsel p0, v20, v0;
	v62 =	vadd.f32 v60, v61;
	v63 =	vsel vm15, $0x0, v59  }
0x78: {  	[tilespmem:v30+s19+$0x0] =	vst.idx.msk @p0 vm0, v20;
	v19 =	vadd.f32 v19, v63  }
0x79: {  	[tilespmem:v23+s19+$0x0] =	vst.idx.msk vm11, v62  }
0x7a: {  	[tilespmem:v21+s19+$0x0] =	vst.idx.msk vm14, v19  }
.LBB2_24:
0x7b: {  	s5 =	ssub.s32 s13, s14  }
0x7c: {  	p0 =	slt.s32 s5, $0x1  }
0x7d: {  	s5 =	sshll.u32 @!p0 s14, $0x4  }
0x7e: {  	v19 =	vlaneseq.u32 @!p0;
	s5 =	sadd.s32 @!p0 s10, s5  }
0x7f: {  	v19 =	vadd.s32 @!p0 s5, v19  }
0x80: {  	vm0 =	vlt.s32 @!p0 v19, $0xC40  }
0x81: {  	v20 =	vnsel @!p0 vm0, $0xC40, v19  }
0x82: {  	v20 =	vadd.s32 @!p0 v2, v20  }
0x83: {  	vm0 =	vlt.s32 @!p0 v20, $0x186A0  }
0x84: {  	v20 =	vnsel @!p0 vm0, $0x186A0, v20  }
0x85: {  	v20 =	vsub.s32 @!p0 v20, v4;
	_ =	sdelay $0x3  }
0x86: {  	s5 =	simm.s32 @!p0 $0x18800  }
0x87: {  	v20 =	vld.idx.msk @!p0 [tilespmem:v20+s5+$0x0], $0xffff;
	_ =	sdelay $0x1  }
0x88: {  	v21 =	vadd.s32 @!p0 s9, v15  }
0x89: {  	v21 =	vbroadcast @!p0 v21, $0x0;
	_ =	sdelay $0x1  }
0x8a: {  	v20 =	vsub.s32 @!p0 v20, v21  }
0x8b: {  	v21 =	vshrl.u32 @!p0 v20, $0x4  }
0x8c: {  	v22 =	vmax.u32 @!p0 v21, $0x1  }
0x8d: {  	v23 =	vadd.s32 @!p0 $0xFFFFFFFF, v20;
	v22 =	vmin.u32 @!p0 v22, $0x100  }
0x8e: {  	vm0 =	vgt.s32 @!p0 v23, $0x0;
	v22 =	vadd.s32 @!p0 $0xFFFFFFFF, v22  }
0x8f: {  	v23 =	vnsel @!p0 vm0, $0x0, v23  }
0x90: {  	v23 =	vmin.u32 @!p0 v23, $0xFFF;
	_ =	sdelay $0x1  }
0x91: {  	s5 =	simm.s32 @!p0 $0x1C480  }
0x92: {  	v22 =	vld.idx.msk @!p0 [tilespmem:v22+s5+$0x0], $0xffff  }
0x93: {  	s5 =	simm.s32 @!p0 $0x1B480  }
0x94: {  	v23 =	vld.idx.msk @!p0 [tilespmem:v23+s5+$0x0], $0xffff;
	_ =	sdelay $0x1  }
0x95: {  	vm1 =	vlt.s32 @!p0 v19, s11;
	vm0 =	veq.s32 @!p0 v21, $0x0  }
0x96: {  	v20 =	vand.u32 @!p0 $0xF, v20;
	v21 =	vsel @!p0 vm0, $0x0, v22  }
0x97: {  	vm0 =	veq.s32 @!p0 v20, $0x0;
	v20 =	vadd.f32 @!p0 s4, v21  }
0x98: {  	v21 =	vsel @!p0 vm0, $0x0, v23  }
0x99: {  	v20 =	vadd.f32 @!p0 v20, v21  }
0x9a: {  	s5 =	simm.s32 @!p0 $0x1C580  }
0x9b: {  	[tilespmem:v19+s5+$0x0] =	vst.idx.msk @!p0 vm1, v20;
	p0 =	sne.s32 s8, s22  }
.Ltmp2:
0x9c: {  	_ = 	snop;
	(pc) =	sbr.rel @!p0 .LBB2_25-.Ltmp2, $3  }
0x9d: {  	_ =	sdelay $0x1  }
0x9e: {  	s7 =	sadd.s32 $0x1000, s7  }
0x9f: {  	s28 =	sadd.s32 $0x1000, s28;
	s10 =	smov.u32 s11;
	s4 =	sadd.f32 s12, s4  }
.LBB2_3:
0xa0: {  	s12 =	sshll.u32 s8, $0xC  }
0xa1: {  	p0 =	slt.s32 s8, s30;
	s9 =	sadd.s32 s6, s12  }
0xa2: {  	s13 =	sadd.s32 @p0 $0x1000, s9  }
0xa3: {  	_ =	swait.ge [sflag:s31], $0x1000;
	p1 =	slt.s32 @p0 s13, $0x185A00  }
0xa4: {  	s8 =	sadd.s32 $0x1, s8;
	s11 =	smov.u32 s13;
	p1 =	por !p1, !p0  }
0xa5: {  	[sflag:s31] =	ssyncset.done $0x0;
	s14 =	sshll.u32 @p0 s8, $0xC;
	s11 =	simm.s32 @p1 $0x185A00  }
0xa6: {  	s15 =	simm.s32 @p0 $0x0;
	s14 =	sand.u32 @p0 $0x1000, s14;
	s11 =	sshrl.u32 @p0 s11, $0x3  }
0xa7: {  	[sflag:s31] =	ssyncadd.s32 $0xFFFFF000;
	s14 =	sadd.s32 @p0 $0x19480, s14;
	s11 =	sadd.s32 @p0 s2, s11  }
0xa8: {  	[tilespmem:s14], [sflag:$0x1] =	stream.linear.gather @p0 [hbm4b:s11+s15], $0x1000, $0x200038;
	[tilespmem:$0x1EB80] =	vst v63  }
0xa9: {  	s11 =	sadd.s32 @!p0 $0x1000, s9  }
0xaa: {  	s11 =	smov.u32 @p0 s13;
	p0 =	slt.s32 s9, s26  }
0xab: {  	p1 =	sgt.s32 @!p0 s11, s29  }
0xac: {  	p0 =	por p0, p1  }
.Ltmp3:
0xad: {  	_ = 	snop;
	(pc) =	sbr.rel @p0 .LBB2_7-.Ltmp3, $1  }
0xae: {  	_ =	sdelay $0x3  }
0xaf: {  	s12 =	sand.u32 $0x1000, s7  }
0xb0: {  	s12 =	sor.u32 $0x60, s12  }
0xb1: {  	v19 =	vor.u32 s12, v0  }
0xb2: {  	s13 =	sadd.s32 $0xFFFFFFA0, s12  }
0xb3: {  	v20 =	vmov s13  }
0xb4: {  	s14 =	sadd.s32 $0xFFFFFFB0, s12;
	v20 =	vshrl.u32 v20, $0x7  }
0xb5: {  	v22 =	vor.u32 s14, v0;
	v20 =	vshll.u32 v20, $0x7  }
0xb6: {  	v20 =	vbroadcast v20, $0x0;
	v19 =	vld.idx.msk [tilespmem:v19+s1+$0x0], $0xffff;
	_ =	sdelay $0x1  }
0xb7: {  	v23 =	vor.u32 v14, v20  }
0xb8: {  	s5 =	sadd.s32 $0xFFFFFFE0, s12  }
0xb9: {  	s15 =	sadd.s32 $0xFFFFFFD0, s12;
	v21 =	vor.u32 s5, v0;
	v22 =	vld.idx.msk [tilespmem:v22+s1+$0x0], $0xffff  }
0xba: {  	s16 =	sadd.s32 $0xFFFFFFC0, s12;
	v24 =	vor.u32 s15, v0  }
0xbb: {  	v26 =	vor.u32 s16, v0  }
0xbc: {  	s14 =	sadd.s32 $0xFFFFFFF0, s12;
	v23 =	vld.idx.msk [tilespmem:v23+s1+$0x0], $0xffff  }
0xbd: {  	v25 =	vor.u32 s14, v0;
	v19 =	vld.idx.msk [tilespmem:v19+s3+$0x0], $0xffff  }
0xbe: {  	v21 =	vld.idx.msk [tilespmem:v21+s1+$0x0], $0xffff;
	v20 =	vor.u32 v0, v20  }
0xbf: {  	v24 =	vld.idx.msk [tilespmem:v24+s1+$0x0], $0xffff  }
0xc0: {  	v26 =	vld.idx.msk [tilespmem:v26+s1+$0x0], $0xffff  }
0xc1: {  	v28 =	vld.idx.msk [tilespmem:v22+s3+$0x0], $0xffff  }
0xc2: {  	v25 =	vld.idx.msk [tilespmem:v25+s1+$0x0], $0xffff;
	(xrf2) =	vadd.scan.msk.f32 $0xffff, v19  }
0xc3: {  	v27 =	vld.idx.msk [tilespmem:v20+s1+$0x0], $0xffff  }
0xc4: {  	s14 =	sadd.s32 $0x80, s12;
	v30 =	vld.idx.msk [tilespmem:v23+s3+$0x0], $0xffff  }
0xc5: {  	s12 =	sadd.s32 $0xFFFFFFA0, s14  }
0xc6: {  	v20 =	vmov s12;
	(xrf2) =	vadd.scan.msk.f32 $0xffff, v28  }
0xc7: {  	v31 =	vor.u32 s14, v0;
	v20 =	vshrl.u32 v20, $0x7;
	v24 =	vld.idx.msk [tilespmem:v24+s3+$0x0], $0xffff  }
0xc8: {  	s17 =	sadd.s32 $0xFFFFFFE0, s14;
	v22 =	vshll.u32 v20, $0x7;
	v20 =	vld.idx.msk [tilespmem:v26+s3+$0x0], $0xffff  }
0xc9: {  	s18 =	sadd.s32 $0xFFFFFFF0, s14;
	v32 =	vor.u32 s17, v0;
	v19 =	vld.idx.msk [tilespmem:v21+s3+$0x0], $0xffff;
	(xrf2) =	vadd.scan.msk.f32 $0xffff, v30  }
0xca: {  	s20 =	sadd.s32 $0xFFFFFFB0, s14;
	v21 =	vld.idx.msk [tilespmem:v25+s3+$0x0], $0xffff;
	v25 =	vor.u32 s18, v0  }
0xcb: {  	s17 =	sadd.s32 $0xFFFFFFD0, s14;
	v29 =	vor.u32 s20, v0;
	v26 =	vbroadcast v22, $0x0;
	v22 =	vld.idx.msk [tilespmem:v27+s3+$0x0], $0xffff  }
0xcc: {  	s16 =	sadd.s32 $0xFFFFFFC0, s14;
	v27 =	vld.idx.msk [tilespmem:v31+s1+$0x0], $0xffff;
	v30 =	vor.u32 s17, v0;
	v31, _, _ =	vpop (xrf2);
	(xrf2) =	vadd.scan.msk.f32 $0xffff, v24  }
0xcd: {  	s12 =	simm.s32 $0x1B4C0;
	v28 =	vor.u32 s16, v0  }
0xce: {  	s15 =	simm.s32 $0x8;
	s13 =	simm.s32 $0x1B4C0;
	v23 =	vor.u32 v0, v26;
	v26 =	vor.u32 v14, v26;
	v24 =	vld.idx.msk [tilespmem:v32+s1+$0x0], $0xffff;
	[tilespmem:s12+$0x20] =	vst v31  }
.LBB2_5:
0xcf: {  	s15 =	sadd.s32 $0x8, s15;
	v25 =	vld.idx.msk [tilespmem:v25+s1+$0x0], $0xffff;
	s12 =	sadd.s32 $0x80, s12;
	(xrf2) =	vadd.scan.msk.f32 $0xffff, v21  }
0xd0: {  	p0 =	slt.u32 s15, $0xF8;
	v29 =	vld.idx.msk [tilespmem:v29+s1+$0x0], $0xffff;
	v21, _, _ =	vpop (xrf2)  }
0xd1: {  	v30 =	vld.idx.msk [tilespmem:v30+s1+$0x0], $0xffff;
	[tilespmem:s13+$0xFFFFFFD0] =	vst v21  }
0xd2: {  	v28 =	vld.idx.msk [tilespmem:v28+s1+$0x0], $0xffff;
	(xrf2) =	vadd.scan.msk.f32 $0xffff, v22  }
0xd3: {  	v22 =	vld.idx.msk [tilespmem:v26+s1+$0x0], $0xffff;
	v26, _, _ =	vpop (xrf2)  }
0xd4: {  	v23 =	vld.idx.msk [tilespmem:v23+s1+$0x0], $0xffff  }
0xd5: {  	v27 =	vld.idx.msk [tilespmem:v27+s3+$0x0], $0xffff;
	(xrf2) =	vadd.scan.msk.f32 $0xffff, v19  }
0xd6: {  	v19 =	vld.idx.msk [tilespmem:v24+s3+$0x0], $0xffff;
	v24, _, _ =	vpop (xrf2)  }
0xd7: {  	v21 =	vld.idx.msk [tilespmem:v25+s3+$0x0], $0xffff;
	[tilespmem:s13+$0xFFFFFFF0] =	vst v24  }
0xd8: {  	v24 =	vld.idx.msk [tilespmem:v29+s3+$0x0], $0xffff;
	(xrf2) =	vadd.scan.msk.f32 $0xffff, v20  }
0xd9: {  	v31 =	vld.idx.msk [tilespmem:v30+s3+$0x0], $0xffff;
	v25, _, _ =	vpop (xrf2)  }
0xda: {  	s14 =	sadd.s32 $0x80, s14;
	v20 =	vld.idx.msk [tilespmem:v28+s3+$0x0], $0xffff;
	[tilespmem:s13+$0x10] =	vst v25  }
0xdb: {  	s16 =	sadd.s32 $0xFFFFFFA0, s14;
	v28 =	vld.idx.msk [tilespmem:v22+s3+$0x0], $0xffff;
	(xrf2) =	vadd.scan.msk.f32 $0xffff, v27  }
0xdc: {  	v25 =	vmov s16;
	v22 =	vld.idx.msk [tilespmem:v23+s3+$0x0], $0xffff;
	v23, _, _ =	vpop (xrf2)  }
0xdd: {  	v25 =	vshrl.u32 v25, $0x7;
	[tilespmem:s13+$0xFFFFFFC0] =	vst v23  }
0xde: {  	v23 =	vshll.u32 v25, $0x7;
	(xrf2) =	vadd.scan.msk.f32 $0xffff, v24  }
0xdf: {  	s17 =	sadd.s32 $0xFFFFFFF0, s14;
	s16 =	sadd.s32 $0xFFFFFFE0, s14;
	v34 =	vbroadcast v23, $0x0;
	v27, _, _ =	vpop (xrf2)  }
0xe0: {  	s18 =	sadd.s32 $0xFFFFFFB0, s14;
	s5 =	sadd.s32 $0xFFFFFFC0, s14;
	s20 =	sadd.s32 $0xFFFFFFD0, s14;
	v33 =	vor.u32 s14, v0;
	v32 =	vor.u32 s16, v0;
	v25 =	vor.u32 s17, v0;
	[tilespmem:s13+$0x30] =	vst v26  }
0xe1: {  	v29 =	vor.u32 s18, v0;
	v23 =	vor.u32 v0, v34;
	v26 =	vor.u32 v14, v34;
	(xrf2) =	vadd.scan.msk.f32 $0xffff, v28  }
.Ltmp4:
0xe2: {  	v30 =	vor.u32 s20, v0;
	v28 =	vor.u32 s5, v0;
	[tilespmem:s13+$0x0] =	vst v27;
	v24, _, _ =	vpop (xrf2);
	(pc) =	sbr.rel @p0 .LBB2_5-.Ltmp4, $4  }
0xe3: {  	[tilespmem:s13+$0xFFFFFFE0] =	vst v24;
	s13 =	smov.u32 s12  }
0xe4: {  	(xrf2) =	vadd.scan.msk.f32 $0xffff, v31  }
0xe5: {  	v27 =	vld.idx.msk [tilespmem:v33+s1+$0x0], $0xffff;
	v31, _, _ =	vpop (xrf2)  }
0xe6: {  	v24 =	vld.idx.msk [tilespmem:v32+s1+$0x0], $0xffff;
	[tilespmem:s12+$0x20] =	vst v31  }
0xe7: {  	_ =	sdelay $0x3  }
0xe8: {  	v29 =	vld.idx.msk [tilespmem:v29+s1+$0x0], $0xffff  }
0xe9: {  	v26 =	vld.idx.msk [tilespmem:v26+s1+$0x0], $0xffff  }
0xea: {  	v30 =	vld.idx.msk [tilespmem:v30+s1+$0x0], $0xffff  }
0xeb: {  	v25 =	vld.idx.msk [tilespmem:v25+s1+$0x0], $0xffff  }
0xec: {  	v23 =	vld.idx.msk [tilespmem:v23+s1+$0x0], $0xffff;
	_ =	sdelay $0x1  }
0xed: {  	v28 =	vld.idx.msk [tilespmem:v28+s1+$0x0], $0xffff  }
0xee: {  	v27 =	vld.idx.msk [tilespmem:v27+s3+$0x0], $0xffff  }
0xef: {  	(xrf2) =	vadd.scan.msk.f32 $0xffff, v21;
	v56 =	vld.idx.msk [tilespmem:v29+s3+$0x0], $0xffff  }
0xf0: {  	(xrf2) =	vadd.scan.msk.f32 $0xffff, v22;
	v57 =	vld.idx.msk [tilespmem:v26+s3+$0x0], $0xffff  }
0xf1: {  	(xrf2) =	vadd.scan.msk.f32 $0xffff, v19;
	v19 =	vld.idx.msk [tilespmem:v30+s3+$0x0], $0xffff  }
0xf2: {  	(xrf2) =	vadd.scan.msk.f32 $0xffff, v20;
	v25 =	vld.idx.msk [tilespmem:v25+s3+$0x0], $0xffff  }
0xf3: {  	(xrf2) =	vadd.scan.msk.f32 $0xffff, v27;
	v20 =	vld.idx.msk [tilespmem:v23+s3+$0x0], $0xffff  }
0xf4: {  	v58 =	vld.idx.msk [tilespmem:v24+s3+$0x0], $0xffff;
	(xrf2) =	vadd.scan.msk.f32 $0xffff, v56  }
0xf5: {  	v60 =	vld.idx.msk [tilespmem:v28+s3+$0x0], $0xffff;
	(xrf2) =	vadd.scan.msk.f32 $0xffff, v57  }
0xf6: {  	v59, _, _ =	vpop (xrf2);
	(xrf2) =	vadd.scan.msk.f32 $0xffff, v19  }
0xf7: {  	[tilespmem:s13+$0xFFFFFFD0] =	vst v59;
	v19, _, _ =	vpop (xrf2);
	(xrf2) =	vadd.scan.msk.f32 $0xffff, v25  }
0xf8: {  	v61, _, _ =	vpop (xrf2);
	[tilespmem:s13+$0x30] =	vst v19;
	(xrf2) =	vadd.scan.msk.f32 $0xffff, v20  }
0xf9: {  	v20, _, _ =	vpop (xrf2);
	[tilespmem:s13+$0xFFFFFFF0] =	vst v61;
	(xrf2) =	vadd.scan.msk.f32 $0xffff, v58  }
0xfa: {  	[tilespmem:s13+$0x10] =	vst v20;
	v20, _, _ =	vpop (xrf2);
	(xrf2) =	vadd.scan.msk.f32 $0xffff, v60  }
0xfb: {  	[tilespmem:s13+$0xFFFFFFC0] =	vst v20;
	v20, _, _ =	vpop (xrf2)  }
0xfc: {  	v62, _, _ =	vpop (xrf2);
	[tilespmem:s13+$0x0] =	vst v20  }
0xfd: {  	s5 =	sadd.s32 $0x80, s12;
	v19, _, _ =	vpop (xrf2);
	[tilespmem:s13+$0xFFFFFFE0] =	vst v62  }
0xfe: {  	[tilespmem:s5+$0x20] =	vst v19;
	v20, _, _ =	vpop (xrf2)  }
0xff: {  	v63, _, _ =	vpop (xrf2);
	[tilespmem:s5+$0xFFFFFFD0] =	vst v20  }
0x100: {  	v19, _, _ =	vpop (xrf2);
	[tilespmem:s5+$0x30] =	vst v63  }
.Ltmp5:
0x101: {  	[tilespmem:s5+$0xFFFFFFF0] =	vst v19;
	v19, _, _ =	vpop (xrf2);
	(pc) =	sbr.rel .LBB2_10-.Ltmp5, $4  }
0x102: {  	[tilespmem:s5+$0x10] =	vst v19;
	v19, _, _ =	vpop (xrf2)  }
0x103: {  	[tilespmem:s5+$0xFFFFFFC0] =	vst v19;
	v19, _, _ =	vpop (xrf2)  }
0x104: {  	[tilespmem:s5+$0x0] =	vst v19;
	v19, _, _ =	vpop (xrf2)  }
0x105: {  	[tilespmem:s5+$0xFFFFFFE0] =	vst v19  }
.LBB2_7:
0x106: {  	p0 =	slt.s32 s9, $0x185A00;
	s5 =	smov.u32 s9;
	s12 =	sand.u32 $0x1000, s12  }
0x107: {  	s13 =	sadd.s32 $0x30, s28;
	s15 =	sadd.s32 $0x10, s28;
	v22 =	vadd.s32 s28, v0;
	s16 =	sadd.s32 $0x20, s28;
	v20 =	vmov s12  }
0x108: {  	s5 =	simm.s32 @!p0 $0x185A00;
	v21 =	vadd.s32 s13, v0;
	v23 =	vadd.s32 s15, v0;
	v26 =	vadd.s32 s16, v0  }
0x109: {  	s17 =	sadd.s32 $0x40, s28;
	vm2 =	vge.s32 v22, v16;
	vm5 =	vlt.s32 v22, v17;
	v19 =	vmov s5  }
0x10a: {  	s20 =	sadd.s32 $0x30, s17;
	s14 =	sadd.s32 $0x20, s17;
	vm3 =	vge.s32 v26, v16;
	vm4 =	vlt.s32 v26, v17;
	vm2 =	vmand vm2, vm5  }
0x10b: {  	v29 =	vadd.s32 s20, v0;
	v31 =	vadd.s32 s14, v0;
	vm9 =	vge.s32 v21, v16  }
0x10c: {  	vm10 =	vlt.s32 v21, v17;
	v24 =	vsub.s32 v21, v19;
	v25 =	vsub.s32 v23, v19  }
0x10d: {  	v27 =	vsub.s32 v26, v19;
	v28 =	vsub.s32 v22, v19;
	vm0 =	vlt.s32 v24, $0xFFF  }
0x10e: {  	vm3 =	vmand vm3, vm4;
	vm1 =	vlt.s32 v25, $0xFFF;
	v24 =	vnsel vm0, $0xFFF, v24  }
0x10f: {  	s18 =	sadd.s32 $0x10, s17;
	vm2 =	vmmov vm2;
	v25 =	vnsel vm1, $0xFFF, v25;
	v24 =	vadd.s32 v20, v24  }
0x110: {  	v26 =	vadd.s32 s18, v0;
	v32 =	vsub.s32 v29, v19;
	v25 =	vadd.s32 v20, v25  }
0x111: {  	v33 =	vsub.s32 v31, v19;
	vm7 =	vlt.s32 v31, v17;
	vm15 =	vge.s32 v29, v16  }
0x112: {  	vm11 =	vlt.s32 v29, v17;
	v30 =	vsub.s32 v26, v19;
	vm0 =	vlt.s32 v27, $0xFFF  }
0x113: {  	vm1 =	vlt.s32 v23, v17;
	v27 =	vnsel vm0, $0xFFF, v27;
	vm0 =	vlt.s32 v28, $0xFFF  }
0x114: {  	s5 =	sadd.s32 $0x40, s17;
	v27 =	vadd.s32 v20, v27;
	v28 =	vnsel vm0, $0xFFF, v28;
	vm0 =	vge.s32 v23, v16;
	v23 =	vld.idx.msk [tilespmem:v24+s1+$0x0], $0xffff  }
0x115: {  	s16 =	sadd.s32 $0x30, s5;
	s14 =	sadd.s32 $0x40, s5;
	vm4 =	vlt.s32 v32, $0xFFF;
	vm6 =	vlt.s32 v33, $0xFFF;
	vm2 =	vmmov vm2;
	v22 =	vld.idx.msk [tilespmem:v25+s1+$0x0], $0xffff  }
0x116: {  	v54 =	vadd.s32 s16, v0;
	v29 =	vadd.s32 s14, v0;
	v32 =	vnsel vm4, $0xFFF, v32  }
0x117: {  	s15 =	sadd.s32 $0x10, s5;
	v33 =	vnsel vm6, $0xFFF, v33;
	vm4 =	vlt.s32 v26, v17;
	vm6 =	vge.s32 v31, v16  }
0x118: {  	v31 =	vadd.s32 s15, v0;
	v32 =	vadd.s32 v20, v32;
	vm0 =	vmand vm0, vm1  }
0x119: {  	vm1 =	vmmov vm0;
	vm0 =	vmmov vm3;
	vm3 =	vlt.s32 v30, $0xFFF;
	v24 =	vld.idx.msk [tilespmem:v27+s1+$0x0], $0xffff  }
0x11a: {  	s20 =	sadd.s32 $0x20, s14;
	v36 =	vsub.s32 v54, v19;
	v28 =	vadd.s32 v20, v28;
	v30 =	vnsel vm3, $0xFFF, v30  }
0x11b: {  	v58 =	vadd.s32 s20, v0;
	v33 =	vadd.s32 v20, v33;
	v30 =	vadd.s32 v20, v30  }
0x11c: {  	v34 =	vsub.s32 v31, v19;
	vm3 =	vge.s32 v26, v16;
	v25 =	vadd.s32 s17, v0;
	v23 =	vld.idx.msk [tilespmem:v23+s3+$0x0], $0xffff  }
0x11d: {  	v60 =	vsub.s32 v58, v19;
	vm3 =	vmand vm3, vm4;
	v27 =	vsub.s32 v25, v19;
	v22 =	vld.idx.msk [tilespmem:v22+s3+$0x0], $0xffff  }
0x11e: {  	vm4 =	vmand vm6, vm7;
	v21 =	vld.idx.msk [tilespmem:v32+s1+$0x0], $0xffff;
	vm6 =	vmand vm9, vm10;
	vm5 =	vlt.s32 v27, $0xFFF  }
0x11f: {  	s17 =	sadd.s32 $0x20, s5;
	vm8 =	vlt.s32 v25, v17;
	v27 =	vnsel vm5, $0xFFF, v27;
	vm5 =	vge.s32 v25, v16;
	v25 =	vld.idx.msk [tilespmem:v28+s1+$0x0], $0xffff  }
0x120: {  	vm9 =	vlt.s32 v29, v17;
	vm10 =	vge.s32 v54, v16;
	v35 =	vadd.s32 s17, v0;
	v26 =	vld.idx.msk [tilespmem:v30+s1+$0x0], $0xffff  }
0x121: {  	v37 =	vsub.s32 v35, v19;
	vm13 =	vlt.s32 v35, v17;
	v28 =	vadd.s32 s5, v0;
	v24 =	vld.idx.msk [tilespmem:v24+s3+$0x0], $0xffff  }
0x122: {  	vm5 =	vmand vm5, vm8;
	v23 =	vnsel vm6, $0x0, v23;
	v22 =	vnsel vm1, $0x0, v22  }
0x123: {  	vm1 =	vmmov vm3;
	vm3 =	vmmov vm5;
	vm5 =	vlt.s32 v36, $0xFFF  }
0x124: {  	vm7 =	vlt.s32 v37, $0xFFF;
	v27 =	vadd.s32 v20, v27;
	v30 =	vld.idx.msk [tilespmem:v33+s1+$0x0], $0xffff;
	(xrf2) =	vadd.scan.msk.f32 $0xffff, v23;
	v23 =	vnsel vm5, $0xFFF, v36  }
0x125: {  	v53 =	vsub.s32 v28, v19;
	vm14 =	vlt.s32 v28, v17;
	v23 =	vadd.s32 v20, v23  }
0x126: {  	s5 =	sadd.s32 $0x10, s14;
	v21 =	vld.idx.msk [tilespmem:v21+s3+$0x0], $0xffff;
	v24 =	vnsel vm0, $0x0, v24;
	vm0 =	vmmov vm4;
	vm4 =	vlt.s32 v34, $0xFFF  }
0x127: {  	v55 =	vadd.s32 s5, v0;
	vm8 =	vlt.s32 v58, v17;
	v25 =	vld.idx.msk [tilespmem:v25+s3+$0x0], $0xffff;
	v34 =	vnsel vm4, $0xFFF, v34  }
0x128: {  	vm6 =	vlt.s32 v53, $0xFFF;
	v26 =	vld.idx.msk [tilespmem:v26+s3+$0x0], $0xffff;
	(xrf2) =	vadd.scan.msk.f32 $0xffff, v22;
	v22 =	vnsel vm7, $0xFFF, v37;
	v34 =	vadd.s32 v20, v34  }
0x129: {  	v57 =	vsub.s32 v55, v19;
	v32 =	vnsel vm6, $0xFFF, v53;
	v22 =	vadd.s32 v20, v22;
	(xrf2) =	vadd.scan.msk.f32 $0xffff, v24  }
0x12a: {  	vm5 =	vlt.s32 v31, v17;
	vm6 =	vge.s32 v28, v16;
	v32 =	vadd.s32 v20, v32;
	v23 =	vld.idx.msk [tilespmem:v23+s1+$0x0], $0xffff  }
0x12b: {  	v27 =	vld.idx.msk [tilespmem:v27+s1+$0x0], $0xffff;
	vm4 =	vge.s32 v31, v16;
	vm7 =	vge.s32 v35, v16;
	vm6 =	vmand vm6, vm14  }
0x12c: {  	v24 =	vld.idx.msk [tilespmem:v30+s3+$0x0], $0xffff;
	vm4 =	vmand vm4, vm5;
	vm5 =	vmand vm7, vm13;
	vm7 =	vmand vm15, vm11  }
0x12d: {  	v28 =	vnsel vm2, $0x0, v25;
	v21 =	vnsel vm7, $0x0, v21;
	v25 =	vnsel vm1, $0x0, v26;
	v26 =	vld.idx.msk [tilespmem:v34+s1+$0x0], $0xffff  }
0x12e: {  	s18 =	sadd.s32 $0x30, s14;
	v31 =	vsub.s32 v29, v19;
	vm2 =	vmmov vm3;
	vm3 =	vmmov vm6;
	(xrf2) =	vadd.scan.msk.f32 $0xffff, v21;
	v22 =	vld.idx.msk [tilespmem:v22+s1+$0x0], $0xffff  }
0x12f: {  	vm6 =	vlt.s32 v31, $0xFFF;
	vm11 =	vlt.s32 v54, v17;
	v21 =	vadd.s32 s18, v0;
	v30 =	vld.idx.msk [tilespmem:v32+s1+$0x0], $0xffff  }
0x130: {  	vm7 =	vge.s32 v58, v16;
	vm1 =	vmmov vm4;
	v59 =	vsub.s32 v21, v19;
	(xrf2) =	vadd.scan.msk.f32 $0xffff, v25  }
0x131: {  	v24 =	vnsel vm0, $0x0, v24;
	vm0 =	vmmov vm5;
	vm5 =	vlt.s32 v59, $0xFFF;
	v56, _, _ =	vpop (xrf2)  }
0x132: {  	s12 =	simm.s32 $0x1B4A0;
	vm4 =	vlt.s32 v57, $0xFFF;
	v37 =	vnsel vm5, $0xFFF, v59;
	vm5 =	vlt.s32 v60, $0xFFF;
	v25, _, _ =	vpop (xrf2);
	v62 =	vld.idx.msk [tilespmem:v23+s3+$0x0], $0xffff  }
0x133: {  	v38 =	vld.idx.msk [tilespmem:v27+s3+$0x0], $0xffff;
	v27 =	vnsel vm5, $0xFFF, v60;
	v61 =	vadd.s32 v20, v37;
	vm5 =	vlt.s32 v55, v17;
	[tilespmem:s12+$0xFFFFFFF0] =	vst v25;
	v25, _, _ =	vpop (xrf2)  }
0x134: {  	(xrf2) =	vadd.scan.msk.f32 $0xffff, v24;
	v63 =	vadd.s32 v20, v27;
	[tilespmem:s12+$0x0] =	vst v25;
	v25 =	vnsel vm4, $0xFFF, v57  }
0x135: {  	vm4 =	vge.s32 v55, v16;
	v23 =	vnsel vm6, $0xFFF, v31;
	v31 =	vadd.s32 v20, v25;
	v39 =	vld.idx.msk [tilespmem:v26+s3+$0x0], $0xffff  }
0x136: {  	vm12 =	vmand vm4, vm5;
	vm4 =	vmand vm7, vm8;
	vm7 =	vmand vm10, vm11;
	v25 =	vld.idx.msk [tilespmem:v22+s3+$0x0], $0xffff  }
0x137: {  	vm6 =	vge.s32 v29, v16;
	v24 =	vadd.s32 v20, v23;
	v23 =	vld.idx.msk [tilespmem:v30+s3+$0x0], $0xffff;
	v29 =	vnsel vm7, $0x0, v62  }
0x138: {  	s13 =	simm.s32 $0x1B4E0;
	[tilespmem:s12+$0x10] =	vst v56;
	(xrf2) =	vadd.scan.msk.f32 $0xffff, v28;
	v22, _, _ =	vpop (xrf2);
	v26 =	vld.idx.msk [tilespmem:v61+s1+$0x0], $0xffff  }
0x139: {  	vm5 =	vmand vm6, vm9;
	v28 =	vld.idx.msk [tilespmem:v63+s1+$0x0], $0xffff;
	[tilespmem:s13+$0x10] =	vst v22;
	v22 =	vnsel vm2, $0x0, v38  }
0x13a: {  	s16 =	sadd.s32 $0x40, s14;
	s15 =	simm.s32 $0xC;
	s14 =	simm.s32 $0x1B4E0;
	vm2 =	vmmov vm3;
	v27 =	vld.idx.msk [tilespmem:v31+s1+$0x0], $0xffff;
	v30 =	vnsel vm1, $0x0, v39;
	(xrf2) =	vadd.scan.msk.f32 $0xffff, v29;
	vm1 =	vmmov vm12;
	v29, _, _ =	vpop (xrf2)  }
.LBB2_8:
0x13b: {  	v31 =	vadd.s32 s16, v0  }
0x13c: {  	s5 =	sadd.s32 $0x10, s16;
	s17 =	sadd.s32 $0x30, s16;
	s15 =	sadd.s32 $0x4, s15;
	v32 =	vld.idx.msk [tilespmem:v24+s1+$0x0], $0xffff;
	v24 =	vnsel vm0, $0x0, v25;
	[tilespmem:s13+$0xFFFFFFF0] =	vst v29;
	vm0 =	vmmov vm4;
	vm3 =	vmmov vm5  }
0x13d: {  	v34 =	vmovc v23;
	v25 =	vsub.s32 v31, v19;
	v29 =	vadd.s32 s5, v0;
	s5 =	sadd.s32 $0x20, s16;
	v33 =	vadd.s32 s17, v0;
	p0 =	slt.u32 s15, $0xFC  }
0x13e: {  	v23 =	vsub.s32 v29, v19;
	v35 =	vadd.s32 s5, v0;
	v36 =	vsub.s32 v33, v19;
	(xrf2) =	vadd.scan.msk.f32 $0xffff, v30;
	v30, _, _ =	vpop (xrf2)  }
0x13f: {  	vm4 =	vlt.s32 v23, $0xFFF;
	v37 =	vsub.s32 v35, v19;
	vm5 =	vlt.s32 v36, $0xFFF;
	[tilespmem:s13+$0x0] =	vst v30  }
0x140: {  	vm6 =	vlt.s32 v25, $0xFFF;
	vm7 =	vlt.s32 v37, $0xFFF;
	v30 =	vnsel vm5, $0xFFF, v36  }
0x141: {  	v23 =	vnsel vm4, $0xFFF, v23;
	v36 =	vnsel vm7, $0xFFF, v37;
	v30 =	vadd.s32 v20, v30;
	v37 =	vld.idx.msk [tilespmem:v26+s3+$0x0], $0xffff;
	(xrf2) =	vadd.scan.msk.f32 $0xffff, v24  }
0x142: {  	v24 =	vnsel vm6, $0xFFF, v25;
	v38 =	vadd.s32 v20, v23;
	v36 =	vadd.s32 v20, v36;
	v39 =	vld.idx.msk [tilespmem:v27+s3+$0x0], $0xffff;
	v40, _, _ =	vpop (xrf2)  }
0x143: {  	vm4 =	vge.s32 v29, v16;
	vm5 =	vlt.s32 v29, v17;
	v24 =	vadd.s32 v20, v24;
	v25 =	vld.idx.msk [tilespmem:v28+s3+$0x0], $0xffff  }
.Ltmp6:
0x144: {  	vm8 =	vlt.s32 v35, v17;
	vm6 =	vge.s32 v31, v16;
	vm7 =	vge.s32 v35, v16;
	v23 =	vld.idx.msk [tilespmem:v32+s3+$0x0], $0xffff;
	(pc) =	sbr.rel @p0 .LBB2_8-.Ltmp6, $4  }
0x145: {  	vm10 =	vge.s32 v21, v16;
	vm11 =	vlt.s32 v21, v17;
	vm9 =	vlt.s32 v31, v17;
	s13 =	sadd.s32 $0x40, s13;
	v21, _, _ =	vpop (xrf2);
	(xrf2) =	vadd.scan.msk.f32 $0xffff, v22  }
0x146: {  	vm12 =	vmand vm4, vm5;
	vm4 =	vmand vm7, vm8;
	vm7 =	vmand vm10, vm11;
	v26 =	vld.idx.msk [tilespmem:v30+s1+$0x0], $0xffff;
	[tilespmem:s13+$0x10] =	vst v21;
	v21 =	vmovc v33  }
0x147: {  	vm5 =	vmand vm6, vm9;
	v22 =	vnsel vm2, $0x0, v34;
	v31 =	vnsel vm7, $0x0, v37;
	v27 =	vld.idx.msk [tilespmem:v38+s1+$0x0], $0xffff;
	[tilespmem:s12+$0xFFFFFFE0] =	vst v40;
	s12 =	smov.u32 s14;
	s14 =	smov.u32 s13  }
0x148: {  	s16 =	sadd.s32 $0x40, s16;
	vm2 =	vmmov vm3;
	v30 =	vnsel vm1, $0x0, v39;
	vm1 =	vmmov vm12;
	v28 =	vld.idx.msk [tilespmem:v36+s1+$0x0], $0xffff;
	(xrf2) =	vadd.scan.msk.f32 $0xffff, v31;
	v29, _, _ =	vpop (xrf2)  }
0x149: {  	_ =	sdelay $0x3  }
0x14a: {  	v19 =	vld.idx.msk [tilespmem:v24+s1+$0x0], $0xffff;
	_ =	sdelay $0x3  }
0x14b: {  	v20 =	vld.idx.msk [tilespmem:v26+s3+$0x0], $0xffff  }
0x14c: {  	v58 =	vld.idx.msk [tilespmem:v27+s3+$0x0], $0xffff  }
0x14d: {  	v59 =	vld.idx.msk [tilespmem:v28+s3+$0x0], $0xffff  }
0x14e: {  	v25 =	vnsel vm0, $0x0, v25;
	(xrf2) =	vadd.scan.msk.f32 $0xffff, v30;
	vm12 =	vge.s32 v21, v16;
	vm3 =	vlt.s32 v21, v17  }
0x14f: {  	(xrf2) =	vadd.scan.msk.f32 $0xffff, v25;
	vm0 =	vmand vm12, vm3;
	v19 =	vld.idx.msk [tilespmem:v19+s3+$0x0], $0xffff  }
0x150: {  	(xrf2) =	vadd.scan.msk.f32 $0xffff, v22;
	v20 =	vnsel vm0, $0x0, v20  }
0x151: {  	vm13 =	vmmov vm4;
	(xrf2) =	vadd.scan.msk.f32 $0xffff, v20;
	v20 =	vnsel vm1, $0x0, v58  }
0x152: {  	vm14 =	vmmov vm5;
	v60 =	vnsel vm13, $0x0, v59;
	(xrf2) =	vadd.scan.msk.f32 $0xffff, v20;
	v20 =	vnsel vm2, $0x0, v23  }
0x153: {  	vm15 =	vmmov vm14;
	(xrf2) =	vadd.scan.msk.f32 $0xffff, v60  }
0x154: {  	v61, _, _ =	vpop (xrf2);
	(xrf2) =	vadd.scan.msk.f32 $0xffff, v20;
	v19 =	vnsel vm15, $0x0, v19  }
0x155: {  	[tilespmem:s13+$0xFFFFFFF0] =	vst v29;
	v20, _, _ =	vpop (xrf2);
	(xrf2) =	vadd.scan.msk.f32 $0xffff, v19  }
0x156: {  	[tilespmem:s13+$0x0] =	vst v61  }
0x157: {  	s5 =	sadd.s32 $0x40, s13;
	[tilespmem:s12+$0xFFFFFFE0] =	vst v20;
	v19, _, _ =	vpop (xrf2)  }
0x158: {  	v62, _, _ =	vpop (xrf2);
	[tilespmem:s5+$0x10] =	vst v19  }
0x159: {  	v19, _, _ =	vpop (xrf2);
	[tilespmem:s5+$0xFFFFFFF0] =	vst v62  }
0x15a: {  	v20, _, _ =	vpop (xrf2);
	[tilespmem:s5+$0x0] =	vst v19  }
0x15b: {  	s20 =	sadd.s32 $0x40, s5;
	v63, _, _ =	vpop (xrf2);
	[tilespmem:s14+$0xFFFFFFE0] =	vst v20  }
0x15c: {  	[tilespmem:s20+$0x10] =	vst v63;
	v19, _, _ =	vpop (xrf2)  }
0x15d: {  	[tilespmem:s20+$0xFFFFFFF0] =	vst v19;
	v19, _, _ =	vpop (xrf2)  }
0x15e: {  	[tilespmem:s20+$0x0] =	vst v19;
	v19, _, _ =	vpop (xrf2)  }
0x15f: {  	[tilespmem:s5+$0xFFFFFFE0] =	vst v19;
	v19, _, _ =	vpop (xrf2)  }
0x160: {  	[tilespmem:s20+$0xFFFFFFE0] =	vst v19  }
.LBB2_10:
0x161: {  	s5 =	simm.s32 $0x0  }
0x162: {  	v19 =	vmov s5  }
0x163: {  	v19 =	vshll.u32 v19, $0x4  }
0x164: {  	v19 =	vor.u32 v1, v19  }
0x165: {  	s13 =	simm.s32 $0x10;
	v19 =	vor.u32 $0xF, v19  }
0x166: {  	v20 =	vmov s13  }
0x167: {  	s14 =	simm.s32 $0x20;
	v20 =	vshll.u32 v20, $0x4  }
0x168: {  	s12 =	simm.s32 $0x30;
	v21 =	vmov s14;
	v20 =	vor.u32 v1, v20  }
0x169: {  	v22 =	vmov s12;
	v21 =	vshll.u32 v21, $0x4;
	v20 =	vor.u32 $0xF, v20  }
0x16a: {  	v22 =	vshll.u32 v22, $0x4;
	v21 =	vor.u32 v1, v21;
	v19 =	vld.idx.msk [tilespmem:v19+s23+$0x0], $0xffff  }
0x16b: {  	v22 =	vor.u32 v1, v22;
	v21 =	vor.u32 $0xF, v21  }
0x16c: {  	v22 =	vor.u32 $0xF, v22;
	_ =	sdelay $0x1  }
0x16d: {  	s15 =	simm.s32 $0x40;
	v20 =	vld.idx.msk [tilespmem:v20+s23+$0x0], $0xffff  }
0x16e: {  	s16 =	simm.s32 $0x50;
	(xrf2) =	vadd.scan.msk.f32 $0xffff, v19;
	v19 =	vmov s15  }
0x16f: {  	v23 =	vmov s16;
	v21 =	vld.idx.msk [tilespmem:v21+s23+$0x0], $0xffff;
	v19 =	vshll.u32 v19, $0x4  }
0x170: {  	v23 =	vshll.u32 v23, $0x4;
	v24 =	vld.idx.msk [tilespmem:v22+s23+$0x0], $0xffff;
	v19 =	vor.u32 v1, v19  }
0x171: {  	v23 =	vor.u32 v1, v23;
	v19 =	vor.u32 $0xF, v19  }
0x172: {  	s17 =	simm.s32 $0x60;
	v23 =	vor.u32 $0xF, v23;
	(xrf2) =	vadd.scan.msk.f32 $0xffff, v20  }
0x173: {  	s18 =	simm.s32 $0x70;
	v22 =	vmov s17  }
0x174: {  	v25 =	vmov s18;
	v22 =	vshll.u32 v22, $0x4;
	(xrf2) =	vadd.scan.msk.f32 $0xffff, v21  }
0x175: {  	v22 =	vor.u32 v1, v22;
	v20 =	vshll.u32 v25, $0x4;
	(xrf2) =	vadd.scan.msk.f32 $0xffff, v24  }
0x176: {  	v25 =	vor.u32 v1, v20;
	v20 =	vor.u32 $0xF, v22;
	v19 =	vld.idx.msk [tilespmem:v19+s23+$0x0], $0xffff  }
0x177: {  	s20 =	simm.s32 $0x80;
	s14 =	simm.s32 $0x90;
	v21 =	vld.idx.msk [tilespmem:v23+s23+$0x0], $0xffff;
	v22 =	vor.u32 $0xF, v25  }
0x178: {  	s12 =	simm.s32 $0x1C490;
	s13 =	simm.s32 $0x1C490;
	s15 =	simm.s32 $0x8;
	v24 =	vmov s20;
	v25 =	vmov s14;
	v23, _, _ =	vpop (xrf2)  }
.LBB2_11:
0x179: {  	s15 =	sadd.s32 $0x2, s15  }
0x17a: {  	v27 =	vshll.u32 v24, $0x4;
	v25 =	vshll.u32 v25, $0x4;
	s12 =	sadd.s32 $0x20, s12;
	p0 =	slt.u32 s15, $0xE  }
.Ltmp7:
0x17b: {  	v26 =	vor.u32 v1, v27;
	v25 =	vor.u32 v1, v25;
	(xrf2) =	vadd.scan.msk.f32 $0xffff, v19;
	v19 =	vld.idx.msk [tilespmem:v20+s23+$0x0], $0xffff;
	(pc) =	sbr.rel @p0 .LBB2_11-.Ltmp7, $4  }
0x17c: {  	v24 =	vmov v21;
	v20 =	vor.u32 $0xF, v26;
	[tilespmem:s13+$0xFFFFFFF0] =	vst v23;
	v23, _, _ =	vpop (xrf2);
	v21 =	vld.idx.msk [tilespmem:v22+s23+$0x0], $0xffff;
	v22 =	vor.u32 $0xF, v25  }
0x17d: {  	s14 =	sadd.s32 $0x20, s14;
	[tilespmem:s13+$0x0] =	vst v23;
	s13 =	smov.u32 s12  }
0x17e: {  	s5 =	sadd.s32 $0xFFFFFFF0, s14;
	(xrf2) =	vadd.scan.msk.f32 $0xffff, v24  }
0x17f: {  	v25 =	vmov s14;
	v24 =	vmov s5;
	v23, _, _ =	vpop (xrf2)  }
0x180: {  	v24 =	vshll.u32 v24, $0x4  }
0x181: {  	v25 =	vshll.u32 v25, $0x4;
	v24 =	vor.u32 v1, v24  }
0x182: {  	v25 =	vor.u32 v1, v25;
	v24 =	vor.u32 $0xF, v24  }
0x183: {  	v25 =	vor.u32 $0xF, v25;
	_ =	sdelay $0x1  }
0x184: {  	v20 =	vld.idx.msk [tilespmem:v20+s23+$0x0], $0xffff  }
0x185: {  	v22 =	vld.idx.msk [tilespmem:v22+s23+$0x0], $0xffff  }
0x186: {  	v24 =	vld.idx.msk [tilespmem:v24+s23+$0x0], $0xffff  }
0x187: {  	(xrf2) =	vadd.scan.msk.f32 $0xffff, v19;
	v19 =	vld.idx.msk [tilespmem:v25+s23+$0x0], $0xffff  }
0x188: {  	(xrf2) =	vadd.scan.msk.f32 $0xffff, v21  }
0x189: {  	(xrf2) =	vadd.scan.msk.f32 $0xffff, v20  }
0x18a: {  	(xrf2) =	vadd.scan.msk.f32 $0xffff, v22  }
0x18b: {  	(xrf2) =	vadd.scan.msk.f32 $0xffff, v24  }
0x18c: {  	(xrf2) =	vadd.scan.msk.f32 $0xffff, v19;
	_ =	sdelay $0x1  }
0x18d: {  	[tilespmem:s13+$0xFFFFFFF0] =	vst v23;
	v19, _, _ =	vpop (xrf2)  }
0x18e: {  	s5 =	sadd.s32 $0x20, s12;
	v20, _, _ =	vpop (xrf2);
	[tilespmem:s13+$0x0] =	vst v19  }
0x18f: {  	v19, _, _ =	vpop (xrf2);
	[tilespmem:s5+$0xFFFFFFF0] =	vst v20  }
0x190: {  	s12 =	sadd.s32 $0x20, s5;
	v20, _, _ =	vpop (xrf2);
	[tilespmem:s5+$0x0] =	vst v19  }
0x191: {  	v19, _, _ =	vpop (xrf2);
	[tilespmem:s12+$0xFFFFFFF0] =	vst v20  }
0x192: {  	s18 =	sadd.s32 $0x20, s12;
	[tilespmem:s12+$0x0] =	vst v19;
	v19, _, _ =	vpop (xrf2)  }
0x193: {  	[tilespmem:s18+$0xFFFFFFF0] =	vst v19;
	v19, _, _ =	vpop (xrf2)  }
0x194: {  	s20 =	sadd.s32 $0x20, s18;
	[tilespmem:s18+$0x0] =	vst v19;
	v19, _, _ =	vpop (xrf2)  }
0x195: {  	[tilespmem:s20+$0xFFFFFFF0] =	vst v19;
	v19, _, _ =	vpop (xrf2)  }
0x196: {  	[tilespmem:s20+$0x0] =	vst v19  }
0x197: {  	v19 =	vld.idx.msk [tilespmem:v3+s24+$0x0], $0xffff;
	_ =	sdelay $0x4  }
0x198: {  	(xrf2) =	vadd.scan.msk.f32 $0xffff, v19;
	_ =	sdelay $0x7  }
0x199: {  	v20 =	vld [tilespmem:$0x1C490]  }
0x19a: {  	v21 =	vld [tilespmem:$0x1C4A0]  }
0x19b: {  	v22 =	vld [tilespmem:$0x1C4B0];
	v19, _, _ =	vpop (xrf2)  }
0x19c: {  	v52 =	vld [tilespmem:$0x1C4C0];
	v23 =	vbroadcast v19, $0x0  }
0x19d: {  	v26 =	vld [tilespmem:$0x1C4D0];
	v53 =	vbroadcast v19, $0x1  }
0x19e: {  	v27 =	vld [tilespmem:$0x1C4E0];
	v20 =	vadd.f32 v23, v20;
	v23 =	vbroadcast v19, $0x2  }
0x19f: {  	v28 =	vld [tilespmem:$0x1C4F0];
	v54 =	vbroadcast v19, $0x3;
	v21 =	vadd.f32 v53, v21  }
0x1a0: {  	[tilespmem:$0x1C490] =	vst v20;
	v20 =	vadd.f32 v22, v23;
	v22 =	vbroadcast v19, $0x4;
	v23 =	vld [tilespmem:$0x1C500]  }
0x1a1: {  	v56 =	vld [tilespmem:$0x1C510];
	v55 =	vbroadcast v19, $0x5;
	[tilespmem:$0x1C4A0] =	vst v21;
	v21 =	vadd.f32 v52, v54  }
0x1a2: {  	v57 =	vld [tilespmem:$0x1C520];
	[tilespmem:$0x1C4B0] =	vst v20;
	v20 =	vadd.f32 v26, v22;
	v22 =	vbroadcast v19, $0x6  }
0x1a3: {  	v59 =	vld [tilespmem:$0x1C530];
	v58 =	vbroadcast v19, $0x7;
	[tilespmem:$0x1C4C0] =	vst v21;
	v21 =	vadd.f32 v27, v55  }
0x1a4: {  	v60 =	vld [tilespmem:$0x1C540];
	[tilespmem:$0x1C4D0] =	vst v20;
	v20 =	vadd.f32 v28, v22;
	v22 =	vbroadcast v19, $0x8  }
0x1a5: {  	v61 =	vld [tilespmem:$0x1C550];
	[tilespmem:$0x1C4E0] =	vst v21;
	v21 =	vadd.f32 v23, v58;
	v23 =	vbroadcast v19, $0x9  }
0x1a6: {  	v62 =	vld [tilespmem:$0x1C560];
	[tilespmem:$0x1C4F0] =	vst v20;
	v20 =	vadd.f32 v56, v22;
	v22 =	vbroadcast v19, $0xA  }
0x1a7: {  	v63 =	vld [tilespmem:$0x1C570];
	[tilespmem:$0x1C500] =	vst v21;
	v21 =	vadd.f32 v57, v23;
	v23 =	vbroadcast v19, $0xB  }
0x1a8: {  	[tilespmem:$0x1C510] =	vst v20;
	v20 =	vadd.f32 v59, v22;
	v22 =	vbroadcast v19, $0xC  }
0x1a9: {  	[tilespmem:$0x1C520] =	vst v21;
	v21 =	vadd.f32 v60, v23;
	v23 =	vbroadcast v19, $0xD  }
0x1aa: {  	[tilespmem:$0x1C530] =	vst v20;
	v20 =	vadd.f32 v61, v22;
	v22 =	vbroadcast v19, $0xE  }
0x1ab: {  	[tilespmem:$0x1C540] =	vst v21;
	v21 =	vadd.f32 v62, v23  }
0x1ac: {  	[tilespmem:$0x1C550] =	vst v20;
	v20 =	vadd.f32 v63, v22  }
0x1ad: {  	[tilespmem:$0x1C560] =	vst v21  }
0x1ae: {  	[tilespmem:$0x1C570] =	vst v20;
	v20 =	vmov s11;
	s11 =	smov.u32 s10  }
.LBB2_13:
0x1af: {  	v21 =	vadd.s32 s11, v5  }
0x1b0: {  	vm0 =	vlt.s32 v21, $0x186A0  }
0x1b1: {  	v21 =	vnsel vm0, $0x186A0, v21  }
0x1b2: {  	v21 =	vsub.s32 v21, v4;
	_ =	sdelay $0x4  }
0x1b3: {  	v21 =	vld.idx.msk [tilespmem:v21+s21+$0x0], $0xffff;
	_ =	sdelay $0x4  }
0x1b4: {  	v22 =	vadd.s32 s11, v3;
	v21 =	vsub.s32 v21, v18  }
0x1b5: {  	vm1 =	vlt.s32 v22, $0xC41;
	vm15 =	vlt.s32 v21, v20  }
0x1b6: {  	vm0 =	vmand vm1, vm15  }
0x1b7: {  	v21 =	vmpcnt.ones.xlane vm0;
	_ =	sdelay $0x1  }
0x1b8: {  	(v2sf) =	vpush v21, $0x0;
	_ =	sdelay $0xe  }
0x1b9: {  	s5 =	spop (v2sf)  }
0x1ba: {  	p0 =	sgt.s32 s5, $0xF  }
.Ltmp8:
0x1bb: {  	_ = 	snop;
	(pc) =	sbr.rel @p0 .LBB2_13-.Ltmp8, $3  }
0x1bc: {  	_ =	sdelay $0x1  }
0x1bd: {  	s12 =	sshll.u32 s5, $0x4  }
0x1be: {  	s11 =	sadd.s32 s11, s12  }
0x1bf: {  	v21 =	vadd.s32 s11, v6  }
0x1c0: {  	vm0 =	vlt.s32 v21, $0x186A0  }
0x1c1: {  	v21 =	vnsel vm0, $0x186A0, v21  }
0x1c2: {  	v21 =	vsub.s32 v21, v4;
	_ =	sdelay $0x4  }
0x1c3: {  	v21 =	vld.idx.msk [tilespmem:v21+s21+$0x0], $0xffff;
	_ =	sdelay $0x4  }
0x1c4: {  	v22 =	vadd.s32 s11, v0;
	v21 =	vsub.s32 v21, v18  }
0x1c5: {  	vm1 =	vlt.s32 v22, $0xC41;
	vm15 =	vlt.s32 v21, v20  }
0x1c6: {  	vm0 =	vmand vm1, vm15  }
0x1c7: {  	v20 =	vmpcnt.ones.xlane vm0  }
0x1c8: {  	(v2sf) =	vpush v19, $0xF  }
0x1c9: {  	(v2sf) =	vpush v20, $0x0;
	_ =	sdelay $0xd  }
0x1ca: {  	s12 =	spop (v2sf)  }
0x1cb: {  	s5 =	spop (v2sf)  }
0x1cc: {  	s11 =	sadd.s32 s11, s5  }
0x1cd: {  	s5 =	ssub.s32 s11, s10  }
0x1ce: {  	s5 =	sadd.s32 $0xF, s5  }
0x1cf: {  	s13 =	sshra.s32 s5, $0x4;
	s5 =	sshrl.u32 s5, $0x1F  }
0x1d0: {  	s5 =	sadd.s32 s5, s13  }
0x1d1: {  	s14 =	sand.u32 $0xFFFFFFFE, s5  }
0x1d2: {  	p0 =	slt.s32 s14, $0x1  }
.Ltmp9:
0x1d3: {  	_ = 	snop;
	(pc) =	sbr.rel @p0 .LBB2_24-.Ltmp9, $1  }
0x1d4: {  	_ =	sdelay $0x3  }
0x1d5: {  	s15 =	sadd.s32 $0x10, s10  }
0x1d6: {  	s5 =	sadd.s32 $0xFFFFFFF0, s15  }
0x1d7: {  	v26 =	vadd.s32 s5, v0  }
0x1d8: {  	vm0 =	vlt.s32 v26, $0xC40  }
0x1d9: {  	v21 =	vnsel vm0, $0xC40, v26  }
0x1da: {  	v21 =	vadd.s32 v2, v21  }
0x1db: {  	vm14 =	vlt.s32 v21, $0x186A0  }
0x1dc: {  	v21 =	vnsel vm14, $0x186A0, v21  }
0x1dd: {  	p2 =	sgt.s32 s14, $0x2;
	v23 =	vsub.s32 v21, v4  }
.Ltmp10:
0x1de: {  	v21 =	vadd.s32 s15, v0;
	(pc) =	sbr.rel @!p2 .LBB2_16-.Ltmp10, $4  }
0x1df: {  	vm15 =	vlt.s32 v21, $0xC40  }
0x1e0: {  	v24 =	vnsel vm15, $0xC40, v21  }
0x1e1: {  	v19 =	vadd.s32 s9, v15;
	v20 =	vmov s11;
	v33 =	vadd.s32 v2, v24  }
0x1e2: {  	p0 =	por $0x0, $0x0;
	p1 =	por $0x0, $0x0;
	v22 =	vbroadcast v19, $0x0;
	v19 =	vmov s4;
	s15 =	sadd.s32 $0x20, s15;
	vm5 =	vlt.s32 v33, $0x186A0;
	v31 =	vld.idx.msk [tilespmem:v23+s21+$0x0], $0xffff  }
0x1e3: {  	_ = 	snop  }
0x1e4: {  	v23 =	vnsel vm5, $0x186A0, v33  }
0x1e5: {  	s5 =	sadd.s32 $0xFFFFFFF0, s15;
	v23 =	vsub.s32 v23, v4  }
0x1e6: {  	v24 =	vadd.s32 s5, v0  }
0x1e7: {  	vm0 =	vlt.s32 v24, $0xC40;
	v25 =	vsub.s32 v31, v22  }
0x1e8: {  	v27 =	vnsel vm0, $0xC40, v24;
	v30 =	vshrl.u32 v25, $0x4  }
0x1e9: {  	v27 =	vadd.s32 v2, v27;
	v28 =	vmax.u32 v30, $0x1  }
0x1ea: {  	v29 =	vadd.s32 $0xFFFFFFFF, v25;
	vm0 =	vlt.s32 v27, $0x186A0;
	v23 =	vld.idx.msk [tilespmem:v23+s21+$0x0], $0xffff;
	v28 =	vmin.u32 v28, $0x100  }
0x1eb: {  	v27 =	vnsel vm0, $0x186A0, v27;
	vm0 =	vgt.s32 v29, $0x0;
	v31 =	vadd.s32 $0xFFFFFFFF, v28  }
0x1ec: {  	v32 =	vsub.s32 v27, v4;
	v27 =	vnsel vm0, $0x0, v29  }
0x1ed: {  	p2 =	sgt.s32 s14, $0x4;
	v34 =	vmin.u32 v27, $0xFFF  }
.Ltmp11:
0x1ee: {  	vm2 =	vlt.s32 v26, v20;
	v28 =	vadd.s32 s15, v0;
	(pc) =	sbr.rel @!p2 .LBB2_18-.Ltmp11, $4  }
0x1ef: {  	v27 =	vand.u32 $0xF, v25;
	vm1 =	vlt.s32 v28, $0xC40;
	v25 =	vsub.s32 v23, v22  }
0x1f0: {  	vm0 =	veq.s32 v27, $0x0;
	v23 =	vnsel vm1, $0xC40, v28;
	v27 =	vshrl.u32 v25, $0x4;
	v29 =	vld.idx.msk [tilespmem:v31+s24+$0x0], $0xffff  }
0x1f1: {  	vm3 =	veq.s32 v30, $0x0;
	v33 =	vadd.s32 v2, v23;
	v31 =	vld.idx.msk [tilespmem:v32+s21+$0x0], $0xffff;
	v23 =	vmax.u32 v27, $0x1  }
0x1f2: {  	s16 =	sadd.s32 $0x20, s15;
	p0 =	por $0x1, $0x1;
	v35 =	vadd.s32 $0xFFFFFFFF, v25;
	v30 =	vld.idx.msk [tilespmem:v34+s23+$0x0], $0xffff;
	vm5 =	vlt.s32 v33, $0x186A0;
	v38 =	vmin.u32 v23, $0x100  }
0x1f3: {  	s5 =	sadd.s32 $0xFFFFFFF0, s16;
	v32 =	vnsel vm5, $0x186A0, v33;
	v58 =	vadd.s32 $0xFFFFFFFF, v38;
	vm1 =	vgt.s32 v35, $0x0  }
0x1f4: {  	v25 =	vand.u32 $0xF, v25;
	vm4 =	vlt.s32 v24, v20;
	v23 =	vadd.s32 s5, v0  }
0x1f5: {  	v32 =	vsub.s32 v32, v4;
	v34 =	vnsel vm1, $0x0, v35;
	vm5 =	veq.s32 v25, $0x0  }
0x1f6: {  	vm1 =	vlt.s32 v23, $0xC40;
	v34 =	vmin.u32 v34, $0xFFF;
	v29 =	vsel vm3, $0x0, v29  }
0x1f7: {  	vm3 =	veq.s32 v27, $0x0;
	v31 =	vsub.s32 v31, v22;
	v59 =	vnsel vm1, $0xC40, v23  }
0x1f8: {  	v29 =	vadd.f32 v29, v19;
	v36 =	vshrl.u32 v31, $0x4;
	v35 =	vadd.s32 v2, v59  }
0x1f9: {  	v60 =	vadd.s32 $0xFFFFFFFF, v31;
	v30 =	vsel vm0, $0x0, v30;
	vm1 =	vlt.s32 v35, $0x186A0;
	v33 =	vld.idx.msk [tilespmem:v58+s24+$0x0], $0xffff  }
0x1fa: {  	v37 =	vmax.u32 v36, $0x1;
	vm0 =	vgt.s32 v60, $0x0;
	v35 =	vnsel vm1, $0x186A0, v35;
	v32 =	vld.idx.msk [tilespmem:v32+s21+$0x0], $0xffff  }
0x1fb: {  	v30 =	vadd.f32 v29, v30;
	v37 =	vmin.u32 v37, $0x100;
	v35 =	vsub.s32 v35, v4;
	v34 =	vld.idx.msk [tilespmem:v34+s23+$0x0], $0xffff  }
0x1fc: {  	v29 =	vand.u32 $0xF, v31;
	v31 =	vnsel vm0, $0x0, v60;
	v39 =	vadd.s32 $0xFFFFFFFF, v37  }
0x1fd: {  	p2 =	sgt.s32 s14, $0x6;
	vm1 =	vlt.s32 v21, v20;
	v38 =	vmin.u32 v31, $0xFFF;
	v37 =	vadd.s32 s16, v0  }
.Ltmp12:
0x1fe: {  	vm0 =	veq.s32 v29, $0x0;
	v27 =	vsel vm3, $0x0, v33;
	vm3 =	vlt.s32 v37, $0xC40;
	(pc) =	sbr.rel @!p2 .LBB2_20-.Ltmp12, $4  }
0x1ff: {  	v25 =	vsub.s32 v32, v22;
	v61 =	vadd.f32 v27, v19;
	v62 =	vnsel vm3, $0xC40, v37  }
0x200: {  	vm3 =	veq.s32 v36, $0x0;
	v34 =	vsel vm5, $0x0, v34;
	v27 =	vshrl.u32 v25, $0x4;
	v31 =	vld.idx.msk [tilespmem:v35+s21+$0x0], $0xffff  }
0x201: {  	v29 =	vld.idx.msk [tilespmem:v39+s24+$0x0], $0xffff;
	v33 =	vadd.s32 v2, v62;
	v32 =	vadd.f32 v61, v34;
	v63 =	vmax.u32 v27, $0x1  }
0x202: {  	s15 =	simm.s32 $0x6;
	p1 =	por $0x1, $0x1;
	[tilespmem:v26+s19+$0x0] =	vst.idx.msk vm2, v30;
	s16 =	sadd.s32 $0x20, s16;
	v30 =	vld.idx.msk [tilespmem:v38+s23+$0x0], $0xffff;
	v35 =	vadd.s32 $0xFFFFFFFF, v25;
	vm5 =	vlt.s32 v33, $0x186A0;
	v38 =	vmin.u32 v63, $0x100  }
.LBB2_21:
0x203: {  	s5 =	sadd.s32 $0xFFFFFFF0, s16;
	s15 =	sadd.s32 $0x2, s15;
	v26 =	vnsel vm5, $0x186A0, v33;
	v33 =	vadd.s32 $0xFFFFFFFF, v38;
	vm2 =	vgt.s32 v35, $0x0;
	[tilespmem:v21+s19+$0x0] =	vst.idx.msk vm1, v32;
	v21 =	vmovc v28;
	v28 =	vmovc v37  }
0x204: {  	v32 =	vadd.s32 s5, v0;
	p2 =	slt.s32 s15, s14;
	v26 =	vsub.s32 v26, v4;
	v34 =	vnsel vm2, $0x0, v35  }
0x205: {  	v31 =	vsub.s32 v31, v22;
	vm1 =	vlt.s32 v32, $0xC40;
	v34 =	vmin.u32 v34, $0xFFF  }
0x206: {  	v29 =	vsel vm3, $0x0, v29;
	v36 =	vshrl.u32 v31, $0x4;
	v35 =	vnsel vm1, $0xC40, v32  }
0x207: {  	v38 =	vadd.s32 $0xFFFFFFFF, v31;
	v37 =	vmax.u32 v36, $0x1;
	v35 =	vadd.s32 v2, v35  }
0x208: {  	v29 =	vadd.f32 v29, v19;
	v37 =	vmin.u32 v37, $0x100;
	vm1 =	vlt.s32 v35, $0x186A0;
	v33 =	vld.idx.msk [tilespmem:v33+s24+$0x0], $0xffff  }
0x209: {  	v30 =	vsel vm0, $0x0, v30;
	v39 =	vadd.s32 $0xFFFFFFFF, v37;
	v35 =	vnsel vm1, $0x186A0, v35;
	v26 =	vld.idx.msk [tilespmem:v26+s21+$0x0], $0xffff  }
0x20a: {  	vm0 =	vgt.s32 v38, $0x0;
	v29 =	vadd.f32 v29, v30;
	v35 =	vsub.s32 v35, v4;
	v30 =	vld.idx.msk [tilespmem:v34+s23+$0x0], $0xffff  }
0x20b: {  	v25 =	vand.u32 $0xF, v25;
	v31 =	vand.u32 $0xF, v31;
	v34 =	vnsel vm0, $0x0, v38  }
0x20c: {  	vm1 =	vlt.s32 v21, v20;
	v34 =	vmin.u32 v34, $0xFFF;
	[tilespmem:v24+s19+$0x0] =	vst.idx.msk vm4, v29;
	vm4 =	vlt.s32 v23, v20  }
0x20d: {  	vm2 =	veq.s32 v27, $0x0;
	vm5 =	veq.s32 v25, $0x0;
	vm0 =	veq.s32 v31, $0x0;
	v24 =	vmovc v23;
	v23 =	vmovc v32  }
.Ltmp13:
0x20e: {  	vm3 =	veq.s32 v36, $0x0;
	v37 =	vadd.s32 s16, v0;
	v27 =	vsel vm2, $0x0, v33;
	v29 =	vld.idx.msk [tilespmem:v39+s24+$0x0], $0xffff;
	(pc) =	sbr.rel @p2 .LBB2_21-.Ltmp13, $4  }
0x20f: {  	vm2 =	vlt.s32 v37, $0xC40;
	v25 =	vsub.s32 v26, v22;
	v26 =	vadd.f32 v27, v19;
	v31 =	vld.idx.msk [tilespmem:v35+s21+$0x0], $0xffff  }
0x210: {  	v32 =	vnsel vm2, $0xC40, v37;
	v27 =	vshrl.u32 v25, $0x4;
	v35 =	vsel vm5, $0x0, v30  }
0x211: {  	v33 =	vadd.s32 v2, v32;
	v32 =	vadd.f32 v26, v35;
	v30 =	vld.idx.msk [tilespmem:v34+s23+$0x0], $0xffff;
	v34 =	vmax.u32 v27, $0x1  }
0x212: {  	s16 =	sadd.s32 $0x20, s16;
	vm5 =	vlt.s32 v33, $0x186A0;
	v35 =	vadd.s32 $0xFFFFFFFF, v25;
	v38 =	vmin.u32 v34, $0x100  }
.Ltmp14:
0x213: {  	(pc) =	sbr.rel .LBB2_23-.Ltmp14, $2  }
0x214: {  	_ =	sdelay $0x2  }
0x215: {  	v34 =	vmovc v21;
	v36 =	vmovc v28;
	v21 =	vmov v37;
	vm2 =	vmmov vm4;
	v26 =	vmov v24  }
.LBB2_18:
.Ltmp15:
0x216: {  	(pc) =	sbr.rel .LBB2_23-.Ltmp15, $2  }
0x217: {  	_ =	sdelay $0x2  }
0x218: {  	v36 =	vmov v21;
	v21 =	vmov v28;
	v23 =	vmov v24  }
.LBB2_20:
.Ltmp16:
0x219: {  	(pc) =	sbr.rel .LBB2_23-.Ltmp16, $2  }
0x21a: {  	_ =	sdelay $0x2  }
0x21b: {  	v34 =	vmovc v21;
	v36 =	vmovc v28;
	v21 =	vmov v37;
	vm2 =	vmmov vm4;
	v26 =	vmov v24  }
.LBB2_25:
0x21c: {  	s4 =	simm.s32 $0x70  }
0x21d: {  	s14 =	simm.s32 $0x10;
	v15 =	vmov s4  }
0x21e: {  	s15 =	simm.s32 $0x20;
	s5 =	simm.s32 $0x30;
	v16 =	vmov s14;
	v15 =	vshrl.u32 v15, $0x7  }
0x21f: {  	s16 =	simm.s32 $0x40;
	s17 =	simm.s32 $0x0;
	v17 =	vmov s15;
	v18 =	vmov s5;
	v15 =	vshll.u32 v15, v7  }
0x220: {  	s6 =	simm.s32 $0x71;
	s7 =	simm.s32 $0x50;
	s18 =	simm.s32 $0x60;
	v19 =	vmov s16;
	v20 =	vmov s17;
	v15 =	vbroadcast v15, $0x0  }
0x221: {  	s30 =	simm.s32 $0x41;
	v21 =	vadd.s32 s6, v0;
	v22 =	vmov s7;
	v23 =	vmov s18  }
0x222: {  	v29 =	vadd.s32 s30, v0;
	v20 =	vshrl.u32 v20, $0x7;
	v15 =	vor.u32 v14, v15  }
0x223: {  	v16 =	vshrl.u32 v16, $0x7;
	v17 =	vshrl.u32 v17, $0x7;
	v18 =	vshrl.u32 v18, $0x7  }
0x224: {  	_ =	strace $0x9000004E;
	s20 =	simm.s32 $0x1DEC0;
	v19 =	vshrl.u32 v19, $0x7;
	v22 =	vshrl.u32 v22, $0x7;
	v20 =	vshll.u32 v20, v7  }
0x225: {  	v24 =	vld [tilespmem:s20+$0x30];
	s7 =	simm.s32 $0x51;
	v23 =	vshrl.u32 v23, $0x7;
	v16 =	vshll.u32 v16, v7;
	v20 =	vbroadcast v20, $0x0  }
0x226: {  	v30 =	vadd.s32 s7, v0;
	v17 =	vshll.u32 v17, v7;
	v16 =	vbroadcast v16, $0x0;
	v21 =	vld.idx.msk [tilespmem:v21+s19+$0x0], $0xffff  }
0x227: {  	v18 =	vshll.u32 v18, v7;
	v17 =	vbroadcast v17, $0x0;
	v20 =	vor.u32 v0, v20;
	v15 =	vld.idx.msk [tilespmem:v15+s19+$0x0], $0xffff  }
0x228: {  	v25 =	vld [tilespmem:s20+$0xFFFFFFC0];
	v19 =	vshll.u32 v19, v7;
	v18 =	vbroadcast v18, $0x0;
	v16 =	vor.u32 v8, v16  }
0x229: {  	v26 =	vld [tilespmem:s20+$0xFFFFFFD0];
	v22 =	vshll.u32 v22, v7;
	v19 =	vbroadcast v19, $0x0;
	v17 =	vor.u32 v9, v17  }
0x22a: {  	v23 =	vshll.u32 v23, v7;
	v22 =	vbroadcast v22, $0x0;
	v18 =	vor.u32 v10, v18;
	v47 =	vld.idx.msk [tilespmem:v29+s19+$0x0], $0xffff  }
0x22b: {  	v23 =	vbroadcast v23, $0x0;
	v19 =	vor.u32 v11, v19;
	v48 =	vld.idx.msk [tilespmem:v30+s19+$0x0], $0xffff  }
0x22c: {  	s22 =	simm.s32 $0x1;
	v22 =	vor.u32 v12, v22;
	v20 =	vld.idx.msk [tilespmem:v20+s19+$0x0], $0xffff;
	v15 =	vsub.f32 v21, v15  }
0x22d: {  	s26 =	simm.s32 $0x11;
	v16 =	vld.idx.msk [tilespmem:v16+s19+$0x0], $0xffff;
	v21 =	vor.u32 v13, v23;
	v23 =	vadd.s32 s22, v0  }
0x22e: {  	v17 =	vld.idx.msk [tilespmem:v17+s19+$0x0], $0xffff;
	v15 =	vadd.f32 v24, v15;
	v24 =	vadd.s32 s26, v0  }
0x22f: {  	s28 =	simm.s32 $0x21;
	v18 =	vld.idx.msk [tilespmem:v18+s19+$0x0], $0xffff  }
0x230: {  	s29 =	simm.s32 $0x31;
	v27 =	vadd.s32 s28, v0;
	v19 =	vld.idx.msk [tilespmem:v19+s19+$0x0], $0xffff;
	v15 =	vadd.f32 v15, v15  }
0x231: {  	s8 =	simm.s32 $0x61;
	v28 =	vadd.s32 s29, v0;
	v22 =	vld.idx.msk [tilespmem:v22+s19+$0x0], $0xffff  }
0x232: {  	v31 =	vadd.s32 s8, v0;
	v23 =	vld.idx.msk [tilespmem:v23+s19+$0x0], $0xffff;
	v15 =	vmul.f32 $1.442695020e+00, v15  }
0x233: {  	v24 =	vld.idx.msk [tilespmem:v24+s19+$0x0], $0xffff  }
0x234: {  	v21 =	vld.idx.msk [tilespmem:v21+s19+$0x0], $0xffff;
	(erf) = vpow2.f32 v15  }
0x235: {  	v15 =	vld.idx.msk [tilespmem:v27+s19+$0x0], $0xffff  }
0x236: {  	v27 =	vld.idx.msk [tilespmem:v28+s19+$0x0], $0xffff  }
0x237: {  	v20 =	vsub.f32 v23, v20;
	v23 =	vld.idx.msk [tilespmem:v31+s19+$0x0], $0xffff  }
0x238: {  	v16 =	vsub.f32 v24, v16;
	v24 =	vld [tilespmem:s20+$0xFFFFFFE0]  }
0x239: {  	v20 =	vadd.f32 v25, v20;
	v25 =	vld [tilespmem:s20+$0x0]  }
0x23a: {  	v19 =	vsub.f32 v47, v19;
	v15 =	vsub.f32 v15, v17;
	v17 =	vld [tilespmem:s20+$0xFFFFFFF0]  }
0x23b: {  	s18 =	simm.s32 $0x81;
	v22 =	vsub.f32 v48, v22;
	v16 =	vadd.f32 v26, v16;
	v26 =	vld [tilespmem:s20+$0x10]  }
0x23c: {  	v49 =	vld [tilespmem:s20+$0x20];
	s15 =	simm.s32 $0x80;
	v53 =	vadd.s32 s18, v0;
	v18 =	vsub.f32 v27, v18;
	v20 =	vadd.f32 v20, v20  }
0x23d: {  	v21 =	vsub.f32 v23, v21;
	v23 =	vmov s15;
	v16 =	vadd.f32 v16, v16;
	v27 =	vpop (erf)  }
0x23e: {  	v20 =	vmul.f32 $1.442695020e+00, v20;
	v15 =	vadd.f32 v24, v15;
	v27 =	vadd.f32 $1.000000000e+00, v27  }
0x23f: {  	v17 =	vadd.f32 v17, v18;
	v18 =	vadd.f32 v25, v19;
	v16 =	vmul.f32 $1.442695020e+00, v16  }
0x240: {  	v15 =	vadd.f32 v15, v15;
	v19 =	vadd.f32 v26, v22;
	(erf) = vrcp.f32 v27  }
0x241: {  	v18 =	vadd.f32 v18, v18;
	(erf) = vpow2.f32 v20;
	v20 =	vadd.f32 v49, v21  }
0x242: {  	s9 =	simm.s32 $0xF0;
	v15 =	vmul.f32 $1.442695020e+00, v15;
	v19 =	vadd.f32 v19, v19;
	(erf) = vpow2.f32 v16  }
0x243: {  	v16 =	vmul.f32 $1.442695020e+00, v18;
	v18 =	vadd.f32 v20, v20;
	v20 =	vmov s9  }
0x244: {  	s20 =	simm.s32 $0x91;
	(erf) = vpow2.f32 v15;
	v15 =	vmul.f32 $1.442695020e+00, v19;
	v19 =	vshrl.u32 v20, $0x7  }
0x245: {  	s13 =	simm.s32 $0xF1;
	v32 =	vadd.s32 s20, v0;
	v23 =	vshrl.u32 v23, $0x7;
	v19 =	vshll.u32 v19, v7  }
0x246: {  	s16 =	simm.s32 $0xD0;
	v24 =	vadd.s32 s13, v0;
	v23 =	vshll.u32 v23, v7;
	v19 =	vbroadcast v19, $0x0  }
0x247: {  	s14 =	simm.s32 $0xC0;
	s17 =	simm.s32 $0xE0;
	v25 =	vmov s16;
	v23 =	vbroadcast v23, $0x0;
	v17 =	vadd.f32 v17, v17  }
0x248: {  	v22 =	vmov s14;
	v26 =	vmov s17;
	v19 =	vor.u32 v14, v19  }
0x249: {  	s12 =	simm.s32 $0xB0;
	v25 =	vshrl.u32 v25, $0x7;
	v22 =	vshrl.u32 v22, $0x7;
	v17 =	vmul.f32 $1.442695020e+00, v17  }
0x24a: {  	s10 =	simm.s32 $0x90;
	v26 =	vshrl.u32 v26, $0x7;
	v23 =	vor.u32 v0, v23;
	v21 =	vmov s12  }
0x24b: {  	s11 =	simm.s32 $0xA0;
	v21 =	vshrl.u32 v21, $0x7;
	(erf) = vpow2.f32 v17;
	v17 =	vmov s10  }
0x24c: {  	v24 =	vld.idx.msk [tilespmem:v24+s19+$0x0], $0xffff;
	v21 =	vshll.u32 v21, v7;
	v20 =	vmov s11;
	v17 =	vshrl.u32 v17, $0x7  }
0x24d: {  	s4 =	simm.s32 $0x1DF40;
	v21 =	vbroadcast v21, $0x0;
	v20 =	vshrl.u32 v20, $0x7;
	v17 =	vshll.u32 v17, v7;
	v19 =	vld.idx.msk [tilespmem:v19+s19+$0x0], $0xffff  }
0x24e: {  	v50 =	vld [tilespmem:s4+$0xFFFFFFC0];
	v25 =	vshll.u32 v25, v7;
	v20 =	vshll.u32 v20, v7;
	v17 =	vbroadcast v17, $0x0  }
0x24f: {  	v27 =	vld [tilespmem:s4+$0x30];
	v25 =	vbroadcast v25, $0x0;
	v21 =	vor.u32 v10, v21;
	v20 =	vbroadcast v20, $0x0  }
0x250: {  	v51 =	vld [tilespmem:s4+$0xFFFFFFD0];
	v22 =	vshll.u32 v22, v7;
	v26 =	vshll.u32 v26, v7;
	v17 =	vor.u32 v8, v17  }
0x251: {  	v57 =	vld [tilespmem:s4+$0xFFFFFFE0];
	v26 =	vbroadcast v26, $0x0;
	v25 =	vor.u32 v12, v25;
	v20 =	vor.u32 v9, v20  }
0x252: {  	v54 =	vld.idx.msk [tilespmem:v32+s19+$0x0], $0xffff;
	v18 =	vmul.f32 $1.442695020e+00, v18;
	(erf) = vpow2.f32 v16;
	v52 =	vpop (erf);
	v19 =	vsub.f32 v24, v19  }
0x253: {  	s26 =	simm.s32 $0xB1;
	v22 =	vbroadcast v22, $0x0;
	v26 =	vor.u32 v13, v26;
	v23 =	vld.idx.msk [tilespmem:v23+s19+$0x0], $0xffff;
	(erf) = vpow2.f32 v15;
	v24 =	vpop (erf)  }
0x254: {  	s22 =	simm.s32 $0xA1;
	v33 =	vld.idx.msk [tilespmem:v21+s19+$0x0], $0xffff;
	v21 =	vadd.s32 s26, v0;
	v16 =	vpop (erf);
	v24 =	vadd.f32 $1.000000000e+00, v24;
	v19 =	vadd.f32 v27, v19  }
0x255: {  	v17 =	vld.idx.msk [tilespmem:v17+s19+$0x0], $0xffff;
	(erf) = vpow2.f32 v18;
	v15 =	vpop (erf);
	v27 =	vadd.s32 s22, v0;
	v16 =	vadd.f32 $1.000000000e+00, v16  }
0x256: {  	s28 =	simm.s32 $0xC1;
	v20 =	vld.idx.msk [tilespmem:v20+s19+$0x0], $0xffff;
	v18 =	vpop (erf);
	v15 =	vadd.f32 $1.000000000e+00, v15;
	(erf) = vrcp.f32 v24;
	v19 =	vadd.f32 v19, v19  }
0x257: {  	v24 =	vld.idx.msk [tilespmem:v25+s19+$0x0], $0xffff;
	v18 =	vadd.f32 $1.000000000e+00, v18;
	(erf) = vrcp.f32 v16;
	v16 =	vadd.s32 s28, v0  }
0x258: {  	s29 =	simm.s32 $0xD1;
	v22 =	vor.u32 v11, v22;
	v25 =	vld.idx.msk [tilespmem:v26+s19+$0x0], $0xffff;
	(erf) = vrcp.f32 v15;
	v19 =	vmul.f32 $1.442695020e+00, v19  }
0x259: {  	v26 =	vld.idx.msk [tilespmem:v53+s19+$0x0], $0xffff;
	v15 =	vadd.s32 s29, v0;
	(erf) = vrcp.f32 v18  }
0x25a: {  	s30 =	simm.s32 $0xE1;
	v55 =	vld.idx.msk [tilespmem:v21+s19+$0x0], $0xffff;
	(erf) = vpow2.f32 v19  }
0x25b: {  	v21 =	vpop (erf);
	v18 =	vadd.s32 s30, v0;
	v27 =	vld.idx.msk [tilespmem:v27+s19+$0x0], $0xffff  }
0x25c: {  	v21 =	vadd.f32 $1.000000000e+00, v21;
	v56 =	vld.idx.msk [tilespmem:v16+s19+$0x0], $0xffff;
	v16 =	vpop (erf)  }
0x25d: {  	v22 =	vld.idx.msk [tilespmem:v22+s19+$0x0], $0xffff;
	v16 =	vadd.f32 $1.000000000e+00, v16  }
0x25e: {  	v17 =	vsub.f32 v54, v17;
	v23 =	vsub.f32 v26, v23;
	v34 =	vld.idx.msk [tilespmem:v15+s19+$0x0], $0xffff;
	v15 =	vpop (erf)  }
0x25f: {  	v19 =	vadd.f32 v52, v52;
	v26 =	vadd.f32 $1.000000000e+00, v15;
	v15 =	vpop (erf)  }
0x260: {  	v58 =	vsub.f32 v55, v33;
	(erf) = vrcp.f32 v21;
	v23 =	vadd.f32 v50, v23;
	v18 =	vld.idx.msk [tilespmem:v18+s19+$0x0], $0xffff;
	v21 =	vpop (erf)  }
0x261: {  	v19 =	vsub.f32 $1.000000000e+00, v19;
	(erf) = vrcp.f32 v16;
	v20 =	vsub.f32 v27, v20;
	v27 =	vld [tilespmem:s4+$0xFFFFFFF0];
	v16 =	vpop (erf)  }
0x262: {  	v59 =	vld [tilespmem:s4+$0x0];
	v23 =	vadd.f32 v23, v23;
	(erf) = vrcp.f32 v26;
	v26 =	vadd.f32 v51, v17;
	v17 =	vpop (erf)  }
0x263: {  	v60 =	vld [tilespmem:s4+$0x10];
	v22 =	vsub.f32 v56, v22;
	v20 =	vadd.f32 v57, v20;
	v61 =	vpop (erf)  }
0x264: {  	v62 =	vmul.f32 $3.000000120e-01, v19;
	v19 =	vsub.f32 v34, v24;
	v24 =	vld [tilespmem:s4+$0x20];
	v32 =	vadd.f32 $1.000000000e+00, v61  }
0x265: {  	v23 =	vmul.f32 $1.442695020e+00, v23;
	v25 =	vsub.f32 v18, v25;
	v18 =	vadd.f32 v26, v26  }
0x266: {  	v15 =	vadd.f32 v15, v15;
	v26 =	vadd.f32 v27, v58;
	(erf) = vrcp.f32 v32  }
0x267: {  	v20 =	vadd.f32 v20, v20;
	v22 =	vadd.f32 v59, v22;
	(erf) = vpow2.f32 v23  }
0x268: {  	v27 =	vmul.f32 $1.442695020e+00, v18;
	v23 =	vadd.f32 v26, v26;
	v26 =	vadd.f32 v60, v19  }
0x269: {  	v63 =	vmul.f32 $1.442695020e+00, v20;
	v22 =	vadd.f32 v22, v22;
	v18 =	vpop (erf);
	v25 =	vadd.f32 v24, v25  }
0x26a: {  	s7 =	simm.s32 $0x1D240;
	v19 =	vpop (erf);
	(erf) = vpow2.f32 v27;
	v23 =	vmul.f32 $1.442695020e+00, v23;
	v24 =	vadd.f32 v26, v26  }
0x26b: {  	s8 =	simm.s32 $0x8;
	s6 =	simm.s32 $0x1D240;
	s9 =	simm.s32 $0x171;
	[tilespmem:s7+$0x30] =	vst v62;
	v22 =	vmul.f32 $1.442695020e+00, v22;
	v20 =	vpop (erf);
	v25 =	vadd.f32 v25, v25;
	(erf) = vpow2.f32 v63  }
.LBB2_26:
0x26c: {  	s5 =	sadd.s32 $0xFFFFFF9F, s9;
	s10 =	sadd.s32 $0xFFFFFFFF, s9;
	s8 =	sadd.s32 $0x8, s8;
	v24 =	vmul.f32 $1.442695020e+00, v24;
	(erf) = vpow2.f32 v23;
	v21 =	vadd.f32 v21, v21  }
0x26d: {  	s11 =	sadd.s32 $0xFFFFFFBF, s9;
	v23 =	vmov s5;
	s5 =	sadd.s32 $0xFFFFFFAF, s9;
	v26 =	vmov s10;
	p0 =	slt.u32 s8, $0xB8;
	v25 =	vmul.f32 $1.442695020e+00, v25  }
0x26e: {  	s16 =	sadd.s32 $0xFFFFFFEF, s9;
	v28 =	vmov s11;
	s11 =	sadd.s32 $0xFFFFFFDF, s9;
	v27 =	vmov s5;
	s5 =	sadd.s32 $0xFFFFFFCF, s9;
	v26 =	vshrl.u32 v26, $0x7  }
0x26f: {  	s12 =	sadd.s32 $0xFFFFFF8F, s9;
	s13 =	sadd.s32 $0xFFFFFF90, s9;
	s10 =	sadd.s32 $0xFFFFFFA0, s9;
	v30 =	vmov s11;
	v29 =	vmov s5;
	v26 =	vshll.u32 v26, v7;
	v31 =	vpop (erf)  }
0x270: {  	s15 =	sadd.s32 $0xFFFFFFB0, s9;
	v32 =	vmov s12;
	s12 =	sadd.s32 $0xFFFFFFD0, s9;
	s11 =	sadd.s32 $0xFFFFFFC0, s9;
	v26 =	vbroadcast v26, $0x0;
	v31 =	vadd.f32 v31, v31;
	v33 =	vpop (erf)  }
0x271: {  	s14 =	sadd.s32 $0xFFFFFFE0, s9;
	v35 =	vadd.s32 s9, v0;
	v34 =	vmov s16;
	s16 =	sadd.s32 $0xFFFFFFF0, s9;
	v32 =	vshrl.u32 v32, $0x7  }
0x272: {  	v23 =	vshrl.u32 v23, $0x7;
	v26 =	vor.u32 v14, v26;
	v31 =	vsub.f32 $1.000000000e+00, v31  }
0x273: {  	v28 =	vshrl.u32 v28, $0x7;
	v27 =	vshrl.u32 v27, $0x7;
	v29 =	vshrl.u32 v29, $0x7;
	v36 =	vpop (erf)  }
0x274: {  	v34 =	vshrl.u32 v34, $0x7;
	v30 =	vshrl.u32 v30, $0x7;
	v31 =	vmul.f32 $3.000000120e-01, v31;
	v37 =	vpop (erf)  }
0x275: {  	s7 =	sadd.s32 $0x80, s7;
	v32 =	vshll.u32 v32, v7;
	v23 =	vshll.u32 v23, v7;
	v27 =	vshll.u32 v27, v7;
	v38 =	vpop (erf)  }
0x276: {  	v28 =	vshll.u32 v28, v7;
	v32 =	vbroadcast v32, $0x0;
	v29 =	vshll.u32 v29, v7;
	v35 =	vld.idx.msk [tilespmem:v35+s19+$0x0], $0xffff;
	[tilespmem:s7+$0x30] =	vst v31  }
0x277: {  	v23 =	vbroadcast v23, $0x0;
	v30 =	vshll.u32 v30, v7;
	v31 =	vshll.u32 v34, v7;
	v26 =	vld.idx.msk [tilespmem:v26+s19+$0x0], $0xffff  }
0x278: {  	v28 =	vbroadcast v28, $0x0;
	v27 =	vbroadcast v27, $0x0;
	v32 =	vor.u32 v0, v32  }
0x279: {  	s4 =	sadd.s32 $0x80, s4;
	v30 =	vbroadcast v30, $0x0;
	v23 =	vor.u32 v8, v23;
	v29 =	vbroadcast v29, $0x0  }
0x27a: {  	v28 =	vor.u32 v10, v28;
	v27 =	vor.u32 v9, v27;
	v31 =	vbroadcast v31, $0x0;
	v34 =	vld [tilespmem:s4+$0x30]  }
0x27b: {  	v39 =	vadd.s32 s13, v0;
	v30 =	vor.u32 v12, v30;
	v29 =	vor.u32 v11, v29;
	v40 =	vld [tilespmem:s4+$0xFFFFFFC0]  }
0x27c: {  	v43 =	vadd.s32 s15, v0;
	v41 =	vadd.s32 s10, v0;
	v31 =	vor.u32 v13, v31;
	v42 =	vld [tilespmem:s4+$0xFFFFFFD0]  }
0x27d: {  	v45 =	vadd.s32 s12, v0;
	v44 =	vadd.s32 s11, v0;
	v26 =	vsub.f32 v35, v26;
	v32 =	vld.idx.msk [tilespmem:v32+s19+$0x0], $0xffff  }
0x27e: {  	v46 =	vadd.s32 s16, v0;
	v35 =	vadd.s32 s14, v0;
	v23 =	vld.idx.msk [tilespmem:v23+s19+$0x0], $0xffff;
	(erf) = vpow2.f32 v22  }
0x27f: {  	v22 =	vld.idx.msk [tilespmem:v27+s19+$0x0], $0xffff;
	v26 =	vadd.f32 v34, v26;
	v27 =	vadd.f32 $1.000000000e+00, v33;
	(erf) = vpow2.f32 v24  }
0x280: {  	v33 =	vadd.f32 $1.000000000e+00, v37;
	v24 =	vld.idx.msk [tilespmem:v28+s19+$0x0], $0xffff;
	v28 =	vadd.f32 $1.000000000e+00, v36;
	(erf) = vpow2.f32 v25  }
0x281: {  	v25 =	vld.idx.msk [tilespmem:v29+s19+$0x0], $0xffff;
	v26 =	vadd.f32 v26, v26;
	v29 =	vadd.f32 $1.000000000e+00, v38;
	(erf) = vrcp.f32 v27  }
0x282: {  	v16 =	vadd.f32 v16, v16;
	v17 =	vadd.f32 v17, v17;
	v27 =	vld.idx.msk [tilespmem:v30+s19+$0x0], $0xffff;
	(erf) = vrcp.f32 v28  }
0x283: {  	v18 =	vadd.f32 v18, v18;
	v28 =	vld.idx.msk [tilespmem:v31+s19+$0x0], $0xffff;
	v26 =	vmul.f32 $1.442695020e+00, v26;
	(erf) = vrcp.f32 v33  }
0x284: {  	v19 =	vadd.f32 v19, v19;
	v20 =	vadd.f32 v20, v20;
	v30 =	vld.idx.msk [tilespmem:v39+s19+$0x0], $0xffff;
	(erf) = vrcp.f32 v29  }
0x285: {  	v15 =	vsub.f32 $1.000000000e+00, v15;
	v21 =	vsub.f32 $1.000000000e+00, v21;
	v29 =	vld.idx.msk [tilespmem:v41+s19+$0x0], $0xffff;
	(erf) = vpow2.f32 v26  }
0x286: {  	v16 =	vsub.f32 $1.000000000e+00, v16;
	v17 =	vsub.f32 $1.000000000e+00, v17;
	v26 =	vld.idx.msk [tilespmem:v43+s19+$0x0], $0xffff  }
0x287: {  	v18 =	vsub.f32 $1.000000000e+00, v18;
	v19 =	vsub.f32 $1.000000000e+00, v19;
	v38 =	vmul.f32 $3.000000120e-01, v15;
	v31 =	vld.idx.msk [tilespmem:v44+s19+$0x0], $0xffff;
	v33 =	vpop (erf)  }
0x288: {  	v20 =	vsub.f32 $1.000000000e+00, v20;
	v39 =	vmul.f32 $3.000000120e-01, v21;
	v34 =	vld.idx.msk [tilespmem:v45+s19+$0x0], $0xffff;
	v33 =	vadd.f32 $1.000000000e+00, v33;
	v36 =	vpop (erf)  }
0x289: {  	v17 =	vmul.f32 $3.000000120e-01, v17;
	v35 =	vld.idx.msk [tilespmem:v35+s19+$0x0], $0xffff;
	v36 =	vadd.f32 $1.000000000e+00, v36;
	v37 =	vpop (erf);
	[tilespmem:s6+$0xFFFFFFC0] =	vst v38;
	v38 =	vmul.f32 $3.000000120e-01, v16  }
0x28a: {  	v30 =	vsub.f32 v30, v32;
	v32 =	vld.idx.msk [tilespmem:v46+s19+$0x0], $0xffff;
	v37 =	vadd.f32 $1.000000000e+00, v37;
	v15 =	vpop (erf);
	(erf) = vrcp.f32 v33;
	[tilespmem:s6+$0xFFFFFFD0] =	vst v39  }
0x28b: {  	v23 =	vsub.f32 v29, v23;
	v29 =	vld [tilespmem:s4+$0xFFFFFFE0];
	v15 =	vadd.f32 v15, v15;
	v21 =	vpop (erf);
	(erf) = vrcp.f32 v36;
	[tilespmem:s6+$0xFFFFFFE0] =	vst v38  }
0x28c: {  	v30 =	vadd.f32 v40, v30;
	v22 =	vsub.f32 v26, v22;
	v26 =	vld [tilespmem:s4+$0xFFFFFFF0];
	v16 =	vpop (erf);
	(erf) = vrcp.f32 v37;
	[tilespmem:s6+$0xFFFFFFF0] =	vst v17  }
0x28d: {  	v18 =	vmul.f32 $3.000000120e-01, v18;
	v23 =	vadd.f32 v42, v23;
	v24 =	vsub.f32 v31, v24;
	v31 =	vld [tilespmem:s4+$0x0];
	v17 =	vpop (erf)  }
0x28e: {  	v19 =	vmul.f32 $3.000000120e-01, v19;
	v30 =	vadd.f32 v30, v30;
	v25 =	vsub.f32 v34, v25;
	v33 =	vld [tilespmem:s4+$0x10];
	v34 =	vpop (erf)  }
0x28f: {  	v27 =	vsub.f32 v35, v27;
	v35 =	vld [tilespmem:s4+$0x20];
	v34 =	vadd.f32 $1.000000000e+00, v34;
	[tilespmem:s6+$0x0] =	vst v18;
	v18 =	vmul.f32 $3.000000120e-01, v20  }
0x290: {  	v20 =	vmul.f32 $1.442695020e+00, v30;
	v28 =	vsub.f32 v32, v28;
	v22 =	vadd.f32 v29, v22;
	[tilespmem:s6+$0x10] =	vst v19  }
0x291: {  	v29 =	vadd.f32 v23, v23;
	v23 =	vadd.f32 v26, v24;
	(erf) = vrcp.f32 v34;
	[tilespmem:s6+$0x20] =	vst v18;
	s6 =	smov.u32 s7  }
.Ltmp17:
0x292: {  	v22 =	vadd.f32 v22, v22;
	v24 =	vadd.f32 v31, v25;
	(erf) = vpow2.f32 v20;
	(pc) =	sbr.rel @p0 .LBB2_26-.Ltmp17, $4  }
0x293: {  	v29 =	vmul.f32 $1.442695020e+00, v29;
	v23 =	vadd.f32 v23, v23;
	v25 =	vadd.f32 v33, v27;
	v18 =	vpop (erf)  }
0x294: {  	v26 =	vmul.f32 $1.442695020e+00, v22;
	v22 =	vadd.f32 v24, v24;
	v27 =	vadd.f32 v35, v28;
	v19 =	vpop (erf)  }
0x295: {  	v23 =	vmul.f32 $1.442695020e+00, v23;
	v24 =	vadd.f32 v25, v25;
	(erf) = vpow2.f32 v29;
	v20 =	vpop (erf)  }
0x296: {  	s9 =	sadd.s32 $0x80, s9;
	v22 =	vmul.f32 $1.442695020e+00, v22;
	v25 =	vadd.f32 v27, v27;
	(erf) = vpow2.f32 v26  }
0x297: {  	v24 =	vmul.f32 $1.442695020e+00, v24;
	(erf) = vpow2.f32 v23  }
0x298: {  	v46 =	vmul.f32 $1.442695020e+00, v25;
	(erf) = vpow2.f32 v22  }
0x299: {  	(erf) = vpow2.f32 v24  }
0x29a: {  	(erf) = vpow2.f32 v46;
	_ =	sdelay $0x1  }
0x29b: {  	v47 =	vpop (erf)  }
0x29c: {  	v48 =	vpop (erf)  }
0x29d: {  	v23 =	vadd.f32 $1.000000000e+00, v48;
	v49 =	vpop (erf)  }
0x29e: {  	v50 =	vpop (erf);
	v24 =	vadd.f32 $1.000000000e+00, v49  }
0x29f: {  	v21 =	vadd.f32 v21, v21;
	(erf) = vrcp.f32 v23;
	v26 =	vpop (erf);
	v25 =	vadd.f32 $1.000000000e+00, v50  }
0x2a0: {  	v16 =	vadd.f32 v16, v16;
	v51 =	vadd.f32 $1.000000000e+00, v26;
	(erf) = vrcp.f32 v24;
	v52 =	vpop (erf)  }
0x2a1: {  	v15 =	vsub.f32 $1.000000000e+00, v15;
	(erf) = vrcp.f32 v25;
	v24 =	vadd.f32 $1.000000000e+00, v52;
	v53 =	vpop (erf)  }
0x2a2: {  	v17 =	vadd.f32 v17, v17;
	(erf) = vrcp.f32 v51;
	v54 =	vadd.f32 $1.000000000e+00, v53;
	v55 =	vpop (erf)  }
0x2a3: {  	v21 =	vsub.f32 $1.000000000e+00, v21;
	v25 =	vadd.f32 $1.000000000e+00, v55;
	(erf) = vrcp.f32 v24  }
0x2a4: {  	v16 =	vsub.f32 $1.000000000e+00, v16;
	v15 =	vmul.f32 $3.000000120e-01, v15;
	(erf) = vrcp.f32 v54  }
0x2a5: {  	v18 =	vadd.f32 v18, v18;
	v19 =	vadd.f32 v19, v19;
	(erf) = vrcp.f32 v25  }
0x2a6: {  	v17 =	vsub.f32 $1.000000000e+00, v17;
	v21 =	vmul.f32 $3.000000120e-01, v21;
	[tilespmem:s6+$0xFFFFFFC0] =	vst v15;
	v15 =	vmul.f32 $3.000000120e-01, v16  }
0x2a7: {  	v20 =	vadd.f32 v20, v20;
	v18 =	vsub.f32 $1.000000000e+00, v18  }
0x2a8: {  	v19 =	vsub.f32 $1.000000000e+00, v19;
	v22 =	vadd.f32 v47, v47;
	v17 =	vmul.f32 $3.000000120e-01, v17;
	[tilespmem:s6+$0xFFFFFFD0] =	vst v21;
	v56 =	vpop (erf)  }
0x2a9: {  	v20 =	vsub.f32 $1.000000000e+00, v20;
	v18 =	vmul.f32 $3.000000120e-01, v18;
	[tilespmem:s6+$0xFFFFFFE0] =	vst v15;
	v16 =	vadd.f32 v56, v56;
	v57 =	vpop (erf)  }
0x2aa: {  	v19 =	vmul.f32 $3.000000120e-01, v19;
	v22 =	vsub.f32 $1.000000000e+00, v22;
	[tilespmem:s6+$0xFFFFFFF0] =	vst v17;
	v15 =	vpop (erf);
	v21 =	vadd.f32 v57, v57  }
0x2ab: {  	v59 =	vmul.f32 $3.000000120e-01, v20;
	[tilespmem:s6+$0x0] =	vst v18;
	v16 =	vsub.f32 $1.000000000e+00, v16;
	v58 =	vpop (erf);
	v15 =	vadd.f32 v15, v15  }
0x2ac: {  	[tilespmem:s6+$0x10] =	vst v19;
	v22 =	vmul.f32 $3.000000120e-01, v22;
	v60 =	vpop (erf);
	v17 =	vadd.f32 v58, v58;
	v21 =	vsub.f32 $1.000000000e+00, v21  }
0x2ad: {  	s5 =	sadd.s32 $0x80, s7;
	[tilespmem:s6+$0x20] =	vst v59;
	v16 =	vmul.f32 $3.000000120e-01, v16;
	v61 =	vpop (erf);
	v20 =	vadd.f32 v60, v60;
	v15 =	vsub.f32 $1.000000000e+00, v15  }
0x2ae: {  	[tilespmem:s5+$0x30] =	vst v22;
	v62 =	vpop (erf);
	v19 =	vadd.f32 v61, v61;
	v17 =	vsub.f32 $1.000000000e+00, v17;
	v21 =	vmul.f32 $3.000000120e-01, v21  }
0x2af: {  	[tilespmem:s5+$0xFFFFFFC0] =	vst v16;
	v18 =	vadd.f32 v62, v62;
	v20 =	vsub.f32 $1.000000000e+00, v20;
	v15 =	vmul.f32 $3.000000120e-01, v15  }
0x2b0: {  	v63 =	vsub.f32 $1.000000000e+00, v19;
	v17 =	vmul.f32 $3.000000120e-01, v17;
	[tilespmem:s5+$0xFFFFFFD0] =	vst v21  }
0x2b1: {  	v18 =	vsub.f32 $1.000000000e+00, v18;
	[tilespmem:s5+$0xFFFFFFE0] =	vst v15;
	v15 =	vmul.f32 $3.000000120e-01, v20  }
0x2b2: {  	[tilespmem:s5+$0xFFFFFFF0] =	vst v17;
	v16 =	vmul.f32 $3.000000120e-01, v63  }
0x2b3: {  	[tilespmem:s5+$0x0] =	vst v15;
	v15 =	vmul.f32 $3.000000120e-01, v18  }
0x2b4: {  	[tilespmem:s5+$0x10] =	vst v16  }
0x2b5: {  	s4 =	simm.s32 $0xC00;
	s7 =	simm.s32 $0x1DE00;
	s6 =	simm.s32 $0x1EA80;
	[tilespmem:s5+$0x20] =	vst v15  }
.LBB2_28:
0x2b6: {  	v15 =	vor.u32 s4, v0;
	s5 =	sadd.s32 $0x1, s4  }
0x2b7: {  	v16 =	vadd.s32 s5, v0;
	_ =	sdelay $0x3  }
0x2b8: {  	v15 =	vld.idx.msk [tilespmem:v15+s19+$0x0], $0xffff  }
0x2b9: {  	v16 =	vld.idx.msk [tilespmem:v16+s19+$0x0], $0xffff;
	_ =	sdelay $0x1  }
0x2ba: {  	v17 =	vld [tilespmem:s6+$0x0];
	_ =	sdelay $0x2  }
0x2bb: {  	v15 =	vsub.f32 v16, v15;
	_ =	sdelay $0x1  }
0x2bc: {  	v15 =	vadd.f32 v17, v15;
	_ =	sdelay $0x1  }
0x2bd: {  	v15 =	vadd.f32 v15, v15;
	_ =	sdelay $0x1  }
0x2be: {  	v15 =	vmul.f32 $1.442695020e+00, v15;
	_ =	sdelay $0x1  }
0x2bf: {  	(erf) = vpow2.f32 v15;
	_ =	sdelay $0x8  }
0x2c0: {  	v15 =	vpop (erf)  }
0x2c1: {  	v15 =	vadd.f32 $1.000000000e+00, v15;
	_ =	sdelay $0x1  }
0x2c2: {  	(erf) = vrcp.f32 v15;
	_ =	sdelay $0x8  }
0x2c3: {  	v15 =	vpop (erf)  }
0x2c4: {  	v15 =	vadd.f32 v15, v15  }
0x2c5: {  	p0 =	sne.s32 s4, $0xC30  }
.Ltmp18:
0x2c6: {  	v15 =	vsub.f32 $1.000000000e+00, v15;
	(pc) =	sbr.rel @p0 .LBB2_28-.Ltmp18, $3  }
0x2c7: {  	_ = 	snop  }
0x2c8: {  	v15 =	vmul.f32 $3.000000120e-01, v15;
	_ =	sdelay $0x1  }
0x2c9: {  	s6 =	sadd.s32 $0x10, s6;
	s4 =	sadd.s32 $0x10, s4;
	[tilespmem:s7+$0x0] =	vst v15;
	s7 =	sadd.s32 $0x10, s7  }
0x2ca: {  	s4 =	rddreg [dreg:$0x11];
	s5 =	simm.s32 $0x1D200;
	s8 =	simm.s32 $0x3  }
0x2cb: {  	[hbm4b:s4+s3] =	stream.linear.scatter [tilespmem:s5], [sflag:$0x3], $0xC40, $0x38;
	[tilespmem:$0x1EB80] =	vst v63  }
0x2cc: {  	_ =	swait.ge [sflag:s8], $0xC40  }
0x2cd: {  	s25 =	sadd.s32 $0x1, s25;
	s30 =	rddreg [dreg:$0x12]  }
0x2ce: {  	p0 =	sne.s32 s25, s30  }
.Ltmp19:
0x2cf: {  	_ = 	snop;
	(pc) =	sbr.rel @p0 .LBB2_1-.Ltmp19, $3  }
0x2d0: {  	_ =	sdelay $0x1  }
0x2d1: {  	[sflag:s8] =	ssyncset.done $0x0  }
0x2d2: {  	[sflag:s8] =	ssyncadd.s32 $0xFFFFF3C0  }
0x2d3: {  	_ =	sfence.sel $0x180000  }
0x2d4: {  	[bflag:$0x0] =	sbarrier.arrive $0xFFFF  }
0x2d5: {  	_ =	strace $0x9000004C  }
0x2d6: {  	s0 =	stileid.u32;
	[bflag:$0x2] =	sbarrier.arrive $0xFFFF  }
0x2d7: {  	p0 =	sne.s32 s0, $0x0;
	s0 =	rddreg [dreg:$0x3]  }
0x2d8: {  	s0 =	sadd.s32 @!p0 $0x100000, s0  }
0x2d9: {  	[sflag:s0] =	ssyncadd.tile.s32 @!p0 $0x1;
	_ =	shalt  }
.Lfunc_end2:
_tile_overlayer_lowered:
.L_overlay_start_2:
0x2da: {  	(tag) =	ssettag $0x2  }
0x2db: {  	s0 =	rddreg [dreg:$0x0];
	s2 =	stileid.u32  }
0x2dc: {  	s1 =	rddreg [dreg:$0x1];
	p0 =	sne.s32 s2, $0x0  }
0x2dd: {  	s3 =	rddreg [dreg:$0x2];
	[bflag:$0x3] =	sbarrier.arrive $0xFFFF;
	s2 =	simm.s32 @!p0 $0x1C03  }
0x2de: {  	[timem:s3], [sflag:s2] =	dma.local @!p0 [hbm:s0], s1  }
0x2df: {  	s0 =	simm.s32 @!p0 $0x3  }
0x2e0: {  	_ =	swait.ge @!p0 [sflag:s0], s1  }
0x2e1: {  	s1 =	ssub.s32 @!p0 $0x0, s1;
	[sflag:s0] =	ssyncset.done @!p0 $0x0  }
0x2e2: {  	[sflag:s0] =	ssyncadd.s32 @!p0 s1  }
0x2e3: {  	[bflag:$0x3] =	sbarrier.arrive $0xFFFF  }
0x2e4: {  	_ =	shalt  }

</sc_bundles>
